<compile_context>
chip_gen: v7x
topology: tpu7x:2x2x1
jax: 0.10.2.dev20260603
libtpu: 0.0.44.dev20260713+nightly
codegen_flags: <defaults>
</compile_context>

<pallas_src>
import functools

import jax
import jax.numpy as jnp
from jax import lax
from jax.experimental import pallas as pl
from jax.experimental.pallas import tpu as pltpu
from jax.experimental.pallas import tpu_sc as plsc

B = 4096
L = 200
H = 64
NW = 32
U_PER_W = B // NW
I_PER_W = U_PER_W * L
NGRP = 13
ROWS_PAD = NGRP * 16
OPAD = 8
SPLIT = 104
NSLOT = 3


def _rot(iota, h):
    r = iota + h
    return r if h <= 48 else jnp.bitwise_and(r, 63)


def _sc_body(uf_hbm, item_hbm, mask_hbm, itf_hbm, out_hbm,
             uf_v, iidx_v, mask_v, rows_v, out_v, ufd, sem):
    wid = lax.axis_index("s") * 2 + lax.axis_index("c")
    ubase = wid * U_PER_W
    ibase = wid * I_PER_W

    iota = lax.iota(jnp.int32, 16)

    def issue(u, soff, ph):
        off = u * L
        pltpu.async_copy(
            itf_hbm.at[iidx_v.at[pl.ds(off, SPLIT)]],
            rows_v.at[pl.ds(soff, SPLIT)], sem.at[ph])
        pltpu.async_copy(
            itf_hbm.at[iidx_v.at[pl.ds(off + SPLIT, L - SPLIT)]],
            rows_v.at[pl.ds(soff + SPLIT, L - SPLIT)], sem.at[ph])

    def wait(soff, ph):
        pltpu.make_async_copy(
            itf_hbm.at[pl.ds(0, L)],
            rows_v.at[pl.ds(soff, L)], sem.at[ph]).wait()

    pltpu.sync_copy(item_hbm.at[pl.ds(ibase, I_PER_W)], iidx_v)
    for s in range(NSLOT):
        issue(s, s * ROWS_PAD, s)
    pltpu.sync_copy(uf_hbm.at[pl.ds(ubase, U_PER_W)], uf_v)
    pltpu.sync_copy(mask_hbm.at[pl.ds(ibase, I_PER_W)],
                    mask_v.at[pl.ds(0, I_PER_W)])

    def group_epilogue(obase, g, tot):
        o = obase + g * 16
        m = mask_v[pl.ds(o, 16)]
        out_v[pl.ds(o, 16)] = jnp.where(m == 0, jnp.float32(-1.0e13), tot)

    def compute(u, soff):
        for c in range(4):
            ufd[pl.ds(c * 16, 16)] = uf_v[u, pl.ds(c * 16, 16)]
        ufd[pl.ds(64, 16)] = uf_v[u, pl.ds(0, 16)]
        obase = u * L

        def quad_body(q, carry):
            base = soff + q * 64
            idx0 = [iota + (base + k * 16) for k in range(4)]
            acc = [jnp.zeros((16,), jnp.float32) for _ in range(16)]
            for h in range(H):
                rot = _rot(iota, h)
                m = ufd[pl.ds(h, 16)]
                for k in range(4):
                    col = plsc.load_gather(rows_v, [idx0[k], rot])
                    a = 4 * k + h % 4
                    acc[a] = acc[a] + m * col
            for k in range(4):
                tot = ((acc[4 * k] + acc[4 * k + 1])
                       + (acc[4 * k + 2] + acc[4 * k + 3]))
                group_epilogue(obase, 4 * q + k, tot)
            return carry

        lax.fori_loop(0, 3, quad_body, 0)

        idx0t = iota + (soff + 192)
        acc = [jnp.zeros((16,), jnp.float32) for _ in range(4)]
        for h in range(H):
            col = plsc.load_gather(rows_v, [idx0t, _rot(iota, h)])
            acc[h % 4] = acc[h % 4] + ufd[pl.ds(h, 16)] * col
        group_epilogue(obase, 12, (acc[0] + acc[1]) + (acc[2] + acc[3]))

    def u_body(u, carry):
        ph = lax.rem(u, NSLOT)
        soff = ph * ROWS_PAD
        wait(soff, ph)
        compute(u, soff)

        @pl.when(u < U_PER_W - NSLOT)
        def _():
            issue(u + NSLOT, soff, ph)
        return carry

    lax.fori_loop(0, U_PER_W, u_body, 0)

    pltpu.sync_copy(out_v.at[pl.ds(0, I_PER_W)],
                    out_hbm.at[pl.ds(ibase, I_PER_W)])


@functools.partial(
    pl.kernel,
    out_type=jax.ShapeDtypeStruct((B * L,), jnp.float32),
    mesh=plsc.VectorSubcoreMesh(core_axis_name="c", subcore_axis_name="s"),
    scratch_types=[
        pltpu.VMEM((U_PER_W, H), jnp.float32),
        pltpu.VMEM((I_PER_W,), jnp.int32),
        pltpu.VMEM((I_PER_W + OPAD,), jnp.int32),
        pltpu.VMEM((NSLOT * ROWS_PAD, H), jnp.float32),
        pltpu.VMEM((I_PER_W + OPAD,), jnp.float32),
        pltpu.VMEM((80,), jnp.float32),
        pltpu.SemaphoreType.DMA((NSLOT,)),
    ],
    compiler_params=pltpu.CompilerParams(needs_layout_passes=False,
                                         use_tc_tiling_on_sc=False),
)
def _sc_kernel(uf_hbm, item_hbm, mask_hbm, itf_hbm, out_hbm,
               uf_v, iidx_v, mask_v, rows_v, out_v, ufd, sem):
    _sc_body(uf_hbm, item_hbm, mask_hbm, itf_hbm, out_hbm,
             uf_v, iidx_v, mask_v, rows_v, out_v, ufd, sem)


def kernel(user, item, mask, user_factors, item_factors):
    uf_rows = jnp.take(user_factors, user, axis=0)
    logits = _sc_kernel(uf_rows,
                        item.reshape(-1).astype(jnp.int32),
                        mask.reshape(-1).astype(jnp.int32),
                        item_factors)
    return logits.reshape(B, L)

# --- scband reference (transcript-rebuilt; emitter-appended) ---
"""Pipeline reference for scband-model-65206193487908 (READ-ONLY COPY).

The authoritative reference and input builder live on the scoring server;
editing this copy changes nothing except your own understanding.
"""

import jax, jax.numpy as jnp
import numpy as np

NUM_USERS = 1000000
NUM_ITEMS = 100000
FACTOR_DIM = 64  # inner_model.factors + 1
B = 4096
L = 200


def setup_inputs(seed: int = 0) -> dict:
    key = jax.random.key(seed)
    k1, k2, k3, k4, k5 = jax.random.split(key, 5)
    user = jax.random.randint(k1, (B,), 0, NUM_USERS)
    item = jax.random.randint(k2, (B, L), 0, NUM_ITEMS)
    mask = jax.random.randint(k3, (B, L), 0, 2).astype(jnp.int32)
    user_factors = jax.random.normal(k4, (NUM_USERS, FACTOR_DIM), dtype=jnp.float32) * 0.02
    item_factors = jax.random.normal(k5, (NUM_ITEMS, FACTOR_DIM), dtype=jnp.float32) * 0.02
    return {
        "user": user,
        "item": item,
        "mask": mask,
        "user_factors": user_factors,
        "item_factors": item_factors,
    }


def reference(user, item, mask, user_factors, item_factors):
    # eval-path of Model.forward:
    # logits = einsum('bh,b...h->b...', user_factors[user], item_factors[item])
    uf = jnp.take(user_factors, user, axis=0)          # [B, H]
    itf = jnp.take(item_factors, item, axis=0)         # [B, L, H]
    logits = jnp.einsum('bh,blh->bl', uf, itf)         # [B, L]
    # logits.masked_fill_(mask.eq(0), -1e13)
    logits = jnp.where(mask == 0, jnp.float32(-1.0e13), logits)
    return logits

if __name__ == "__main__":
    import jax
    _d = setup_inputs()
    print(jax.jit(kernel)(*tuple(_d.values())))

</pallas_src>

<mosaic_0001>
#map = affine_map<(d0, d1) -> (0, 0)>
#map1 = affine_map<(d0, d1) -> (0)>
module attributes {stable_mosaic.version = 14 : i64} {
  func.func @_sc_kernel(%arg0: i32, %arg1: i32, %arg2: memref<4096x64xf32, #tpu.memory_space<hbm>>, %arg3: memref<819200xi32, #tpu.memory_space<hbm>>, %arg4: memref<819200xi32, #tpu.memory_space<hbm>>, %arg5: memref<100000x64xf32, #tpu.memory_space<hbm>>, %arg6: memref<819200xf32, #tpu.memory_space<hbm>>, %arg7: memref<128x64xf32, #tpu.memory_space<vmem>>, %arg8: memref<25600xi32, #tpu.memory_space<vmem>>, %arg9: memref<25608xi32, #tpu.memory_space<vmem>>, %arg10: memref<624x64xf32, #tpu.memory_space<vmem>>, %arg11: memref<25608xf32, #tpu.memory_space<vmem>>, %arg12: memref<80xf32, #tpu.memory_space<vmem>>, %arg13: memref<3x!tpu.dma_semaphore, #tpu.memory_space<semaphore_mem>>) attributes {dimension_semantics = [#tpu.dimension_semantics<core_parallel>, #tpu.dimension_semantics<subcore_parallel>], iteration_bounds = array<i64: 2, 16>, scalar_prefetch = 0 : i64, scratch_operands = 7 : i64, tpu.core_type = #tpu.core_type<sc_vector_subcore>, window_params = [{transform_indices = #map}, {transform_indices = #map1}, {transform_indices = #map1}, {transform_indices = #map}, {transform_indices = #map1}]} {
    %mul3A = arith.constant 2 : i32
    %mul3A_0 = arith.muli %arg1, %mul3A : i32
    %add3A = arith.addi %mul3A_0, %arg0 : i32
    %mul3A_1 = arith.constant 128 : i32
    %mul3A_2 = arith.muli %add3A, %mul3A_1 : i32
    %mul3A_3 = arith.constant 25600 : i32
    %mul3A_4 = arith.muli %add3A, %mul3A_3 : i32
    %iota3A = tpu.iota {dimensions = array<i32: 0>} : vector<16xi32>
    "tpu.region"() ({
      %run_scoped3A = tpu.sem_alloc : memref<!tpu.dma_semaphore, #tpu.memory_space<semaphore_mem>>
      %dma_start3A_75 = tpu.memref_slice %arg3[%mul3A_4] : memref<819200xi32, #tpu.memory_space<hbm>> -> memref<25600xi32, #tpu.memory_space<hbm>>
      %dma_start3A_76 = tpu.memref_slice %arg3[%mul3A_4] : memref<819200xi32, #tpu.memory_space<hbm>> -> memref<25600xi32, #tpu.memory_space<hbm>>
      tpu.enqueue_dma source(%dma_start3A_76 : memref<25600xi32, #tpu.memory_space<hbm>>) target(%arg8 : memref<25600xi32, #tpu.memory_space<vmem>>) target_semaphore(%run_scoped3A : memref<!tpu.dma_semaphore, #tpu.memory_space<semaphore_mem>>)
      %dma_wait3A = tpu.memref_slice %arg3[%mul3A_4] : memref<819200xi32, #tpu.memory_space<hbm>> -> memref<25600xi32, #tpu.memory_space<hbm>>
      %dma_wait3A_77 = tpu.memref_slice %arg3[%mul3A_4] : memref<819200xi32, #tpu.memory_space<hbm>> -> memref<25600xi32, #tpu.memory_space<hbm>>
      tpu.wait_dma2 semaphore(%run_scoped3A : memref<!tpu.dma_semaphore, #tpu.memory_space<semaphore_mem>>) src(%dma_wait3A_77 : memref<25600xi32, #tpu.memory_space<hbm>>) dst(%arg8 : memref<25600xi32, #tpu.memory_space<vmem>>)
      tpu.yield
    }) : () -> ()
    %dma_start3A = arith.constant 0 : i32
    %dma_start3A_5 = arith.constant 0 : i32
    %dma_start3A_6 = arith.constant 0 : i32
    %dma_start3A_7 = tpu.memref_slice %arg10[%dma_start3A_5, %dma_start3A_6] : memref<624x64xf32, #tpu.memory_space<vmem>> -> memref<104x64xf32, #tpu.memory_space<vmem>>
    %dma_start3A_8 = arith.constant 0 : i32
    %dma_start3A_9 = tpu.memref_slice %arg8[%dma_start3A_8] : memref<25600xi32, #tpu.memory_space<vmem>> -> memref<104xi32, #tpu.memory_space<vmem>>
    %dma_start3A_10 = arith.constant 0 : i32
    %dma_start3A_11 = arith.constant 0 : i32
    %dma_start3A_12 = tpu.memref_slice %arg5[%dma_start3A_10, %dma_start3A_11] : memref<100000x64xf32, #tpu.memory_space<hbm>> -> memref<100000x64xf32, #tpu.memory_space<hbm>>
    %dma_start3A_13 = tpu.memref_slice %arg13[%dma_start3A] : memref<3x!tpu.dma_semaphore, #tpu.memory_space<semaphore_mem>> -> memref<1x!tpu.dma_semaphore, #tpu.memory_space<semaphore_mem>>
    %dma_start3A_14 = tpu.memref_squeeze %dma_start3A_13 : memref<1x!tpu.dma_semaphore, #tpu.memory_space<semaphore_mem>> -> memref<!tpu.dma_semaphore, #tpu.memory_space<semaphore_mem>>
    tpu.enqueue_indirect_dma source(%dma_start3A_12 : memref<100000x64xf32, #tpu.memory_space<hbm>>) target(%dma_start3A_7 : memref<104x64xf32, #tpu.memory_space<vmem>>) offsets(%dma_start3A_9 : memref<104xi32, #tpu.memory_space<vmem>>) semaphore(%dma_start3A_14 : memref<!tpu.dma_semaphore, #tpu.memory_space<semaphore_mem>>)
    %dma_start3A_15 = arith.constant 0 : i32
    %dma_start3A_16 = arith.constant 104 : i32
    %dma_start3A_17 = arith.constant 0 : i32
    %dma_start3A_18 = tpu.memref_slice %arg10[%dma_start3A_16, %dma_start3A_17] : memref<624x64xf32, #tpu.memory_space<vmem>> -> memref<96x64xf32, #tpu.memory_space<vmem>>
    %dma_start3A_19 = arith.constant 104 : i32
    %dma_start3A_20 = tpu.memref_slice %arg8[%dma_start3A_19] : memref<25600xi32, #tpu.memory_space<vmem>> -> memref<96xi32, #tpu.memory_space<vmem>>
    %dma_start3A_21 = arith.constant 0 : i32
    %dma_start3A_22 = arith.constant 0 : i32
    %dma_start3A_23 = tpu.memref_slice %arg5[%dma_start3A_21, %dma_start3A_22] : memref<100000x64xf32, #tpu.memory_space<hbm>> -> memref<100000x64xf32, #tpu.memory_space<hbm>>
    %dma_start3A_24 = tpu.memref_slice %arg13[%dma_start3A_15] : memref<3x!tpu.dma_semaphore, #tpu.memory_space<semaphore_mem>> -> memref<1x!tpu.dma_semaphore, #tpu.memory_space<semaphore_mem>>
    %dma_start3A_25 = tpu.memref_squeeze %dma_start3A_24 : memref<1x!tpu.dma_semaphore, #tpu.memory_space<semaphore_mem>> -> memref<!tpu.dma_semaphore, #tpu.memory_space<semaphore_mem>>
    tpu.enqueue_indirect_dma source(%dma_start3A_23 : memref<100000x64xf32, #tpu.memory_space<hbm>>) target(%dma_start3A_18 : memref<96x64xf32, #tpu.memory_space<vmem>>) offsets(%dma_start3A_20 : memref<96xi32, #tpu.memory_space<vmem>>) semaphore(%dma_start3A_25 : memref<!tpu.dma_semaphore, #tpu.memory_space<semaphore_mem>>)
    %dma_start3A_26 = arith.constant 1 : i32
    %dma_start3A_27 = arith.constant 208 : i32
    %dma_start3A_28 = arith.constant 0 : i32
    %dma_start3A_29 = tpu.memref_slice %arg10[%dma_start3A_27, %dma_start3A_28] : memref<624x64xf32, #tpu.memory_space<vmem>> -> memref<104x64xf32, #tpu.memory_space<vmem>>
    %dma_start3A_30 = arith.constant 200 : i32
    %dma_start3A_31 = tpu.memref_slice %arg8[%dma_start3A_30] : memref<25600xi32, #tpu.memory_space<vmem>> -> memref<104xi32, #tpu.memory_space<vmem>>
    %dma_start3A_32 = arith.constant 0 : i32
    %dma_start3A_33 = arith.constant 0 : i32
    %dma_start3A_34 = tpu.memref_slice %arg5[%dma_start3A_32, %dma_start3A_33] : memref<100000x64xf32, #tpu.memory_space<hbm>> -> memref<100000x64xf32, #tpu.memory_space<hbm>>
    %dma_start3A_35 = tpu.memref_slice %arg13[%dma_start3A_26] : memref<3x!tpu.dma_semaphore, #tpu.memory_space<semaphore_mem>> -> memref<1x!tpu.dma_semaphore, #tpu.memory_space<semaphore_mem>>
    %dma_start3A_36 = tpu.memref_squeeze %dma_start3A_35 : memref<1x!tpu.dma_semaphore, #tpu.memory_space<semaphore_mem>> -> memref<!tpu.dma_semaphore, #tpu.memory_space<semaphore_mem>>
    tpu.enqueue_indirect_dma source(%dma_start3A_34 : memref<100000x64xf32, #tpu.memory_space<hbm>>) target(%dma_start3A_29 : memref<104x64xf32, #tpu.memory_space<vmem>>) offsets(%dma_start3A_31 : memref<104xi32, #tpu.memory_space<vmem>>) semaphore(%dma_start3A_36 : memref<!tpu.dma_semaphore, #tpu.memory_space<semaphore_mem>>)
    %dma_start3A_37 = arith.constant 1 : i32
    %dma_start3A_38 = arith.constant 312 : i32
    %dma_start3A_39 = arith.constant 0 : i32
    %dma_start3A_40 = tpu.memref_slice %arg10[%dma_start3A_38, %dma_start3A_39] : memref<624x64xf32, #tpu.memory_space<vmem>> -> memref<96x64xf32, #tpu.memory_space<vmem>>
    %dma_start3A_41 = arith.constant 304 : i32
    %dma_start3A_42 = tpu.memref_slice %arg8[%dma_start3A_41] : memref<25600xi32, #tpu.memory_space<vmem>> -> memref<96xi32, #tpu.memory_space<vmem>>
    %dma_start3A_43 = arith.constant 0 : i32
    %dma_start3A_44 = arith.constant 0 : i32
    %dma_start3A_45 = tpu.memref_slice %arg5[%dma_start3A_43, %dma_start3A_44] : memref<100000x64xf32, #tpu.memory_space<hbm>> -> memref<100000x64xf32, #tpu.memory_space<hbm>>
    %dma_start3A_46 = tpu.memref_slice %arg13[%dma_start3A_37] : memref<3x!tpu.dma_semaphore, #tpu.memory_space<semaphore_mem>> -> memref<1x!tpu.dma_semaphore, #tpu.memory_space<semaphore_mem>>
    %dma_start3A_47 = tpu.memref_squeeze %dma_start3A_46 : memref<1x!tpu.dma_semaphore, #tpu.memory_space<semaphore_mem>> -> memref<!tpu.dma_semaphore, #tpu.memory_space<semaphore_mem>>
    tpu.enqueue_indirect_dma source(%dma_start3A_45 : memref<100000x64xf32, #tpu.memory_space<hbm>>) target(%dma_start3A_40 : memref<96x64xf32, #tpu.memory_space<vmem>>) offsets(%dma_start3A_42 : memref<96xi32, #tpu.memory_space<vmem>>) semaphore(%dma_start3A_47 : memref<!tpu.dma_semaphore, #tpu.memory_space<semaphore_mem>>)
    %dma_start3A_48 = arith.constant 2 : i32
    %dma_start3A_49 = arith.constant 416 : i32
    %dma_start3A_50 = arith.constant 0 : i32
    %dma_start3A_51 = tpu.memref_slice %arg10[%dma_start3A_49, %dma_start3A_50] : memref<624x64xf32, #tpu.memory_space<vmem>> -> memref<104x64xf32, #tpu.memory_space<vmem>>
    %dma_start3A_52 = arith.constant 400 : i32
    %dma_start3A_53 = tpu.memref_slice %arg8[%dma_start3A_52] : memref<25600xi32, #tpu.memory_space<vmem>> -> memref<104xi32, #tpu.memory_space<vmem>>
    %dma_start3A_54 = arith.constant 0 : i32
    %dma_start3A_55 = arith.constant 0 : i32
    %dma_start3A_56 = tpu.memref_slice %arg5[%dma_start3A_54, %dma_start3A_55] : memref<100000x64xf32, #tpu.memory_space<hbm>> -> memref<100000x64xf32, #tpu.memory_space<hbm>>
    %dma_start3A_57 = tpu.memref_slice %arg13[%dma_start3A_48] : memref<3x!tpu.dma_semaphore, #tpu.memory_space<semaphore_mem>> -> memref<1x!tpu.dma_semaphore, #tpu.memory_space<semaphore_mem>>
    %dma_start3A_58 = tpu.memref_squeeze %dma_start3A_57 : memref<1x!tpu.dma_semaphore, #tpu.memory_space<semaphore_mem>> -> memref<!tpu.dma_semaphore, #tpu.memory_space<semaphore_mem>>
    tpu.enqueue_indirect_dma source(%dma_start3A_56 : memref<100000x64xf32, #tpu.memory_space<hbm>>) target(%dma_start3A_51 : memref<104x64xf32, #tpu.memory_space<vmem>>) offsets(%dma_start3A_53 : memref<104xi32, #tpu.memory_space<vmem>>) semaphore(%dma_start3A_58 : memref<!tpu.dma_semaphore, #tpu.memory_space<semaphore_mem>>)
    %dma_start3A_59 = arith.constant 2 : i32
    %dma_start3A_60 = arith.constant 520 : i32
    %dma_start3A_61 = arith.constant 0 : i32
    %dma_start3A_62 = tpu.memref_slice %arg10[%dma_start3A_60, %dma_start3A_61] : memref<624x64xf32, #tpu.memory_space<vmem>> -> memref<96x64xf32, #tpu.memory_space<vmem>>
    %dma_start3A_63 = arith.constant 504 : i32
    %dma_start3A_64 = tpu.memref_slice %arg8[%dma_start3A_63] : memref<25600xi32, #tpu.memory_space<vmem>> -> memref<96xi32, #tpu.memory_space<vmem>>
    %dma_start3A_65 = arith.constant 0 : i32
    %dma_start3A_66 = arith.constant 0 : i32
    %dma_start3A_67 = tpu.memref_slice %arg5[%dma_start3A_65, %dma_start3A_66] : memref<100000x64xf32, #tpu.memory_space<hbm>> -> memref<100000x64xf32, #tpu.memory_space<hbm>>
    %dma_start3A_68 = tpu.memref_slice %arg13[%dma_start3A_59] : memref<3x!tpu.dma_semaphore, #tpu.memory_space<semaphore_mem>> -> memref<1x!tpu.dma_semaphore, #tpu.memory_space<semaphore_mem>>
    %dma_start3A_69 = tpu.memref_squeeze %dma_start3A_68 : memref<1x!tpu.dma_semaphore, #tpu.memory_space<semaphore_mem>> -> memref<!tpu.dma_semaphore, #tpu.memory_space<semaphore_mem>>
    tpu.enqueue_indirect_dma source(%dma_start3A_67 : memref<100000x64xf32, #tpu.memory_space<hbm>>) target(%dma_start3A_62 : memref<96x64xf32, #tpu.memory_space<vmem>>) offsets(%dma_start3A_64 : memref<96xi32, #tpu.memory_space<vmem>>) semaphore(%dma_start3A_69 : memref<!tpu.dma_semaphore, #tpu.memory_space<semaphore_mem>>)
    "tpu.region"() ({
      %run_scoped3A = tpu.sem_alloc : memref<!tpu.dma_semaphore, #tpu.memory_space<semaphore_mem>>
      %dma_start3A_75 = arith.constant 0 : i32
      %dma_start3A_76 = tpu.memref_slice %arg2[%mul3A_2, %dma_start3A_75] : memref<4096x64xf32, #tpu.memory_space<hbm>> -> memref<128x64xf32, #tpu.memory_space<hbm>>
      %dma_start3A_77 = arith.constant 0 : i32
      %dma_start3A_78 = tpu.memref_slice %arg2[%mul3A_2, %dma_start3A_77] : memref<4096x64xf32, #tpu.memory_space<hbm>> -> memref<128x64xf32, #tpu.memory_space<hbm>>
      tpu.enqueue_dma source(%dma_start3A_78 : memref<128x64xf32, #tpu.memory_space<hbm>>) target(%arg7 : memref<128x64xf32, #tpu.memory_space<vmem>>) target_semaphore(%run_scoped3A : memref<!tpu.dma_semaphore, #tpu.memory_space<semaphore_mem>>)
      %dma_wait3A = arith.constant 0 : i32
      %dma_wait3A_79 = tpu.memref_slice %arg2[%mul3A_2, %dma_wait3A] : memref<4096x64xf32, #tpu.memory_space<hbm>> -> memref<128x64xf32, #tpu.memory_space<hbm>>
      %dma_wait3A_80 = arith.constant 0 : i32
      %dma_wait3A_81 = tpu.memref_slice %arg2[%mul3A_2, %dma_wait3A_80] : memref<4096x64xf32, #tpu.memory_space<hbm>> -> memref<128x64xf32, #tpu.memory_space<hbm>>
      tpu.wait_dma2 semaphore(%run_scoped3A : memref<!tpu.dma_semaphore, #tpu.memory_space<semaphore_mem>>) src(%dma_wait3A_81 : memref<128x64xf32, #tpu.memory_space<hbm>>) dst(%arg7 : memref<128x64xf32, #tpu.memory_space<vmem>>)
      tpu.yield
    }) : () -> ()
    "tpu.region"() ({
      %run_scoped3A = tpu.sem_alloc : memref<!tpu.dma_semaphore, #tpu.memory_space<semaphore_mem>>
      %dma_start3A_75 = arith.constant 0 : i32
      %dma_start3A_76 = tpu.memref_slice %arg9[%dma_start3A_75] : memref<25608xi32, #tpu.memory_space<vmem>> -> memref<25600xi32, #tpu.memory_space<vmem>>
      %dma_start3A_77 = tpu.memref_slice %arg4[%mul3A_4] : memref<819200xi32, #tpu.memory_space<hbm>> -> memref<25600xi32, #tpu.memory_space<hbm>>
      %dma_start3A_78 = arith.constant 0 : i32
      %dma_start3A_79 = tpu.memref_slice %arg9[%dma_start3A_78] : memref<25608xi32, #tpu.memory_space<vmem>> -> memref<25600xi32, #tpu.memory_space<vmem>>
      %dma_start3A_80 = tpu.memref_slice %arg4[%mul3A_4] : memref<819200xi32, #tpu.memory_space<hbm>> -> memref<25600xi32, #tpu.memory_space<hbm>>
      tpu.enqueue_dma source(%dma_start3A_80 : memref<25600xi32, #tpu.memory_space<hbm>>) target(%dma_start3A_79 : memref<25600xi32, #tpu.memory_space<vmem>>) target_semaphore(%run_scoped3A : memref<!tpu.dma_semaphore, #tpu.memory_space<semaphore_mem>>)
      %dma_wait3A = arith.constant 0 : i32
      %dma_wait3A_81 = tpu.memref_slice %arg9[%dma_wait3A] : memref<25608xi32, #tpu.memory_space<vmem>> -> memref<25600xi32, #tpu.memory_space<vmem>>
      %dma_wait3A_82 = tpu.memref_slice %arg4[%mul3A_4] : memref<819200xi32, #tpu.memory_space<hbm>> -> memref<25600xi32, #tpu.memory_space<hbm>>
      %dma_wait3A_83 = arith.constant 0 : i32
      %dma_wait3A_84 = tpu.memref_slice %arg9[%dma_wait3A_83] : memref<25608xi32, #tpu.memory_space<vmem>> -> memref<25600xi32, #tpu.memory_space<vmem>>
      %dma_wait3A_85 = tpu.memref_slice %arg4[%mul3A_4] : memref<819200xi32, #tpu.memory_space<hbm>> -> memref<25600xi32, #tpu.memory_space<hbm>>
      tpu.wait_dma2 semaphore(%run_scoped3A : memref<!tpu.dma_semaphore, #tpu.memory_space<semaphore_mem>>) src(%dma_wait3A_85 : memref<25600xi32, #tpu.memory_space<hbm>>) dst(%dma_wait3A_84 : memref<25600xi32, #tpu.memory_space<vmem>>)
      tpu.yield
    }) : () -> ()
    %scan3A = arith.constant 0 : i32
    %scan3A_70 = arith.constant 0 : i32
    %scan3A_71 = arith.constant 128 : i32
    %scan3A_72 = arith.addi %scan3A_70, %scan3A_71 : i32
    %scan3A_73 = arith.constant 1 : i32
    scf.for %scan3A_75 = %scan3A_70 to %scan3A_72 step %scan3A_73  : i32 {
      %rem3A = arith.constant 3 : i32
      %rem3A_76 = arith.remsi %scan3A_75, %rem3A : i32
      %mul3A_77 = arith.constant 208 : i32
      %mul3A_78 = arith.muli %rem3A_76, %mul3A_77 : i32
      %dma_wait3A = arith.constant 0 : i32
      %dma_wait3A_79 = tpu.memref_slice %arg10[%mul3A_78, %dma_wait3A] : memref<624x64xf32, #tpu.memory_space<vmem>> -> memref<200x64xf32, #tpu.memory_space<vmem>>
      %dma_wait3A_80 = arith.constant 0 : i32
      %dma_wait3A_81 = arith.constant 0 : i32
      %dma_wait3A_82 = tpu.memref_slice %arg5[%dma_wait3A_80, %dma_wait3A_81] : memref<100000x64xf32, #tpu.memory_space<hbm>> -> memref<200x64xf32, #tpu.memory_space<hbm>>
      %dma_wait3A_83 = tpu.memref_slice %arg13[%rem3A_76] : memref<3x!tpu.dma_semaphore, #tpu.memory_space<semaphore_mem>> -> memref<1x!tpu.dma_semaphore, #tpu.memory_space<semaphore_mem>>
      %dma_wait3A_84 = tpu.memref_squeeze %dma_wait3A_83 : memref<1x!tpu.dma_semaphore, #tpu.memory_space<semaphore_mem>> -> memref<!tpu.dma_semaphore, #tpu.memory_space<semaphore_mem>>
      %dma_wait3A_85 = arith.constant 0 : i32
      %dma_wait3A_86 = tpu.memref_slice %arg10[%mul3A_78, %dma_wait3A_85] : memref<624x64xf32, #tpu.memory_space<vmem>> -> memref<200x64xf32, #tpu.memory_space<vmem>>
      %dma_wait3A_87 = arith.constant 0 : i32
      %dma_wait3A_88 = arith.constant 0 : i32
      %dma_wait3A_89 = tpu.memref_slice %arg5[%dma_wait3A_87, %dma_wait3A_88] : memref<100000x64xf32, #tpu.memory_space<hbm>> -> memref<200x64xf32, #tpu.memory_space<hbm>>
      tpu.wait_dma2 semaphore(%dma_wait3A_84 : memref<!tpu.dma_semaphore, #tpu.memory_space<semaphore_mem>>) src(%dma_wait3A_89 : memref<200x64xf32, #tpu.memory_space<hbm>>) dst(%dma_wait3A_86 : memref<200x64xf32, #tpu.memory_space<vmem>>)
      %get3A = arith.index_cast %scan3A_75 : i32 to index
      %get3A_90 = arith.constant 0 : index
      %get3A_91 = tpu.vector_load %arg7[%get3A, %get3A_90] {strides = array<i32>} : memref<128x64xf32, #tpu.memory_space<vmem>>, vector<16xf32>,
      %swap3A = arith.constant 0 : index
      %swap3A_92 = tpu.vector_load %arg12[%swap3A] {strides = array<i32>} : memref<80xf32, #tpu.memory_space<vmem>>, vector<16xf32>,
      tpu.vector_store %arg12[%swap3A], %get3A_91 {strides = array<i32>} : memref<80xf32, #tpu.memory_space<vmem>>, vector<16xf32>,
      %get3A_93 = arith.index_cast %scan3A_75 : i32 to index
      %get3A_94 = arith.constant 16 : index
      %get3A_95 = tpu.vector_load %arg7[%get3A_93, %get3A_94] {strides = array<i32>} : memref<128x64xf32, #tpu.memory_space<vmem>>, vector<16xf32>,
      %swap3A_96 = arith.constant 16 : index
      %swap3A_97 = tpu.vector_load %arg12[%swap3A_96] {strides = array<i32>} : memref<80xf32, #tpu.memory_space<vmem>>, vector<16xf32>,
      tpu.vector_store %arg12[%swap3A_96], %get3A_95 {strides = array<i32>} : memref<80xf32, #tpu.memory_space<vmem>>, vector<16xf32>,
      %get3A_98 = arith.index_cast %scan3A_75 : i32 to index
      %get3A_99 = arith.constant 32 : index
      %get3A_100 = tpu.vector_load %arg7[%get3A_98, %get3A_99] {strides = array<i32>} : memref<128x64xf32, #tpu.memory_space<vmem>>, vector<16xf32>,
      %swap3A_101 = arith.constant 32 : index
      %swap3A_102 = tpu.vector_load %arg12[%swap3A_101] {strides = array<i32>} : memref<80xf32, #tpu.memory_space<vmem>>, vector<16xf32>,
      tpu.vector_store %arg12[%swap3A_101], %get3A_100 {strides = array<i32>} : memref<80xf32, #tpu.memory_space<vmem>>, vector<16xf32>,
      %get3A_103 = arith.index_cast %scan3A_75 : i32 to index
      %get3A_104 = arith.constant 48 : index
      %get3A_105 = tpu.vector_load %arg7[%get3A_103, %get3A_104] {strides = array<i32>} : memref<128x64xf32, #tpu.memory_space<vmem>>, vector<16xf32>,
      %swap3A_106 = arith.constant 48 : index
      %swap3A_107 = tpu.vector_load %arg12[%swap3A_106] {strides = array<i32>} : memref<80xf32, #tpu.memory_space<vmem>>, vector<16xf32>,
      tpu.vector_store %arg12[%swap3A_106], %get3A_105 {strides = array<i32>} : memref<80xf32, #tpu.memory_space<vmem>>, vector<16xf32>,
      %get3A_108 = arith.index_cast %scan3A_75 : i32 to index
      %get3A_109 = arith.constant 0 : index
      %get3A_110 = tpu.vector_load %arg7[%get3A_108, %get3A_109] {strides = array<i32>} : memref<128x64xf32, #tpu.memory_space<vmem>>, vector<16xf32>,
      %swap3A_111 = arith.constant 64 : index
      %swap3A_112 = tpu.vector_load %arg12[%swap3A_111] {strides = array<i32>} : memref<80xf32, #tpu.memory_space<vmem>>, vector<16xf32>,
      tpu.vector_store %arg12[%swap3A_111], %get3A_110 {strides = array<i32>} : memref<80xf32, #tpu.memory_space<vmem>>, vector<16xf32>,
      %mul3A_113 = arith.constant 200 : i32
      %mul3A_114 = arith.muli %scan3A_75, %mul3A_113 : i32
      %scan3A_115 = arith.constant 0 : i32
      %scan3A_116 = arith.constant 0 : i32
      %scan3A_117 = arith.constant 3 : i32
      %scan3A_118 = arith.addi %scan3A_116, %scan3A_117 : i32
      %scan3A_119 = arith.constant 1 : i32
      scf.for %scan3A_701 = %scan3A_116 to %scan3A_118 step %scan3A_119  : i32 {
        %mul3A_702 = arith.constant 64 : i32
        %mul3A_703 = arith.muli %scan3A_701, %mul3A_702 : i32
        %add3A_704 = arith.addi %mul3A_78, %mul3A_703 : i32
        %add3A_705 = arith.constant 0 : i32
        %add3A_706 = arith.addi %add3A_704, %add3A_705 : i32
        %add3A_707 = vector.broadcast %add3A_706 : i32 to vector<16xi32>
        %add3A_708 = arith.addi %iota3A, %add3A_707 : vector<16xi32>
        %add3A_709 = arith.constant 16 : i32
        %add3A_710 = arith.addi %add3A_704, %add3A_709 : i32
        %add3A_711 = vector.broadcast %add3A_710 : i32 to vector<16xi32>
        %add3A_712 = arith.addi %iota3A, %add3A_711 : vector<16xi32>
        %add3A_713 = arith.constant 32 : i32
        %add3A_714 = arith.addi %add3A_704, %add3A_713 : i32
        %add3A_715 = vector.broadcast %add3A_714 : i32 to vector<16xi32>
        %add3A_716 = arith.addi %iota3A, %add3A_715 : vector<16xi32>
        %add3A_717 = arith.constant 48 : i32
        %add3A_718 = arith.addi %add3A_704, %add3A_717 : i32
        %add3A_719 = vector.broadcast %add3A_718 : i32 to vector<16xi32>
        %add3A_720 = arith.addi %iota3A, %add3A_719 : vector<16xi32>
        %broadcast_in_dim3A_721 = arith.constant 0.000000e+00 : f32
        %broadcast_in_dim3A_722 = vector.broadcast %broadcast_in_dim3A_721 : f32 to vector<16xf32>
        %broadcast_in_dim3A_723 = arith.constant 0.000000e+00 : f32
        %broadcast_in_dim3A_724 = vector.broadcast %broadcast_in_dim3A_723 : f32 to vector<16xf32>
        %broadcast_in_dim3A_725 = arith.constant 0.000000e+00 : f32
        %broadcast_in_dim3A_726 = vector.broadcast %broadcast_in_dim3A_725 : f32 to vector<16xf32>
        %broadcast_in_dim3A_727 = arith.constant 0.000000e+00 : f32
        %broadcast_in_dim3A_728 = vector.broadcast %broadcast_in_dim3A_727 : f32 to vector<16xf32>
        %broadcast_in_dim3A_729 = arith.constant 0.000000e+00 : f32
        %broadcast_in_dim3A_730 = vector.broadcast %broadcast_in_dim3A_729 : f32 to vector<16xf32>
        %broadcast_in_dim3A_731 = arith.constant 0.000000e+00 : f32
        %broadcast_in_dim3A_732 = vector.broadcast %broadcast_in_dim3A_731 : f32 to vector<16xf32>
        %broadcast_in_dim3A_733 = arith.constant 0.000000e+00 : f32
        %broadcast_in_dim3A_734 = vector.broadcast %broadcast_in_dim3A_733 : f32 to vector<16xf32>
        %broadcast_in_dim3A_735 = arith.constant 0.000000e+00 : f32
        %broadcast_in_dim3A_736 = vector.broadcast %broadcast_in_dim3A_735 : f32 to vector<16xf32>
        %broadcast_in_dim3A_737 = arith.constant 0.000000e+00 : f32
        %broadcast_in_dim3A_738 = vector.broadcast %broadcast_in_dim3A_737 : f32 to vector<16xf32>
        %broadcast_in_dim3A_739 = arith.constant 0.000000e+00 : f32
        %broadcast_in_dim3A_740 = vector.broadcast %broadcast_in_dim3A_739 : f32 to vector<16xf32>
        %broadcast_in_dim3A_741 = arith.constant 0.000000e+00 : f32
        %broadcast_in_dim3A_742 = vector.broadcast %broadcast_in_dim3A_741 : f32 to vector<16xf32>
        %broadcast_in_dim3A_743 = arith.constant 0.000000e+00 : f32
        %broadcast_in_dim3A_744 = vector.broadcast %broadcast_in_dim3A_743 : f32 to vector<16xf32>
        %broadcast_in_dim3A_745 = arith.constant 0.000000e+00 : f32
        %broadcast_in_dim3A_746 = vector.broadcast %broadcast_in_dim3A_745 : f32 to vector<16xf32>
        %broadcast_in_dim3A_747 = arith.constant 0.000000e+00 : f32
        %broadcast_in_dim3A_748 = vector.broadcast %broadcast_in_dim3A_747 : f32 to vector<16xf32>
        %broadcast_in_dim3A_749 = arith.constant 0.000000e+00 : f32
        %broadcast_in_dim3A_750 = vector.broadcast %broadcast_in_dim3A_749 : f32 to vector<16xf32>
        %broadcast_in_dim3A_751 = arith.constant 0.000000e+00 : f32
        %broadcast_in_dim3A_752 = vector.broadcast %broadcast_in_dim3A_751 : f32 to vector<16xf32>
        %add3A_753 = arith.constant 0 : i32
        %add3A_754 = vector.broadcast %add3A_753 : i32 to vector<16xi32>
        %add3A_755 = arith.addi %iota3A, %add3A_754 : vector<16xi32>
        %get3A_756 = arith.constant 0 : index
        %get3A_757 = tpu.vector_load %arg12[%get3A_756] {strides = array<i32>} : memref<80xf32, #tpu.memory_space<vmem>>, vector<16xf32>,
        %gather3A_758 = tpu.vector_load_idx %arg10[%add3A_708, %add3A_755] : memref<624x64xf32, #tpu.memory_space<vmem>>[vector<16xi32>, vector<16xi32>], vector<16xf32>,
        %mul3A_759 = arith.mulf %get3A_757, %gather3A_758 : vector<16xf32>
        %add3A_760 = arith.addf %broadcast_in_dim3A_722, %mul3A_759 : vector<16xf32>
        %gather3A_761 = tpu.vector_load_idx %arg10[%add3A_712, %add3A_755] : memref<624x64xf32, #tpu.memory_space<vmem>>[vector<16xi32>, vector<16xi32>], vector<16xf32>,
        %mul3A_762 = arith.mulf %get3A_757, %gather3A_761 : vector<16xf32>
        %add3A_763 = arith.addf %broadcast_in_dim3A_730, %mul3A_762 : vector<16xf32>
        %gather3A_764 = tpu.vector_load_idx %arg10[%add3A_716, %add3A_755] : memref<624x64xf32, #tpu.memory_space<vmem>>[vector<16xi32>, vector<16xi32>], vector<16xf32>,
        %mul3A_765 = arith.mulf %get3A_757, %gather3A_764 : vector<16xf32>
        %add3A_766 = arith.addf %broadcast_in_dim3A_738, %mul3A_765 : vector<16xf32>
        %gather3A_767 = tpu.vector_load_idx %arg10[%add3A_720, %add3A_755] : memref<624x64xf32, #tpu.memory_space<vmem>>[vector<16xi32>, vector<16xi32>], vector<16xf32>,
        %mul3A_768 = arith.mulf %get3A_757, %gather3A_767 : vector<16xf32>
        %add3A_769 = arith.addf %broadcast_in_dim3A_746, %mul3A_768 : vector<16xf32>
        %add3A_770 = arith.constant 1 : i32
        %add3A_771 = vector.broadcast %add3A_770 : i32 to vector<16xi32>
        %add3A_772 = arith.addi %iota3A, %add3A_771 : vector<16xi32>
        %get3A_773 = arith.constant 1 : index
        %get3A_774 = tpu.vector_load %arg12[%get3A_773] {strides = array<i32>} : memref<80xf32, #tpu.memory_space<vmem>>, vector<16xf32>,
        %gather3A_775 = tpu.vector_load_idx %arg10[%add3A_708, %add3A_772] : memref<624x64xf32, #tpu.memory_space<vmem>>[vector<16xi32>, vector<16xi32>], vector<16xf32>,
        %mul3A_776 = arith.mulf %get3A_774, %gather3A_775 : vector<16xf32>
        %add3A_777 = arith.addf %broadcast_in_dim3A_724, %mul3A_776 : vector<16xf32>
        %gather3A_778 = tpu.vector_load_idx %arg10[%add3A_712, %add3A_772] : memref<624x64xf32, #tpu.memory_space<vmem>>[vector<16xi32>, vector<16xi32>], vector<16xf32>,
        %mul3A_779 = arith.mulf %get3A_774, %gather3A_778 : vector<16xf32>
        %add3A_780 = arith.addf %broadcast_in_dim3A_732, %mul3A_779 : vector<16xf32>
        %gather3A_781 = tpu.vector_load_idx %arg10[%add3A_716, %add3A_772] : memref<624x64xf32, #tpu.memory_space<vmem>>[vector<16xi32>, vector<16xi32>], vector<16xf32>,
        %mul3A_782 = arith.mulf %get3A_774, %gather3A_781 : vector<16xf32>
        %add3A_783 = arith.addf %broadcast_in_dim3A_740, %mul3A_782 : vector<16xf32>
        %gather3A_784 = tpu.vector_load_idx %arg10[%add3A_720, %add3A_772] : memref<624x64xf32, #tpu.memory_space<vmem>>[vector<16xi32>, vector<16xi32>], vector<16xf32>,
        %mul3A_785 = arith.mulf %get3A_774, %gather3A_784 : vector<16xf32>
        %add3A_786 = arith.addf %broadcast_in_dim3A_748, %mul3A_785 : vector<16xf32>
        %add3A_787 = arith.constant 2 : i32
        %add3A_788 = vector.broadcast %add3A_787 : i32 to vector<16xi32>
        %add3A_789 = arith.addi %iota3A, %add3A_788 : vector<16xi32>
        %get3A_790 = arith.constant 2 : index
        %get3A_791 = tpu.vector_load %arg12[%get3A_790] {strides = array<i32>} : memref<80xf32, #tpu.memory_space<vmem>>, vector<16xf32>,
        %gather3A_792 = tpu.vector_load_idx %arg10[%add3A_708, %add3A_789] : memref<624x64xf32, #tpu.memory_space<vmem>>[vector<16xi32>, vector<16xi32>], vector<16xf32>,
        %mul3A_793 = arith.mulf %get3A_791, %gather3A_792 : vector<16xf32>
        %add3A_794 = arith.addf %broadcast_in_dim3A_726, %mul3A_793 : vector<16xf32>
        %gather3A_795 = tpu.vector_load_idx %arg10[%add3A_712, %add3A_789] : memref<624x64xf32, #tpu.memory_space<vmem>>[vector<16xi32>, vector<16xi32>], vector<16xf32>,
        %mul3A_796 = arith.mulf %get3A_791, %gather3A_795 : vector<16xf32>
        %add3A_797 = arith.addf %broadcast_in_dim3A_734, %mul3A_796 : vector<16xf32>
        %gather3A_798 = tpu.vector_load_idx %arg10[%add3A_716, %add3A_789] : memref<624x64xf32, #tpu.memory_space<vmem>>[vector<16xi32>, vector<16xi32>], vector<16xf32>,
        %mul3A_799 = arith.mulf %get3A_791, %gather3A_798 : vector<16xf32>
        %add3A_800 = arith.addf %broadcast_in_dim3A_742, %mul3A_799 : vector<16xf32>
        %gather3A_801 = tpu.vector_load_idx %arg10[%add3A_720, %add3A_789] : memref<624x64xf32, #tpu.memory_space<vmem>>[vector<16xi32>, vector<16xi32>], vector<16xf32>,
        %mul3A_802 = arith.mulf %get3A_791, %gather3A_801 : vector<16xf32>
        %add3A_803 = arith.addf %broadcast_in_dim3A_750, %mul3A_802 : vector<16xf32>
        %add3A_804 = arith.constant 3 : i32
        %add3A_805 = vector.broadcast %add3A_804 : i32 to vector<16xi32>
        %add3A_806 = arith.addi %iota3A, %add3A_805 : vector<16xi32>
        %get3A_807 = arith.constant 3 : index
        %get3A_808 = tpu.vector_load %arg12[%get3A_807] {strides = array<i32>} : memref<80xf32, #tpu.memory_space<vmem>>, vector<16xf32>,
        %gather3A_809 = tpu.vector_load_idx %arg10[%add3A_708, %add3A_806] : memref<624x64xf32, #tpu.memory_space<vmem>>[vector<16xi32>, vector<16xi32>], vector<16xf32>,
        %mul3A_810 = arith.mulf %get3A_808, %gather3A_809 : vector<16xf32>
        %add3A_811 = arith.addf %broadcast_in_dim3A_728, %mul3A_810 : vector<16xf32>
        %gather3A_812 = tpu.vector_load_idx %arg10[%add3A_712, %add3A_806] : memref<624x64xf32, #tpu.memory_space<vmem>>[vector<16xi32>, vector<16xi32>], vector<16xf32>,
        %mul3A_813 = arith.mulf %get3A_808, %gather3A_812 : vector<16xf32>
        %add3A_814 = arith.addf %broadcast_in_dim3A_736, %mul3A_813 : vector<16xf32>
        %gather3A_815 = tpu.vector_load_idx %arg10[%add3A_716, %add3A_806] : memref<624x64xf32, #tpu.memory_space<vmem>>[vector<16xi32>, vector<16xi32>], vector<16xf32>,
        %mul3A_816 = arith.mulf %get3A_808, %gather3A_815 : vector<16xf32>
        %add3A_817 = arith.addf %broadcast_in_dim3A_744, %mul3A_816 : vector<16xf32>
        %gather3A_818 = tpu.vector_load_idx %arg10[%add3A_720, %add3A_806] : memref<624x64xf32, #tpu.memory_space<vmem>>[vector<16xi32>, vector<16xi32>], vector<16xf32>,
        %mul3A_819 = arith.mulf %get3A_808, %gather3A_818 : vector<16xf32>
        %add3A_820 = arith.addf %broadcast_in_dim3A_752, %mul3A_819 : vector<16xf32>
        %add3A_821 = arith.constant 4 : i32
        %add3A_822 = vector.broadcast %add3A_821 : i32 to vector<16xi32>
        %add3A_823 = arith.addi %iota3A, %add3A_822 : vector<16xi32>
        %get3A_824 = arith.constant 4 : index
        %get3A_825 = tpu.vector_load %arg12[%get3A_824] {strides = array<i32>} : memref<80xf32, #tpu.memory_space<vmem>>, vector<16xf32>,
        %gather3A_826 = tpu.vector_load_idx %arg10[%add3A_708, %add3A_823] : memref<624x64xf32, #tpu.memory_space<vmem>>[vector<16xi32>, vector<16xi32>], vector<16xf32>,
        %mul3A_827 = arith.mulf %get3A_825, %gather3A_826 : vector<16xf32>
        %add3A_828 = arith.addf %add3A_760, %mul3A_827 : vector<16xf32>
        %gather3A_829 = tpu.vector_load_idx %arg10[%add3A_712, %add3A_823] : memref<624x64xf32, #tpu.memory_space<vmem>>[vector<16xi32>, vector<16xi32>], vector<16xf32>,
        %mul3A_830 = arith.mulf %get3A_825, %gather3A_829 : vector<16xf32>
        %add3A_831 = arith.addf %add3A_763, %mul3A_830 : vector<16xf32>
        %gather3A_832 = tpu.vector_load_idx %arg10[%add3A_716, %add3A_823] : memref<624x64xf32, #tpu.memory_space<vmem>>[vector<16xi32>, vector<16xi32>], vector<16xf32>,
        %mul3A_833 = arith.mulf %get3A_825, %gather3A_832 : vector<16xf32>
        %add3A_834 = arith.addf %add3A_766, %mul3A_833 : vector<16xf32>
        %gather3A_835 = tpu.vector_load_idx %arg10[%add3A_720, %add3A_823] : memref<624x64xf32, #tpu.memory_space<vmem>>[vector<16xi32>, vector<16xi32>], vector<16xf32>,
        %mul3A_836 = arith.mulf %get3A_825, %gather3A_835 : vector<16xf32>
        %add3A_837 = arith.addf %add3A_769, %mul3A_836 : vector<16xf32>
        %add3A_838 = arith.constant 5 : i32
        %add3A_839 = vector.broadcast %add3A_838 : i32 to vector<16xi32>
        %add3A_840 = arith.addi %iota3A, %add3A_839 : vector<16xi32>
        %get3A_841 = arith.constant 5 : index
        %get3A_842 = tpu.vector_load %arg12[%get3A_841] {strides = array<i32>} : memref<80xf32, #tpu.memory_space<vmem>>, vector<16xf32>,
        %gather3A_843 = tpu.vector_load_idx %arg10[%add3A_708, %add3A_840] : memref<624x64xf32, #tpu.memory_space<vmem>>[vector<16xi32>, vector<16xi32>], vector<16xf32>,
        %mul3A_844 = arith.mulf %get3A_842, %gather3A_843 : vector<16xf32>
        %add3A_845 = arith.addf %add3A_777, %mul3A_844 : vector<16xf32>
        %gather3A_846 = tpu.vector_load_idx %arg10[%add3A_712, %add3A_840] : memref<624x64xf32, #tpu.memory_space<vmem>>[vector<16xi32>, vector<16xi32>], vector<16xf32>,
        %mul3A_847 = arith.mulf %get3A_842, %gather3A_846 : vector<16xf32>
        %add3A_848 = arith.addf %add3A_780, %mul3A_847 : vector<16xf32>
        %gather3A_849 = tpu.vector_load_idx %arg10[%add3A_716, %add3A_840] : memref<624x64xf32, #tpu.memory_space<vmem>>[vector<16xi32>, vector<16xi32>], vector<16xf32>,
        %mul3A_850 = arith.mulf %get3A_842, %gather3A_849 : vector<16xf32>
        %add3A_851 = arith.addf %add3A_783, %mul3A_850 : vector<16xf32>
        %gather3A_852 = tpu.vector_load_idx %arg10[%add3A_720, %add3A_840] : memref<624x64xf32, #tpu.memory_space<vmem>>[vector<16xi32>, vector<16xi32>], vector<16xf32>,
        %mul3A_853 = arith.mulf %get3A_842, %gather3A_852 : vector<16xf32>
        %add3A_854 = arith.addf %add3A_786, %mul3A_853 : vector<16xf32>
        %add3A_855 = arith.constant 6 : i32
        %add3A_856 = vector.broadcast %add3A_855 : i32 to vector<16xi32>
        %add3A_857 = arith.addi %iota3A, %add3A_856 : vector<16xi32>
        %get3A_858 = arith.constant 6 : index
        %get3A_859 = tpu.vector_load %arg12[%get3A_858] {strides = array<i32>} : memref<80xf32, #tpu.memory_space<vmem>>, vector<16xf32>,
        %gather3A_860 = tpu.vector_load_idx %arg10[%add3A_708, %add3A_857] : memref<624x64xf32, #tpu.memory_space<vmem>>[vector<16xi32>, vector<16xi32>], vector<16xf32>,
        %mul3A_861 = arith.mulf %get3A_859, %gather3A_860 : vector<16xf32>
        %add3A_862 = arith.addf %add3A_794, %mul3A_861 : vector<16xf32>
        %gather3A_863 = tpu.vector_load_idx %arg10[%add3A_712, %add3A_857] : memref<624x64xf32, #tpu.memory_space<vmem>>[vector<16xi32>, vector<16xi32>], vector<16xf32>,
        %mul3A_864 = arith.mulf %get3A_859, %gather3A_863 : vector<16xf32>
        %add3A_865 = arith.addf %add3A_797, %mul3A_864 : vector<16xf32>
        %gather3A_866 = tpu.vector_load_idx %arg10[%add3A_716, %add3A_857] : memref<624x64xf32, #tpu.memory_space<vmem>>[vector<16xi32>, vector<16xi32>], vector<16xf32>,
        %mul3A_867 = arith.mulf %get3A_859, %gather3A_866 : vector<16xf32>
        %add3A_868 = arith.addf %add3A_800, %mul3A_867 : vector<16xf32>
        %gather3A_869 = tpu.vector_load_idx %arg10[%add3A_720, %add3A_857] : memref<624x64xf32, #tpu.memory_space<vmem>>[vector<16xi32>, vector<16xi32>], vector<16xf32>,
        %mul3A_870 = arith.mulf %get3A_859, %gather3A_869 : vector<16xf32>
        %add3A_871 = arith.addf %add3A_803, %mul3A_870 : vector<16xf32>
        %add3A_872 = arith.constant 7 : i32
        %add3A_873 = vector.broadcast %add3A_872 : i32 to vector<16xi32>
        %add3A_874 = arith.addi %iota3A, %add3A_873 : vector<16xi32>
        %get3A_875 = arith.constant 7 : index
        %get3A_876 = tpu.vector_load %arg12[%get3A_875] {strides = array<i32>} : memref<80xf32, #tpu.memory_space<vmem>>, vector<16xf32>,
        %gather3A_877 = tpu.vector_load_idx %arg10[%add3A_708, %add3A_874] : memref<624x64xf32, #tpu.memory_space<vmem>>[vector<16xi32>, vector<16xi32>], vector<16xf32>,
        %mul3A_878 = arith.mulf %get3A_876, %gather3A_877 : vector<16xf32>
        %add3A_879 = arith.addf %add3A_811, %mul3A_878 : vector<16xf32>
        %gather3A_880 = tpu.vector_load_idx %arg10[%add3A_712, %add3A_874] : memref<624x64xf32, #tpu.memory_space<vmem>>[vector<16xi32>, vector<16xi32>], vector<16xf32>,
        %mul3A_881 = arith.mulf %get3A_876, %gather3A_880 : vector<16xf32>
        %add3A_882 = arith.addf %add3A_814, %mul3A_881 : vector<16xf32>
        %gather3A_883 = tpu.vector_load_idx %arg10[%add3A_716, %add3A_874] : memref<624x64xf32, #tpu.memory_space<vmem>>[vector<16xi32>, vector<16xi32>], vector<16xf32>,
        %mul3A_884 = arith.mulf %get3A_876, %gather3A_883 : vector<16xf32>
        %add3A_885 = arith.addf %add3A_817, %mul3A_884 : vector<16xf32>
        %gather3A_886 = tpu.vector_load_idx %arg10[%add3A_720, %add3A_874] : memref<624x64xf32, #tpu.memory_space<vmem>>[vector<16xi32>, vector<16xi32>], vector<16xf32>,
        %mul3A_887 = arith.mulf %get3A_876, %gather3A_886 : vector<16xf32>
        %add3A_888 = arith.addf %add3A_820, %mul3A_887 : vector<16xf32>
        %add3A_889 = arith.constant 8 : i32
        %add3A_890 = vector.broadcast %add3A_889 : i32 to vector<16xi32>
        %add3A_891 = arith.addi %iota3A, %add3A_890 : vector<16xi32>
        %get3A_892 = arith.constant 8 : index
        %get3A_893 = tpu.vector_load %arg12[%get3A_892] {strides = array<i32>} : memref<80xf32, #tpu.memory_space<vmem>>, vector<16xf32>,
        %gather3A_894 = tpu.vector_load_idx %arg10[%add3A_708, %add3A_891] : memref<624x64xf32, #tpu.memory_space<vmem>>[vector<16xi32>, vector<16xi32>], vector<16xf32>,
        %mul3A_895 = arith.mulf %get3A_893, %gather3A_894 : vector<16xf32>
        %add3A_896 = arith.addf %add3A_828, %mul3A_895 : vector<16xf32>
        %gather3A_897 = tpu.vector_load_idx %arg10[%add3A_712, %add3A_891] : memref<624x64xf32, #tpu.memory_space<vmem>>[vector<16xi32>, vector<16xi32>], vector<16xf32>,
        %mul3A_898 = arith.mulf %get3A_893, %gather3A_897 : vector<16xf32>
        %add3A_899 = arith.addf %add3A_831, %mul3A_898 : vector<16xf32>
        %gather3A_900 = tpu.vector_load_idx %arg10[%add3A_716, %add3A_891] : memref<624x64xf32, #tpu.memory_space<vmem>>[vector<16xi32>, vector<16xi32>], vector<16xf32>,
        %mul3A_901 = arith.mulf %get3A_893, %gather3A_900 : vector<16xf32>
        %add3A_902 = arith.addf %add3A_834, %mul3A_901 : vector<16xf32>
        %gather3A_903 = tpu.vector_load_idx %arg10[%add3A_720, %add3A_891] : memref<624x64xf32, #tpu.memory_space<vmem>>[vector<16xi32>, vector<16xi32>], vector<16xf32>,
        %mul3A_904 = arith.mulf %get3A_893, %gather3A_903 : vector<16xf32>
        %add3A_905 = arith.addf %add3A_837, %mul3A_904 : vector<16xf32>
        %add3A_906 = arith.constant 9 : i32
        %add3A_907 = vector.broadcast %add3A_906 : i32 to vector<16xi32>
        %add3A_908 = arith.addi %iota3A, %add3A_907 : vector<16xi32>
        %get3A_909 = arith.constant 9 : index
        %get3A_910 = tpu.vector_load %arg12[%get3A_909] {strides = array<i32>} : memref<80xf32, #tpu.memory_space<vmem>>, vector<16xf32>,
        %gather3A_911 = tpu.vector_load_idx %arg10[%add3A_708, %add3A_908] : memref<624x64xf32, #tpu.memory_space<vmem>>[vector<16xi32>, vector<16xi32>], vector<16xf32>,
        %mul3A_912 = arith.mulf %get3A_910, %gather3A_911 : vector<16xf32>
        %add3A_913 = arith.addf %add3A_845, %mul3A_912 : vector<16xf32>
        %gather3A_914 = tpu.vector_load_idx %arg10[%add3A_712, %add3A_908] : memref<624x64xf32, #tpu.memory_space<vmem>>[vector<16xi32>, vector<16xi32>], vector<16xf32>,
        %mul3A_915 = arith.mulf %get3A_910, %gather3A_914 : vector<16xf32>
        %add3A_916 = arith.addf %add3A_848, %mul3A_915 : vector<16xf32>
        %gather3A_917 = tpu.vector_load_idx %arg10[%add3A_716, %add3A_908] : memref<624x64xf32, #tpu.memory_space<vmem>>[vector<16xi32>, vector<16xi32>], vector<16xf32>,
        %mul3A_918 = arith.mulf %get3A_910, %gather3A_917 : vector<16xf32>
        %add3A_919 = arith.addf %add3A_851, %mul3A_918 : vector<16xf32>
        %gather3A_920 = tpu.vector_load_idx %arg10[%add3A_720, %add3A_908] : memref<624x64xf32, #tpu.memory_space<vmem>>[vector<16xi32>, vector<16xi32>], vector<16xf32>,
        %mul3A_921 = arith.mulf %get3A_910, %gather3A_920 : vector<16xf32>
        %add3A_922 = arith.addf %add3A_854, %mul3A_921 : vector<16xf32>
        %add3A_923 = arith.constant 10 : i32
        %add3A_924 = vector.broadcast %add3A_923 : i32 to vector<16xi32>
        %add3A_925 = arith.addi %iota3A, %add3A_924 : vector<16xi32>
        %get3A_926 = arith.constant 10 : index
        %get3A_927 = tpu.vector_load %arg12[%get3A_926] {strides = array<i32>} : memref<80xf32, #tpu.memory_space<vmem>>, vector<16xf32>,
        %gather3A_928 = tpu.vector_load_idx %arg10[%add3A_708, %add3A_925] : memref<624x64xf32, #tpu.memory_space<vmem>>[vector<16xi32>, vector<16xi32>], vector<16xf32>,
        %mul3A_929 = arith.mulf %get3A_927, %gather3A_928 : vector<16xf32>
        %add3A_930 = arith.addf %add3A_862, %mul3A_929 : vector<16xf32>
        %gather3A_931 = tpu.vector_load_idx %arg10[%add3A_712, %add3A_925] : memref<624x64xf32, #tpu.memory_space<vmem>>[vector<16xi32>, vector<16xi32>], vector<16xf32>,
        %mul3A_932 = arith.mulf %get3A_927, %gather3A_931 : vector<16xf32>
        %add3A_933 = arith.addf %add3A_865, %mul3A_932 : vector<16xf32>
        %gather3A_934 = tpu.vector_load_idx %arg10[%add3A_716, %add3A_925] : memref<624x64xf32, #tpu.memory_space<vmem>>[vector<16xi32>, vector<16xi32>], vector<16xf32>,
        %mul3A_935 = arith.mulf %get3A_927, %gather3A_934 : vector<16xf32>
        %add3A_936 = arith.addf %add3A_868, %mul3A_935 : vector<16xf32>
        %gather3A_937 = tpu.vector_load_idx %arg10[%add3A_720, %add3A_925] : memref<624x64xf32, #tpu.memory_space<vmem>>[vector<16xi32>, vector<16xi32>], vector<16xf32>,
        %mul3A_938 = arith.mulf %get3A_927, %gather3A_937 : vector<16xf32>
        %add3A_939 = arith.addf %add3A_871, %mul3A_938 : vector<16xf32>
        %add3A_940 = arith.constant 11 : i32
        %add3A_941 = vector.broadcast %add3A_940 : i32 to vector<16xi32>
        %add3A_942 = arith.addi %iota3A, %add3A_941 : vector<16xi32>
        %get3A_943 = arith.constant 11 : index
        %get3A_944 = tpu.vector_load %arg12[%get3A_943] {strides = array<i32>} : memref<80xf32, #tpu.memory_space<vmem>>, vector<16xf32>,
        %gather3A_945 = tpu.vector_load_idx %arg10[%add3A_708, %add3A_942] : memref<624x64xf32, #tpu.memory_space<vmem>>[vector<16xi32>, vector<16xi32>], vector<16xf32>,
        %mul3A_946 = arith.mulf %get3A_944, %gather3A_945 : vector<16xf32>
        %add3A_947 = arith.addf %add3A_879, %mul3A_946 : vector<16xf32>
        %gather3A_948 = tpu.vector_load_idx %arg10[%add3A_712, %add3A_942] : memref<624x64xf32, #tpu.memory_space<vmem>>[vector<16xi32>, vector<16xi32>], vector<16xf32>,
        %mul3A_949 = arith.mulf %get3A_944, %gather3A_948 : vector<16xf32>
        %add3A_950 = arith.addf %add3A_882, %mul3A_949 : vector<16xf32>
        %gather3A_951 = tpu.vector_load_idx %arg10[%add3A_716, %add3A_942] : memref<624x64xf32, #tpu.memory_space<vmem>>[vector<16xi32>, vector<16xi32>], vector<16xf32>,
        %mul3A_952 = arith.mulf %get3A_944, %gather3A_951 : vector<16xf32>
        %add3A_953 = arith.addf %add3A_885, %mul3A_952 : vector<16xf32>
        %gather3A_954 = tpu.vector_load_idx %arg10[%add3A_720, %add3A_942] : memref<624x64xf32, #tpu.memory_space<vmem>>[vector<16xi32>, vector<16xi32>], vector<16xf32>,
        %mul3A_955 = arith.mulf %get3A_944, %gather3A_954 : vector<16xf32>
        %add3A_956 = arith.addf %add3A_888, %mul3A_955 : vector<16xf32>
        %add3A_957 = arith.constant 12 : i32
        %add3A_958 = vector.broadcast %add3A_957 : i32 to vector<16xi32>
        %add3A_959 = arith.addi %iota3A, %add3A_958 : vector<16xi32>
        %get3A_960 = arith.constant 12 : index
        %get3A_961 = tpu.vector_load %arg12[%get3A_960] {strides = array<i32>} : memref<80xf32, #tpu.memory_space<vmem>>, vector<16xf32>,
        %gather3A_962 = tpu.vector_load_idx %arg10[%add3A_708, %add3A_959] : memref<624x64xf32, #tpu.memory_space<vmem>>[vector<16xi32>, vector<16xi32>], vector<16xf32>,
        %mul3A_963 = arith.mulf %get3A_961, %gather3A_962 : vector<16xf32>
        %add3A_964 = arith.addf %add3A_896, %mul3A_963 : vector<16xf32>
        %gather3A_965 = tpu.vector_load_idx %arg10[%add3A_712, %add3A_959] : memref<624x64xf32, #tpu.memory_space<vmem>>[vector<16xi32>, vector<16xi32>], vector<16xf32>,
        %mul3A_966 = arith.mulf %get3A_961, %gather3A_965 : vector<16xf32>
        %add3A_967 = arith.addf %add3A_899, %mul3A_966 : vector<16xf32>
        %gather3A_968 = tpu.vector_load_idx %arg10[%add3A_716, %add3A_959] : memref<624x64xf32, #tpu.memory_space<vmem>>[vector<16xi32>, vector<16xi32>], vector<16xf32>,
        %mul3A_969 = arith.mulf %get3A_961, %gather3A_968 : vector<16xf32>
        %add3A_970 = arith.addf %add3A_902, %mul3A_969 : vector<16xf32>
        %gather3A_971 = tpu.vector_load_idx %arg10[%add3A_720, %add3A_959] : memref<624x64xf32, #tpu.memory_space<vmem>>[vector<16xi32>, vector<16xi32>], vector<16xf32>,
        %mul3A_972 = arith.mulf %get3A_961, %gather3A_971 : vector<16xf32>
        %add3A_973 = arith.addf %add3A_905, %mul3A_972 : vector<16xf32>
        %add3A_974 = arith.constant 13 : i32
        %add3A_975 = vector.broadcast %add3A_974 : i32 to vector<16xi32>
        %add3A_976 = arith.addi %iota3A, %add3A_975 : vector<16xi32>
        %get3A_977 = arith.constant 13 : index
        %get3A_978 = tpu.vector_load %arg12[%get3A_977] {strides = array<i32>} : memref<80xf32, #tpu.memory_space<vmem>>, vector<16xf32>,
        %gather3A_979 = tpu.vector_load_idx %arg10[%add3A_708, %add3A_976] : memref<624x64xf32, #tpu.memory_space<vmem>>[vector<16xi32>, vector<16xi32>], vector<16xf32>,
        %mul3A_980 = arith.mulf %get3A_978, %gather3A_979 : vector<16xf32>
        %add3A_981 = arith.addf %add3A_913, %mul3A_980 : vector<16xf32>
        %gather3A_982 = tpu.vector_load_idx %arg10[%add3A_712, %add3A_976] : memref<624x64xf32, #tpu.memory_space<vmem>>[vector<16xi32>, vector<16xi32>], vector<16xf32>,
        %mul3A_983 = arith.mulf %get3A_978, %gather3A_982 : vector<16xf32>
        %add3A_984 = arith.addf %add3A_916, %mul3A_983 : vector<16xf32>
        %gather3A_985 = tpu.vector_load_idx %arg10[%add3A_716, %add3A_976] : memref<624x64xf32, #tpu.memory_space<vmem>>[vector<16xi32>, vector<16xi32>], vector<16xf32>,
        %mul3A_986 = arith.mulf %get3A_978, %gather3A_985 : vector<16xf32>
        %add3A_987 = arith.addf %add3A_919, %mul3A_986 : vector<16xf32>
        %gather3A_988 = tpu.vector_load_idx %arg10[%add3A_720, %add3A_976] : memref<624x64xf32, #tpu.memory_space<vmem>>[vector<16xi32>, vector<16xi32>], vector<16xf32>,
        %mul3A_989 = arith.mulf %get3A_978, %gather3A_988 : vector<16xf32>
        %add3A_990 = arith.addf %add3A_922, %mul3A_989 : vector<16xf32>
        %add3A_991 = arith.constant 14 : i32
        %add3A_992 = vector.broadcast %add3A_991 : i32 to vector<16xi32>
        %add3A_993 = arith.addi %iota3A, %add3A_992 : vector<16xi32>
        %get3A_994 = arith.constant 14 : index
        %get3A_995 = tpu.vector_load %arg12[%get3A_994] {strides = array<i32>} : memref<80xf32, #tpu.memory_space<vmem>>, vector<16xf32>,
        %gather3A_996 = tpu.vector_load_idx %arg10[%add3A_708, %add3A_993] : memref<624x64xf32, #tpu.memory_space<vmem>>[vector<16xi32>, vector<16xi32>], vector<16xf32>,
        %mul3A_997 = arith.mulf %get3A_995, %gather3A_996 : vector<16xf32>
        %add3A_998 = arith.addf %add3A_930, %mul3A_997 : vector<16xf32>
        %gather3A_999 = tpu.vector_load_idx %arg10[%add3A_712, %add3A_993] : memref<624x64xf32, #tpu.memory_space<vmem>>[vector<16xi32>, vector<16xi32>], vector<16xf32>,
        %mul3A_1000 = arith.mulf %get3A_995, %gather3A_999 : vector<16xf32>
        %add3A_1001 = arith.addf %add3A_933, %mul3A_1000 : vector<16xf32>
        %gather3A_1002 = tpu.vector_load_idx %arg10[%add3A_716, %add3A_993] : memref<624x64xf32, #tpu.memory_space<vmem>>[vector<16xi32>, vector<16xi32>], vector<16xf32>,
        %mul3A_1003 = arith.mulf %get3A_995, %gather3A_1002 : vector<16xf32>
        %add3A_1004 = arith.addf %add3A_936, %mul3A_1003 : vector<16xf32>
        %gather3A_1005 = tpu.vector_load_idx %arg10[%add3A_720, %add3A_993] : memref<624x64xf32, #tpu.memory_space<vmem>>[vector<16xi32>, vector<16xi32>], vector<16xf32>,
        %mul3A_1006 = arith.mulf %get3A_995, %gather3A_1005 : vector<16xf32>
        %add3A_1007 = arith.addf %add3A_939, %mul3A_1006 : vector<16xf32>
        %add3A_1008 = arith.constant 15 : i32
        %add3A_1009 = vector.broadcast %add3A_1008 : i32 to vector<16xi32>
        %add3A_1010 = arith.addi %iota3A, %add3A_1009 : vector<16xi32>
        %get3A_1011 = arith.constant 15 : index
        %get3A_1012 = tpu.vector_load %arg12[%get3A_1011] {strides = array<i32>} : memref<80xf32, #tpu.memory_space<vmem>>, vector<16xf32>,
        %gather3A_1013 = tpu.vector_load_idx %arg10[%add3A_708, %add3A_1010] : memref<624x64xf32, #tpu.memory_space<vmem>>[vector<16xi32>, vector<16xi32>], vector<16xf32>,
        %mul3A_1014 = arith.mulf %get3A_1012, %gather3A_1013 : vector<16xf32>
        %add3A_1015 = arith.addf %add3A_947, %mul3A_1014 : vector<16xf32>
        %gather3A_1016 = tpu.vector_load_idx %arg10[%add3A_712, %add3A_1010] : memref<624x64xf32, #tpu.memory_space<vmem>>[vector<16xi32>, vector<16xi32>], vector<16xf32>,
        %mul3A_1017 = arith.mulf %get3A_1012, %gather3A_1016 : vector<16xf32>
        %add3A_1018 = arith.addf %add3A_950, %mul3A_1017 : vector<16xf32>
        %gather3A_1019 = tpu.vector_load_idx %arg10[%add3A_716, %add3A_1010] : memref<624x64xf32, #tpu.memory_space<vmem>>[vector<16xi32>, vector<16xi32>], vector<16xf32>,
        %mul3A_1020 = arith.mulf %get3A_1012, %gather3A_1019 : vector<16xf32>
        %add3A_1021 = arith.addf %add3A_953, %mul3A_1020 : vector<16xf32>
        %gather3A_1022 = tpu.vector_load_idx %arg10[%add3A_720, %add3A_1010] : memref<624x64xf32, #tpu.memory_space<vmem>>[vector<16xi32>, vector<16xi32>], vector<16xf32>,
        %mul3A_1023 = arith.mulf %get3A_1012, %gather3A_1022 : vector<16xf32>
        %add3A_1024 = arith.addf %add3A_956, %mul3A_1023 : vector<16xf32>
        %add3A_1025 = arith.constant 16 : i32
        %add3A_1026 = vector.broadcast %add3A_1025 : i32 to vector<16xi32>
        %add3A_1027 = arith.addi %iota3A, %add3A_1026 : vector<16xi32>
        %get3A_1028 = arith.constant 16 : index
        %get3A_1029 = tpu.vector_load %arg12[%get3A_1028] {strides = array<i32>} : memref<80xf32, #tpu.memory_space<vmem>>, vector<16xf32>,
        %gather3A_1030 = tpu.vector_load_idx %arg10[%add3A_708, %add3A_1027] : memref<624x64xf32, #tpu.memory_space<vmem>>[vector<16xi32>, vector<16xi32>], vector<16xf32>,
        %mul3A_1031 = arith.mulf %get3A_1029, %gather3A_1030 : vector<16xf32>
        %add3A_1032 = arith.addf %add3A_964, %mul3A_1031 : vector<16xf32>
        %gather3A_1033 = tpu.vector_load_idx %arg10[%add3A_712, %add3A_1027] : memref<624x64xf32, #tpu.memory_space<vmem>>[vector<16xi32>, vector<16xi32>], vector<16xf32>,
        %mul3A_1034 = arith.mulf %get3A_1029, %gather3A_1033 : vector<16xf32>
        %add3A_1035 = arith.addf %add3A_967, %mul3A_1034 : vector<16xf32>
        %gather3A_1036 = tpu.vector_load_idx %arg10[%add3A_716, %add3A_1027] : memref<624x64xf32, #tpu.memory_space<vmem>>[vector<16xi32>, vector<16xi32>], vector<16xf32>,
        %mul3A_1037 = arith.mulf %get3A_1029, %gather3A_1036 : vector<16xf32>
        %add3A_1038 = arith.addf %add3A_970, %mul3A_1037 : vector<16xf32>
        %gather3A_1039 = tpu.vector_load_idx %arg10[%add3A_720, %add3A_1027] : memref<624x64xf32, #tpu.memory_space<vmem>>[vector<16xi32>, vector<16xi32>], vector<16xf32>,
        %mul3A_1040 = arith.mulf %get3A_1029, %gather3A_1039 : vector<16xf32>
        %add3A_1041 = arith.addf %add3A_973, %mul3A_1040 : vector<16xf32>
        %add3A_1042 = arith.constant 17 : i32
        %add3A_1043 = vector.broadcast %add3A_1042 : i32 to vector<16xi32>
        %add3A_1044 = arith.addi %iota3A, %add3A_1043 : vector<16xi32>
        %get3A_1045 = arith.constant 17 : index
        %get3A_1046 = tpu.vector_load %arg12[%get3A_1045] {strides = array<i32>} : memref<80xf32, #tpu.memory_space<vmem>>, vector<16xf32>,
        %gather3A_1047 = tpu.vector_load_idx %arg10[%add3A_708, %add3A_1044] : memref<624x64xf32, #tpu.memory_space<vmem>>[vector<16xi32>, vector<16xi32>], vector<16xf32>,
        %mul3A_1048 = arith.mulf %get3A_1046, %gather3A_1047 : vector<16xf32>
        %add3A_1049 = arith.addf %add3A_981, %mul3A_1048 : vector<16xf32>
        %gather3A_1050 = tpu.vector_load_idx %arg10[%add3A_712, %add3A_1044] : memref<624x64xf32, #tpu.memory_space<vmem>>[vector<16xi32>, vector<16xi32>], vector<16xf32>,
        %mul3A_1051 = arith.mulf %get3A_1046, %gather3A_1050 : vector<16xf32>
        %add3A_1052 = arith.addf %add3A_984, %mul3A_1051 : vector<16xf32>
        %gather3A_1053 = tpu.vector_load_idx %arg10[%add3A_716, %add3A_1044] : memref<624x64xf32, #tpu.memory_space<vmem>>[vector<16xi32>, vector<16xi32>], vector<16xf32>,
        %mul3A_1054 = arith.mulf %get3A_1046, %gather3A_1053 : vector<16xf32>
        %add3A_1055 = arith.addf %add3A_987, %mul3A_1054 : vector<16xf32>
        %gather3A_1056 = tpu.vector_load_idx %arg10[%add3A_720, %add3A_1044] : memref<624x64xf32, #tpu.memory_space<vmem>>[vector<16xi32>, vector<16xi32>], vector<16xf32>,
        %mul3A_1057 = arith.mulf %get3A_1046, %gather3A_1056 : vector<16xf32>
        %add3A_1058 = arith.addf %add3A_990, %mul3A_1057 : vector<16xf32>
        %add3A_1059 = arith.constant 18 : i32
        %add3A_1060 = vector.broadcast %add3A_1059 : i32 to vector<16xi32>
        %add3A_1061 = arith.addi %iota3A, %add3A_1060 : vector<16xi32>
        %get3A_1062 = arith.constant 18 : index
        %get3A_1063 = tpu.vector_load %arg12[%get3A_1062] {strides = array<i32>} : memref<80xf32, #tpu.memory_space<vmem>>, vector<16xf32>,
        %gather3A_1064 = tpu.vector_load_idx %arg10[%add3A_708, %add3A_1061] : memref<624x64xf32, #tpu.memory_space<vmem>>[vector<16xi32>, vector<16xi32>], vector<16xf32>,
        %mul3A_1065 = arith.mulf %get3A_1063, %gather3A_1064 : vector<16xf32>
        %add3A_1066 = arith.addf %add3A_998, %mul3A_1065 : vector<16xf32>
        %gather3A_1067 = tpu.vector_load_idx %arg10[%add3A_712, %add3A_1061] : memref<624x64xf32, #tpu.memory_space<vmem>>[vector<16xi32>, vector<16xi32>], vector<16xf32>,
        %mul3A_1068 = arith.mulf %get3A_1063, %gather3A_1067 : vector<16xf32>
        %add3A_1069 = arith.addf %add3A_1001, %mul3A_1068 : vector<16xf32>
        %gather3A_1070 = tpu.vector_load_idx %arg10[%add3A_716, %add3A_1061] : memref<624x64xf32, #tpu.memory_space<vmem>>[vector<16xi32>, vector<16xi32>], vector<16xf32>,
        %mul3A_1071 = arith.mulf %get3A_1063, %gather3A_1070 : vector<16xf32>
        %add3A_1072 = arith.addf %add3A_1004, %mul3A_1071 : vector<16xf32>
        %gather3A_1073 = tpu.vector_load_idx %arg10[%add3A_720, %add3A_1061] : memref<624x64xf32, #tpu.memory_space<vmem>>[vector<16xi32>, vector<16xi32>], vector<16xf32>,
        %mul3A_1074 = arith.mulf %get3A_1063, %gather3A_1073 : vector<16xf32>
        %add3A_1075 = arith.addf %add3A_1007, %mul3A_1074 : vector<16xf32>
        %add3A_1076 = arith.constant 19 : i32
        %add3A_1077 = vector.broadcast %add3A_1076 : i32 to vector<16xi32>
        %add3A_1078 = arith.addi %iota3A, %add3A_1077 : vector<16xi32>
        %get3A_1079 = arith.constant 19 : index
        %get3A_1080 = tpu.vector_load %arg12[%get3A_1079] {strides = array<i32>} : memref<80xf32, #tpu.memory_space<vmem>>, vector<16xf32>,
        %gather3A_1081 = tpu.vector_load_idx %arg10[%add3A_708, %add3A_1078] : memref<624x64xf32, #tpu.memory_space<vmem>>[vector<16xi32>, vector<16xi32>], vector<16xf32>,
        %mul3A_1082 = arith.mulf %get3A_1080, %gather3A_1081 : vector<16xf32>
        %add3A_1083 = arith.addf %add3A_1015, %mul3A_1082 : vector<16xf32>
        %gather3A_1084 = tpu.vector_load_idx %arg10[%add3A_712, %add3A_1078] : memref<624x64xf32, #tpu.memory_space<vmem>>[vector<16xi32>, vector<16xi32>], vector<16xf32>,
        %mul3A_1085 = arith.mulf %get3A_1080, %gather3A_1084 : vector<16xf32>
        %add3A_1086 = arith.addf %add3A_1018, %mul3A_1085 : vector<16xf32>
        %gather3A_1087 = tpu.vector_load_idx %arg10[%add3A_716, %add3A_1078] : memref<624x64xf32, #tpu.memory_space<vmem>>[vector<16xi32>, vector<16xi32>], vector<16xf32>,
        %mul3A_1088 = arith.mulf %get3A_1080, %gather3A_1087 : vector<16xf32>
        %add3A_1089 = arith.addf %add3A_1021, %mul3A_1088 : vector<16xf32>
        %gather3A_1090 = tpu.vector_load_idx %arg10[%add3A_720, %add3A_1078] : memref<624x64xf32, #tpu.memory_space<vmem>>[vector<16xi32>, vector<16xi32>], vector<16xf32>,
        %mul3A_1091 = arith.mulf %get3A_1080, %gather3A_1090 : vector<16xf32>
        %add3A_1092 = arith.addf %add3A_1024, %mul3A_1091 : vector<16xf32>
        %add3A_1093 = arith.constant 20 : i32
        %add3A_1094 = vector.broadcast %add3A_1093 : i32 to vector<16xi32>
        %add3A_1095 = arith.addi %iota3A, %add3A_1094 : vector<16xi32>
        %get3A_1096 = arith.constant 20 : index
        %get3A_1097 = tpu.vector_load %arg12[%get3A_1096] {strides = array<i32>} : memref<80xf32, #tpu.memory_space<vmem>>, vector<16xf32>,
        %gather3A_1098 = tpu.vector_load_idx %arg10[%add3A_708, %add3A_1095] : memref<624x64xf32, #tpu.memory_space<vmem>>[vector<16xi32>, vector<16xi32>], vector<16xf32>,
        %mul3A_1099 = arith.mulf %get3A_1097, %gather3A_1098 : vector<16xf32>
        %add3A_1100 = arith.addf %add3A_1032, %mul3A_1099 : vector<16xf32>
        %gather3A_1101 = tpu.vector_load_idx %arg10[%add3A_712, %add3A_1095] : memref<624x64xf32, #tpu.memory_space<vmem>>[vector<16xi32>, vector<16xi32>], vector<16xf32>,
        %mul3A_1102 = arith.mulf %get3A_1097, %gather3A_1101 : vector<16xf32>
        %add3A_1103 = arith.addf %add3A_1035, %mul3A_1102 : vector<16xf32>
        %gather3A_1104 = tpu.vector_load_idx %arg10[%add3A_716, %add3A_1095] : memref<624x64xf32, #tpu.memory_space<vmem>>[vector<16xi32>, vector<16xi32>], vector<16xf32>,
        %mul3A_1105 = arith.mulf %get3A_1097, %gather3A_1104 : vector<16xf32>
        %add3A_1106 = arith.addf %add3A_1038, %mul3A_1105 : vector<16xf32>
        %gather3A_1107 = tpu.vector_load_idx %arg10[%add3A_720, %add3A_1095] : memref<624x64xf32, #tpu.memory_space<vmem>>[vector<16xi32>, vector<16xi32>], vector<16xf32>,
        %mul3A_1108 = arith.mulf %get3A_1097, %gather3A_1107 : vector<16xf32>
        %add3A_1109 = arith.addf %add3A_1041, %mul3A_1108 : vector<16xf32>
        %add3A_1110 = arith.constant 21 : i32
        %add3A_1111 = vector.broadcast %add3A_1110 : i32 to vector<16xi32>
        %add3A_1112 = arith.addi %iota3A, %add3A_1111 : vector<16xi32>
        %get3A_1113 = arith.constant 21 : index
        %get3A_1114 = tpu.vector_load %arg12[%get3A_1113] {strides = array<i32>} : memref<80xf32, #tpu.memory_space<vmem>>, vector<16xf32>,
        %gather3A_1115 = tpu.vector_load_idx %arg10[%add3A_708, %add3A_1112] : memref<624x64xf32, #tpu.memory_space<vmem>>[vector<16xi32>, vector<16xi32>], vector<16xf32>,
        %mul3A_1116 = arith.mulf %get3A_1114, %gather3A_1115 : vector<16xf32>
        %add3A_1117 = arith.addf %add3A_1049, %mul3A_1116 : vector<16xf32>
        %gather3A_1118 = tpu.vector_load_idx %arg10[%add3A_712, %add3A_1112] : memref<624x64xf32, #tpu.memory_space<vmem>>[vector<16xi32>, vector<16xi32>], vector<16xf32>,
        %mul3A_1119 = arith.mulf %get3A_1114, %gather3A_1118 : vector<16xf32>
        %add3A_1120 = arith.addf %add3A_1052, %mul3A_1119 : vector<16xf32>
        %gather3A_1121 = tpu.vector_load_idx %arg10[%add3A_716, %add3A_1112] : memref<624x64xf32, #tpu.memory_space<vmem>>[vector<16xi32>, vector<16xi32>], vector<16xf32>,
        %mul3A_1122 = arith.mulf %get3A_1114, %gather3A_1121 : vector<16xf32>
        %add3A_1123 = arith.addf %add3A_1055, %mul3A_1122 : vector<16xf32>
        %gather3A_1124 = tpu.vector_load_idx %arg10[%add3A_720, %add3A_1112] : memref<624x64xf32, #tpu.memory_space<vmem>>[vector<16xi32>, vector<16xi32>], vector<16xf32>,
        %mul3A_1125 = arith.mulf %get3A_1114, %gather3A_1124 : vector<16xf32>
        %add3A_1126 = arith.addf %add3A_1058, %mul3A_1125 : vector<16xf32>
        %add3A_1127 = arith.constant 22 : i32
        %add3A_1128 = vector.broadcast %add3A_1127 : i32 to vector<16xi32>
        %add3A_1129 = arith.addi %iota3A, %add3A_1128 : vector<16xi32>
        %get3A_1130 = arith.constant 22 : index
        %get3A_1131 = tpu.vector_load %arg12[%get3A_1130] {strides = array<i32>} : memref<80xf32, #tpu.memory_space<vmem>>, vector<16xf32>,
        %gather3A_1132 = tpu.vector_load_idx %arg10[%add3A_708, %add3A_1129] : memref<624x64xf32, #tpu.memory_space<vmem>>[vector<16xi32>, vector<16xi32>], vector<16xf32>,
        %mul3A_1133 = arith.mulf %get3A_1131, %gather3A_1132 : vector<16xf32>
        %add3A_1134 = arith.addf %add3A_1066, %mul3A_1133 : vector<16xf32>
        %gather3A_1135 = tpu.vector_load_idx %arg10[%add3A_712, %add3A_1129] : memref<624x64xf32, #tpu.memory_space<vmem>>[vector<16xi32>, vector<16xi32>], vector<16xf32>,
        %mul3A_1136 = arith.mulf %get3A_1131, %gather3A_1135 : vector<16xf32>
        %add3A_1137 = arith.addf %add3A_1069, %mul3A_1136 : vector<16xf32>
        %gather3A_1138 = tpu.vector_load_idx %arg10[%add3A_716, %add3A_1129] : memref<624x64xf32, #tpu.memory_space<vmem>>[vector<16xi32>, vector<16xi32>], vector<16xf32>,
        %mul3A_1139 = arith.mulf %get3A_1131, %gather3A_1138 : vector<16xf32>
        %add3A_1140 = arith.addf %add3A_1072, %mul3A_1139 : vector<16xf32>
        %gather3A_1141 = tpu.vector_load_idx %arg10[%add3A_720, %add3A_1129] : memref<624x64xf32, #tpu.memory_space<vmem>>[vector<16xi32>, vector<16xi32>], vector<16xf32>,
        %mul3A_1142 = arith.mulf %get3A_1131, %gather3A_1141 : vector<16xf32>
        %add3A_1143 = arith.addf %add3A_1075, %mul3A_1142 : vector<16xf32>
        %add3A_1144 = arith.constant 23 : i32
        %add3A_1145 = vector.broadcast %add3A_1144 : i32 to vector<16xi32>
        %add3A_1146 = arith.addi %iota3A, %add3A_1145 : vector<16xi32>
        %get3A_1147 = arith.constant 23 : index
        %get3A_1148 = tpu.vector_load %arg12[%get3A_1147] {strides = array<i32>} : memref<80xf32, #tpu.memory_space<vmem>>, vector<16xf32>,
        %gather3A_1149 = tpu.vector_load_idx %arg10[%add3A_708, %add3A_1146] : memref<624x64xf32, #tpu.memory_space<vmem>>[vector<16xi32>, vector<16xi32>], vector<16xf32>,
        %mul3A_1150 = arith.mulf %get3A_1148, %gather3A_1149 : vector<16xf32>
        %add3A_1151 = arith.addf %add3A_1083, %mul3A_1150 : vector<16xf32>
        %gather3A_1152 = tpu.vector_load_idx %arg10[%add3A_712, %add3A_1146] : memref<624x64xf32, #tpu.memory_space<vmem>>[vector<16xi32>, vector<16xi32>], vector<16xf32>,
        %mul3A_1153 = arith.mulf %get3A_1148, %gather3A_1152 : vector<16xf32>
        %add3A_1154 = arith.addf %add3A_1086, %mul3A_1153 : vector<16xf32>
        %gather3A_1155 = tpu.vector_load_idx %arg10[%add3A_716, %add3A_1146] : memref<624x64xf32, #tpu.memory_space<vmem>>[vector<16xi32>, vector<16xi32>], vector<16xf32>,
        %mul3A_1156 = arith.mulf %get3A_1148, %gather3A_1155 : vector<16xf32>
        %add3A_1157 = arith.addf %add3A_1089, %mul3A_1156 : vector<16xf32>
        %gather3A_1158 = tpu.vector_load_idx %arg10[%add3A_720, %add3A_1146] : memref<624x64xf32, #tpu.memory_space<vmem>>[vector<16xi32>, vector<16xi32>], vector<16xf32>,
        %mul3A_1159 = arith.mulf %get3A_1148, %gather3A_1158 : vector<16xf32>
        %add3A_1160 = arith.addf %add3A_1092, %mul3A_1159 : vector<16xf32>
        %add3A_1161 = arith.constant 24 : i32
        %add3A_1162 = vector.broadcast %add3A_1161 : i32 to vector<16xi32>
        %add3A_1163 = arith.addi %iota3A, %add3A_1162 : vector<16xi32>
        %get3A_1164 = arith.constant 24 : index
        %get3A_1165 = tpu.vector_load %arg12[%get3A_1164] {strides = array<i32>} : memref<80xf32, #tpu.memory_space<vmem>>, vector<16xf32>,
        %gather3A_1166 = tpu.vector_load_idx %arg10[%add3A_708, %add3A_1163] : memref<624x64xf32, #tpu.memory_space<vmem>>[vector<16xi32>, vector<16xi32>], vector<16xf32>,
        %mul3A_1167 = arith.mulf %get3A_1165, %gather3A_1166 : vector<16xf32>
        %add3A_1168 = arith.addf %add3A_1100, %mul3A_1167 : vector<16xf32>
        %gather3A_1169 = tpu.vector_load_idx %arg10[%add3A_712, %add3A_1163] : memref<624x64xf32, #tpu.memory_space<vmem>>[vector<16xi32>, vector<16xi32>], vector<16xf32>,
        %mul3A_1170 = arith.mulf %get3A_1165, %gather3A_1169 : vector<16xf32>
        %add3A_1171 = arith.addf %add3A_1103, %mul3A_1170 : vector<16xf32>
        %gather3A_1172 = tpu.vector_load_idx %arg10[%add3A_716, %add3A_1163] : memref<624x64xf32, #tpu.memory_space<vmem>>[vector<16xi32>, vector<16xi32>], vector<16xf32>,
        %mul3A_1173 = arith.mulf %get3A_1165, %gather3A_1172 : vector<16xf32>
        %add3A_1174 = arith.addf %add3A_1106, %mul3A_1173 : vector<16xf32>
        %gather3A_1175 = tpu.vector_load_idx %arg10[%add3A_720, %add3A_1163] : memref<624x64xf32, #tpu.memory_space<vmem>>[vector<16xi32>, vector<16xi32>], vector<16xf32>,
        %mul3A_1176 = arith.mulf %get3A_1165, %gather3A_1175 : vector<16xf32>
        %add3A_1177 = arith.addf %add3A_1109, %mul3A_1176 : vector<16xf32>
        %add3A_1178 = arith.constant 25 : i32
        %add3A_1179 = vector.broadcast %add3A_1178 : i32 to vector<16xi32>
        %add3A_1180 = arith.addi %iota3A, %add3A_1179 : vector<16xi32>
        %get3A_1181 = arith.constant 25 : index
        %get3A_1182 = tpu.vector_load %arg12[%get3A_1181] {strides = array<i32>} : memref<80xf32, #tpu.memory_space<vmem>>, vector<16xf32>,
        %gather3A_1183 = tpu.vector_load_idx %arg10[%add3A_708, %add3A_1180] : memref<624x64xf32, #tpu.memory_space<vmem>>[vector<16xi32>, vector<16xi32>], vector<16xf32>,
        %mul3A_1184 = arith.mulf %get3A_1182, %gather3A_1183 : vector<16xf32>
        %add3A_1185 = arith.addf %add3A_1117, %mul3A_1184 : vector<16xf32>
        %gather3A_1186 = tpu.vector_load_idx %arg10[%add3A_712, %add3A_1180] : memref<624x64xf32, #tpu.memory_space<vmem>>[vector<16xi32>, vector<16xi32>], vector<16xf32>,
        %mul3A_1187 = arith.mulf %get3A_1182, %gather3A_1186 : vector<16xf32>
        %add3A_1188 = arith.addf %add3A_1120, %mul3A_1187 : vector<16xf32>
        %gather3A_1189 = tpu.vector_load_idx %arg10[%add3A_716, %add3A_1180] : memref<624x64xf32, #tpu.memory_space<vmem>>[vector<16xi32>, vector<16xi32>], vector<16xf32>,
        %mul3A_1190 = arith.mulf %get3A_1182, %gather3A_1189 : vector<16xf32>
        %add3A_1191 = arith.addf %add3A_1123, %mul3A_1190 : vector<16xf32>
        %gather3A_1192 = tpu.vector_load_idx %arg10[%add3A_720, %add3A_1180] : memref<624x64xf32, #tpu.memory_space<vmem>>[vector<16xi32>, vector<16xi32>], vector<16xf32>,
        %mul3A_1193 = arith.mulf %get3A_1182, %gather3A_1192 : vector<16xf32>
        %add3A_1194 = arith.addf %add3A_1126, %mul3A_1193 : vector<16xf32>
        %add3A_1195 = arith.constant 26 : i32
        %add3A_1196 = vector.broadcast %add3A_1195 : i32 to vector<16xi32>
        %add3A_1197 = arith.addi %iota3A, %add3A_1196 : vector<16xi32>
        %get3A_1198 = arith.constant 26 : index
        %get3A_1199 = tpu.vector_load %arg12[%get3A_1198] {strides = array<i32>} : memref<80xf32, #tpu.memory_space<vmem>>, vector<16xf32>,
        %gather3A_1200 = tpu.vector_load_idx %arg10[%add3A_708, %add3A_1197] : memref<624x64xf32, #tpu.memory_space<vmem>>[vector<16xi32>, vector<16xi32>], vector<16xf32>,
        %mul3A_1201 = arith.mulf %get3A_1199, %gather3A_1200 : vector<16xf32>
        %add3A_1202 = arith.addf %add3A_1134, %mul3A_1201 : vector<16xf32>
        %gather3A_1203 = tpu.vector_load_idx %arg10[%add3A_712, %add3A_1197] : memref<624x64xf32, #tpu.memory_space<vmem>>[vector<16xi32>, vector<16xi32>], vector<16xf32>,
        %mul3A_1204 = arith.mulf %get3A_1199, %gather3A_1203 : vector<16xf32>
        %add3A_1205 = arith.addf %add3A_1137, %mul3A_1204 : vector<16xf32>
        %gather3A_1206 = tpu.vector_load_idx %arg10[%add3A_716, %add3A_1197] : memref<624x64xf32, #tpu.memory_space<vmem>>[vector<16xi32>, vector<16xi32>], vector<16xf32>,
        %mul3A_1207 = arith.mulf %get3A_1199, %gather3A_1206 : vector<16xf32>
        %add3A_1208 = arith.addf %add3A_1140, %mul3A_1207 : vector<16xf32>
        %gather3A_1209 = tpu.vector_load_idx %arg10[%add3A_720, %add3A_1197] : memref<624x64xf32, #tpu.memory_space<vmem>>[vector<16xi32>, vector<16xi32>], vector<16xf32>,
        %mul3A_1210 = arith.mulf %get3A_1199, %gather3A_1209 : vector<16xf32>
        %add3A_1211 = arith.addf %add3A_1143, %mul3A_1210 : vector<16xf32>
        %add3A_1212 = arith.constant 27 : i32
        %add3A_1213 = vector.broadcast %add3A_1212 : i32 to vector<16xi32>
        %add3A_1214 = arith.addi %iota3A, %add3A_1213 : vector<16xi32>
        %get3A_1215 = arith.constant 27 : index
        %get3A_1216 = tpu.vector_load %arg12[%get3A_1215] {strides = array<i32>} : memref<80xf32, #tpu.memory_space<vmem>>, vector<16xf32>,
        %gather3A_1217 = tpu.vector_load_idx %arg10[%add3A_708, %add3A_1214] : memref<624x64xf32, #tpu.memory_space<vmem>>[vector<16xi32>, vector<16xi32>], vector<16xf32>,
        %mul3A_1218 = arith.mulf %get3A_1216, %gather3A_1217 : vector<16xf32>
        %add3A_1219 = arith.addf %add3A_1151, %mul3A_1218 : vector<16xf32>
        %gather3A_1220 = tpu.vector_load_idx %arg10[%add3A_712, %add3A_1214] : memref<624x64xf32, #tpu.memory_space<vmem>>[vector<16xi32>, vector<16xi32>], vector<16xf32>,
        %mul3A_1221 = arith.mulf %get3A_1216, %gather3A_1220 : vector<16xf32>
        %add3A_1222 = arith.addf %add3A_1154, %mul3A_1221 : vector<16xf32>
        %gather3A_1223 = tpu.vector_load_idx %arg10[%add3A_716, %add3A_1214] : memref<624x64xf32, #tpu.memory_space<vmem>>[vector<16xi32>, vector<16xi32>], vector<16xf32>,
        %mul3A_1224 = arith.mulf %get3A_1216, %gather3A_1223 : vector<16xf32>
        %add3A_1225 = arith.addf %add3A_1157, %mul3A_1224 : vector<16xf32>
        %gather3A_1226 = tpu.vector_load_idx %arg10[%add3A_720, %add3A_1214] : memref<624x64xf32, #tpu.memory_space<vmem>>[vector<16xi32>, vector<16xi32>], vector<16xf32>,
        %mul3A_1227 = arith.mulf %get3A_1216, %gather3A_1226 : vector<16xf32>
        %add3A_1228 = arith.addf %add3A_1160, %mul3A_1227 : vector<16xf32>
        %add3A_1229 = arith.constant 28 : i32
        %add3A_1230 = vector.broadcast %add3A_1229 : i32 to vector<16xi32>
        %add3A_1231 = arith.addi %iota3A, %add3A_1230 : vector<16xi32>
        %get3A_1232 = arith.constant 28 : index
        %get3A_1233 = tpu.vector_load %arg12[%get3A_1232] {strides = array<i32>} : memref<80xf32, #tpu.memory_space<vmem>>, vector<16xf32>,
        %gather3A_1234 = tpu.vector_load_idx %arg10[%add3A_708, %add3A_1231] : memref<624x64xf32, #tpu.memory_space<vmem>>[vector<16xi32>, vector<16xi32>], vector<16xf32>,
        %mul3A_1235 = arith.mulf %get3A_1233, %gather3A_1234 : vector<16xf32>
        %add3A_1236 = arith.addf %add3A_1168, %mul3A_1235 : vector<16xf32>
        %gather3A_1237 = tpu.vector_load_idx %arg10[%add3A_712, %add3A_1231] : memref<624x64xf32, #tpu.memory_space<vmem>>[vector<16xi32>, vector<16xi32>], vector<16xf32>,
        %mul3A_1238 = arith.mulf %get3A_1233, %gather3A_1237 : vector<16xf32>
        %add3A_1239 = arith.addf %add3A_1171, %mul3A_1238 : vector<16xf32>
        %gather3A_1240 = tpu.vector_load_idx %arg10[%add3A_716, %add3A_1231] : memref<624x64xf32, #tpu.memory_space<vmem>>[vector<16xi32>, vector<16xi32>], vector<16xf32>,
        %mul3A_1241 = arith.mulf %get3A_1233, %gather3A_1240 : vector<16xf32>
        %add3A_1242 = arith.addf %add3A_1174, %mul3A_1241 : vector<16xf32>
        %gather3A_1243 = tpu.vector_load_idx %arg10[%add3A_720, %add3A_1231] : memref<624x64xf32, #tpu.memory_space<vmem>>[vector<16xi32>, vector<16xi32>], vector<16xf32>,
        %mul3A_1244 = arith.mulf %get3A_1233, %gather3A_1243 : vector<16xf32>
        %add3A_1245 = arith.addf %add3A_1177, %mul3A_1244 : vector<16xf32>
        %add3A_1246 = arith.constant 29 : i32
        %add3A_1247 = vector.broadcast %add3A_1246 : i32 to vector<16xi32>
        %add3A_1248 = arith.addi %iota3A, %add3A_1247 : vector<16xi32>
        %get3A_1249 = arith.constant 29 : index
        %get3A_1250 = tpu.vector_load %arg12[%get3A_1249] {strides = array<i32>} : memref<80xf32, #tpu.memory_space<vmem>>, vector<16xf32>,
        %gather3A_1251 = tpu.vector_load_idx %arg10[%add3A_708, %add3A_1248] : memref<624x64xf32, #tpu.memory_space<vmem>>[vector<16xi32>, vector<16xi32>], vector<16xf32>,
        %mul3A_1252 = arith.mulf %get3A_1250, %gather3A_1251 : vector<16xf32>
        %add3A_1253 = arith.addf %add3A_1185, %mul3A_1252 : vector<16xf32>
        %gather3A_1254 = tpu.vector_load_idx %arg10[%add3A_712, %add3A_1248] : memref<624x64xf32, #tpu.memory_space<vmem>>[vector<16xi32>, vector<16xi32>], vector<16xf32>,
        %mul3A_1255 = arith.mulf %get3A_1250, %gather3A_1254 : vector<16xf32>
        %add3A_1256 = arith.addf %add3A_1188, %mul3A_1255 : vector<16xf32>
        %gather3A_1257 = tpu.vector_load_idx %arg10[%add3A_716, %add3A_1248] : memref<624x64xf32, #tpu.memory_space<vmem>>[vector<16xi32>, vector<16xi32>], vector<16xf32>,
        %mul3A_1258 = arith.mulf %get3A_1250, %gather3A_1257 : vector<16xf32>
        %add3A_1259 = arith.addf %add3A_1191, %mul3A_1258 : vector<16xf32>
        %gather3A_1260 = tpu.vector_load_idx %arg10[%add3A_720, %add3A_1248] : memref<624x64xf32, #tpu.memory_space<vmem>>[vector<16xi32>, vector<16xi32>], vector<16xf32>,
        %mul3A_1261 = arith.mulf %get3A_1250, %gather3A_1260 : vector<16xf32>
        %add3A_1262 = arith.addf %add3A_1194, %mul3A_1261 : vector<16xf32>
        %add3A_1263 = arith.constant 30 : i32
        %add3A_1264 = vector.broadcast %add3A_1263 : i32 to vector<16xi32>
        %add3A_1265 = arith.addi %iota3A, %add3A_1264 : vector<16xi32>
        %get3A_1266 = arith.constant 30 : index
        %get3A_1267 = tpu.vector_load %arg12[%get3A_1266] {strides = array<i32>} : memref<80xf32, #tpu.memory_space<vmem>>, vector<16xf32>,
        %gather3A_1268 = tpu.vector_load_idx %arg10[%add3A_708, %add3A_1265] : memref<624x64xf32, #tpu.memory_space<vmem>>[vector<16xi32>, vector<16xi32>], vector<16xf32>,
        %mul3A_1269 = arith.mulf %get3A_1267, %gather3A_1268 : vector<16xf32>
        %add3A_1270 = arith.addf %add3A_1202, %mul3A_1269 : vector<16xf32>
        %gather3A_1271 = tpu.vector_load_idx %arg10[%add3A_712, %add3A_1265] : memref<624x64xf32, #tpu.memory_space<vmem>>[vector<16xi32>, vector<16xi32>], vector<16xf32>,
        %mul3A_1272 = arith.mulf %get3A_1267, %gather3A_1271 : vector<16xf32>
        %add3A_1273 = arith.addf %add3A_1205, %mul3A_1272 : vector<16xf32>
        %gather3A_1274 = tpu.vector_load_idx %arg10[%add3A_716, %add3A_1265] : memref<624x64xf32, #tpu.memory_space<vmem>>[vector<16xi32>, vector<16xi32>], vector<16xf32>,
        %mul3A_1275 = arith.mulf %get3A_1267, %gather3A_1274 : vector<16xf32>
        %add3A_1276 = arith.addf %add3A_1208, %mul3A_1275 : vector<16xf32>
        %gather3A_1277 = tpu.vector_load_idx %arg10[%add3A_720, %add3A_1265] : memref<624x64xf32, #tpu.memory_space<vmem>>[vector<16xi32>, vector<16xi32>], vector<16xf32>,
        %mul3A_1278 = arith.mulf %get3A_1267, %gather3A_1277 : vector<16xf32>
        %add3A_1279 = arith.addf %add3A_1211, %mul3A_1278 : vector<16xf32>
        %add3A_1280 = arith.constant 31 : i32
        %add3A_1281 = vector.broadcast %add3A_1280 : i32 to vector<16xi32>
        %add3A_1282 = arith.addi %iota3A, %add3A_1281 : vector<16xi32>
        %get3A_1283 = arith.constant 31 : index
        %get3A_1284 = tpu.vector_load %arg12[%get3A_1283] {strides = array<i32>} : memref<80xf32, #tpu.memory_space<vmem>>, vector<16xf32>,
        %gather3A_1285 = tpu.vector_load_idx %arg10[%add3A_708, %add3A_1282] : memref<624x64xf32, #tpu.memory_space<vmem>>[vector<16xi32>, vector<16xi32>], vector<16xf32>,
        %mul3A_1286 = arith.mulf %get3A_1284, %gather3A_1285 : vector<16xf32>
        %add3A_1287 = arith.addf %add3A_1219, %mul3A_1286 : vector<16xf32>
        %gather3A_1288 = tpu.vector_load_idx %arg10[%add3A_712, %add3A_1282] : memref<624x64xf32, #tpu.memory_space<vmem>>[vector<16xi32>, vector<16xi32>], vector<16xf32>,
        %mul3A_1289 = arith.mulf %get3A_1284, %gather3A_1288 : vector<16xf32>
        %add3A_1290 = arith.addf %add3A_1222, %mul3A_1289 : vector<16xf32>
        %gather3A_1291 = tpu.vector_load_idx %arg10[%add3A_716, %add3A_1282] : memref<624x64xf32, #tpu.memory_space<vmem>>[vector<16xi32>, vector<16xi32>], vector<16xf32>,
        %mul3A_1292 = arith.mulf %get3A_1284, %gather3A_1291 : vector<16xf32>
        %add3A_1293 = arith.addf %add3A_1225, %mul3A_1292 : vector<16xf32>
        %gather3A_1294 = tpu.vector_load_idx %arg10[%add3A_720, %add3A_1282] : memref<624x64xf32, #tpu.memory_space<vmem>>[vector<16xi32>, vector<16xi32>], vector<16xf32>,
        %mul3A_1295 = arith.mulf %get3A_1284, %gather3A_1294 : vector<16xf32>
        %add3A_1296 = arith.addf %add3A_1228, %mul3A_1295 : vector<16xf32>
        %add3A_1297 = arith.constant 32 : i32
        %add3A_1298 = vector.broadcast %add3A_1297 : i32 to vector<16xi32>
        %add3A_1299 = arith.addi %iota3A, %add3A_1298 : vector<16xi32>
        %get3A_1300 = arith.constant 32 : index
        %get3A_1301 = tpu.vector_load %arg12[%get3A_1300] {strides = array<i32>} : memref<80xf32, #tpu.memory_space<vmem>>, vector<16xf32>,
        %gather3A_1302 = tpu.vector_load_idx %arg10[%add3A_708, %add3A_1299] : memref<624x64xf32, #tpu.memory_space<vmem>>[vector<16xi32>, vector<16xi32>], vector<16xf32>,
        %mul3A_1303 = arith.mulf %get3A_1301, %gather3A_1302 : vector<16xf32>
        %add3A_1304 = arith.addf %add3A_1236, %mul3A_1303 : vector<16xf32>
        %gather3A_1305 = tpu.vector_load_idx %arg10[%add3A_712, %add3A_1299] : memref<624x64xf32, #tpu.memory_space<vmem>>[vector<16xi32>, vector<16xi32>], vector<16xf32>,
        %mul3A_1306 = arith.mulf %get3A_1301, %gather3A_1305 : vector<16xf32>
        %add3A_1307 = arith.addf %add3A_1239, %mul3A_1306 : vector<16xf32>
        %gather3A_1308 = tpu.vector_load_idx %arg10[%add3A_716, %add3A_1299] : memref<624x64xf32, #tpu.memory_space<vmem>>[vector<16xi32>, vector<16xi32>], vector<16xf32>,
        %mul3A_1309 = arith.mulf %get3A_1301, %gather3A_1308 : vector<16xf32>
        %add3A_1310 = arith.addf %add3A_1242, %mul3A_1309 : vector<16xf32>
        %gather3A_1311 = tpu.vector_load_idx %arg10[%add3A_720, %add3A_1299] : memref<624x64xf32, #tpu.memory_space<vmem>>[vector<16xi32>, vector<16xi32>], vector<16xf32>,
        %mul3A_1312 = arith.mulf %get3A_1301, %gather3A_1311 : vector<16xf32>
        %add3A_1313 = arith.addf %add3A_1245, %mul3A_1312 : vector<16xf32>
        %add3A_1314 = arith.constant 33 : i32
        %add3A_1315 = vector.broadcast %add3A_1314 : i32 to vector<16xi32>
        %add3A_1316 = arith.addi %iota3A, %add3A_1315 : vector<16xi32>
        %get3A_1317 = arith.constant 33 : index
        %get3A_1318 = tpu.vector_load %arg12[%get3A_1317] {strides = array<i32>} : memref<80xf32, #tpu.memory_space<vmem>>, vector<16xf32>,
        %gather3A_1319 = tpu.vector_load_idx %arg10[%add3A_708, %add3A_1316] : memref<624x64xf32, #tpu.memory_space<vmem>>[vector<16xi32>, vector<16xi32>], vector<16xf32>,
        %mul3A_1320 = arith.mulf %get3A_1318, %gather3A_1319 : vector<16xf32>
        %add3A_1321 = arith.addf %add3A_1253, %mul3A_1320 : vector<16xf32>
        %gather3A_1322 = tpu.vector_load_idx %arg10[%add3A_712, %add3A_1316] : memref<624x64xf32, #tpu.memory_space<vmem>>[vector<16xi32>, vector<16xi32>], vector<16xf32>,
        %mul3A_1323 = arith.mulf %get3A_1318, %gather3A_1322 : vector<16xf32>
        %add3A_1324 = arith.addf %add3A_1256, %mul3A_1323 : vector<16xf32>
        %gather3A_1325 = tpu.vector_load_idx %arg10[%add3A_716, %add3A_1316] : memref<624x64xf32, #tpu.memory_space<vmem>>[vector<16xi32>, vector<16xi32>], vector<16xf32>,
        %mul3A_1326 = arith.mulf %get3A_1318, %gather3A_1325 : vector<16xf32>
        %add3A_1327 = arith.addf %add3A_1259, %mul3A_1326 : vector<16xf32>
        %gather3A_1328 = tpu.vector_load_idx %arg10[%add3A_720, %add3A_1316] : memref<624x64xf32, #tpu.memory_space<vmem>>[vector<16xi32>, vector<16xi32>], vector<16xf32>,
        %mul3A_1329 = arith.mulf %get3A_1318, %gather3A_1328 : vector<16xf32>
        %add3A_1330 = arith.addf %add3A_1262, %mul3A_1329 : vector<16xf32>
        %add3A_1331 = arith.constant 34 : i32
        %add3A_1332 = vector.broadcast %add3A_1331 : i32 to vector<16xi32>
        %add3A_1333 = arith.addi %iota3A, %add3A_1332 : vector<16xi32>
        %get3A_1334 = arith.constant 34 : index
        %get3A_1335 = tpu.vector_load %arg12[%get3A_1334] {strides = array<i32>} : memref<80xf32, #tpu.memory_space<vmem>>, vector<16xf32>,
        %gather3A_1336 = tpu.vector_load_idx %arg10[%add3A_708, %add3A_1333] : memref<624x64xf32, #tpu.memory_space<vmem>>[vector<16xi32>, vector<16xi32>], vector<16xf32>,
        %mul3A_1337 = arith.mulf %get3A_1335, %gather3A_1336 : vector<16xf32>
        %add3A_1338 = arith.addf %add3A_1270, %mul3A_1337 : vector<16xf32>
        %gather3A_1339 = tpu.vector_load_idx %arg10[%add3A_712, %add3A_1333] : memref<624x64xf32, #tpu.memory_space<vmem>>[vector<16xi32>, vector<16xi32>], vector<16xf32>,
        %mul3A_1340 = arith.mulf %get3A_1335, %gather3A_1339 : vector<16xf32>
        %add3A_1341 = arith.addf %add3A_1273, %mul3A_1340 : vector<16xf32>
        %gather3A_1342 = tpu.vector_load_idx %arg10[%add3A_716, %add3A_1333] : memref<624x64xf32, #tpu.memory_space<vmem>>[vector<16xi32>, vector<16xi32>], vector<16xf32>,
        %mul3A_1343 = arith.mulf %get3A_1335, %gather3A_1342 : vector<16xf32>
        %add3A_1344 = arith.addf %add3A_1276, %mul3A_1343 : vector<16xf32>
        %gather3A_1345 = tpu.vector_load_idx %arg10[%add3A_720, %add3A_1333] : memref<624x64xf32, #tpu.memory_space<vmem>>[vector<16xi32>, vector<16xi32>], vector<16xf32>,
        %mul3A_1346 = arith.mulf %get3A_1335, %gather3A_1345 : vector<16xf32>
        %add3A_1347 = arith.addf %add3A_1279, %mul3A_1346 : vector<16xf32>
        %add3A_1348 = arith.constant 35 : i32
        %add3A_1349 = vector.broadcast %add3A_1348 : i32 to vector<16xi32>
        %add3A_1350 = arith.addi %iota3A, %add3A_1349 : vector<16xi32>
        %get3A_1351 = arith.constant 35 : index
        %get3A_1352 = tpu.vector_load %arg12[%get3A_1351] {strides = array<i32>} : memref<80xf32, #tpu.memory_space<vmem>>, vector<16xf32>,
        %gather3A_1353 = tpu.vector_load_idx %arg10[%add3A_708, %add3A_1350] : memref<624x64xf32, #tpu.memory_space<vmem>>[vector<16xi32>, vector<16xi32>], vector<16xf32>,
        %mul3A_1354 = arith.mulf %get3A_1352, %gather3A_1353 : vector<16xf32>
        %add3A_1355 = arith.addf %add3A_1287, %mul3A_1354 : vector<16xf32>
        %gather3A_1356 = tpu.vector_load_idx %arg10[%add3A_712, %add3A_1350] : memref<624x64xf32, #tpu.memory_space<vmem>>[vector<16xi32>, vector<16xi32>], vector<16xf32>,
        %mul3A_1357 = arith.mulf %get3A_1352, %gather3A_1356 : vector<16xf32>
        %add3A_1358 = arith.addf %add3A_1290, %mul3A_1357 : vector<16xf32>
        %gather3A_1359 = tpu.vector_load_idx %arg10[%add3A_716, %add3A_1350] : memref<624x64xf32, #tpu.memory_space<vmem>>[vector<16xi32>, vector<16xi32>], vector<16xf32>,
        %mul3A_1360 = arith.mulf %get3A_1352, %gather3A_1359 : vector<16xf32>
        %add3A_1361 = arith.addf %add3A_1293, %mul3A_1360 : vector<16xf32>
        %gather3A_1362 = tpu.vector_load_idx %arg10[%add3A_720, %add3A_1350] : memref<624x64xf32, #tpu.memory_space<vmem>>[vector<16xi32>, vector<16xi32>], vector<16xf32>,
        %mul3A_1363 = arith.mulf %get3A_1352, %gather3A_1362 : vector<16xf32>
        %add3A_1364 = arith.addf %add3A_1296, %mul3A_1363 : vector<16xf32>
        %add3A_1365 = arith.constant 36 : i32
        %add3A_1366 = vector.broadcast %add3A_1365 : i32 to vector<16xi32>
        %add3A_1367 = arith.addi %iota3A, %add3A_1366 : vector<16xi32>
        %get3A_1368 = arith.constant 36 : index
        %get3A_1369 = tpu.vector_load %arg12[%get3A_1368] {strides = array<i32>} : memref<80xf32, #tpu.memory_space<vmem>>, vector<16xf32>,
        %gather3A_1370 = tpu.vector_load_idx %arg10[%add3A_708, %add3A_1367] : memref<624x64xf32, #tpu.memory_space<vmem>>[vector<16xi32>, vector<16xi32>], vector<16xf32>,
        %mul3A_1371 = arith.mulf %get3A_1369, %gather3A_1370 : vector<16xf32>
        %add3A_1372 = arith.addf %add3A_1304, %mul3A_1371 : vector<16xf32>
        %gather3A_1373 = tpu.vector_load_idx %arg10[%add3A_712, %add3A_1367] : memref<624x64xf32, #tpu.memory_space<vmem>>[vector<16xi32>, vector<16xi32>], vector<16xf32>,
        %mul3A_1374 = arith.mulf %get3A_1369, %gather3A_1373 : vector<16xf32>
        %add3A_1375 = arith.addf %add3A_1307, %mul3A_1374 : vector<16xf32>
        %gather3A_1376 = tpu.vector_load_idx %arg10[%add3A_716, %add3A_1367] : memref<624x64xf32, #tpu.memory_space<vmem>>[vector<16xi32>, vector<16xi32>], vector<16xf32>,
        %mul3A_1377 = arith.mulf %get3A_1369, %gather3A_1376 : vector<16xf32>
        %add3A_1378 = arith.addf %add3A_1310, %mul3A_1377 : vector<16xf32>
        %gather3A_1379 = tpu.vector_load_idx %arg10[%add3A_720, %add3A_1367] : memref<624x64xf32, #tpu.memory_space<vmem>>[vector<16xi32>, vector<16xi32>], vector<16xf32>,
        %mul3A_1380 = arith.mulf %get3A_1369, %gather3A_1379 : vector<16xf32>
        %add3A_1381 = arith.addf %add3A_1313, %mul3A_1380 : vector<16xf32>
        %add3A_1382 = arith.constant 37 : i32
        %add3A_1383 = vector.broadcast %add3A_1382 : i32 to vector<16xi32>
        %add3A_1384 = arith.addi %iota3A, %add3A_1383 : vector<16xi32>
        %get3A_1385 = arith.constant 37 : index
        %get3A_1386 = tpu.vector_load %arg12[%get3A_1385] {strides = array<i32>} : memref<80xf32, #tpu.memory_space<vmem>>, vector<16xf32>,
        %gather3A_1387 = tpu.vector_load_idx %arg10[%add3A_708, %add3A_1384] : memref<624x64xf32, #tpu.memory_space<vmem>>[vector<16xi32>, vector<16xi32>], vector<16xf32>,
        %mul3A_1388 = arith.mulf %get3A_1386, %gather3A_1387 : vector<16xf32>
        %add3A_1389 = arith.addf %add3A_1321, %mul3A_1388 : vector<16xf32>
        %gather3A_1390 = tpu.vector_load_idx %arg10[%add3A_712, %add3A_1384] : memref<624x64xf32, #tpu.memory_space<vmem>>[vector<16xi32>, vector<16xi32>], vector<16xf32>,
        %mul3A_1391 = arith.mulf %get3A_1386, %gather3A_1390 : vector<16xf32>
        %add3A_1392 = arith.addf %add3A_1324, %mul3A_1391 : vector<16xf32>
        %gather3A_1393 = tpu.vector_load_idx %arg10[%add3A_716, %add3A_1384] : memref<624x64xf32, #tpu.memory_space<vmem>>[vector<16xi32>, vector<16xi32>], vector<16xf32>,
        %mul3A_1394 = arith.mulf %get3A_1386, %gather3A_1393 : vector<16xf32>
        %add3A_1395 = arith.addf %add3A_1327, %mul3A_1394 : vector<16xf32>
        %gather3A_1396 = tpu.vector_load_idx %arg10[%add3A_720, %add3A_1384] : memref<624x64xf32, #tpu.memory_space<vmem>>[vector<16xi32>, vector<16xi32>], vector<16xf32>,
        %mul3A_1397 = arith.mulf %get3A_1386, %gather3A_1396 : vector<16xf32>
        %add3A_1398 = arith.addf %add3A_1330, %mul3A_1397 : vector<16xf32>
        %add3A_1399 = arith.constant 38 : i32
        %add3A_1400 = vector.broadcast %add3A_1399 : i32 to vector<16xi32>
        %add3A_1401 = arith.addi %iota3A, %add3A_1400 : vector<16xi32>
        %get3A_1402 = arith.constant 38 : index
        %get3A_1403 = tpu.vector_load %arg12[%get3A_1402] {strides = array<i32>} : memref<80xf32, #tpu.memory_space<vmem>>, vector<16xf32>,
        %gather3A_1404 = tpu.vector_load_idx %arg10[%add3A_708, %add3A_1401] : memref<624x64xf32, #tpu.memory_space<vmem>>[vector<16xi32>, vector<16xi32>], vector<16xf32>,
        %mul3A_1405 = arith.mulf %get3A_1403, %gather3A_1404 : vector<16xf32>
        %add3A_1406 = arith.addf %add3A_1338, %mul3A_1405 : vector<16xf32>
        %gather3A_1407 = tpu.vector_load_idx %arg10[%add3A_712, %add3A_1401] : memref<624x64xf32, #tpu.memory_space<vmem>>[vector<16xi32>, vector<16xi32>], vector<16xf32>,
        %mul3A_1408 = arith.mulf %get3A_1403, %gather3A_1407 : vector<16xf32>
        %add3A_1409 = arith.addf %add3A_1341, %mul3A_1408 : vector<16xf32>
        %gather3A_1410 = tpu.vector_load_idx %arg10[%add3A_716, %add3A_1401] : memref<624x64xf32, #tpu.memory_space<vmem>>[vector<16xi32>, vector<16xi32>], vector<16xf32>,
        %mul3A_1411 = arith.mulf %get3A_1403, %gather3A_1410 : vector<16xf32>
        %add3A_1412 = arith.addf %add3A_1344, %mul3A_1411 : vector<16xf32>
        %gather3A_1413 = tpu.vector_load_idx %arg10[%add3A_720, %add3A_1401] : memref<624x64xf32, #tpu.memory_space<vmem>>[vector<16xi32>, vector<16xi32>], vector<16xf32>,
        %mul3A_1414 = arith.mulf %get3A_1403, %gather3A_1413 : vector<16xf32>
        %add3A_1415 = arith.addf %add3A_1347, %mul3A_1414 : vector<16xf32>
        %add3A_1416 = arith.constant 39 : i32
        %add3A_1417 = vector.broadcast %add3A_1416 : i32 to vector<16xi32>
        %add3A_1418 = arith.addi %iota3A, %add3A_1417 : vector<16xi32>
        %get3A_1419 = arith.constant 39 : index
        %get3A_1420 = tpu.vector_load %arg12[%get3A_1419] {strides = array<i32>} : memref<80xf32, #tpu.memory_space<vmem>>, vector<16xf32>,
        %gather3A_1421 = tpu.vector_load_idx %arg10[%add3A_708, %add3A_1418] : memref<624x64xf32, #tpu.memory_space<vmem>>[vector<16xi32>, vector<16xi32>], vector<16xf32>,
        %mul3A_1422 = arith.mulf %get3A_1420, %gather3A_1421 : vector<16xf32>
        %add3A_1423 = arith.addf %add3A_1355, %mul3A_1422 : vector<16xf32>
        %gather3A_1424 = tpu.vector_load_idx %arg10[%add3A_712, %add3A_1418] : memref<624x64xf32, #tpu.memory_space<vmem>>[vector<16xi32>, vector<16xi32>], vector<16xf32>,
        %mul3A_1425 = arith.mulf %get3A_1420, %gather3A_1424 : vector<16xf32>
        %add3A_1426 = arith.addf %add3A_1358, %mul3A_1425 : vector<16xf32>
        %gather3A_1427 = tpu.vector_load_idx %arg10[%add3A_716, %add3A_1418] : memref<624x64xf32, #tpu.memory_space<vmem>>[vector<16xi32>, vector<16xi32>], vector<16xf32>,
        %mul3A_1428 = arith.mulf %get3A_1420, %gather3A_1427 : vector<16xf32>
        %add3A_1429 = arith.addf %add3A_1361, %mul3A_1428 : vector<16xf32>
        %gather3A_1430 = tpu.vector_load_idx %arg10[%add3A_720, %add3A_1418] : memref<624x64xf32, #tpu.memory_space<vmem>>[vector<16xi32>, vector<16xi32>], vector<16xf32>,
        %mul3A_1431 = arith.mulf %get3A_1420, %gather3A_1430 : vector<16xf32>
        %add3A_1432 = arith.addf %add3A_1364, %mul3A_1431 : vector<16xf32>
        %add3A_1433 = arith.constant 40 : i32
        %add3A_1434 = vector.broadcast %add3A_1433 : i32 to vector<16xi32>
        %add3A_1435 = arith.addi %iota3A, %add3A_1434 : vector<16xi32>
        %get3A_1436 = arith.constant 40 : index
        %get3A_1437 = tpu.vector_load %arg12[%get3A_1436] {strides = array<i32>} : memref<80xf32, #tpu.memory_space<vmem>>, vector<16xf32>,
        %gather3A_1438 = tpu.vector_load_idx %arg10[%add3A_708, %add3A_1435] : memref<624x64xf32, #tpu.memory_space<vmem>>[vector<16xi32>, vector<16xi32>], vector<16xf32>,
        %mul3A_1439 = arith.mulf %get3A_1437, %gather3A_1438 : vector<16xf32>
        %add3A_1440 = arith.addf %add3A_1372, %mul3A_1439 : vector<16xf32>
        %gather3A_1441 = tpu.vector_load_idx %arg10[%add3A_712, %add3A_1435] : memref<624x64xf32, #tpu.memory_space<vmem>>[vector<16xi32>, vector<16xi32>], vector<16xf32>,
        %mul3A_1442 = arith.mulf %get3A_1437, %gather3A_1441 : vector<16xf32>
        %add3A_1443 = arith.addf %add3A_1375, %mul3A_1442 : vector<16xf32>
        %gather3A_1444 = tpu.vector_load_idx %arg10[%add3A_716, %add3A_1435] : memref<624x64xf32, #tpu.memory_space<vmem>>[vector<16xi32>, vector<16xi32>], vector<16xf32>,
        %mul3A_1445 = arith.mulf %get3A_1437, %gather3A_1444 : vector<16xf32>
        %add3A_1446 = arith.addf %add3A_1378, %mul3A_1445 : vector<16xf32>
        %gather3A_1447 = tpu.vector_load_idx %arg10[%add3A_720, %add3A_1435] : memref<624x64xf32, #tpu.memory_space<vmem>>[vector<16xi32>, vector<16xi32>], vector<16xf32>,
        %mul3A_1448 = arith.mulf %get3A_1437, %gather3A_1447 : vector<16xf32>
        %add3A_1449 = arith.addf %add3A_1381, %mul3A_1448 : vector<16xf32>
        %add3A_1450 = arith.constant 41 : i32
        %add3A_1451 = vector.broadcast %add3A_1450 : i32 to vector<16xi32>
        %add3A_1452 = arith.addi %iota3A, %add3A_1451 : vector<16xi32>
        %get3A_1453 = arith.constant 41 : index
        %get3A_1454 = tpu.vector_load %arg12[%get3A_1453] {strides = array<i32>} : memref<80xf32, #tpu.memory_space<vmem>>, vector<16xf32>,
        %gather3A_1455 = tpu.vector_load_idx %arg10[%add3A_708, %add3A_1452] : memref<624x64xf32, #tpu.memory_space<vmem>>[vector<16xi32>, vector<16xi32>], vector<16xf32>,
        %mul3A_1456 = arith.mulf %get3A_1454, %gather3A_1455 : vector<16xf32>
        %add3A_1457 = arith.addf %add3A_1389, %mul3A_1456 : vector<16xf32>
        %gather3A_1458 = tpu.vector_load_idx %arg10[%add3A_712, %add3A_1452] : memref<624x64xf32, #tpu.memory_space<vmem>>[vector<16xi32>, vector<16xi32>], vector<16xf32>,
        %mul3A_1459 = arith.mulf %get3A_1454, %gather3A_1458 : vector<16xf32>
        %add3A_1460 = arith.addf %add3A_1392, %mul3A_1459 : vector<16xf32>
        %gather3A_1461 = tpu.vector_load_idx %arg10[%add3A_716, %add3A_1452] : memref<624x64xf32, #tpu.memory_space<vmem>>[vector<16xi32>, vector<16xi32>], vector<16xf32>,
        %mul3A_1462 = arith.mulf %get3A_1454, %gather3A_1461 : vector<16xf32>
        %add3A_1463 = arith.addf %add3A_1395, %mul3A_1462 : vector<16xf32>
        %gather3A_1464 = tpu.vector_load_idx %arg10[%add3A_720, %add3A_1452] : memref<624x64xf32, #tpu.memory_space<vmem>>[vector<16xi32>, vector<16xi32>], vector<16xf32>,
        %mul3A_1465 = arith.mulf %get3A_1454, %gather3A_1464 : vector<16xf32>
        %add3A_1466 = arith.addf %add3A_1398, %mul3A_1465 : vector<16xf32>
        %add3A_1467 = arith.constant 42 : i32
        %add3A_1468 = vector.broadcast %add3A_1467 : i32 to vector<16xi32>
        %add3A_1469 = arith.addi %iota3A, %add3A_1468 : vector<16xi32>
        %get3A_1470 = arith.constant 42 : index
        %get3A_1471 = tpu.vector_load %arg12[%get3A_1470] {strides = array<i32>} : memref<80xf32, #tpu.memory_space<vmem>>, vector<16xf32>,
        %gather3A_1472 = tpu.vector_load_idx %arg10[%add3A_708, %add3A_1469] : memref<624x64xf32, #tpu.memory_space<vmem>>[vector<16xi32>, vector<16xi32>], vector<16xf32>,
        %mul3A_1473 = arith.mulf %get3A_1471, %gather3A_1472 : vector<16xf32>
        %add3A_1474 = arith.addf %add3A_1406, %mul3A_1473 : vector<16xf32>
        %gather3A_1475 = tpu.vector_load_idx %arg10[%add3A_712, %add3A_1469] : memref<624x64xf32, #tpu.memory_space<vmem>>[vector<16xi32>, vector<16xi32>], vector<16xf32>,
        %mul3A_1476 = arith.mulf %get3A_1471, %gather3A_1475 : vector<16xf32>
        %add3A_1477 = arith.addf %add3A_1409, %mul3A_1476 : vector<16xf32>
        %gather3A_1478 = tpu.vector_load_idx %arg10[%add3A_716, %add3A_1469] : memref<624x64xf32, #tpu.memory_space<vmem>>[vector<16xi32>, vector<16xi32>], vector<16xf32>,
        %mul3A_1479 = arith.mulf %get3A_1471, %gather3A_1478 : vector<16xf32>
        %add3A_1480 = arith.addf %add3A_1412, %mul3A_1479 : vector<16xf32>
        %gather3A_1481 = tpu.vector_load_idx %arg10[%add3A_720, %add3A_1469] : memref<624x64xf32, #tpu.memory_space<vmem>>[vector<16xi32>, vector<16xi32>], vector<16xf32>,
        %mul3A_1482 = arith.mulf %get3A_1471, %gather3A_1481 : vector<16xf32>
        %add3A_1483 = arith.addf %add3A_1415, %mul3A_1482 : vector<16xf32>
        %add3A_1484 = arith.constant 43 : i32
        %add3A_1485 = vector.broadcast %add3A_1484 : i32 to vector<16xi32>
        %add3A_1486 = arith.addi %iota3A, %add3A_1485 : vector<16xi32>
        %get3A_1487 = arith.constant 43 : index
        %get3A_1488 = tpu.vector_load %arg12[%get3A_1487] {strides = array<i32>} : memref<80xf32, #tpu.memory_space<vmem>>, vector<16xf32>,
        %gather3A_1489 = tpu.vector_load_idx %arg10[%add3A_708, %add3A_1486] : memref<624x64xf32, #tpu.memory_space<vmem>>[vector<16xi32>, vector<16xi32>], vector<16xf32>,
        %mul3A_1490 = arith.mulf %get3A_1488, %gather3A_1489 : vector<16xf32>
        %add3A_1491 = arith.addf %add3A_1423, %mul3A_1490 : vector<16xf32>
        %gather3A_1492 = tpu.vector_load_idx %arg10[%add3A_712, %add3A_1486] : memref<624x64xf32, #tpu.memory_space<vmem>>[vector<16xi32>, vector<16xi32>], vector<16xf32>,
        %mul3A_1493 = arith.mulf %get3A_1488, %gather3A_1492 : vector<16xf32>
        %add3A_1494 = arith.addf %add3A_1426, %mul3A_1493 : vector<16xf32>
        %gather3A_1495 = tpu.vector_load_idx %arg10[%add3A_716, %add3A_1486] : memref<624x64xf32, #tpu.memory_space<vmem>>[vector<16xi32>, vector<16xi32>], vector<16xf32>,
        %mul3A_1496 = arith.mulf %get3A_1488, %gather3A_1495 : vector<16xf32>
        %add3A_1497 = arith.addf %add3A_1429, %mul3A_1496 : vector<16xf32>
        %gather3A_1498 = tpu.vector_load_idx %arg10[%add3A_720, %add3A_1486] : memref<624x64xf32, #tpu.memory_space<vmem>>[vector<16xi32>, vector<16xi32>], vector<16xf32>,
        %mul3A_1499 = arith.mulf %get3A_1488, %gather3A_1498 : vector<16xf32>
        %add3A_1500 = arith.addf %add3A_1432, %mul3A_1499 : vector<16xf32>
        %add3A_1501 = arith.constant 44 : i32
        %add3A_1502 = vector.broadcast %add3A_1501 : i32 to vector<16xi32>
        %add3A_1503 = arith.addi %iota3A, %add3A_1502 : vector<16xi32>
        %get3A_1504 = arith.constant 44 : index
        %get3A_1505 = tpu.vector_load %arg12[%get3A_1504] {strides = array<i32>} : memref<80xf32, #tpu.memory_space<vmem>>, vector<16xf32>,
        %gather3A_1506 = tpu.vector_load_idx %arg10[%add3A_708, %add3A_1503] : memref<624x64xf32, #tpu.memory_space<vmem>>[vector<16xi32>, vector<16xi32>], vector<16xf32>,
        %mul3A_1507 = arith.mulf %get3A_1505, %gather3A_1506 : vector<16xf32>
        %add3A_1508 = arith.addf %add3A_1440, %mul3A_1507 : vector<16xf32>
        %gather3A_1509 = tpu.vector_load_idx %arg10[%add3A_712, %add3A_1503] : memref<624x64xf32, #tpu.memory_space<vmem>>[vector<16xi32>, vector<16xi32>], vector<16xf32>,
        %mul3A_1510 = arith.mulf %get3A_1505, %gather3A_1509 : vector<16xf32>
        %add3A_1511 = arith.addf %add3A_1443, %mul3A_1510 : vector<16xf32>
        %gather3A_1512 = tpu.vector_load_idx %arg10[%add3A_716, %add3A_1503] : memref<624x64xf32, #tpu.memory_space<vmem>>[vector<16xi32>, vector<16xi32>], vector<16xf32>,
        %mul3A_1513 = arith.mulf %get3A_1505, %gather3A_1512 : vector<16xf32>
        %add3A_1514 = arith.addf %add3A_1446, %mul3A_1513 : vector<16xf32>
        %gather3A_1515 = tpu.vector_load_idx %arg10[%add3A_720, %add3A_1503] : memref<624x64xf32, #tpu.memory_space<vmem>>[vector<16xi32>, vector<16xi32>], vector<16xf32>,
        %mul3A_1516 = arith.mulf %get3A_1505, %gather3A_1515 : vector<16xf32>
        %add3A_1517 = arith.addf %add3A_1449, %mul3A_1516 : vector<16xf32>
        %add3A_1518 = arith.constant 45 : i32
        %add3A_1519 = vector.broadcast %add3A_1518 : i32 to vector<16xi32>
        %add3A_1520 = arith.addi %iota3A, %add3A_1519 : vector<16xi32>
        %get3A_1521 = arith.constant 45 : index
        %get3A_1522 = tpu.vector_load %arg12[%get3A_1521] {strides = array<i32>} : memref<80xf32, #tpu.memory_space<vmem>>, vector<16xf32>,
        %gather3A_1523 = tpu.vector_load_idx %arg10[%add3A_708, %add3A_1520] : memref<624x64xf32, #tpu.memory_space<vmem>>[vector<16xi32>, vector<16xi32>], vector<16xf32>,
        %mul3A_1524 = arith.mulf %get3A_1522, %gather3A_1523 : vector<16xf32>
        %add3A_1525 = arith.addf %add3A_1457, %mul3A_1524 : vector<16xf32>
        %gather3A_1526 = tpu.vector_load_idx %arg10[%add3A_712, %add3A_1520] : memref<624x64xf32, #tpu.memory_space<vmem>>[vector<16xi32>, vector<16xi32>], vector<16xf32>,
        %mul3A_1527 = arith.mulf %get3A_1522, %gather3A_1526 : vector<16xf32>
        %add3A_1528 = arith.addf %add3A_1460, %mul3A_1527 : vector<16xf32>
        %gather3A_1529 = tpu.vector_load_idx %arg10[%add3A_716, %add3A_1520] : memref<624x64xf32, #tpu.memory_space<vmem>>[vector<16xi32>, vector<16xi32>], vector<16xf32>,
        %mul3A_1530 = arith.mulf %get3A_1522, %gather3A_1529 : vector<16xf32>
        %add3A_1531 = arith.addf %add3A_1463, %mul3A_1530 : vector<16xf32>
        %gather3A_1532 = tpu.vector_load_idx %arg10[%add3A_720, %add3A_1520] : memref<624x64xf32, #tpu.memory_space<vmem>>[vector<16xi32>, vector<16xi32>], vector<16xf32>,
        %mul3A_1533 = arith.mulf %get3A_1522, %gather3A_1532 : vector<16xf32>
        %add3A_1534 = arith.addf %add3A_1466, %mul3A_1533 : vector<16xf32>
        %add3A_1535 = arith.constant 46 : i32
        %add3A_1536 = vector.broadcast %add3A_1535 : i32 to vector<16xi32>
        %add3A_1537 = arith.addi %iota3A, %add3A_1536 : vector<16xi32>
        %get3A_1538 = arith.constant 46 : index
        %get3A_1539 = tpu.vector_load %arg12[%get3A_1538] {strides = array<i32>} : memref<80xf32, #tpu.memory_space<vmem>>, vector<16xf32>,
        %gather3A_1540 = tpu.vector_load_idx %arg10[%add3A_708, %add3A_1537] : memref<624x64xf32, #tpu.memory_space<vmem>>[vector<16xi32>, vector<16xi32>], vector<16xf32>,
        %mul3A_1541 = arith.mulf %get3A_1539, %gather3A_1540 : vector<16xf32>
        %add3A_1542 = arith.addf %add3A_1474, %mul3A_1541 : vector<16xf32>
        %gather3A_1543 = tpu.vector_load_idx %arg10[%add3A_712, %add3A_1537] : memref<624x64xf32, #tpu.memory_space<vmem>>[vector<16xi32>, vector<16xi32>], vector<16xf32>,
        %mul3A_1544 = arith.mulf %get3A_1539, %gather3A_1543 : vector<16xf32>
        %add3A_1545 = arith.addf %add3A_1477, %mul3A_1544 : vector<16xf32>
        %gather3A_1546 = tpu.vector_load_idx %arg10[%add3A_716, %add3A_1537] : memref<624x64xf32, #tpu.memory_space<vmem>>[vector<16xi32>, vector<16xi32>], vector<16xf32>,
        %mul3A_1547 = arith.mulf %get3A_1539, %gather3A_1546 : vector<16xf32>
        %add3A_1548 = arith.addf %add3A_1480, %mul3A_1547 : vector<16xf32>
        %gather3A_1549 = tpu.vector_load_idx %arg10[%add3A_720, %add3A_1537] : memref<624x64xf32, #tpu.memory_space<vmem>>[vector<16xi32>, vector<16xi32>], vector<16xf32>,
        %mul3A_1550 = arith.mulf %get3A_1539, %gather3A_1549 : vector<16xf32>
        %add3A_1551 = arith.addf %add3A_1483, %mul3A_1550 : vector<16xf32>
        %add3A_1552 = arith.constant 47 : i32
        %add3A_1553 = vector.broadcast %add3A_1552 : i32 to vector<16xi32>
        %add3A_1554 = arith.addi %iota3A, %add3A_1553 : vector<16xi32>
        %get3A_1555 = arith.constant 47 : index
        %get3A_1556 = tpu.vector_load %arg12[%get3A_1555] {strides = array<i32>} : memref<80xf32, #tpu.memory_space<vmem>>, vector<16xf32>,
        %gather3A_1557 = tpu.vector_load_idx %arg10[%add3A_708, %add3A_1554] : memref<624x64xf32, #tpu.memory_space<vmem>>[vector<16xi32>, vector<16xi32>], vector<16xf32>,
        %mul3A_1558 = arith.mulf %get3A_1556, %gather3A_1557 : vector<16xf32>
        %add3A_1559 = arith.addf %add3A_1491, %mul3A_1558 : vector<16xf32>
        %gather3A_1560 = tpu.vector_load_idx %arg10[%add3A_712, %add3A_1554] : memref<624x64xf32, #tpu.memory_space<vmem>>[vector<16xi32>, vector<16xi32>], vector<16xf32>,
        %mul3A_1561 = arith.mulf %get3A_1556, %gather3A_1560 : vector<16xf32>
        %add3A_1562 = arith.addf %add3A_1494, %mul3A_1561 : vector<16xf32>
        %gather3A_1563 = tpu.vector_load_idx %arg10[%add3A_716, %add3A_1554] : memref<624x64xf32, #tpu.memory_space<vmem>>[vector<16xi32>, vector<16xi32>], vector<16xf32>,
        %mul3A_1564 = arith.mulf %get3A_1556, %gather3A_1563 : vector<16xf32>
        %add3A_1565 = arith.addf %add3A_1497, %mul3A_1564 : vector<16xf32>
        %gather3A_1566 = tpu.vector_load_idx %arg10[%add3A_720, %add3A_1554] : memref<624x64xf32, #tpu.memory_space<vmem>>[vector<16xi32>, vector<16xi32>], vector<16xf32>,
        %mul3A_1567 = arith.mulf %get3A_1556, %gather3A_1566 : vector<16xf32>
        %add3A_1568 = arith.addf %add3A_1500, %mul3A_1567 : vector<16xf32>
        %add3A_1569 = arith.constant 48 : i32
        %add3A_1570 = vector.broadcast %add3A_1569 : i32 to vector<16xi32>
        %add3A_1571 = arith.addi %iota3A, %add3A_1570 : vector<16xi32>
        %get3A_1572 = arith.constant 48 : index
        %get3A_1573 = tpu.vector_load %arg12[%get3A_1572] {strides = array<i32>} : memref<80xf32, #tpu.memory_space<vmem>>, vector<16xf32>,
        %gather3A_1574 = tpu.vector_load_idx %arg10[%add3A_708, %add3A_1571] : memref<624x64xf32, #tpu.memory_space<vmem>>[vector<16xi32>, vector<16xi32>], vector<16xf32>,
        %mul3A_1575 = arith.mulf %get3A_1573, %gather3A_1574 : vector<16xf32>
        %add3A_1576 = arith.addf %add3A_1508, %mul3A_1575 : vector<16xf32>
        %gather3A_1577 = tpu.vector_load_idx %arg10[%add3A_712, %add3A_1571] : memref<624x64xf32, #tpu.memory_space<vmem>>[vector<16xi32>, vector<16xi32>], vector<16xf32>,
        %mul3A_1578 = arith.mulf %get3A_1573, %gather3A_1577 : vector<16xf32>
        %add3A_1579 = arith.addf %add3A_1511, %mul3A_1578 : vector<16xf32>
        %gather3A_1580 = tpu.vector_load_idx %arg10[%add3A_716, %add3A_1571] : memref<624x64xf32, #tpu.memory_space<vmem>>[vector<16xi32>, vector<16xi32>], vector<16xf32>,
        %mul3A_1581 = arith.mulf %get3A_1573, %gather3A_1580 : vector<16xf32>
        %add3A_1582 = arith.addf %add3A_1514, %mul3A_1581 : vector<16xf32>
        %gather3A_1583 = tpu.vector_load_idx %arg10[%add3A_720, %add3A_1571] : memref<624x64xf32, #tpu.memory_space<vmem>>[vector<16xi32>, vector<16xi32>], vector<16xf32>,
        %mul3A_1584 = arith.mulf %get3A_1573, %gather3A_1583 : vector<16xf32>
        %add3A_1585 = arith.addf %add3A_1517, %mul3A_1584 : vector<16xf32>
        %add3A_1586 = arith.constant 49 : i32
        %add3A_1587 = vector.broadcast %add3A_1586 : i32 to vector<16xi32>
        %add3A_1588 = arith.addi %iota3A, %add3A_1587 : vector<16xi32>
        %and3A_1589 = arith.constant 63 : i32
        %and3A_1590 = vector.broadcast %and3A_1589 : i32 to vector<16xi32>
        %and3A_1591 = arith.andi %add3A_1588, %and3A_1590 : vector<16xi32>
        %get3A_1592 = arith.constant 49 : index
        %get3A_1593 = tpu.vector_load %arg12[%get3A_1592] {strides = array<i32>} : memref<80xf32, #tpu.memory_space<vmem>>, vector<16xf32>,
        %gather3A_1594 = tpu.vector_load_idx %arg10[%add3A_708, %and3A_1591] : memref<624x64xf32, #tpu.memory_space<vmem>>[vector<16xi32>, vector<16xi32>], vector<16xf32>,
        %mul3A_1595 = arith.mulf %get3A_1593, %gather3A_1594 : vector<16xf32>
        %add3A_1596 = arith.addf %add3A_1525, %mul3A_1595 : vector<16xf32>
        %gather3A_1597 = tpu.vector_load_idx %arg10[%add3A_712, %and3A_1591] : memref<624x64xf32, #tpu.memory_space<vmem>>[vector<16xi32>, vector<16xi32>], vector<16xf32>,
        %mul3A_1598 = arith.mulf %get3A_1593, %gather3A_1597 : vector<16xf32>
        %add3A_1599 = arith.addf %add3A_1528, %mul3A_1598 : vector<16xf32>
        %gather3A_1600 = tpu.vector_load_idx %arg10[%add3A_716, %and3A_1591] : memref<624x64xf32, #tpu.memory_space<vmem>>[vector<16xi32>, vector<16xi32>], vector<16xf32>,
        %mul3A_1601 = arith.mulf %get3A_1593, %gather3A_1600 : vector<16xf32>
        %add3A_1602 = arith.addf %add3A_1531, %mul3A_1601 : vector<16xf32>
        %gather3A_1603 = tpu.vector_load_idx %arg10[%add3A_720, %and3A_1591] : memref<624x64xf32, #tpu.memory_space<vmem>>[vector<16xi32>, vector<16xi32>], vector<16xf32>,
        %mul3A_1604 = arith.mulf %get3A_1593, %gather3A_1603 : vector<16xf32>
        %add3A_1605 = arith.addf %add3A_1534, %mul3A_1604 : vector<16xf32>
        %add3A_1606 = arith.constant 50 : i32
        %add3A_1607 = vector.broadcast %add3A_1606 : i32 to vector<16xi32>
        %add3A_1608 = arith.addi %iota3A, %add3A_1607 : vector<16xi32>
        %and3A_1609 = arith.constant 63 : i32
        %and3A_1610 = vector.broadcast %and3A_1609 : i32 to vector<16xi32>
        %and3A_1611 = arith.andi %add3A_1608, %and3A_1610 : vector<16xi32>
        %get3A_1612 = arith.constant 50 : index
        %get3A_1613 = tpu.vector_load %arg12[%get3A_1612] {strides = array<i32>} : memref<80xf32, #tpu.memory_space<vmem>>, vector<16xf32>,
        %gather3A_1614 = tpu.vector_load_idx %arg10[%add3A_708, %and3A_1611] : memref<624x64xf32, #tpu.memory_space<vmem>>[vector<16xi32>, vector<16xi32>], vector<16xf32>,
        %mul3A_1615 = arith.mulf %get3A_1613, %gather3A_1614 : vector<16xf32>
        %add3A_1616 = arith.addf %add3A_1542, %mul3A_1615 : vector<16xf32>
        %gather3A_1617 = tpu.vector_load_idx %arg10[%add3A_712, %and3A_1611] : memref<624x64xf32, #tpu.memory_space<vmem>>[vector<16xi32>, vector<16xi32>], vector<16xf32>,
        %mul3A_1618 = arith.mulf %get3A_1613, %gather3A_1617 : vector<16xf32>
        %add3A_1619 = arith.addf %add3A_1545, %mul3A_1618 : vector<16xf32>
        %gather3A_1620 = tpu.vector_load_idx %arg10[%add3A_716, %and3A_1611] : memref<624x64xf32, #tpu.memory_space<vmem>>[vector<16xi32>, vector<16xi32>], vector<16xf32>,
        %mul3A_1621 = arith.mulf %get3A_1613, %gather3A_1620 : vector<16xf32>
        %add3A_1622 = arith.addf %add3A_1548, %mul3A_1621 : vector<16xf32>
        %gather3A_1623 = tpu.vector_load_idx %arg10[%add3A_720, %and3A_1611] : memref<624x64xf32, #tpu.memory_space<vmem>>[vector<16xi32>, vector<16xi32>], vector<16xf32>,
        %mul3A_1624 = arith.mulf %get3A_1613, %gather3A_1623 : vector<16xf32>
        %add3A_1625 = arith.addf %add3A_1551, %mul3A_1624 : vector<16xf32>
        %add3A_1626 = arith.constant 51 : i32
        %add3A_1627 = vector.broadcast %add3A_1626 : i32 to vector<16xi32>
        %add3A_1628 = arith.addi %iota3A, %add3A_1627 : vector<16xi32>
        %and3A_1629 = arith.constant 63 : i32
        %and3A_1630 = vector.broadcast %and3A_1629 : i32 to vector<16xi32>
        %and3A_1631 = arith.andi %add3A_1628, %and3A_1630 : vector<16xi32>
        %get3A_1632 = arith.constant 51 : index
        %get3A_1633 = tpu.vector_load %arg12[%get3A_1632] {strides = array<i32>} : memref<80xf32, #tpu.memory_space<vmem>>, vector<16xf32>,
        %gather3A_1634 = tpu.vector_load_idx %arg10[%add3A_708, %and3A_1631] : memref<624x64xf32, #tpu.memory_space<vmem>>[vector<16xi32>, vector<16xi32>], vector<16xf32>,
        %mul3A_1635 = arith.mulf %get3A_1633, %gather3A_1634 : vector<16xf32>
        %add3A_1636 = arith.addf %add3A_1559, %mul3A_1635 : vector<16xf32>
        %gather3A_1637 = tpu.vector_load_idx %arg10[%add3A_712, %and3A_1631] : memref<624x64xf32, #tpu.memory_space<vmem>>[vector<16xi32>, vector<16xi32>], vector<16xf32>,
        %mul3A_1638 = arith.mulf %get3A_1633, %gather3A_1637 : vector<16xf32>
        %add3A_1639 = arith.addf %add3A_1562, %mul3A_1638 : vector<16xf32>
        %gather3A_1640 = tpu.vector_load_idx %arg10[%add3A_716, %and3A_1631] : memref<624x64xf32, #tpu.memory_space<vmem>>[vector<16xi32>, vector<16xi32>], vector<16xf32>,
        %mul3A_1641 = arith.mulf %get3A_1633, %gather3A_1640 : vector<16xf32>
        %add3A_1642 = arith.addf %add3A_1565, %mul3A_1641 : vector<16xf32>
        %gather3A_1643 = tpu.vector_load_idx %arg10[%add3A_720, %and3A_1631] : memref<624x64xf32, #tpu.memory_space<vmem>>[vector<16xi32>, vector<16xi32>], vector<16xf32>,
        %mul3A_1644 = arith.mulf %get3A_1633, %gather3A_1643 : vector<16xf32>
        %add3A_1645 = arith.addf %add3A_1568, %mul3A_1644 : vector<16xf32>
        %add3A_1646 = arith.constant 52 : i32
        %add3A_1647 = vector.broadcast %add3A_1646 : i32 to vector<16xi32>
        %add3A_1648 = arith.addi %iota3A, %add3A_1647 : vector<16xi32>
        %and3A_1649 = arith.constant 63 : i32
        %and3A_1650 = vector.broadcast %and3A_1649 : i32 to vector<16xi32>
        %and3A_1651 = arith.andi %add3A_1648, %and3A_1650 : vector<16xi32>
        %get3A_1652 = arith.constant 52 : index
        %get3A_1653 = tpu.vector_load %arg12[%get3A_1652] {strides = array<i32>} : memref<80xf32, #tpu.memory_space<vmem>>, vector<16xf32>,
        %gather3A_1654 = tpu.vector_load_idx %arg10[%add3A_708, %and3A_1651] : memref<624x64xf32, #tpu.memory_space<vmem>>[vector<16xi32>, vector<16xi32>], vector<16xf32>,
        %mul3A_1655 = arith.mulf %get3A_1653, %gather3A_1654 : vector<16xf32>
        %add3A_1656 = arith.addf %add3A_1576, %mul3A_1655 : vector<16xf32>
        %gather3A_1657 = tpu.vector_load_idx %arg10[%add3A_712, %and3A_1651] : memref<624x64xf32, #tpu.memory_space<vmem>>[vector<16xi32>, vector<16xi32>], vector<16xf32>,
        %mul3A_1658 = arith.mulf %get3A_1653, %gather3A_1657 : vector<16xf32>
        %add3A_1659 = arith.addf %add3A_1579, %mul3A_1658 : vector<16xf32>
        %gather3A_1660 = tpu.vector_load_idx %arg10[%add3A_716, %and3A_1651] : memref<624x64xf32, #tpu.memory_space<vmem>>[vector<16xi32>, vector<16xi32>], vector<16xf32>,
        %mul3A_1661 = arith.mulf %get3A_1653, %gather3A_1660 : vector<16xf32>
        %add3A_1662 = arith.addf %add3A_1582, %mul3A_1661 : vector<16xf32>
        %gather3A_1663 = tpu.vector_load_idx %arg10[%add3A_720, %and3A_1651] : memref<624x64xf32, #tpu.memory_space<vmem>>[vector<16xi32>, vector<16xi32>], vector<16xf32>,
        %mul3A_1664 = arith.mulf %get3A_1653, %gather3A_1663 : vector<16xf32>
        %add3A_1665 = arith.addf %add3A_1585, %mul3A_1664 : vector<16xf32>
        %add3A_1666 = arith.constant 53 : i32
        %add3A_1667 = vector.broadcast %add3A_1666 : i32 to vector<16xi32>
        %add3A_1668 = arith.addi %iota3A, %add3A_1667 : vector<16xi32>
        %and3A_1669 = arith.constant 63 : i32
        %and3A_1670 = vector.broadcast %and3A_1669 : i32 to vector<16xi32>
        %and3A_1671 = arith.andi %add3A_1668, %and3A_1670 : vector<16xi32>
        %get3A_1672 = arith.constant 53 : index
        %get3A_1673 = tpu.vector_load %arg12[%get3A_1672] {strides = array<i32>} : memref<80xf32, #tpu.memory_space<vmem>>, vector<16xf32>,
        %gather3A_1674 = tpu.vector_load_idx %arg10[%add3A_708, %and3A_1671] : memref<624x64xf32, #tpu.memory_space<vmem>>[vector<16xi32>, vector<16xi32>], vector<16xf32>,
        %mul3A_1675 = arith.mulf %get3A_1673, %gather3A_1674 : vector<16xf32>
        %add3A_1676 = arith.addf %add3A_1596, %mul3A_1675 : vector<16xf32>
        %gather3A_1677 = tpu.vector_load_idx %arg10[%add3A_712, %and3A_1671] : memref<624x64xf32, #tpu.memory_space<vmem>>[vector<16xi32>, vector<16xi32>], vector<16xf32>,
        %mul3A_1678 = arith.mulf %get3A_1673, %gather3A_1677 : vector<16xf32>
        %add3A_1679 = arith.addf %add3A_1599, %mul3A_1678 : vector<16xf32>
        %gather3A_1680 = tpu.vector_load_idx %arg10[%add3A_716, %and3A_1671] : memref<624x64xf32, #tpu.memory_space<vmem>>[vector<16xi32>, vector<16xi32>], vector<16xf32>,
        %mul3A_1681 = arith.mulf %get3A_1673, %gather3A_1680 : vector<16xf32>
        %add3A_1682 = arith.addf %add3A_1602, %mul3A_1681 : vector<16xf32>
        %gather3A_1683 = tpu.vector_load_idx %arg10[%add3A_720, %and3A_1671] : memref<624x64xf32, #tpu.memory_space<vmem>>[vector<16xi32>, vector<16xi32>], vector<16xf32>,
        %mul3A_1684 = arith.mulf %get3A_1673, %gather3A_1683 : vector<16xf32>
        %add3A_1685 = arith.addf %add3A_1605, %mul3A_1684 : vector<16xf32>
        %add3A_1686 = arith.constant 54 : i32
        %add3A_1687 = vector.broadcast %add3A_1686 : i32 to vector<16xi32>
        %add3A_1688 = arith.addi %iota3A, %add3A_1687 : vector<16xi32>
        %and3A_1689 = arith.constant 63 : i32
        %and3A_1690 = vector.broadcast %and3A_1689 : i32 to vector<16xi32>
        %and3A_1691 = arith.andi %add3A_1688, %and3A_1690 : vector<16xi32>
        %get3A_1692 = arith.constant 54 : index
        %get3A_1693 = tpu.vector_load %arg12[%get3A_1692] {strides = array<i32>} : memref<80xf32, #tpu.memory_space<vmem>>, vector<16xf32>,
        %gather3A_1694 = tpu.vector_load_idx %arg10[%add3A_708, %and3A_1691] : memref<624x64xf32, #tpu.memory_space<vmem>>[vector<16xi32>, vector<16xi32>], vector<16xf32>,
        %mul3A_1695 = arith.mulf %get3A_1693, %gather3A_1694 : vector<16xf32>
        %add3A_1696 = arith.addf %add3A_1616, %mul3A_1695 : vector<16xf32>
        %gather3A_1697 = tpu.vector_load_idx %arg10[%add3A_712, %and3A_1691] : memref<624x64xf32, #tpu.memory_space<vmem>>[vector<16xi32>, vector<16xi32>], vector<16xf32>,
        %mul3A_1698 = arith.mulf %get3A_1693, %gather3A_1697 : vector<16xf32>
        %add3A_1699 = arith.addf %add3A_1619, %mul3A_1698 : vector<16xf32>
        %gather3A_1700 = tpu.vector_load_idx %arg10[%add3A_716, %and3A_1691] : memref<624x64xf32, #tpu.memory_space<vmem>>[vector<16xi32>, vector<16xi32>], vector<16xf32>,
        %mul3A_1701 = arith.mulf %get3A_1693, %gather3A_1700 : vector<16xf32>
        %add3A_1702 = arith.addf %add3A_1622, %mul3A_1701 : vector<16xf32>
        %gather3A_1703 = tpu.vector_load_idx %arg10[%add3A_720, %and3A_1691] : memref<624x64xf32, #tpu.memory_space<vmem>>[vector<16xi32>, vector<16xi32>], vector<16xf32>,
        %mul3A_1704 = arith.mulf %get3A_1693, %gather3A_1703 : vector<16xf32>
        %add3A_1705 = arith.addf %add3A_1625, %mul3A_1704 : vector<16xf32>
        %add3A_1706 = arith.constant 55 : i32
        %add3A_1707 = vector.broadcast %add3A_1706 : i32 to vector<16xi32>
        %add3A_1708 = arith.addi %iota3A, %add3A_1707 : vector<16xi32>
        %and3A_1709 = arith.constant 63 : i32
        %and3A_1710 = vector.broadcast %and3A_1709 : i32 to vector<16xi32>
        %and3A_1711 = arith.andi %add3A_1708, %and3A_1710 : vector<16xi32>
        %get3A_1712 = arith.constant 55 : index
        %get3A_1713 = tpu.vector_load %arg12[%get3A_1712] {strides = array<i32>} : memref<80xf32, #tpu.memory_space<vmem>>, vector<16xf32>,
        %gather3A_1714 = tpu.vector_load_idx %arg10[%add3A_708, %and3A_1711] : memref<624x64xf32, #tpu.memory_space<vmem>>[vector<16xi32>, vector<16xi32>], vector<16xf32>,
        %mul3A_1715 = arith.mulf %get3A_1713, %gather3A_1714 : vector<16xf32>
        %add3A_1716 = arith.addf %add3A_1636, %mul3A_1715 : vector<16xf32>
        %gather3A_1717 = tpu.vector_load_idx %arg10[%add3A_712, %and3A_1711] : memref<624x64xf32, #tpu.memory_space<vmem>>[vector<16xi32>, vector<16xi32>], vector<16xf32>,
        %mul3A_1718 = arith.mulf %get3A_1713, %gather3A_1717 : vector<16xf32>
        %add3A_1719 = arith.addf %add3A_1639, %mul3A_1718 : vector<16xf32>
        %gather3A_1720 = tpu.vector_load_idx %arg10[%add3A_716, %and3A_1711] : memref<624x64xf32, #tpu.memory_space<vmem>>[vector<16xi32>, vector<16xi32>], vector<16xf32>,
        %mul3A_1721 = arith.mulf %get3A_1713, %gather3A_1720 : vector<16xf32>
        %add3A_1722 = arith.addf %add3A_1642, %mul3A_1721 : vector<16xf32>
        %gather3A_1723 = tpu.vector_load_idx %arg10[%add3A_720, %and3A_1711] : memref<624x64xf32, #tpu.memory_space<vmem>>[vector<16xi32>, vector<16xi32>], vector<16xf32>,
        %mul3A_1724 = arith.mulf %get3A_1713, %gather3A_1723 : vector<16xf32>
        %add3A_1725 = arith.addf %add3A_1645, %mul3A_1724 : vector<16xf32>
        %add3A_1726 = arith.constant 56 : i32
        %add3A_1727 = vector.broadcast %add3A_1726 : i32 to vector<16xi32>
        %add3A_1728 = arith.addi %iota3A, %add3A_1727 : vector<16xi32>
        %and3A_1729 = arith.constant 63 : i32
        %and3A_1730 = vector.broadcast %and3A_1729 : i32 to vector<16xi32>
        %and3A_1731 = arith.andi %add3A_1728, %and3A_1730 : vector<16xi32>
        %get3A_1732 = arith.constant 56 : index
        %get3A_1733 = tpu.vector_load %arg12[%get3A_1732] {strides = array<i32>} : memref<80xf32, #tpu.memory_space<vmem>>, vector<16xf32>,
        %gather3A_1734 = tpu.vector_load_idx %arg10[%add3A_708, %and3A_1731] : memref<624x64xf32, #tpu.memory_space<vmem>>[vector<16xi32>, vector<16xi32>], vector<16xf32>,
        %mul3A_1735 = arith.mulf %get3A_1733, %gather3A_1734 : vector<16xf32>
        %add3A_1736 = arith.addf %add3A_1656, %mul3A_1735 : vector<16xf32>
        %gather3A_1737 = tpu.vector_load_idx %arg10[%add3A_712, %and3A_1731] : memref<624x64xf32, #tpu.memory_space<vmem>>[vector<16xi32>, vector<16xi32>], vector<16xf32>,
        %mul3A_1738 = arith.mulf %get3A_1733, %gather3A_1737 : vector<16xf32>
        %add3A_1739 = arith.addf %add3A_1659, %mul3A_1738 : vector<16xf32>
        %gather3A_1740 = tpu.vector_load_idx %arg10[%add3A_716, %and3A_1731] : memref<624x64xf32, #tpu.memory_space<vmem>>[vector<16xi32>, vector<16xi32>], vector<16xf32>,
        %mul3A_1741 = arith.mulf %get3A_1733, %gather3A_1740 : vector<16xf32>
        %add3A_1742 = arith.addf %add3A_1662, %mul3A_1741 : vector<16xf32>
        %gather3A_1743 = tpu.vector_load_idx %arg10[%add3A_720, %and3A_1731] : memref<624x64xf32, #tpu.memory_space<vmem>>[vector<16xi32>, vector<16xi32>], vector<16xf32>,
        %mul3A_1744 = arith.mulf %get3A_1733, %gather3A_1743 : vector<16xf32>
        %add3A_1745 = arith.addf %add3A_1665, %mul3A_1744 : vector<16xf32>
        %add3A_1746 = arith.constant 57 : i32
        %add3A_1747 = vector.broadcast %add3A_1746 : i32 to vector<16xi32>
        %add3A_1748 = arith.addi %iota3A, %add3A_1747 : vector<16xi32>
        %and3A_1749 = arith.constant 63 : i32
        %and3A_1750 = vector.broadcast %and3A_1749 : i32 to vector<16xi32>
        %and3A_1751 = arith.andi %add3A_1748, %and3A_1750 : vector<16xi32>
        %get3A_1752 = arith.constant 57 : index
        %get3A_1753 = tpu.vector_load %arg12[%get3A_1752] {strides = array<i32>} : memref<80xf32, #tpu.memory_space<vmem>>, vector<16xf32>,
        %gather3A_1754 = tpu.vector_load_idx %arg10[%add3A_708, %and3A_1751] : memref<624x64xf32, #tpu.memory_space<vmem>>[vector<16xi32>, vector<16xi32>], vector<16xf32>,
        %mul3A_1755 = arith.mulf %get3A_1753, %gather3A_1754 : vector<16xf32>
        %add3A_1756 = arith.addf %add3A_1676, %mul3A_1755 : vector<16xf32>
        %gather3A_1757 = tpu.vector_load_idx %arg10[%add3A_712, %and3A_1751] : memref<624x64xf32, #tpu.memory_space<vmem>>[vector<16xi32>, vector<16xi32>], vector<16xf32>,
        %mul3A_1758 = arith.mulf %get3A_1753, %gather3A_1757 : vector<16xf32>
        %add3A_1759 = arith.addf %add3A_1679, %mul3A_1758 : vector<16xf32>
        %gather3A_1760 = tpu.vector_load_idx %arg10[%add3A_716, %and3A_1751] : memref<624x64xf32, #tpu.memory_space<vmem>>[vector<16xi32>, vector<16xi32>], vector<16xf32>,
        %mul3A_1761 = arith.mulf %get3A_1753, %gather3A_1760 : vector<16xf32>
        %add3A_1762 = arith.addf %add3A_1682, %mul3A_1761 : vector<16xf32>
        %gather3A_1763 = tpu.vector_load_idx %arg10[%add3A_720, %and3A_1751] : memref<624x64xf32, #tpu.memory_space<vmem>>[vector<16xi32>, vector<16xi32>], vector<16xf32>,
        %mul3A_1764 = arith.mulf %get3A_1753, %gather3A_1763 : vector<16xf32>
        %add3A_1765 = arith.addf %add3A_1685, %mul3A_1764 : vector<16xf32>
        %add3A_1766 = arith.constant 58 : i32
        %add3A_1767 = vector.broadcast %add3A_1766 : i32 to vector<16xi32>
        %add3A_1768 = arith.addi %iota3A, %add3A_1767 : vector<16xi32>
        %and3A_1769 = arith.constant 63 : i32
        %and3A_1770 = vector.broadcast %and3A_1769 : i32 to vector<16xi32>
        %and3A_1771 = arith.andi %add3A_1768, %and3A_1770 : vector<16xi32>
        %get3A_1772 = arith.constant 58 : index
        %get3A_1773 = tpu.vector_load %arg12[%get3A_1772] {strides = array<i32>} : memref<80xf32, #tpu.memory_space<vmem>>, vector<16xf32>,
        %gather3A_1774 = tpu.vector_load_idx %arg10[%add3A_708, %and3A_1771] : memref<624x64xf32, #tpu.memory_space<vmem>>[vector<16xi32>, vector<16xi32>], vector<16xf32>,
        %mul3A_1775 = arith.mulf %get3A_1773, %gather3A_1774 : vector<16xf32>
        %add3A_1776 = arith.addf %add3A_1696, %mul3A_1775 : vector<16xf32>
        %gather3A_1777 = tpu.vector_load_idx %arg10[%add3A_712, %and3A_1771] : memref<624x64xf32, #tpu.memory_space<vmem>>[vector<16xi32>, vector<16xi32>], vector<16xf32>,
        %mul3A_1778 = arith.mulf %get3A_1773, %gather3A_1777 : vector<16xf32>
        %add3A_1779 = arith.addf %add3A_1699, %mul3A_1778 : vector<16xf32>
        %gather3A_1780 = tpu.vector_load_idx %arg10[%add3A_716, %and3A_1771] : memref<624x64xf32, #tpu.memory_space<vmem>>[vector<16xi32>, vector<16xi32>], vector<16xf32>,
        %mul3A_1781 = arith.mulf %get3A_1773, %gather3A_1780 : vector<16xf32>
        %add3A_1782 = arith.addf %add3A_1702, %mul3A_1781 : vector<16xf32>
        %gather3A_1783 = tpu.vector_load_idx %arg10[%add3A_720, %and3A_1771] : memref<624x64xf32, #tpu.memory_space<vmem>>[vector<16xi32>, vector<16xi32>], vector<16xf32>,
        %mul3A_1784 = arith.mulf %get3A_1773, %gather3A_1783 : vector<16xf32>
        %add3A_1785 = arith.addf %add3A_1705, %mul3A_1784 : vector<16xf32>
        %add3A_1786 = arith.constant 59 : i32
        %add3A_1787 = vector.broadcast %add3A_1786 : i32 to vector<16xi32>
        %add3A_1788 = arith.addi %iota3A, %add3A_1787 : vector<16xi32>
        %and3A_1789 = arith.constant 63 : i32
        %and3A_1790 = vector.broadcast %and3A_1789 : i32 to vector<16xi32>
        %and3A_1791 = arith.andi %add3A_1788, %and3A_1790 : vector<16xi32>
        %get3A_1792 = arith.constant 59 : index
        %get3A_1793 = tpu.vector_load %arg12[%get3A_1792] {strides = array<i32>} : memref<80xf32, #tpu.memory_space<vmem>>, vector<16xf32>,
        %gather3A_1794 = tpu.vector_load_idx %arg10[%add3A_708, %and3A_1791] : memref<624x64xf32, #tpu.memory_space<vmem>>[vector<16xi32>, vector<16xi32>], vector<16xf32>,
        %mul3A_1795 = arith.mulf %get3A_1793, %gather3A_1794 : vector<16xf32>
        %add3A_1796 = arith.addf %add3A_1716, %mul3A_1795 : vector<16xf32>
        %gather3A_1797 = tpu.vector_load_idx %arg10[%add3A_712, %and3A_1791] : memref<624x64xf32, #tpu.memory_space<vmem>>[vector<16xi32>, vector<16xi32>], vector<16xf32>,
        %mul3A_1798 = arith.mulf %get3A_1793, %gather3A_1797 : vector<16xf32>
        %add3A_1799 = arith.addf %add3A_1719, %mul3A_1798 : vector<16xf32>
        %gather3A_1800 = tpu.vector_load_idx %arg10[%add3A_716, %and3A_1791] : memref<624x64xf32, #tpu.memory_space<vmem>>[vector<16xi32>, vector<16xi32>], vector<16xf32>,
        %mul3A_1801 = arith.mulf %get3A_1793, %gather3A_1800 : vector<16xf32>
        %add3A_1802 = arith.addf %add3A_1722, %mul3A_1801 : vector<16xf32>
        %gather3A_1803 = tpu.vector_load_idx %arg10[%add3A_720, %and3A_1791] : memref<624x64xf32, #tpu.memory_space<vmem>>[vector<16xi32>, vector<16xi32>], vector<16xf32>,
        %mul3A_1804 = arith.mulf %get3A_1793, %gather3A_1803 : vector<16xf32>
        %add3A_1805 = arith.addf %add3A_1725, %mul3A_1804 : vector<16xf32>
        %add3A_1806 = arith.constant 60 : i32
        %add3A_1807 = vector.broadcast %add3A_1806 : i32 to vector<16xi32>
        %add3A_1808 = arith.addi %iota3A, %add3A_1807 : vector<16xi32>
        %and3A_1809 = arith.constant 63 : i32
        %and3A_1810 = vector.broadcast %and3A_1809 : i32 to vector<16xi32>
        %and3A_1811 = arith.andi %add3A_1808, %and3A_1810 : vector<16xi32>
        %get3A_1812 = arith.constant 60 : index
        %get3A_1813 = tpu.vector_load %arg12[%get3A_1812] {strides = array<i32>} : memref<80xf32, #tpu.memory_space<vmem>>, vector<16xf32>,
        %gather3A_1814 = tpu.vector_load_idx %arg10[%add3A_708, %and3A_1811] : memref<624x64xf32, #tpu.memory_space<vmem>>[vector<16xi32>, vector<16xi32>], vector<16xf32>,
        %mul3A_1815 = arith.mulf %get3A_1813, %gather3A_1814 : vector<16xf32>
        %add3A_1816 = arith.addf %add3A_1736, %mul3A_1815 : vector<16xf32>
        %gather3A_1817 = tpu.vector_load_idx %arg10[%add3A_712, %and3A_1811] : memref<624x64xf32, #tpu.memory_space<vmem>>[vector<16xi32>, vector<16xi32>], vector<16xf32>,
        %mul3A_1818 = arith.mulf %get3A_1813, %gather3A_1817 : vector<16xf32>
        %add3A_1819 = arith.addf %add3A_1739, %mul3A_1818 : vector<16xf32>
        %gather3A_1820 = tpu.vector_load_idx %arg10[%add3A_716, %and3A_1811] : memref<624x64xf32, #tpu.memory_space<vmem>>[vector<16xi32>, vector<16xi32>], vector<16xf32>,
        %mul3A_1821 = arith.mulf %get3A_1813, %gather3A_1820 : vector<16xf32>
        %add3A_1822 = arith.addf %add3A_1742, %mul3A_1821 : vector<16xf32>
        %gather3A_1823 = tpu.vector_load_idx %arg10[%add3A_720, %and3A_1811] : memref<624x64xf32, #tpu.memory_space<vmem>>[vector<16xi32>, vector<16xi32>], vector<16xf32>,
        %mul3A_1824 = arith.mulf %get3A_1813, %gather3A_1823 : vector<16xf32>
        %add3A_1825 = arith.addf %add3A_1745, %mul3A_1824 : vector<16xf32>
        %add3A_1826 = arith.constant 61 : i32
        %add3A_1827 = vector.broadcast %add3A_1826 : i32 to vector<16xi32>
        %add3A_1828 = arith.addi %iota3A, %add3A_1827 : vector<16xi32>
        %and3A_1829 = arith.constant 63 : i32
        %and3A_1830 = vector.broadcast %and3A_1829 : i32 to vector<16xi32>
        %and3A_1831 = arith.andi %add3A_1828, %and3A_1830 : vector<16xi32>
        %get3A_1832 = arith.constant 61 : index
        %get3A_1833 = tpu.vector_load %arg12[%get3A_1832] {strides = array<i32>} : memref<80xf32, #tpu.memory_space<vmem>>, vector<16xf32>,
        %gather3A_1834 = tpu.vector_load_idx %arg10[%add3A_708, %and3A_1831] : memref<624x64xf32, #tpu.memory_space<vmem>>[vector<16xi32>, vector<16xi32>], vector<16xf32>,
        %mul3A_1835 = arith.mulf %get3A_1833, %gather3A_1834 : vector<16xf32>
        %add3A_1836 = arith.addf %add3A_1756, %mul3A_1835 : vector<16xf32>
        %gather3A_1837 = tpu.vector_load_idx %arg10[%add3A_712, %and3A_1831] : memref<624x64xf32, #tpu.memory_space<vmem>>[vector<16xi32>, vector<16xi32>], vector<16xf32>,
        %mul3A_1838 = arith.mulf %get3A_1833, %gather3A_1837 : vector<16xf32>
        %add3A_1839 = arith.addf %add3A_1759, %mul3A_1838 : vector<16xf32>
        %gather3A_1840 = tpu.vector_load_idx %arg10[%add3A_716, %and3A_1831] : memref<624x64xf32, #tpu.memory_space<vmem>>[vector<16xi32>, vector<16xi32>], vector<16xf32>,
        %mul3A_1841 = arith.mulf %get3A_1833, %gather3A_1840 : vector<16xf32>
        %add3A_1842 = arith.addf %add3A_1762, %mul3A_1841 : vector<16xf32>
        %gather3A_1843 = tpu.vector_load_idx %arg10[%add3A_720, %and3A_1831] : memref<624x64xf32, #tpu.memory_space<vmem>>[vector<16xi32>, vector<16xi32>], vector<16xf32>,
        %mul3A_1844 = arith.mulf %get3A_1833, %gather3A_1843 : vector<16xf32>
        %add3A_1845 = arith.addf %add3A_1765, %mul3A_1844 : vector<16xf32>
        %add3A_1846 = arith.constant 62 : i32
        %add3A_1847 = vector.broadcast %add3A_1846 : i32 to vector<16xi32>
        %add3A_1848 = arith.addi %iota3A, %add3A_1847 : vector<16xi32>
        %and3A_1849 = arith.constant 63 : i32
        %and3A_1850 = vector.broadcast %and3A_1849 : i32 to vector<16xi32>
        %and3A_1851 = arith.andi %add3A_1848, %and3A_1850 : vector<16xi32>
        %get3A_1852 = arith.constant 62 : index
        %get3A_1853 = tpu.vector_load %arg12[%get3A_1852] {strides = array<i32>} : memref<80xf32, #tpu.memory_space<vmem>>, vector<16xf32>,
        %gather3A_1854 = tpu.vector_load_idx %arg10[%add3A_708, %and3A_1851] : memref<624x64xf32, #tpu.memory_space<vmem>>[vector<16xi32>, vector<16xi32>], vector<16xf32>,
        %mul3A_1855 = arith.mulf %get3A_1853, %gather3A_1854 : vector<16xf32>
        %add3A_1856 = arith.addf %add3A_1776, %mul3A_1855 : vector<16xf32>
        %gather3A_1857 = tpu.vector_load_idx %arg10[%add3A_712, %and3A_1851] : memref<624x64xf32, #tpu.memory_space<vmem>>[vector<16xi32>, vector<16xi32>], vector<16xf32>,
        %mul3A_1858 = arith.mulf %get3A_1853, %gather3A_1857 : vector<16xf32>
        %add3A_1859 = arith.addf %add3A_1779, %mul3A_1858 : vector<16xf32>
        %gather3A_1860 = tpu.vector_load_idx %arg10[%add3A_716, %and3A_1851] : memref<624x64xf32, #tpu.memory_space<vmem>>[vector<16xi32>, vector<16xi32>], vector<16xf32>,
        %mul3A_1861 = arith.mulf %get3A_1853, %gather3A_1860 : vector<16xf32>
        %add3A_1862 = arith.addf %add3A_1782, %mul3A_1861 : vector<16xf32>
        %gather3A_1863 = tpu.vector_load_idx %arg10[%add3A_720, %and3A_1851] : memref<624x64xf32, #tpu.memory_space<vmem>>[vector<16xi32>, vector<16xi32>], vector<16xf32>,
        %mul3A_1864 = arith.mulf %get3A_1853, %gather3A_1863 : vector<16xf32>
        %add3A_1865 = arith.addf %add3A_1785, %mul3A_1864 : vector<16xf32>
        %add3A_1866 = arith.constant 63 : i32
        %add3A_1867 = vector.broadcast %add3A_1866 : i32 to vector<16xi32>
        %add3A_1868 = arith.addi %iota3A, %add3A_1867 : vector<16xi32>
        %and3A_1869 = arith.constant 63 : i32
        %and3A_1870 = vector.broadcast %and3A_1869 : i32 to vector<16xi32>
        %and3A_1871 = arith.andi %add3A_1868, %and3A_1870 : vector<16xi32>
        %get3A_1872 = arith.constant 63 : index
        %get3A_1873 = tpu.vector_load %arg12[%get3A_1872] {strides = array<i32>} : memref<80xf32, #tpu.memory_space<vmem>>, vector<16xf32>,
        %gather3A_1874 = tpu.vector_load_idx %arg10[%add3A_708, %and3A_1871] : memref<624x64xf32, #tpu.memory_space<vmem>>[vector<16xi32>, vector<16xi32>], vector<16xf32>,
        %mul3A_1875 = arith.mulf %get3A_1873, %gather3A_1874 : vector<16xf32>
        %add3A_1876 = arith.addf %add3A_1796, %mul3A_1875 : vector<16xf32>
        %gather3A_1877 = tpu.vector_load_idx %arg10[%add3A_712, %and3A_1871] : memref<624x64xf32, #tpu.memory_space<vmem>>[vector<16xi32>, vector<16xi32>], vector<16xf32>,
        %mul3A_1878 = arith.mulf %get3A_1873, %gather3A_1877 : vector<16xf32>
        %add3A_1879 = arith.addf %add3A_1799, %mul3A_1878 : vector<16xf32>
        %gather3A_1880 = tpu.vector_load_idx %arg10[%add3A_716, %and3A_1871] : memref<624x64xf32, #tpu.memory_space<vmem>>[vector<16xi32>, vector<16xi32>], vector<16xf32>,
        %mul3A_1881 = arith.mulf %get3A_1873, %gather3A_1880 : vector<16xf32>
        %add3A_1882 = arith.addf %add3A_1802, %mul3A_1881 : vector<16xf32>
        %gather3A_1883 = tpu.vector_load_idx %arg10[%add3A_720, %and3A_1871] : memref<624x64xf32, #tpu.memory_space<vmem>>[vector<16xi32>, vector<16xi32>], vector<16xf32>,
        %mul3A_1884 = arith.mulf %get3A_1873, %gather3A_1883 : vector<16xf32>
        %add3A_1885 = arith.addf %add3A_1805, %mul3A_1884 : vector<16xf32>
        %add3A_1886 = arith.addf %add3A_1816, %add3A_1836 : vector<16xf32>
        %add3A_1887 = arith.addf %add3A_1856, %add3A_1876 : vector<16xf32>
        %add3A_1888 = arith.addf %add3A_1886, %add3A_1887 : vector<16xf32>
        %mul3A_1889 = arith.constant 4 : i32
        %mul3A_1890 = arith.muli %mul3A_1889, %scan3A_701 : i32
        %add3A_1891 = arith.constant 0 : i32
        %add3A_1892 = arith.addi %mul3A_1890, %add3A_1891 : i32
        %mul3A_1893 = arith.constant 16 : i32
        %mul3A_1894 = arith.muli %add3A_1892, %mul3A_1893 : i32
        %add3A_1895 = arith.addi %mul3A_114, %mul3A_1894 : i32
        %get3A_1896 = arith.index_cast %add3A_1895 : i32 to index
        %get3A_1897 = tpu.vector_load %arg9[%get3A_1896] {strides = array<i32>} : memref<25608xi32, #tpu.memory_space<vmem>>, vector<16xi32>,
        %eq3A_1898 = arith.constant 0 : i32
        %eq3A_1899 = vector.broadcast %eq3A_1898 : i32 to vector<16xi32>
        %eq3A_1900 = arith.cmpi eq, %get3A_1897, %eq3A_1899 : vector<16xi32>
        %jit3A_1901 = arith.constant -9.99999982E+12 : f32
        %broadcast_in_dim3A_1902 = vector.broadcast %jit3A_1901 : f32 to vector<16xf32>
        %select_n3A_1903 = arith.select %eq3A_1900, %broadcast_in_dim3A_1902, %add3A_1888 : vector<16xi1>, vector<16xf32>
        %swap3A_1904 = arith.index_cast %add3A_1895 : i32 to index
        %swap3A_1905 = tpu.vector_load %arg11[%swap3A_1904] {strides = array<i32>} : memref<25608xf32, #tpu.memory_space<vmem>>, vector<16xf32>,
        tpu.vector_store %arg11[%swap3A_1904], %select_n3A_1903 {strides = array<i32>} : memref<25608xf32, #tpu.memory_space<vmem>>, vector<16xf32>,
        %add3A_1906 = arith.addf %add3A_1819, %add3A_1839 : vector<16xf32>
        %add3A_1907 = arith.addf %add3A_1859, %add3A_1879 : vector<16xf32>
        %add3A_1908 = arith.addf %add3A_1906, %add3A_1907 : vector<16xf32>
        %mul3A_1909 = arith.constant 4 : i32
        %mul3A_1910 = arith.muli %mul3A_1909, %scan3A_701 : i32
        %add3A_1911 = arith.constant 1 : i32
        %add3A_1912 = arith.addi %mul3A_1910, %add3A_1911 : i32
        %mul3A_1913 = arith.constant 16 : i32
        %mul3A_1914 = arith.muli %add3A_1912, %mul3A_1913 : i32
        %add3A_1915 = arith.addi %mul3A_114, %mul3A_1914 : i32
        %get3A_1916 = arith.index_cast %add3A_1915 : i32 to index
        %get3A_1917 = tpu.vector_load %arg9[%get3A_1916] {strides = array<i32>} : memref<25608xi32, #tpu.memory_space<vmem>>, vector<16xi32>,
        %eq3A_1918 = arith.constant 0 : i32
        %eq3A_1919 = vector.broadcast %eq3A_1918 : i32 to vector<16xi32>
        %eq3A_1920 = arith.cmpi eq, %get3A_1917, %eq3A_1919 : vector<16xi32>
        %jit3A_1921 = arith.constant -9.99999982E+12 : f32
        %broadcast_in_dim3A_1922 = vector.broadcast %jit3A_1921 : f32 to vector<16xf32>
        %select_n3A_1923 = arith.select %eq3A_1920, %broadcast_in_dim3A_1922, %add3A_1908 : vector<16xi1>, vector<16xf32>
        %swap3A_1924 = arith.index_cast %add3A_1915 : i32 to index
        %swap3A_1925 = tpu.vector_load %arg11[%swap3A_1924] {strides = array<i32>} : memref<25608xf32, #tpu.memory_space<vmem>>, vector<16xf32>,
        tpu.vector_store %arg11[%swap3A_1924], %select_n3A_1923 {strides = array<i32>} : memref<25608xf32, #tpu.memory_space<vmem>>, vector<16xf32>,
        %add3A_1926 = arith.addf %add3A_1822, %add3A_1842 : vector<16xf32>
        %add3A_1927 = arith.addf %add3A_1862, %add3A_1882 : vector<16xf32>
        %add3A_1928 = arith.addf %add3A_1926, %add3A_1927 : vector<16xf32>
        %mul3A_1929 = arith.constant 4 : i32
        %mul3A_1930 = arith.muli %mul3A_1929, %scan3A_701 : i32
        %add3A_1931 = arith.constant 2 : i32
        %add3A_1932 = arith.addi %mul3A_1930, %add3A_1931 : i32
        %mul3A_1933 = arith.constant 16 : i32
        %mul3A_1934 = arith.muli %add3A_1932, %mul3A_1933 : i32
        %add3A_1935 = arith.addi %mul3A_114, %mul3A_1934 : i32
        %get3A_1936 = arith.index_cast %add3A_1935 : i32 to index
        %get3A_1937 = tpu.vector_load %arg9[%get3A_1936] {strides = array<i32>} : memref<25608xi32, #tpu.memory_space<vmem>>, vector<16xi32>,
        %eq3A_1938 = arith.constant 0 : i32
        %eq3A_1939 = vector.broadcast %eq3A_1938 : i32 to vector<16xi32>
        %eq3A_1940 = arith.cmpi eq, %get3A_1937, %eq3A_1939 : vector<16xi32>
        %jit3A_1941 = arith.constant -9.99999982E+12 : f32
        %broadcast_in_dim3A_1942 = vector.broadcast %jit3A_1941 : f32 to vector<16xf32>
        %select_n3A_1943 = arith.select %eq3A_1940, %broadcast_in_dim3A_1942, %add3A_1928 : vector<16xi1>, vector<16xf32>
        %swap3A_1944 = arith.index_cast %add3A_1935 : i32 to index
        %swap3A_1945 = tpu.vector_load %arg11[%swap3A_1944] {strides = array<i32>} : memref<25608xf32, #tpu.memory_space<vmem>>, vector<16xf32>,
        tpu.vector_store %arg11[%swap3A_1944], %select_n3A_1943 {strides = array<i32>} : memref<25608xf32, #tpu.memory_space<vmem>>, vector<16xf32>,
        %add3A_1946 = arith.addf %add3A_1825, %add3A_1845 : vector<16xf32>
        %add3A_1947 = arith.addf %add3A_1865, %add3A_1885 : vector<16xf32>
        %add3A_1948 = arith.addf %add3A_1946, %add3A_1947 : vector<16xf32>
        %mul3A_1949 = arith.constant 4 : i32
        %mul3A_1950 = arith.muli %mul3A_1949, %scan3A_701 : i32
        %add3A_1951 = arith.constant 3 : i32
        %add3A_1952 = arith.addi %mul3A_1950, %add3A_1951 : i32
        %mul3A_1953 = arith.constant 16 : i32
        %mul3A_1954 = arith.muli %add3A_1952, %mul3A_1953 : i32
        %add3A_1955 = arith.addi %mul3A_114, %mul3A_1954 : i32
        %get3A_1956 = arith.index_cast %add3A_1955 : i32 to index
        %get3A_1957 = tpu.vector_load %arg9[%get3A_1956] {strides = array<i32>} : memref<25608xi32, #tpu.memory_space<vmem>>, vector<16xi32>,
        %eq3A_1958 = arith.constant 0 : i32
        %eq3A_1959 = vector.broadcast %eq3A_1958 : i32 to vector<16xi32>
        %eq3A_1960 = arith.cmpi eq, %get3A_1957, %eq3A_1959 : vector<16xi32>
        %jit3A_1961 = arith.constant -9.99999982E+12 : f32
        %broadcast_in_dim3A_1962 = vector.broadcast %jit3A_1961 : f32 to vector<16xf32>
        %select_n3A_1963 = arith.select %eq3A_1960, %broadcast_in_dim3A_1962, %add3A_1948 : vector<16xi1>, vector<16xf32>
        %swap3A_1964 = arith.index_cast %add3A_1955 : i32 to index
        %swap3A_1965 = tpu.vector_load %arg11[%swap3A_1964] {strides = array<i32>} : memref<25608xf32, #tpu.memory_space<vmem>>, vector<16xf32>,
        tpu.vector_store %arg11[%swap3A_1964], %select_n3A_1963 {strides = array<i32>} : memref<25608xf32, #tpu.memory_space<vmem>>, vector<16xf32>,
      }
      %scan3A_120 = arith.constant 3 : i32
      %add3A_121 = arith.constant 192 : i32
      %add3A_122 = arith.addi %mul3A_78, %add3A_121 : i32
      %add3A_123 = vector.broadcast %add3A_122 : i32 to vector<16xi32>
      %add3A_124 = arith.addi %iota3A, %add3A_123 : vector<16xi32>
      %broadcast_in_dim3A = arith.constant 0.000000e+00 : f32
      %broadcast_in_dim3A_125 = vector.broadcast %broadcast_in_dim3A : f32 to vector<16xf32>
      %broadcast_in_dim3A_126 = arith.constant 0.000000e+00 : f32
      %broadcast_in_dim3A_127 = vector.broadcast %broadcast_in_dim3A_126 : f32 to vector<16xf32>
      %broadcast_in_dim3A_128 = arith.constant 0.000000e+00 : f32
      %broadcast_in_dim3A_129 = vector.broadcast %broadcast_in_dim3A_128 : f32 to vector<16xf32>
      %broadcast_in_dim3A_130 = arith.constant 0.000000e+00 : f32
      %broadcast_in_dim3A_131 = vector.broadcast %broadcast_in_dim3A_130 : f32 to vector<16xf32>
      %add3A_132 = arith.constant 0 : i32
      %add3A_133 = vector.broadcast %add3A_132 : i32 to vector<16xi32>
      %add3A_134 = arith.addi %iota3A, %add3A_133 : vector<16xi32>
      %gather3A = tpu.vector_load_idx %arg10[%add3A_124, %add3A_134] : memref<624x64xf32, #tpu.memory_space<vmem>>[vector<16xi32>, vector<16xi32>], vector<16xf32>,
      %get3A_135 = arith.constant 0 : index
      %get3A_136 = tpu.vector_load %arg12[%get3A_135] {strides = array<i32>} : memref<80xf32, #tpu.memory_space<vmem>>, vector<16xf32>,
      %mul3A_137 = arith.mulf %get3A_136, %gather3A : vector<16xf32>
      %add3A_138 = arith.addf %broadcast_in_dim3A_125, %mul3A_137 : vector<16xf32>
      %add3A_139 = arith.constant 1 : i32
      %add3A_140 = vector.broadcast %add3A_139 : i32 to vector<16xi32>
      %add3A_141 = arith.addi %iota3A, %add3A_140 : vector<16xi32>
      %gather3A_142 = tpu.vector_load_idx %arg10[%add3A_124, %add3A_141] : memref<624x64xf32, #tpu.memory_space<vmem>>[vector<16xi32>, vector<16xi32>], vector<16xf32>,
      %get3A_143 = arith.constant 1 : index
      %get3A_144 = tpu.vector_load %arg12[%get3A_143] {strides = array<i32>} : memref<80xf32, #tpu.memory_space<vmem>>, vector<16xf32>,
      %mul3A_145 = arith.mulf %get3A_144, %gather3A_142 : vector<16xf32>
      %add3A_146 = arith.addf %broadcast_in_dim3A_127, %mul3A_145 : vector<16xf32>
      %add3A_147 = arith.constant 2 : i32
      %add3A_148 = vector.broadcast %add3A_147 : i32 to vector<16xi32>
      %add3A_149 = arith.addi %iota3A, %add3A_148 : vector<16xi32>
      %gather3A_150 = tpu.vector_load_idx %arg10[%add3A_124, %add3A_149] : memref<624x64xf32, #tpu.memory_space<vmem>>[vector<16xi32>, vector<16xi32>], vector<16xf32>,
      %get3A_151 = arith.constant 2 : index
      %get3A_152 = tpu.vector_load %arg12[%get3A_151] {strides = array<i32>} : memref<80xf32, #tpu.memory_space<vmem>>, vector<16xf32>,
      %mul3A_153 = arith.mulf %get3A_152, %gather3A_150 : vector<16xf32>
      %add3A_154 = arith.addf %broadcast_in_dim3A_129, %mul3A_153 : vector<16xf32>
      %add3A_155 = arith.constant 3 : i32
      %add3A_156 = vector.broadcast %add3A_155 : i32 to vector<16xi32>
      %add3A_157 = arith.addi %iota3A, %add3A_156 : vector<16xi32>
      %gather3A_158 = tpu.vector_load_idx %arg10[%add3A_124, %add3A_157] : memref<624x64xf32, #tpu.memory_space<vmem>>[vector<16xi32>, vector<16xi32>], vector<16xf32>,
      %get3A_159 = arith.constant 3 : index
      %get3A_160 = tpu.vector_load %arg12[%get3A_159] {strides = array<i32>} : memref<80xf32, #tpu.memory_space<vmem>>, vector<16xf32>,
      %mul3A_161 = arith.mulf %get3A_160, %gather3A_158 : vector<16xf32>
      %add3A_162 = arith.addf %broadcast_in_dim3A_131, %mul3A_161 : vector<16xf32>
      %add3A_163 = arith.constant 4 : i32
      %add3A_164 = vector.broadcast %add3A_163 : i32 to vector<16xi32>
      %add3A_165 = arith.addi %iota3A, %add3A_164 : vector<16xi32>
      %gather3A_166 = tpu.vector_load_idx %arg10[%add3A_124, %add3A_165] : memref<624x64xf32, #tpu.memory_space<vmem>>[vector<16xi32>, vector<16xi32>], vector<16xf32>,
      %get3A_167 = arith.constant 4 : index
      %get3A_168 = tpu.vector_load %arg12[%get3A_167] {strides = array<i32>} : memref<80xf32, #tpu.memory_space<vmem>>, vector<16xf32>,
      %mul3A_169 = arith.mulf %get3A_168, %gather3A_166 : vector<16xf32>
      %add3A_170 = arith.addf %add3A_138, %mul3A_169 : vector<16xf32>
      %add3A_171 = arith.constant 5 : i32
      %add3A_172 = vector.broadcast %add3A_171 : i32 to vector<16xi32>
      %add3A_173 = arith.addi %iota3A, %add3A_172 : vector<16xi32>
      %gather3A_174 = tpu.vector_load_idx %arg10[%add3A_124, %add3A_173] : memref<624x64xf32, #tpu.memory_space<vmem>>[vector<16xi32>, vector<16xi32>], vector<16xf32>,
      %get3A_175 = arith.constant 5 : index
      %get3A_176 = tpu.vector_load %arg12[%get3A_175] {strides = array<i32>} : memref<80xf32, #tpu.memory_space<vmem>>, vector<16xf32>,
      %mul3A_177 = arith.mulf %get3A_176, %gather3A_174 : vector<16xf32>
      %add3A_178 = arith.addf %add3A_146, %mul3A_177 : vector<16xf32>
      %add3A_179 = arith.constant 6 : i32
      %add3A_180 = vector.broadcast %add3A_179 : i32 to vector<16xi32>
      %add3A_181 = arith.addi %iota3A, %add3A_180 : vector<16xi32>
      %gather3A_182 = tpu.vector_load_idx %arg10[%add3A_124, %add3A_181] : memref<624x64xf32, #tpu.memory_space<vmem>>[vector<16xi32>, vector<16xi32>], vector<16xf32>,
      %get3A_183 = arith.constant 6 : index
      %get3A_184 = tpu.vector_load %arg12[%get3A_183] {strides = array<i32>} : memref<80xf32, #tpu.memory_space<vmem>>, vector<16xf32>,
      %mul3A_185 = arith.mulf %get3A_184, %gather3A_182 : vector<16xf32>
      %add3A_186 = arith.addf %add3A_154, %mul3A_185 : vector<16xf32>
      %add3A_187 = arith.constant 7 : i32
      %add3A_188 = vector.broadcast %add3A_187 : i32 to vector<16xi32>
      %add3A_189 = arith.addi %iota3A, %add3A_188 : vector<16xi32>
      %gather3A_190 = tpu.vector_load_idx %arg10[%add3A_124, %add3A_189] : memref<624x64xf32, #tpu.memory_space<vmem>>[vector<16xi32>, vector<16xi32>], vector<16xf32>,
      %get3A_191 = arith.constant 7 : index
      %get3A_192 = tpu.vector_load %arg12[%get3A_191] {strides = array<i32>} : memref<80xf32, #tpu.memory_space<vmem>>, vector<16xf32>,
      %mul3A_193 = arith.mulf %get3A_192, %gather3A_190 : vector<16xf32>
      %add3A_194 = arith.addf %add3A_162, %mul3A_193 : vector<16xf32>
      %add3A_195 = arith.constant 8 : i32
      %add3A_196 = vector.broadcast %add3A_195 : i32 to vector<16xi32>
      %add3A_197 = arith.addi %iota3A, %add3A_196 : vector<16xi32>
      %gather3A_198 = tpu.vector_load_idx %arg10[%add3A_124, %add3A_197] : memref<624x64xf32, #tpu.memory_space<vmem>>[vector<16xi32>, vector<16xi32>], vector<16xf32>,
      %get3A_199 = arith.constant 8 : index
      %get3A_200 = tpu.vector_load %arg12[%get3A_199] {strides = array<i32>} : memref<80xf32, #tpu.memory_space<vmem>>, vector<16xf32>,
      %mul3A_201 = arith.mulf %get3A_200, %gather3A_198 : vector<16xf32>
      %add3A_202 = arith.addf %add3A_170, %mul3A_201 : vector<16xf32>
      %add3A_203 = arith.constant 9 : i32
      %add3A_204 = vector.broadcast %add3A_203 : i32 to vector<16xi32>
      %add3A_205 = arith.addi %iota3A, %add3A_204 : vector<16xi32>
      %gather3A_206 = tpu.vector_load_idx %arg10[%add3A_124, %add3A_205] : memref<624x64xf32, #tpu.memory_space<vmem>>[vector<16xi32>, vector<16xi32>], vector<16xf32>,
      %get3A_207 = arith.constant 9 : index
      %get3A_208 = tpu.vector_load %arg12[%get3A_207] {strides = array<i32>} : memref<80xf32, #tpu.memory_space<vmem>>, vector<16xf32>,
      %mul3A_209 = arith.mulf %get3A_208, %gather3A_206 : vector<16xf32>
      %add3A_210 = arith.addf %add3A_178, %mul3A_209 : vector<16xf32>
      %add3A_211 = arith.constant 10 : i32
      %add3A_212 = vector.broadcast %add3A_211 : i32 to vector<16xi32>
      %add3A_213 = arith.addi %iota3A, %add3A_212 : vector<16xi32>
      %gather3A_214 = tpu.vector_load_idx %arg10[%add3A_124, %add3A_213] : memref<624x64xf32, #tpu.memory_space<vmem>>[vector<16xi32>, vector<16xi32>], vector<16xf32>,
      %get3A_215 = arith.constant 10 : index
      %get3A_216 = tpu.vector_load %arg12[%get3A_215] {strides = array<i32>} : memref<80xf32, #tpu.memory_space<vmem>>, vector<16xf32>,
      %mul3A_217 = arith.mulf %get3A_216, %gather3A_214 : vector<16xf32>
      %add3A_218 = arith.addf %add3A_186, %mul3A_217 : vector<16xf32>
      %add3A_219 = arith.constant 11 : i32
      %add3A_220 = vector.broadcast %add3A_219 : i32 to vector<16xi32>
      %add3A_221 = arith.addi %iota3A, %add3A_220 : vector<16xi32>
      %gather3A_222 = tpu.vector_load_idx %arg10[%add3A_124, %add3A_221] : memref<624x64xf32, #tpu.memory_space<vmem>>[vector<16xi32>, vector<16xi32>], vector<16xf32>,
      %get3A_223 = arith.constant 11 : index
      %get3A_224 = tpu.vector_load %arg12[%get3A_223] {strides = array<i32>} : memref<80xf32, #tpu.memory_space<vmem>>, vector<16xf32>,
      %mul3A_225 = arith.mulf %get3A_224, %gather3A_222 : vector<16xf32>
      %add3A_226 = arith.addf %add3A_194, %mul3A_225 : vector<16xf32>
      %add3A_227 = arith.constant 12 : i32
      %add3A_228 = vector.broadcast %add3A_227 : i32 to vector<16xi32>
      %add3A_229 = arith.addi %iota3A, %add3A_228 : vector<16xi32>
      %gather3A_230 = tpu.vector_load_idx %arg10[%add3A_124, %add3A_229] : memref<624x64xf32, #tpu.memory_space<vmem>>[vector<16xi32>, vector<16xi32>], vector<16xf32>,
      %get3A_231 = arith.constant 12 : index
      %get3A_232 = tpu.vector_load %arg12[%get3A_231] {strides = array<i32>} : memref<80xf32, #tpu.memory_space<vmem>>, vector<16xf32>,
      %mul3A_233 = arith.mulf %get3A_232, %gather3A_230 : vector<16xf32>
      %add3A_234 = arith.addf %add3A_202, %mul3A_233 : vector<16xf32>
      %add3A_235 = arith.constant 13 : i32
      %add3A_236 = vector.broadcast %add3A_235 : i32 to vector<16xi32>
      %add3A_237 = arith.addi %iota3A, %add3A_236 : vector<16xi32>
      %gather3A_238 = tpu.vector_load_idx %arg10[%add3A_124, %add3A_237] : memref<624x64xf32, #tpu.memory_space<vmem>>[vector<16xi32>, vector<16xi32>], vector<16xf32>,
      %get3A_239 = arith.constant 13 : index
      %get3A_240 = tpu.vector_load %arg12[%get3A_239] {strides = array<i32>} : memref<80xf32, #tpu.memory_space<vmem>>, vector<16xf32>,
      %mul3A_241 = arith.mulf %get3A_240, %gather3A_238 : vector<16xf32>
      %add3A_242 = arith.addf %add3A_210, %mul3A_241 : vector<16xf32>
      %add3A_243 = arith.constant 14 : i32
      %add3A_244 = vector.broadcast %add3A_243 : i32 to vector<16xi32>
      %add3A_245 = arith.addi %iota3A, %add3A_244 : vector<16xi32>
      %gather3A_246 = tpu.vector_load_idx %arg10[%add3A_124, %add3A_245] : memref<624x64xf32, #tpu.memory_space<vmem>>[vector<16xi32>, vector<16xi32>], vector<16xf32>,
      %get3A_247 = arith.constant 14 : index
      %get3A_248 = tpu.vector_load %arg12[%get3A_247] {strides = array<i32>} : memref<80xf32, #tpu.memory_space<vmem>>, vector<16xf32>,
      %mul3A_249 = arith.mulf %get3A_248, %gather3A_246 : vector<16xf32>
      %add3A_250 = arith.addf %add3A_218, %mul3A_249 : vector<16xf32>
      %add3A_251 = arith.constant 15 : i32
      %add3A_252 = vector.broadcast %add3A_251 : i32 to vector<16xi32>
      %add3A_253 = arith.addi %iota3A, %add3A_252 : vector<16xi32>
      %gather3A_254 = tpu.vector_load_idx %arg10[%add3A_124, %add3A_253] : memref<624x64xf32, #tpu.memory_space<vmem>>[vector<16xi32>, vector<16xi32>], vector<16xf32>,
      %get3A_255 = arith.constant 15 : index
      %get3A_256 = tpu.vector_load %arg12[%get3A_255] {strides = array<i32>} : memref<80xf32, #tpu.memory_space<vmem>>, vector<16xf32>,
      %mul3A_257 = arith.mulf %get3A_256, %gather3A_254 : vector<16xf32>
      %add3A_258 = arith.addf %add3A_226, %mul3A_257 : vector<16xf32>
      %add3A_259 = arith.constant 16 : i32
      %add3A_260 = vector.broadcast %add3A_259 : i32 to vector<16xi32>
      %add3A_261 = arith.addi %iota3A, %add3A_260 : vector<16xi32>
      %gather3A_262 = tpu.vector_load_idx %arg10[%add3A_124, %add3A_261] : memref<624x64xf32, #tpu.memory_space<vmem>>[vector<16xi32>, vector<16xi32>], vector<16xf32>,
      %get3A_263 = arith.constant 16 : index
      %get3A_264 = tpu.vector_load %arg12[%get3A_263] {strides = array<i32>} : memref<80xf32, #tpu.memory_space<vmem>>, vector<16xf32>,
      %mul3A_265 = arith.mulf %get3A_264, %gather3A_262 : vector<16xf32>
      %add3A_266 = arith.addf %add3A_234, %mul3A_265 : vector<16xf32>
      %add3A_267 = arith.constant 17 : i32
      %add3A_268 = vector.broadcast %add3A_267 : i32 to vector<16xi32>
      %add3A_269 = arith.addi %iota3A, %add3A_268 : vector<16xi32>
      %gather3A_270 = tpu.vector_load_idx %arg10[%add3A_124, %add3A_269] : memref<624x64xf32, #tpu.memory_space<vmem>>[vector<16xi32>, vector<16xi32>], vector<16xf32>,
      %get3A_271 = arith.constant 17 : index
      %get3A_272 = tpu.vector_load %arg12[%get3A_271] {strides = array<i32>} : memref<80xf32, #tpu.memory_space<vmem>>, vector<16xf32>,
      %mul3A_273 = arith.mulf %get3A_272, %gather3A_270 : vector<16xf32>
      %add3A_274 = arith.addf %add3A_242, %mul3A_273 : vector<16xf32>
      %add3A_275 = arith.constant 18 : i32
      %add3A_276 = vector.broadcast %add3A_275 : i32 to vector<16xi32>
      %add3A_277 = arith.addi %iota3A, %add3A_276 : vector<16xi32>
      %gather3A_278 = tpu.vector_load_idx %arg10[%add3A_124, %add3A_277] : memref<624x64xf32, #tpu.memory_space<vmem>>[vector<16xi32>, vector<16xi32>], vector<16xf32>,
      %get3A_279 = arith.constant 18 : index
      %get3A_280 = tpu.vector_load %arg12[%get3A_279] {strides = array<i32>} : memref<80xf32, #tpu.memory_space<vmem>>, vector<16xf32>,
      %mul3A_281 = arith.mulf %get3A_280, %gather3A_278 : vector<16xf32>
      %add3A_282 = arith.addf %add3A_250, %mul3A_281 : vector<16xf32>
      %add3A_283 = arith.constant 19 : i32
      %add3A_284 = vector.broadcast %add3A_283 : i32 to vector<16xi32>
      %add3A_285 = arith.addi %iota3A, %add3A_284 : vector<16xi32>
      %gather3A_286 = tpu.vector_load_idx %arg10[%add3A_124, %add3A_285] : memref<624x64xf32, #tpu.memory_space<vmem>>[vector<16xi32>, vector<16xi32>], vector<16xf32>,
      %get3A_287 = arith.constant 19 : index
      %get3A_288 = tpu.vector_load %arg12[%get3A_287] {strides = array<i32>} : memref<80xf32, #tpu.memory_space<vmem>>, vector<16xf32>,
      %mul3A_289 = arith.mulf %get3A_288, %gather3A_286 : vector<16xf32>
      %add3A_290 = arith.addf %add3A_258, %mul3A_289 : vector<16xf32>
      %add3A_291 = arith.constant 20 : i32
      %add3A_292 = vector.broadcast %add3A_291 : i32 to vector<16xi32>
      %add3A_293 = arith.addi %iota3A, %add3A_292 : vector<16xi32>
      %gather3A_294 = tpu.vector_load_idx %arg10[%add3A_124, %add3A_293] : memref<624x64xf32, #tpu.memory_space<vmem>>[vector<16xi32>, vector<16xi32>], vector<16xf32>,
      %get3A_295 = arith.constant 20 : index
      %get3A_296 = tpu.vector_load %arg12[%get3A_295] {strides = array<i32>} : memref<80xf32, #tpu.memory_space<vmem>>, vector<16xf32>,
      %mul3A_297 = arith.mulf %get3A_296, %gather3A_294 : vector<16xf32>
      %add3A_298 = arith.addf %add3A_266, %mul3A_297 : vector<16xf32>
      %add3A_299 = arith.constant 21 : i32
      %add3A_300 = vector.broadcast %add3A_299 : i32 to vector<16xi32>
      %add3A_301 = arith.addi %iota3A, %add3A_300 : vector<16xi32>
      %gather3A_302 = tpu.vector_load_idx %arg10[%add3A_124, %add3A_301] : memref<624x64xf32, #tpu.memory_space<vmem>>[vector<16xi32>, vector<16xi32>], vector<16xf32>,
      %get3A_303 = arith.constant 21 : index
      %get3A_304 = tpu.vector_load %arg12[%get3A_303] {strides = array<i32>} : memref<80xf32, #tpu.memory_space<vmem>>, vector<16xf32>,
      %mul3A_305 = arith.mulf %get3A_304, %gather3A_302 : vector<16xf32>
      %add3A_306 = arith.addf %add3A_274, %mul3A_305 : vector<16xf32>
      %add3A_307 = arith.constant 22 : i32
      %add3A_308 = vector.broadcast %add3A_307 : i32 to vector<16xi32>
      %add3A_309 = arith.addi %iota3A, %add3A_308 : vector<16xi32>
      %gather3A_310 = tpu.vector_load_idx %arg10[%add3A_124, %add3A_309] : memref<624x64xf32, #tpu.memory_space<vmem>>[vector<16xi32>, vector<16xi32>], vector<16xf32>,
      %get3A_311 = arith.constant 22 : index
      %get3A_312 = tpu.vector_load %arg12[%get3A_311] {strides = array<i32>} : memref<80xf32, #tpu.memory_space<vmem>>, vector<16xf32>,
      %mul3A_313 = arith.mulf %get3A_312, %gather3A_310 : vector<16xf32>
      %add3A_314 = arith.addf %add3A_282, %mul3A_313 : vector<16xf32>
      %add3A_315 = arith.constant 23 : i32
      %add3A_316 = vector.broadcast %add3A_315 : i32 to vector<16xi32>
      %add3A_317 = arith.addi %iota3A, %add3A_316 : vector<16xi32>
      %gather3A_318 = tpu.vector_load_idx %arg10[%add3A_124, %add3A_317] : memref<624x64xf32, #tpu.memory_space<vmem>>[vector<16xi32>, vector<16xi32>], vector<16xf32>,
      %get3A_319 = arith.constant 23 : index
      %get3A_320 = tpu.vector_load %arg12[%get3A_319] {strides = array<i32>} : memref<80xf32, #tpu.memory_space<vmem>>, vector<16xf32>,
      %mul3A_321 = arith.mulf %get3A_320, %gather3A_318 : vector<16xf32>
      %add3A_322 = arith.addf %add3A_290, %mul3A_321 : vector<16xf32>
      %add3A_323 = arith.constant 24 : i32
      %add3A_324 = vector.broadcast %add3A_323 : i32 to vector<16xi32>
      %add3A_325 = arith.addi %iota3A, %add3A_324 : vector<16xi32>
      %gather3A_326 = tpu.vector_load_idx %arg10[%add3A_124, %add3A_325] : memref<624x64xf32, #tpu.memory_space<vmem>>[vector<16xi32>, vector<16xi32>], vector<16xf32>,
      %get3A_327 = arith.constant 24 : index
      %get3A_328 = tpu.vector_load %arg12[%get3A_327] {strides = array<i32>} : memref<80xf32, #tpu.memory_space<vmem>>, vector<16xf32>,
      %mul3A_329 = arith.mulf %get3A_328, %gather3A_326 : vector<16xf32>
      %add3A_330 = arith.addf %add3A_298, %mul3A_329 : vector<16xf32>
      %add3A_331 = arith.constant 25 : i32
      %add3A_332 = vector.broadcast %add3A_331 : i32 to vector<16xi32>
      %add3A_333 = arith.addi %iota3A, %add3A_332 : vector<16xi32>
      %gather3A_334 = tpu.vector_load_idx %arg10[%add3A_124, %add3A_333] : memref<624x64xf32, #tpu.memory_space<vmem>>[vector<16xi32>, vector<16xi32>], vector<16xf32>,
      %get3A_335 = arith.constant 25 : index
      %get3A_336 = tpu.vector_load %arg12[%get3A_335] {strides = array<i32>} : memref<80xf32, #tpu.memory_space<vmem>>, vector<16xf32>,
      %mul3A_337 = arith.mulf %get3A_336, %gather3A_334 : vector<16xf32>
      %add3A_338 = arith.addf %add3A_306, %mul3A_337 : vector<16xf32>
      %add3A_339 = arith.constant 26 : i32
      %add3A_340 = vector.broadcast %add3A_339 : i32 to vector<16xi32>
      %add3A_341 = arith.addi %iota3A, %add3A_340 : vector<16xi32>
      %gather3A_342 = tpu.vector_load_idx %arg10[%add3A_124, %add3A_341] : memref<624x64xf32, #tpu.memory_space<vmem>>[vector<16xi32>, vector<16xi32>], vector<16xf32>,
      %get3A_343 = arith.constant 26 : index
      %get3A_344 = tpu.vector_load %arg12[%get3A_343] {strides = array<i32>} : memref<80xf32, #tpu.memory_space<vmem>>, vector<16xf32>,
      %mul3A_345 = arith.mulf %get3A_344, %gather3A_342 : vector<16xf32>
      %add3A_346 = arith.addf %add3A_314, %mul3A_345 : vector<16xf32>
      %add3A_347 = arith.constant 27 : i32
      %add3A_348 = vector.broadcast %add3A_347 : i32 to vector<16xi32>
      %add3A_349 = arith.addi %iota3A, %add3A_348 : vector<16xi32>
      %gather3A_350 = tpu.vector_load_idx %arg10[%add3A_124, %add3A_349] : memref<624x64xf32, #tpu.memory_space<vmem>>[vector<16xi32>, vector<16xi32>], vector<16xf32>,
      %get3A_351 = arith.constant 27 : index
      %get3A_352 = tpu.vector_load %arg12[%get3A_351] {strides = array<i32>} : memref<80xf32, #tpu.memory_space<vmem>>, vector<16xf32>,
      %mul3A_353 = arith.mulf %get3A_352, %gather3A_350 : vector<16xf32>
      %add3A_354 = arith.addf %add3A_322, %mul3A_353 : vector<16xf32>
      %add3A_355 = arith.constant 28 : i32
      %add3A_356 = vector.broadcast %add3A_355 : i32 to vector<16xi32>
      %add3A_357 = arith.addi %iota3A, %add3A_356 : vector<16xi32>
      %gather3A_358 = tpu.vector_load_idx %arg10[%add3A_124, %add3A_357] : memref<624x64xf32, #tpu.memory_space<vmem>>[vector<16xi32>, vector<16xi32>], vector<16xf32>,
      %get3A_359 = arith.constant 28 : index
      %get3A_360 = tpu.vector_load %arg12[%get3A_359] {strides = array<i32>} : memref<80xf32, #tpu.memory_space<vmem>>, vector<16xf32>,
      %mul3A_361 = arith.mulf %get3A_360, %gather3A_358 : vector<16xf32>
      %add3A_362 = arith.addf %add3A_330, %mul3A_361 : vector<16xf32>
      %add3A_363 = arith.constant 29 : i32
      %add3A_364 = vector.broadcast %add3A_363 : i32 to vector<16xi32>
      %add3A_365 = arith.addi %iota3A, %add3A_364 : vector<16xi32>
      %gather3A_366 = tpu.vector_load_idx %arg10[%add3A_124, %add3A_365] : memref<624x64xf32, #tpu.memory_space<vmem>>[vector<16xi32>, vector<16xi32>], vector<16xf32>,
      %get3A_367 = arith.constant 29 : index
      %get3A_368 = tpu.vector_load %arg12[%get3A_367] {strides = array<i32>} : memref<80xf32, #tpu.memory_space<vmem>>, vector<16xf32>,
      %mul3A_369 = arith.mulf %get3A_368, %gather3A_366 : vector<16xf32>
      %add3A_370 = arith.addf %add3A_338, %mul3A_369 : vector<16xf32>
      %add3A_371 = arith.constant 30 : i32
      %add3A_372 = vector.broadcast %add3A_371 : i32 to vector<16xi32>
      %add3A_373 = arith.addi %iota3A, %add3A_372 : vector<16xi32>
      %gather3A_374 = tpu.vector_load_idx %arg10[%add3A_124, %add3A_373] : memref<624x64xf32, #tpu.memory_space<vmem>>[vector<16xi32>, vector<16xi32>], vector<16xf32>,
      %get3A_375 = arith.constant 30 : index
      %get3A_376 = tpu.vector_load %arg12[%get3A_375] {strides = array<i32>} : memref<80xf32, #tpu.memory_space<vmem>>, vector<16xf32>,
      %mul3A_377 = arith.mulf %get3A_376, %gather3A_374 : vector<16xf32>
      %add3A_378 = arith.addf %add3A_346, %mul3A_377 : vector<16xf32>
      %add3A_379 = arith.constant 31 : i32
      %add3A_380 = vector.broadcast %add3A_379 : i32 to vector<16xi32>
      %add3A_381 = arith.addi %iota3A, %add3A_380 : vector<16xi32>
      %gather3A_382 = tpu.vector_load_idx %arg10[%add3A_124, %add3A_381] : memref<624x64xf32, #tpu.memory_space<vmem>>[vector<16xi32>, vector<16xi32>], vector<16xf32>,
      %get3A_383 = arith.constant 31 : index
      %get3A_384 = tpu.vector_load %arg12[%get3A_383] {strides = array<i32>} : memref<80xf32, #tpu.memory_space<vmem>>, vector<16xf32>,
      %mul3A_385 = arith.mulf %get3A_384, %gather3A_382 : vector<16xf32>
      %add3A_386 = arith.addf %add3A_354, %mul3A_385 : vector<16xf32>
      %add3A_387 = arith.constant 32 : i32
      %add3A_388 = vector.broadcast %add3A_387 : i32 to vector<16xi32>
      %add3A_389 = arith.addi %iota3A, %add3A_388 : vector<16xi32>
      %gather3A_390 = tpu.vector_load_idx %arg10[%add3A_124, %add3A_389] : memref<624x64xf32, #tpu.memory_space<vmem>>[vector<16xi32>, vector<16xi32>], vector<16xf32>,
      %get3A_391 = arith.constant 32 : index
      %get3A_392 = tpu.vector_load %arg12[%get3A_391] {strides = array<i32>} : memref<80xf32, #tpu.memory_space<vmem>>, vector<16xf32>,
      %mul3A_393 = arith.mulf %get3A_392, %gather3A_390 : vector<16xf32>
      %add3A_394 = arith.addf %add3A_362, %mul3A_393 : vector<16xf32>
      %add3A_395 = arith.constant 33 : i32
      %add3A_396 = vector.broadcast %add3A_395 : i32 to vector<16xi32>
      %add3A_397 = arith.addi %iota3A, %add3A_396 : vector<16xi32>
      %gather3A_398 = tpu.vector_load_idx %arg10[%add3A_124, %add3A_397] : memref<624x64xf32, #tpu.memory_space<vmem>>[vector<16xi32>, vector<16xi32>], vector<16xf32>,
      %get3A_399 = arith.constant 33 : index
      %get3A_400 = tpu.vector_load %arg12[%get3A_399] {strides = array<i32>} : memref<80xf32, #tpu.memory_space<vmem>>, vector<16xf32>,
      %mul3A_401 = arith.mulf %get3A_400, %gather3A_398 : vector<16xf32>
      %add3A_402 = arith.addf %add3A_370, %mul3A_401 : vector<16xf32>
      %add3A_403 = arith.constant 34 : i32
      %add3A_404 = vector.broadcast %add3A_403 : i32 to vector<16xi32>
      %add3A_405 = arith.addi %iota3A, %add3A_404 : vector<16xi32>
      %gather3A_406 = tpu.vector_load_idx %arg10[%add3A_124, %add3A_405] : memref<624x64xf32, #tpu.memory_space<vmem>>[vector<16xi32>, vector<16xi32>], vector<16xf32>,
      %get3A_407 = arith.constant 34 : index
      %get3A_408 = tpu.vector_load %arg12[%get3A_407] {strides = array<i32>} : memref<80xf32, #tpu.memory_space<vmem>>, vector<16xf32>,
      %mul3A_409 = arith.mulf %get3A_408, %gather3A_406 : vector<16xf32>
      %add3A_410 = arith.addf %add3A_378, %mul3A_409 : vector<16xf32>
      %add3A_411 = arith.constant 35 : i32
      %add3A_412 = vector.broadcast %add3A_411 : i32 to vector<16xi32>
      %add3A_413 = arith.addi %iota3A, %add3A_412 : vector<16xi32>
      %gather3A_414 = tpu.vector_load_idx %arg10[%add3A_124, %add3A_413] : memref<624x64xf32, #tpu.memory_space<vmem>>[vector<16xi32>, vector<16xi32>], vector<16xf32>,
      %get3A_415 = arith.constant 35 : index
      %get3A_416 = tpu.vector_load %arg12[%get3A_415] {strides = array<i32>} : memref<80xf32, #tpu.memory_space<vmem>>, vector<16xf32>,
      %mul3A_417 = arith.mulf %get3A_416, %gather3A_414 : vector<16xf32>
      %add3A_418 = arith.addf %add3A_386, %mul3A_417 : vector<16xf32>
      %add3A_419 = arith.constant 36 : i32
      %add3A_420 = vector.broadcast %add3A_419 : i32 to vector<16xi32>
      %add3A_421 = arith.addi %iota3A, %add3A_420 : vector<16xi32>
      %gather3A_422 = tpu.vector_load_idx %arg10[%add3A_124, %add3A_421] : memref<624x64xf32, #tpu.memory_space<vmem>>[vector<16xi32>, vector<16xi32>], vector<16xf32>,
      %get3A_423 = arith.constant 36 : index
      %get3A_424 = tpu.vector_load %arg12[%get3A_423] {strides = array<i32>} : memref<80xf32, #tpu.memory_space<vmem>>, vector<16xf32>,
      %mul3A_425 = arith.mulf %get3A_424, %gather3A_422 : vector<16xf32>
      %add3A_426 = arith.addf %add3A_394, %mul3A_425 : vector<16xf32>
      %add3A_427 = arith.constant 37 : i32
      %add3A_428 = vector.broadcast %add3A_427 : i32 to vector<16xi32>
      %add3A_429 = arith.addi %iota3A, %add3A_428 : vector<16xi32>
      %gather3A_430 = tpu.vector_load_idx %arg10[%add3A_124, %add3A_429] : memref<624x64xf32, #tpu.memory_space<vmem>>[vector<16xi32>, vector<16xi32>], vector<16xf32>,
      %get3A_431 = arith.constant 37 : index
      %get3A_432 = tpu.vector_load %arg12[%get3A_431] {strides = array<i32>} : memref<80xf32, #tpu.memory_space<vmem>>, vector<16xf32>,
      %mul3A_433 = arith.mulf %get3A_432, %gather3A_430 : vector<16xf32>
      %add3A_434 = arith.addf %add3A_402, %mul3A_433 : vector<16xf32>
      %add3A_435 = arith.constant 38 : i32
      %add3A_436 = vector.broadcast %add3A_435 : i32 to vector<16xi32>
      %add3A_437 = arith.addi %iota3A, %add3A_436 : vector<16xi32>
      %gather3A_438 = tpu.vector_load_idx %arg10[%add3A_124, %add3A_437] : memref<624x64xf32, #tpu.memory_space<vmem>>[vector<16xi32>, vector<16xi32>], vector<16xf32>,
      %get3A_439 = arith.constant 38 : index
      %get3A_440 = tpu.vector_load %arg12[%get3A_439] {strides = array<i32>} : memref<80xf32, #tpu.memory_space<vmem>>, vector<16xf32>,
      %mul3A_441 = arith.mulf %get3A_440, %gather3A_438 : vector<16xf32>
      %add3A_442 = arith.addf %add3A_410, %mul3A_441 : vector<16xf32>
      %add3A_443 = arith.constant 39 : i32
      %add3A_444 = vector.broadcast %add3A_443 : i32 to vector<16xi32>
      %add3A_445 = arith.addi %iota3A, %add3A_444 : vector<16xi32>
      %gather3A_446 = tpu.vector_load_idx %arg10[%add3A_124, %add3A_445] : memref<624x64xf32, #tpu.memory_space<vmem>>[vector<16xi32>, vector<16xi32>], vector<16xf32>,
      %get3A_447 = arith.constant 39 : index
      %get3A_448 = tpu.vector_load %arg12[%get3A_447] {strides = array<i32>} : memref<80xf32, #tpu.memory_space<vmem>>, vector<16xf32>,
      %mul3A_449 = arith.mulf %get3A_448, %gather3A_446 : vector<16xf32>
      %add3A_450 = arith.addf %add3A_418, %mul3A_449 : vector<16xf32>
      %add3A_451 = arith.constant 40 : i32
      %add3A_452 = vector.broadcast %add3A_451 : i32 to vector<16xi32>
      %add3A_453 = arith.addi %iota3A, %add3A_452 : vector<16xi32>
      %gather3A_454 = tpu.vector_load_idx %arg10[%add3A_124, %add3A_453] : memref<624x64xf32, #tpu.memory_space<vmem>>[vector<16xi32>, vector<16xi32>], vector<16xf32>,
      %get3A_455 = arith.constant 40 : index
      %get3A_456 = tpu.vector_load %arg12[%get3A_455] {strides = array<i32>} : memref<80xf32, #tpu.memory_space<vmem>>, vector<16xf32>,
      %mul3A_457 = arith.mulf %get3A_456, %gather3A_454 : vector<16xf32>
      %add3A_458 = arith.addf %add3A_426, %mul3A_457 : vector<16xf32>
      %add3A_459 = arith.constant 41 : i32
      %add3A_460 = vector.broadcast %add3A_459 : i32 to vector<16xi32>
      %add3A_461 = arith.addi %iota3A, %add3A_460 : vector<16xi32>
      %gather3A_462 = tpu.vector_load_idx %arg10[%add3A_124, %add3A_461] : memref<624x64xf32, #tpu.memory_space<vmem>>[vector<16xi32>, vector<16xi32>], vector<16xf32>,
      %get3A_463 = arith.constant 41 : index
      %get3A_464 = tpu.vector_load %arg12[%get3A_463] {strides = array<i32>} : memref<80xf32, #tpu.memory_space<vmem>>, vector<16xf32>,
      %mul3A_465 = arith.mulf %get3A_464, %gather3A_462 : vector<16xf32>
      %add3A_466 = arith.addf %add3A_434, %mul3A_465 : vector<16xf32>
      %add3A_467 = arith.constant 42 : i32
      %add3A_468 = vector.broadcast %add3A_467 : i32 to vector<16xi32>
      %add3A_469 = arith.addi %iota3A, %add3A_468 : vector<16xi32>
      %gather3A_470 = tpu.vector_load_idx %arg10[%add3A_124, %add3A_469] : memref<624x64xf32, #tpu.memory_space<vmem>>[vector<16xi32>, vector<16xi32>], vector<16xf32>,
      %get3A_471 = arith.constant 42 : index
      %get3A_472 = tpu.vector_load %arg12[%get3A_471] {strides = array<i32>} : memref<80xf32, #tpu.memory_space<vmem>>, vector<16xf32>,
      %mul3A_473 = arith.mulf %get3A_472, %gather3A_470 : vector<16xf32>
      %add3A_474 = arith.addf %add3A_442, %mul3A_473 : vector<16xf32>
      %add3A_475 = arith.constant 43 : i32
      %add3A_476 = vector.broadcast %add3A_475 : i32 to vector<16xi32>
      %add3A_477 = arith.addi %iota3A, %add3A_476 : vector<16xi32>
      %gather3A_478 = tpu.vector_load_idx %arg10[%add3A_124, %add3A_477] : memref<624x64xf32, #tpu.memory_space<vmem>>[vector<16xi32>, vector<16xi32>], vector<16xf32>,
      %get3A_479 = arith.constant 43 : index
      %get3A_480 = tpu.vector_load %arg12[%get3A_479] {strides = array<i32>} : memref<80xf32, #tpu.memory_space<vmem>>, vector<16xf32>,
      %mul3A_481 = arith.mulf %get3A_480, %gather3A_478 : vector<16xf32>
      %add3A_482 = arith.addf %add3A_450, %mul3A_481 : vector<16xf32>
      %add3A_483 = arith.constant 44 : i32
      %add3A_484 = vector.broadcast %add3A_483 : i32 to vector<16xi32>
      %add3A_485 = arith.addi %iota3A, %add3A_484 : vector<16xi32>
      %gather3A_486 = tpu.vector_load_idx %arg10[%add3A_124, %add3A_485] : memref<624x64xf32, #tpu.memory_space<vmem>>[vector<16xi32>, vector<16xi32>], vector<16xf32>,
      %get3A_487 = arith.constant 44 : index
      %get3A_488 = tpu.vector_load %arg12[%get3A_487] {strides = array<i32>} : memref<80xf32, #tpu.memory_space<vmem>>, vector<16xf32>,
      %mul3A_489 = arith.mulf %get3A_488, %gather3A_486 : vector<16xf32>
      %add3A_490 = arith.addf %add3A_458, %mul3A_489 : vector<16xf32>
      %add3A_491 = arith.constant 45 : i32
      %add3A_492 = vector.broadcast %add3A_491 : i32 to vector<16xi32>
      %add3A_493 = arith.addi %iota3A, %add3A_492 : vector<16xi32>
      %gather3A_494 = tpu.vector_load_idx %arg10[%add3A_124, %add3A_493] : memref<624x64xf32, #tpu.memory_space<vmem>>[vector<16xi32>, vector<16xi32>], vector<16xf32>,
      %get3A_495 = arith.constant 45 : index
      %get3A_496 = tpu.vector_load %arg12[%get3A_495] {strides = array<i32>} : memref<80xf32, #tpu.memory_space<vmem>>, vector<16xf32>,
      %mul3A_497 = arith.mulf %get3A_496, %gather3A_494 : vector<16xf32>
      %add3A_498 = arith.addf %add3A_466, %mul3A_497 : vector<16xf32>
      %add3A_499 = arith.constant 46 : i32
      %add3A_500 = vector.broadcast %add3A_499 : i32 to vector<16xi32>
      %add3A_501 = arith.addi %iota3A, %add3A_500 : vector<16xi32>
      %gather3A_502 = tpu.vector_load_idx %arg10[%add3A_124, %add3A_501] : memref<624x64xf32, #tpu.memory_space<vmem>>[vector<16xi32>, vector<16xi32>], vector<16xf32>,
      %get3A_503 = arith.constant 46 : index
      %get3A_504 = tpu.vector_load %arg12[%get3A_503] {strides = array<i32>} : memref<80xf32, #tpu.memory_space<vmem>>, vector<16xf32>,
      %mul3A_505 = arith.mulf %get3A_504, %gather3A_502 : vector<16xf32>
      %add3A_506 = arith.addf %add3A_474, %mul3A_505 : vector<16xf32>
      %add3A_507 = arith.constant 47 : i32
      %add3A_508 = vector.broadcast %add3A_507 : i32 to vector<16xi32>
      %add3A_509 = arith.addi %iota3A, %add3A_508 : vector<16xi32>
      %gather3A_510 = tpu.vector_load_idx %arg10[%add3A_124, %add3A_509] : memref<624x64xf32, #tpu.memory_space<vmem>>[vector<16xi32>, vector<16xi32>], vector<16xf32>,
      %get3A_511 = arith.constant 47 : index
      %get3A_512 = tpu.vector_load %arg12[%get3A_511] {strides = array<i32>} : memref<80xf32, #tpu.memory_space<vmem>>, vector<16xf32>,
      %mul3A_513 = arith.mulf %get3A_512, %gather3A_510 : vector<16xf32>
      %add3A_514 = arith.addf %add3A_482, %mul3A_513 : vector<16xf32>
      %add3A_515 = arith.constant 48 : i32
      %add3A_516 = vector.broadcast %add3A_515 : i32 to vector<16xi32>
      %add3A_517 = arith.addi %iota3A, %add3A_516 : vector<16xi32>
      %gather3A_518 = tpu.vector_load_idx %arg10[%add3A_124, %add3A_517] : memref<624x64xf32, #tpu.memory_space<vmem>>[vector<16xi32>, vector<16xi32>], vector<16xf32>,
      %get3A_519 = arith.constant 48 : index
      %get3A_520 = tpu.vector_load %arg12[%get3A_519] {strides = array<i32>} : memref<80xf32, #tpu.memory_space<vmem>>, vector<16xf32>,
      %mul3A_521 = arith.mulf %get3A_520, %gather3A_518 : vector<16xf32>
      %add3A_522 = arith.addf %add3A_490, %mul3A_521 : vector<16xf32>
      %add3A_523 = arith.constant 49 : i32
      %add3A_524 = vector.broadcast %add3A_523 : i32 to vector<16xi32>
      %add3A_525 = arith.addi %iota3A, %add3A_524 : vector<16xi32>
      %and3A = arith.constant 63 : i32
      %and3A_526 = vector.broadcast %and3A : i32 to vector<16xi32>
      %and3A_527 = arith.andi %add3A_525, %and3A_526 : vector<16xi32>
      %gather3A_528 = tpu.vector_load_idx %arg10[%add3A_124, %and3A_527] : memref<624x64xf32, #tpu.memory_space<vmem>>[vector<16xi32>, vector<16xi32>], vector<16xf32>,
      %get3A_529 = arith.constant 49 : index
      %get3A_530 = tpu.vector_load %arg12[%get3A_529] {strides = array<i32>} : memref<80xf32, #tpu.memory_space<vmem>>, vector<16xf32>,
      %mul3A_531 = arith.mulf %get3A_530, %gather3A_528 : vector<16xf32>
      %add3A_532 = arith.addf %add3A_498, %mul3A_531 : vector<16xf32>
      %add3A_533 = arith.constant 50 : i32
      %add3A_534 = vector.broadcast %add3A_533 : i32 to vector<16xi32>
      %add3A_535 = arith.addi %iota3A, %add3A_534 : vector<16xi32>
      %and3A_536 = arith.constant 63 : i32
      %and3A_537 = vector.broadcast %and3A_536 : i32 to vector<16xi32>
      %and3A_538 = arith.andi %add3A_535, %and3A_537 : vector<16xi32>
      %gather3A_539 = tpu.vector_load_idx %arg10[%add3A_124, %and3A_538] : memref<624x64xf32, #tpu.memory_space<vmem>>[vector<16xi32>, vector<16xi32>], vector<16xf32>,
      %get3A_540 = arith.constant 50 : index
      %get3A_541 = tpu.vector_load %arg12[%get3A_540] {strides = array<i32>} : memref<80xf32, #tpu.memory_space<vmem>>, vector<16xf32>,
      %mul3A_542 = arith.mulf %get3A_541, %gather3A_539 : vector<16xf32>
      %add3A_543 = arith.addf %add3A_506, %mul3A_542 : vector<16xf32>
      %add3A_544 = arith.constant 51 : i32
      %add3A_545 = vector.broadcast %add3A_544 : i32 to vector<16xi32>
      %add3A_546 = arith.addi %iota3A, %add3A_545 : vector<16xi32>
      %and3A_547 = arith.constant 63 : i32
      %and3A_548 = vector.broadcast %and3A_547 : i32 to vector<16xi32>
      %and3A_549 = arith.andi %add3A_546, %and3A_548 : vector<16xi32>
      %gather3A_550 = tpu.vector_load_idx %arg10[%add3A_124, %and3A_549] : memref<624x64xf32, #tpu.memory_space<vmem>>[vector<16xi32>, vector<16xi32>], vector<16xf32>,
      %get3A_551 = arith.constant 51 : index
      %get3A_552 = tpu.vector_load %arg12[%get3A_551] {strides = array<i32>} : memref<80xf32, #tpu.memory_space<vmem>>, vector<16xf32>,
      %mul3A_553 = arith.mulf %get3A_552, %gather3A_550 : vector<16xf32>
      %add3A_554 = arith.addf %add3A_514, %mul3A_553 : vector<16xf32>
      %add3A_555 = arith.constant 52 : i32
      %add3A_556 = vector.broadcast %add3A_555 : i32 to vector<16xi32>
      %add3A_557 = arith.addi %iota3A, %add3A_556 : vector<16xi32>
      %and3A_558 = arith.constant 63 : i32
      %and3A_559 = vector.broadcast %and3A_558 : i32 to vector<16xi32>
      %and3A_560 = arith.andi %add3A_557, %and3A_559 : vector<16xi32>
      %gather3A_561 = tpu.vector_load_idx %arg10[%add3A_124, %and3A_560] : memref<624x64xf32, #tpu.memory_space<vmem>>[vector<16xi32>, vector<16xi32>], vector<16xf32>,
      %get3A_562 = arith.constant 52 : index
      %get3A_563 = tpu.vector_load %arg12[%get3A_562] {strides = array<i32>} : memref<80xf32, #tpu.memory_space<vmem>>, vector<16xf32>,
      %mul3A_564 = arith.mulf %get3A_563, %gather3A_561 : vector<16xf32>
      %add3A_565 = arith.addf %add3A_522, %mul3A_564 : vector<16xf32>
      %add3A_566 = arith.constant 53 : i32
      %add3A_567 = vector.broadcast %add3A_566 : i32 to vector<16xi32>
      %add3A_568 = arith.addi %iota3A, %add3A_567 : vector<16xi32>
      %and3A_569 = arith.constant 63 : i32
      %and3A_570 = vector.broadcast %and3A_569 : i32 to vector<16xi32>
      %and3A_571 = arith.andi %add3A_568, %and3A_570 : vector<16xi32>
      %gather3A_572 = tpu.vector_load_idx %arg10[%add3A_124, %and3A_571] : memref<624x64xf32, #tpu.memory_space<vmem>>[vector<16xi32>, vector<16xi32>], vector<16xf32>,
      %get3A_573 = arith.constant 53 : index
      %get3A_574 = tpu.vector_load %arg12[%get3A_573] {strides = array<i32>} : memref<80xf32, #tpu.memory_space<vmem>>, vector<16xf32>,
      %mul3A_575 = arith.mulf %get3A_574, %gather3A_572 : vector<16xf32>
      %add3A_576 = arith.addf %add3A_532, %mul3A_575 : vector<16xf32>
      %add3A_577 = arith.constant 54 : i32
      %add3A_578 = vector.broadcast %add3A_577 : i32 to vector<16xi32>
      %add3A_579 = arith.addi %iota3A, %add3A_578 : vector<16xi32>
      %and3A_580 = arith.constant 63 : i32
      %and3A_581 = vector.broadcast %and3A_580 : i32 to vector<16xi32>
      %and3A_582 = arith.andi %add3A_579, %and3A_581 : vector<16xi32>
      %gather3A_583 = tpu.vector_load_idx %arg10[%add3A_124, %and3A_582] : memref<624x64xf32, #tpu.memory_space<vmem>>[vector<16xi32>, vector<16xi32>], vector<16xf32>,
      %get3A_584 = arith.constant 54 : index
      %get3A_585 = tpu.vector_load %arg12[%get3A_584] {strides = array<i32>} : memref<80xf32, #tpu.memory_space<vmem>>, vector<16xf32>,
      %mul3A_586 = arith.mulf %get3A_585, %gather3A_583 : vector<16xf32>
      %add3A_587 = arith.addf %add3A_543, %mul3A_586 : vector<16xf32>
      %add3A_588 = arith.constant 55 : i32
      %add3A_589 = vector.broadcast %add3A_588 : i32 to vector<16xi32>
      %add3A_590 = arith.addi %iota3A, %add3A_589 : vector<16xi32>
      %and3A_591 = arith.constant 63 : i32
      %and3A_592 = vector.broadcast %and3A_591 : i32 to vector<16xi32>
      %and3A_593 = arith.andi %add3A_590, %and3A_592 : vector<16xi32>
      %gather3A_594 = tpu.vector_load_idx %arg10[%add3A_124, %and3A_593] : memref<624x64xf32, #tpu.memory_space<vmem>>[vector<16xi32>, vector<16xi32>], vector<16xf32>,
      %get3A_595 = arith.constant 55 : index
      %get3A_596 = tpu.vector_load %arg12[%get3A_595] {strides = array<i32>} : memref<80xf32, #tpu.memory_space<vmem>>, vector<16xf32>,
      %mul3A_597 = arith.mulf %get3A_596, %gather3A_594 : vector<16xf32>
      %add3A_598 = arith.addf %add3A_554, %mul3A_597 : vector<16xf32>
      %add3A_599 = arith.constant 56 : i32
      %add3A_600 = vector.broadcast %add3A_599 : i32 to vector<16xi32>
      %add3A_601 = arith.addi %iota3A, %add3A_600 : vector<16xi32>
      %and3A_602 = arith.constant 63 : i32
      %and3A_603 = vector.broadcast %and3A_602 : i32 to vector<16xi32>
      %and3A_604 = arith.andi %add3A_601, %and3A_603 : vector<16xi32>
      %gather3A_605 = tpu.vector_load_idx %arg10[%add3A_124, %and3A_604] : memref<624x64xf32, #tpu.memory_space<vmem>>[vector<16xi32>, vector<16xi32>], vector<16xf32>,
      %get3A_606 = arith.constant 56 : index
      %get3A_607 = tpu.vector_load %arg12[%get3A_606] {strides = array<i32>} : memref<80xf32, #tpu.memory_space<vmem>>, vector<16xf32>,
      %mul3A_608 = arith.mulf %get3A_607, %gather3A_605 : vector<16xf32>
      %add3A_609 = arith.addf %add3A_565, %mul3A_608 : vector<16xf32>
      %add3A_610 = arith.constant 57 : i32
      %add3A_611 = vector.broadcast %add3A_610 : i32 to vector<16xi32>
      %add3A_612 = arith.addi %iota3A, %add3A_611 : vector<16xi32>
      %and3A_613 = arith.constant 63 : i32
      %and3A_614 = vector.broadcast %and3A_613 : i32 to vector<16xi32>
      %and3A_615 = arith.andi %add3A_612, %and3A_614 : vector<16xi32>
      %gather3A_616 = tpu.vector_load_idx %arg10[%add3A_124, %and3A_615] : memref<624x64xf32, #tpu.memory_space<vmem>>[vector<16xi32>, vector<16xi32>], vector<16xf32>,
      %get3A_617 = arith.constant 57 : index
      %get3A_618 = tpu.vector_load %arg12[%get3A_617] {strides = array<i32>} : memref<80xf32, #tpu.memory_space<vmem>>, vector<16xf32>,
      %mul3A_619 = arith.mulf %get3A_618, %gather3A_616 : vector<16xf32>
      %add3A_620 = arith.addf %add3A_576, %mul3A_619 : vector<16xf32>
      %add3A_621 = arith.constant 58 : i32
      %add3A_622 = vector.broadcast %add3A_621 : i32 to vector<16xi32>
      %add3A_623 = arith.addi %iota3A, %add3A_622 : vector<16xi32>
      %and3A_624 = arith.constant 63 : i32
      %and3A_625 = vector.broadcast %and3A_624 : i32 to vector<16xi32>
      %and3A_626 = arith.andi %add3A_623, %and3A_625 : vector<16xi32>
      %gather3A_627 = tpu.vector_load_idx %arg10[%add3A_124, %and3A_626] : memref<624x64xf32, #tpu.memory_space<vmem>>[vector<16xi32>, vector<16xi32>], vector<16xf32>,
      %get3A_628 = arith.constant 58 : index
      %get3A_629 = tpu.vector_load %arg12[%get3A_628] {strides = array<i32>} : memref<80xf32, #tpu.memory_space<vmem>>, vector<16xf32>,
      %mul3A_630 = arith.mulf %get3A_629, %gather3A_627 : vector<16xf32>
      %add3A_631 = arith.addf %add3A_587, %mul3A_630 : vector<16xf32>
      %add3A_632 = arith.constant 59 : i32
      %add3A_633 = vector.broadcast %add3A_632 : i32 to vector<16xi32>
      %add3A_634 = arith.addi %iota3A, %add3A_633 : vector<16xi32>
      %and3A_635 = arith.constant 63 : i32
      %and3A_636 = vector.broadcast %and3A_635 : i32 to vector<16xi32>
      %and3A_637 = arith.andi %add3A_634, %and3A_636 : vector<16xi32>
      %gather3A_638 = tpu.vector_load_idx %arg10[%add3A_124, %and3A_637] : memref<624x64xf32, #tpu.memory_space<vmem>>[vector<16xi32>, vector<16xi32>], vector<16xf32>,
      %get3A_639 = arith.constant 59 : index
      %get3A_640 = tpu.vector_load %arg12[%get3A_639] {strides = array<i32>} : memref<80xf32, #tpu.memory_space<vmem>>, vector<16xf32>,
      %mul3A_641 = arith.mulf %get3A_640, %gather3A_638 : vector<16xf32>
      %add3A_642 = arith.addf %add3A_598, %mul3A_641 : vector<16xf32>
      %add3A_643 = arith.constant 60 : i32
      %add3A_644 = vector.broadcast %add3A_643 : i32 to vector<16xi32>
      %add3A_645 = arith.addi %iota3A, %add3A_644 : vector<16xi32>
      %and3A_646 = arith.constant 63 : i32
      %and3A_647 = vector.broadcast %and3A_646 : i32 to vector<16xi32>
      %and3A_648 = arith.andi %add3A_645, %and3A_647 : vector<16xi32>
      %gather3A_649 = tpu.vector_load_idx %arg10[%add3A_124, %and3A_648] : memref<624x64xf32, #tpu.memory_space<vmem>>[vector<16xi32>, vector<16xi32>], vector<16xf32>,
      %get3A_650 = arith.constant 60 : index
      %get3A_651 = tpu.vector_load %arg12[%get3A_650] {strides = array<i32>} : memref<80xf32, #tpu.memory_space<vmem>>, vector<16xf32>,
      %mul3A_652 = arith.mulf %get3A_651, %gather3A_649 : vector<16xf32>
      %add3A_653 = arith.addf %add3A_609, %mul3A_652 : vector<16xf32>
      %add3A_654 = arith.constant 61 : i32
      %add3A_655 = vector.broadcast %add3A_654 : i32 to vector<16xi32>
      %add3A_656 = arith.addi %iota3A, %add3A_655 : vector<16xi32>
      %and3A_657 = arith.constant 63 : i32
      %and3A_658 = vector.broadcast %and3A_657 : i32 to vector<16xi32>
      %and3A_659 = arith.andi %add3A_656, %and3A_658 : vector<16xi32>
      %gather3A_660 = tpu.vector_load_idx %arg10[%add3A_124, %and3A_659] : memref<624x64xf32, #tpu.memory_space<vmem>>[vector<16xi32>, vector<16xi32>], vector<16xf32>,
      %get3A_661 = arith.constant 61 : index
      %get3A_662 = tpu.vector_load %arg12[%get3A_661] {strides = array<i32>} : memref<80xf32, #tpu.memory_space<vmem>>, vector<16xf32>,
      %mul3A_663 = arith.mulf %get3A_662, %gather3A_660 : vector<16xf32>
      %add3A_664 = arith.addf %add3A_620, %mul3A_663 : vector<16xf32>
      %add3A_665 = arith.constant 62 : i32
      %add3A_666 = vector.broadcast %add3A_665 : i32 to vector<16xi32>
      %add3A_667 = arith.addi %iota3A, %add3A_666 : vector<16xi32>
      %and3A_668 = arith.constant 63 : i32
      %and3A_669 = vector.broadcast %and3A_668 : i32 to vector<16xi32>
      %and3A_670 = arith.andi %add3A_667, %and3A_669 : vector<16xi32>
      %gather3A_671 = tpu.vector_load_idx %arg10[%add3A_124, %and3A_670] : memref<624x64xf32, #tpu.memory_space<vmem>>[vector<16xi32>, vector<16xi32>], vector<16xf32>,
      %get3A_672 = arith.constant 62 : index
      %get3A_673 = tpu.vector_load %arg12[%get3A_672] {strides = array<i32>} : memref<80xf32, #tpu.memory_space<vmem>>, vector<16xf32>,
      %mul3A_674 = arith.mulf %get3A_673, %gather3A_671 : vector<16xf32>
      %add3A_675 = arith.addf %add3A_631, %mul3A_674 : vector<16xf32>
      %add3A_676 = arith.constant 63 : i32
      %add3A_677 = vector.broadcast %add3A_676 : i32 to vector<16xi32>
      %add3A_678 = arith.addi %iota3A, %add3A_677 : vector<16xi32>
      %and3A_679 = arith.constant 63 : i32
      %and3A_680 = vector.broadcast %and3A_679 : i32 to vector<16xi32>
      %and3A_681 = arith.andi %add3A_678, %and3A_680 : vector<16xi32>
      %gather3A_682 = tpu.vector_load_idx %arg10[%add3A_124, %and3A_681] : memref<624x64xf32, #tpu.memory_space<vmem>>[vector<16xi32>, vector<16xi32>], vector<16xf32>,
      %get3A_683 = arith.constant 63 : index
      %get3A_684 = tpu.vector_load %arg12[%get3A_683] {strides = array<i32>} : memref<80xf32, #tpu.memory_space<vmem>>, vector<16xf32>,
      %mul3A_685 = arith.mulf %get3A_684, %gather3A_682 : vector<16xf32>
      %add3A_686 = arith.addf %add3A_642, %mul3A_685 : vector<16xf32>
      %add3A_687 = arith.addf %add3A_653, %add3A_664 : vector<16xf32>
      %add3A_688 = arith.addf %add3A_675, %add3A_686 : vector<16xf32>
      %add3A_689 = arith.addf %add3A_687, %add3A_688 : vector<16xf32>
      %add3A_690 = arith.constant 192 : i32
      %add3A_691 = arith.addi %mul3A_114, %add3A_690 : i32
      %get3A_692 = arith.index_cast %add3A_691 : i32 to index
      %get3A_693 = tpu.vector_load %arg9[%get3A_692] {strides = array<i32>} : memref<25608xi32, #tpu.memory_space<vmem>>, vector<16xi32>,
      %eq3A = arith.constant 0 : i32
      %eq3A_694 = vector.broadcast %eq3A : i32 to vector<16xi32>
      %eq3A_695 = arith.cmpi eq, %get3A_693, %eq3A_694 : vector<16xi32>
      %jit3A = arith.constant -9.99999982E+12 : f32
      %broadcast_in_dim3A_696 = vector.broadcast %jit3A : f32 to vector<16xf32>
      %select_n3A = arith.select %eq3A_695, %broadcast_in_dim3A_696, %add3A_689 : vector<16xi1>, vector<16xf32>
      %swap3A_697 = arith.index_cast %add3A_691 : i32 to index
      %swap3A_698 = tpu.vector_load %arg11[%swap3A_697] {strides = array<i32>} : memref<25608xf32, #tpu.memory_space<vmem>>, vector<16xf32>,
      tpu.vector_store %arg11[%swap3A_697], %select_n3A {strides = array<i32>} : memref<25608xf32, #tpu.memory_space<vmem>>, vector<16xf32>,
      %lt3A = arith.constant 125 : i32
      %lt3A_699 = arith.cmpi slt, %scan3A_75, %lt3A : i32
      %convert_element_type3A = arith.extui %lt3A_699 : i1 to i32
      %cond3A = arith.constant 0 : i32
      %cond3A_700 = arith.cmpi ne, %convert_element_type3A, %cond3A : i32
      scf.if %cond3A_700 {
        %add3A_701 = arith.constant 3 : i32
        %add3A_702 = arith.addi %scan3A_75, %add3A_701 : i32
        %mul3A_703 = arith.constant 200 : i32
        %mul3A_704 = arith.muli %add3A_702, %mul3A_703 : i32
        %dma_start3A_705 = arith.constant 0 : i32
        %dma_start3A_706 = tpu.memref_slice %arg10[%mul3A_78, %dma_start3A_705] : memref<624x64xf32, #tpu.memory_space<vmem>> -> memref<104x64xf32, #tpu.memory_space<vmem>>
        %dma_start3A_707 = tpu.memref_slice %arg8[%mul3A_704] : memref<25600xi32, #tpu.memory_space<vmem>> -> memref<104xi32, #tpu.memory_space<vmem>>
        %dma_start3A_708 = arith.constant 0 : i32
        %dma_start3A_709 = arith.constant 0 : i32
        %dma_start3A_710 = tpu.memref_slice %arg5[%dma_start3A_708, %dma_start3A_709] : memref<100000x64xf32, #tpu.memory_space<hbm>> -> memref<100000x64xf32, #tpu.memory_space<hbm>>
        %dma_start3A_711 = tpu.memref_slice %arg13[%rem3A_76] : memref<3x!tpu.dma_semaphore, #tpu.memory_space<semaphore_mem>> -> memref<1x!tpu.dma_semaphore, #tpu.memory_space<semaphore_mem>>
        %dma_start3A_712 = tpu.memref_squeeze %dma_start3A_711 : memref<1x!tpu.dma_semaphore, #tpu.memory_space<semaphore_mem>> -> memref<!tpu.dma_semaphore, #tpu.memory_space<semaphore_mem>>
        tpu.enqueue_indirect_dma source(%dma_start3A_710 : memref<100000x64xf32, #tpu.memory_space<hbm>>) target(%dma_start3A_706 : memref<104x64xf32, #tpu.memory_space<vmem>>) offsets(%dma_start3A_707 : memref<104xi32, #tpu.memory_space<vmem>>) semaphore(%dma_start3A_712 : memref<!tpu.dma_semaphore, #tpu.memory_space<semaphore_mem>>)
        %add3A_713 = arith.constant 104 : i32
        %add3A_714 = arith.addi %mul3A_704, %add3A_713 : i32
        %add3A_715 = arith.constant 104 : i32
        %add3A_716 = arith.addi %mul3A_78, %add3A_715 : i32
        %dma_start3A_717 = arith.constant 0 : i32
        %dma_start3A_718 = tpu.memref_slice %arg10[%add3A_716, %dma_start3A_717] : memref<624x64xf32, #tpu.memory_space<vmem>> -> memref<96x64xf32, #tpu.memory_space<vmem>>
        %dma_start3A_719 = tpu.memref_slice %arg8[%add3A_714] : memref<25600xi32, #tpu.memory_space<vmem>> -> memref<96xi32, #tpu.memory_space<vmem>>
        %dma_start3A_720 = arith.constant 0 : i32
        %dma_start3A_721 = arith.constant 0 : i32
        %dma_start3A_722 = tpu.memref_slice %arg5[%dma_start3A_720, %dma_start3A_721] : memref<100000x64xf32, #tpu.memory_space<hbm>> -> memref<100000x64xf32, #tpu.memory_space<hbm>>
        %dma_start3A_723 = tpu.memref_slice %arg13[%rem3A_76] : memref<3x!tpu.dma_semaphore, #tpu.memory_space<semaphore_mem>> -> memref<1x!tpu.dma_semaphore, #tpu.memory_space<semaphore_mem>>
        %dma_start3A_724 = tpu.memref_squeeze %dma_start3A_723 : memref<1x!tpu.dma_semaphore, #tpu.memory_space<semaphore_mem>> -> memref<!tpu.dma_semaphore, #tpu.memory_space<semaphore_mem>>
        tpu.enqueue_indirect_dma source(%dma_start3A_722 : memref<100000x64xf32, #tpu.memory_space<hbm>>) target(%dma_start3A_718 : memref<96x64xf32, #tpu.memory_space<vmem>>) offsets(%dma_start3A_719 : memref<96xi32, #tpu.memory_space<vmem>>) semaphore(%dma_start3A_724 : memref<!tpu.dma_semaphore, #tpu.memory_space<semaphore_mem>>)
      } else {
      }
    }
    %scan3A_74 = arith.constant 128 : i32
    "tpu.region"() ({
      %run_scoped3A = tpu.sem_alloc : memref<!tpu.dma_semaphore, #tpu.memory_space<semaphore_mem>>
      %dma_start3A_75 = arith.constant 0 : i32
      %dma_start3A_76 = tpu.memref_slice %arg11[%dma_start3A_75] : memref<25608xf32, #tpu.memory_space<vmem>> -> memref<25600xf32, #tpu.memory_space<vmem>>
      %dma_start3A_77 = tpu.memref_slice %arg6[%mul3A_4] : memref<819200xf32, #tpu.memory_space<hbm>> -> memref<25600xf32, #tpu.memory_space<hbm>>
      %dma_start3A_78 = tpu.memref_slice %arg6[%mul3A_4] : memref<819200xf32, #tpu.memory_space<hbm>> -> memref<25600xf32, #tpu.memory_space<hbm>>
      %dma_start3A_79 = arith.constant 0 : i32
      %dma_start3A_80 = tpu.memref_slice %arg11[%dma_start3A_79] : memref<25608xf32, #tpu.memory_space<vmem>> -> memref<25600xf32, #tpu.memory_space<vmem>>
      tpu.enqueue_dma source(%dma_start3A_80 : memref<25600xf32, #tpu.memory_space<vmem>>) target(%dma_start3A_78 : memref<25600xf32, #tpu.memory_space<hbm>>) target_semaphore(%run_scoped3A : memref<!tpu.dma_semaphore, #tpu.memory_space<semaphore_mem>>)
      %dma_wait3A = arith.constant 0 : i32
      %dma_wait3A_81 = tpu.memref_slice %arg11[%dma_wait3A] : memref<25608xf32, #tpu.memory_space<vmem>> -> memref<25600xf32, #tpu.memory_space<vmem>>
      %dma_wait3A_82 = tpu.memref_slice %arg6[%mul3A_4] : memref<819200xf32, #tpu.memory_space<hbm>> -> memref<25600xf32, #tpu.memory_space<hbm>>
      %dma_wait3A_83 = tpu.memref_slice %arg6[%mul3A_4] : memref<819200xf32, #tpu.memory_space<hbm>> -> memref<25600xf32, #tpu.memory_space<hbm>>
      %dma_wait3A_84 = arith.constant 0 : i32
      %dma_wait3A_85 = tpu.memref_slice %arg11[%dma_wait3A_84] : memref<25608xf32, #tpu.memory_space<vmem>> -> memref<25600xf32, #tpu.memory_space<vmem>>
      tpu.wait_dma2 semaphore(%run_scoped3A : memref<!tpu.dma_semaphore, #tpu.memory_space<semaphore_mem>>) src(%dma_wait3A_85 : memref<25600xf32, #tpu.memory_space<vmem>>) dst(%dma_wait3A_83 : memref<25600xf32, #tpu.memory_space<hbm>>)
      tpu.yield
    }) : () -> ()
    return
  }
}

</mosaic_0001>

<sc_bundles>
// kernel: gather_offload_async_start
scs
__scs_entry_jumppad:
0x0: {  	(pc) =	sbr.rel $0x88, $3  }
0x1: {  	(tag) =	ssettag $0x0;
	lr =	simm.s32 $0x1  }
0x2: {  	[smem:$0x3F9C] =	sst lr;
	_ =	strace $0xD0000000  }
0x3: {  	_ = 	snop  }
0x4: {  	_ = 	snop  }
0x5: {  	_ = 	snop  }
0x6: {  	_ = 	snop  }
0x7: {  	_ = 	snop  }
__scs_overlays_trampoline_lowered:
0x8: {  	[smem:$0x3FAB] =	sst s0  }
0x9: {  	[smem:$0x3FAC] =	sst s1  }
0xa: {  	[smem:$0x3FAD] =	sst s2  }
0xb: {  	[smem:$0x3FAE] =	sst s3  }
0xc: {  	[smem:$0x3FAF] =	sst s4  }
0xd: {  	[smem:$0x3FB0] =	sst s5  }
0xe: {  	[smem:$0x3FB1] =	sst s6  }
0xf: {  	[smem:$0x3FB2] =	sst s7  }
0x10: {  	[smem:$0x3FB3] =	sst s8  }
0x11: {  	[smem:$0x3FB4] =	sst s9;
	s0 =	simm.s32 @!p0 $0x0  }
0x12: {  	s1 =	sld [smem:$0x3F9A];
	s0 =	simm.s32 @p0 $0x1  }
0x13: {  	[smem:$0x3FB5] =	sst s0;
	s0 =	simm.s32 @!p1 $0x0  }
0x14: {  	s2 =	sld [smem:$0x3F99];
	s0 =	simm.s32 @p1 $0x1  }
0x15: {  	[smem:$0x3FB6] =	sst s0;
	s0 =	simm.s32 @!p2 $0x0  }
0x16: {  	s3 =	sld [smem:$0x3FDB];
	s0 =	simm.s32 @p2 $0x1  }
0x17: {  	s4 =	simm.s32 $0x1BF5;
	[smem:$0x3FB8] =	sst s0  }
0x18: {  	s0 =	sld [smem:$0x3F9B];
	_ =	swait.ge [sflag:s4], $0x0  }
0x19: {  	s7 =	sld [smem:$0x3F9C]  }
0x1a: {  	s8 =	sadd.s32 $0xFFFFE003, lr  }
0x1b: {  	s9 =	sadd.s32 $0xFFFFFEF7, lr;
	s5 =	simm.s32 $0xFFFFFFFF;
	p2 =	slt.u32 s8, $0xFFFFF086  }
0x1c: {  	p1 =	slt.u32 s9, $0xF7A;
	s5 =	simm.s32 @!p2 $0x0  }
0x1d: {  	s5 =	simm.s32 @p1 $0x1;
	p0 =	seq.s32 s7, s2  }
0x1e: {  	s7 =	smul.u32 @!p0 $0xF7A, s2;
	p2 =	seq.s32 @!p0 s5, $0x0  }
0x1f: {  	s9 =	smul.u32 $0xF7A, s1;
	s8 =	simm.s32 @!p0 $0x1BF5;
	p2 =	por !p2, p0  }
0x20: {  	[sflag:s8] =	ssyncset.s32 @!p0 $0xFFFFF086;
	s6 =	sadd.s32 @!p0 s3, s7;
	s7 =	simm.s32 @!p0 $0x108  }
0x21: {  	s3 =	sadd.s32 s3, s9;
	s6 =	sadd.s32 @!p0 $0x88, s6;
	s7 =	simm.s32 @p2 $0x1082  }
0x22: {  	[simem:s7], [sflag:s8] =	dma.local @!p0 [hbm:s6], $0xF7A  }
0x23: {  	s9 =	sor.u32 $0xD0000000, s2;
	s6 =	simm.s32 $0x108;
	_ =	swait.ge @!p0 [sflag:s8], $0x0  }
0x24: {  	s3 =	sadd.s32 $0x88, s3;
	s6 =	simm.s32 @!p1 $0x1082;
	[sflag:s4] =	ssyncset.s32 $0xFFFFF086  }
0x25: {  	[simem:s6], [sflag:s4] =	dma.local [hbm:s3], $0xF7A  }
0x26: {  	[smem:$0x3F9C] =	sst s1;
	(tag) =	ssettag s2;
	_ =	strace s9  }
0x27: {  	s1 =	sld [smem:$0x3FAC]  }
0x28: {  	s2 =	sld [smem:$0x3FAD]  }
0x29: {  	s4 =	sld [smem:$0x3FAF]  }
0x2a: {  	p0 =	seq.s32 s5, $0x0;
	s5 =	sld [smem:$0x3FB0]  }
0x2b: {  	s6 =	sld [smem:$0x3FB1]  }
0x2c: {  	s7 =	sld [smem:$0x3FB2]  }
0x2d: {  	s3 =	simm.s32 $0x108;
	s8 =	sld [smem:$0x3FB3]  }
0x2e: {  	s3 =	simm.s32 @!p0 $0x1082;
	s9 =	sld [smem:$0x3FB4]  }
0x2f: {  	lr =	sadd.s32 s0, s3;
	s0 =	sld [smem:$0x3FAB]  }
0x30: {  	s3 =	sld [smem:$0x3FAE]  }
0x31: {  	[smem:$0x3FB7] =	sst s10  }
0x32: {  	s10 =	sld [smem:$0x3FB5];
	_ =	sdelay $0x3  }
0x33: {  	p0 =	seq.s32 s10, $0x1;
	s10 =	sld [smem:$0x3FB7];
	_ =	sdelay $0x3  }
0x34: {  	[smem:$0x3FB7] =	sst s10  }
0x35: {  	s10 =	sld [smem:$0x3FB6];
	_ =	sdelay $0x3  }
0x36: {  	p1 =	seq.s32 s10, $0x1;
	s10 =	sld [smem:$0x3FB7];
	_ =	sdelay $0x3  }
0x37: {  	[smem:$0x3FB7] =	sst s10  }
0x38: {  	s10 =	sld [smem:$0x3FB8]  }
0x39: {  	_ = 	snop;
	(pc) =	sbr.ind lr, $3  }
0x3a: {  	_ = 	snop  }
0x3b: {  	_ = 	snop  }
0x3c: {  	p2 =	seq.s32 s10, $0x1;
	s10 =	sld [smem:$0x3FB7]  }
0x3d: {  	_ =	shalt  }
0x3e: {  	_ =	shalt  }
0x3f: {  	_ =	shalt  }
0x40: {  	_ =	shalt  }
0x41: {  	_ =	shalt  }
0x42: {  	_ =	shalt  }
0x43: {  	_ =	shalt  }
0x44: {  	_ =	shalt  }
0x45: {  	_ =	shalt  }
0x46: {  	_ =	shalt  }
0x47: {  	_ =	shalt  }
0x48: {  	_ =	shalt  }
0x49: {  	_ =	shalt  }
0x4a: {  	_ =	shalt  }
0x4b: {  	_ =	shalt  }
0x4c: {  	_ =	shalt  }
0x4d: {  	_ =	shalt  }
0x4e: {  	_ =	shalt  }
0x4f: {  	_ =	shalt  }
0x50: {  	_ =	shalt  }
0x51: {  	_ =	shalt  }
0x52: {  	_ =	shalt  }
0x53: {  	_ =	shalt  }
0x54: {  	_ =	shalt  }
0x55: {  	_ =	shalt  }
0x56: {  	_ =	shalt  }
0x57: {  	_ =	shalt  }
0x58: {  	_ =	shalt  }
0x59: {  	_ =	shalt  }
0x5a: {  	_ =	shalt  }
0x5b: {  	_ =	shalt  }
0x5c: {  	_ =	shalt  }
0x5d: {  	_ =	shalt  }
0x5e: {  	_ =	shalt  }
0x5f: {  	_ =	shalt  }
0x60: {  	_ =	shalt  }
0x61: {  	_ =	shalt  }
0x62: {  	_ =	shalt  }
0x63: {  	_ =	shalt  }
0x64: {  	_ =	shalt  }
0x65: {  	_ =	shalt  }
0x66: {  	_ =	shalt  }
0x67: {  	_ =	shalt  }
0x68: {  	_ =	shalt  }
0x69: {  	_ =	shalt  }
0x6a: {  	_ =	shalt  }
0x6b: {  	_ =	shalt  }
0x6c: {  	_ =	shalt  }
0x6d: {  	_ =	shalt  }
0x6e: {  	_ =	shalt  }
0x6f: {  	_ =	shalt  }
0x70: {  	_ =	shalt  }
0x71: {  	_ =	shalt  }
0x72: {  	_ =	shalt  }
0x73: {  	_ =	shalt  }
0x74: {  	_ =	shalt  }
0x75: {  	_ =	shalt  }
0x76: {  	_ =	shalt  }
0x77: {  	_ =	shalt  }
0x78: {  	_ =	shalt  }
0x79: {  	_ =	shalt  }
0x7a: {  	_ =	shalt  }
0x7b: {  	_ =	shalt  }
0x7c: {  	_ =	shalt  }
0x7d: {  	_ =	shalt  }
0x7e: {  	_ =	shalt  }
0x7f: {  	_ =	shalt  }
0x80: {  	_ =	shalt  }
0x81: {  	_ =	shalt  }
0x82: {  	_ =	shalt  }
0x83: {  	_ =	shalt  }
0x84: {  	_ =	shalt  }
0x85: {  	_ =	shalt  }
0x86: {  	_ =	shalt  }
0x87: {  	_ =	shalt  }
.Lfunc_end0:
.L_simem_size_0:
called_computation_lowered:
.L_overlay_start_0:
0x88: {  	s2 =	sld [smem:$0x3FD9]  }
0x89: {  	s3 =	sld [smem:$0x3FFE];
	_ =	sdelay $0x1  }
0x8a: {  	s1 =	srdreg.scid  }
0x8b: {  	s0 =	sand.u32 $0x1, s1  }
0x8c: {  	s16 =	sshll.u32 s0, $0xA;
	s2 =	sadd.s32 s3, s2  }
0x8d: {  	s2 =	sadd.s32 s2, s16  }
0x8e: {  	[smem:$0x3FC3] =	sst s2  }
0x8f: {  	_ = 	snop  }
0x90: {  	(tm) =	ssettm $0x1  }
0x91: {  	s17 =	sld [smem:$0x3FFB];
	_ =	sdelay $0x3  }
0x92: {  	_ =	strace s17  }
0x93: {  	s2 =	sld [smem:$0x3FFC];
	_ =	sdelay $0x3  }
0x94: {  	_ =	strace s2  }
0x95: {  	s2 =	sld [smem:$0x3FFD];
	_ =	sdelay $0x3  }
0x96: {  	_ =	strace s2  }
0x97: {  	_ =	strace $0x8FFFFFFF  }
0x98: {  	s18 =	sld [smem:$0x3FDB];
	_ =	sdelay $0x1  }
0x99: {  	s19 =	simm.s32 $_scs_section_size  }
0x9a: {  	s4 =	simm.s32 $_size__tile_overlayer_lowered;
	s5 =	simm.s32 $_tile_overlayer_lowered  }
0x9b: {  	s22 =	simm.s32 $0x1BFF;
	s21 =	sshll.u32 s5, $0x1;
	s2 =	sadd.s32 s19, s18  }
0x9c: {  	s6 =	simm.s32 $0x0;
	s20 =	sshll.u32 s4, $0x1;
	s4 =	sadd.s32 s21, s2  }
0x9d: {  	[timem:s6], [sflag:s22] =	dma.local [hbm:s4], s20  }
0x9e: {  	_ =	swait.ge [sflag:s22], s20  }
0x9f: {  	s3 =	ssub.s32 $0x0, s20;
	[sflag:s22] =	ssyncset.done $0x0  }
0xa0: {  	[sflag:s22] =	ssyncadd.s32 s3;
	_ =	sdelay $0x1  }
0xa1: {  	s23 =	simm.s32 $0x1B8B  }
0xa2: {  	_ =	swait.ge [sflag:s23], $0x1  }
0xa3: {  	[sflag:s23] =	ssyncset.done $0x0  }
0xa4: {  	s25 =	simm.s32 $0x1B8E;
	s24 =	sld [smem:$0x3FFE];
	[sflag:s23] =	ssyncadd.s32 $0xFFFFFFFF  }
0xa5: {  	s26 =	simm.s32 $execute0_lowered;
	[smem:$0x3FD2] =	sst s25  }
0xa6: {  	s4 =	sshll.u32 s26, $0x1;
	_ =	strace $0x80000046;
	[dreg:$0x1] =	wrdreg $0xFFFFFFFF  }
0xa7: {  	s28 =	simm.s32 $_size_execute0_lowered;
	s2 =	sadd.s32 s2, s4;
	[dreg:$0x0] =	wrdreg $0x0  }
0xa8: {  	s4 =	sshll.u32 s28, $0x1;
	[dreg:$0x2] =	wrdreg s2  }
0xa9: {  	[dreg:$0x3] =	wrdreg s4  }
0xaa: {  	[dreg:$0x4] =	wrdreg $0xC0  }
0xab: {  	_ =	task [dreg:s6], $0x5FFFF  }
0xac: {  	[dreg:$0x1] =	wrdreg $0xFFFFFFFF  }
0xad: {  	[dreg:$0x0] =	wrdreg $0x60  }
0xae: {  	[dreg:$0x2] =	wrdreg s24  }
0xaf: {  	[dreg:$0x3] =	wrdreg $0x9  }
0xb0: {  	_ =	task.clear_ibuf [dreg:s6], $0x4FFFF;
	_ =	strace $0x90000046  }
0xb1: {  	s29 =	simm.s32 $0x9;
	_ =	strace $0x80000048  }
0xb2: {  	_ =	swait.ge [sflag:s29], $0x1  }
0xb3: {  	[sflag:s29] =	ssyncadd.s32 $0xFFFFFFFF  }
0xb4: {  	_ =	strace $0x90000048  }
0xb5: {  	_ =	sfence  }
0xb6: {  	s30 =	sld [smem:$0x0];
	_ =	sdelay $0x2  }
0xb7: {  	s31 =	sshll.u32 s1, $0xD;
	s1 =	sshrl.u32 s1, $0x2  }
0xb8: {  	s3 =	sand.u32 $0x4000, s31;
	s1 =	sadd.s32 s1, s30  }
0xb9: {  	s0 =	sor.u32 s3, s0;
	s1 =	sshll.u32 s1, $0x11  }
0xba: {  	s0 =	sor.u32 s1, s0  }
0xbb: {  	s0 =	sadd.s32 $0x8F2B, s0  }
0xbc: {  	[sflag:s0] =	ssyncadd.remote.s32 $0x1  }
0xbd: {  	_ =	sfence.sel $0xFFFF  }
0xbe: {  	[dreg:$0x0] =	wrdreg $0xFFFFFFFF;
	(pc) =	sbr.abs _section_cstart, $3  }
0xbf: {  	[dreg:$0x1] =	wrdreg $0xFFFFFFFF  }
0xc0: {  	_ =	task.clear_ibuf [dreg:s6], $0x2FFFF;
	_ =	strace $0x9FFFFFFF  }
0xc1: {  	(tm) =	ssettm $0x7FFFFFFF  }
tec
execute0_lowered:
.L_overlay_start_1:
0x0: {  	(tag) =	ssettag $0x1  }
0x1: {  	s7 =	rddreg [dreg:$0x0]  }
0x2: {  	s0 =	rddreg [dreg:$0x1];
	_ =	strace $0x80000047  }
0x3: {  	s1 =	srdreg.scid;
	s4 =	simm.s32 $0x1;
	s9 =	simm.s32 $0x3  }
0x4: {  	s12 =	simm.s32 $0x0;
	s10 =	simm.s32 $0x0;
	s5 =	sshll.u32 s1, $0x4  }
.Ltmp0:
0x5: {  	s1 =	stileid.u32;
	s5 =	sand.u32 $0x10, s5;
	(pc) =	sbr.rel .LBB2_1-.Ltmp0, $4  }
0x6: {  	s2 =	sadd.s32 $0xE00, s7;
	s3 =	sadd.s32 $0xF43200, s7;
	s6 =	sor.u32 s1, s5  }
0x7: {  	[sflag:s4] =	ssyncpa.u1 $0x0;
	s5 =	simm.s32 $0x2;
	s6 =	sshll.u32 s6, $0x7  }
0x8: {  	s7 =	sadd.s32 $0xF5C400, s7;
	[sflag:s5] =	ssyncpa.u1 $0x0;
	s8 =	sadd.s32 $0x80, s6  }
0x9: {  	vm0 =	vmmov $0xff;
	vm1 =	vcmask $0x3F20;
	[sflag:s9] =	ssyncpa.u1 $0x0;
	s9 =	simm.s32 $0x80;
	s11 =	smov.u32 s6  }
.LBB2_9:
0xa: {  	p0 =	seq.s32 s10, $0x2  }
.Ltmp1:
0xb: {  	_ = 	snop;
	(pc) =	sbr.rel @p0 .LBB2_11-.Ltmp1, $1  }
0xc: {  	_ =	sdelay $0x3  }
.LBB2_10:
0xd: {  	s12 =	sadd.s32 $0x80, s11  }
0xe: {  	s13 =	smov.u32 s6;
	p0 =	slt.s32 s12, s8  }
0xf: {  	s13 =	smov.u32 @p0 s12  }
0x10: {  	s10 =	sadd.s32 $0x1, s10;
	s12 =	smov.u32 s11;
	s11 =	smov.u32 s13  }
.LBB2_1:
0x11: {  	p0 =	sne.s32 s10, $0x0  }
.Ltmp2:
0x12: {  	_ = 	snop;
	(pc) =	sbr.rel @!p0 .LBB2_2-.Ltmp2, $1  }
0x13: {  	_ =	sdelay $0x3  }
0x14: {  	s13 =	sand.u32 $0x1, s10  }
0x15: {  	p0 =	seq.s32 s13, $0x0  }
.Ltmp3:
0x16: {  	_ = 	snop;
	(pc) =	sbr.rel @p0 .LBB2_9-.Ltmp3, $1  }
0x17: {  	_ =	sdelay $0x3  }
0x18: {  	_ =	swait.ge [sflag:s5], $0x80  }
0x19: {  	[sflag:s5] =	ssyncset.done $0x0  }
0x1a: {  	s13 =	simm.s32 $0x0;
	[sflag:s5] =	ssyncadd.s32 $0xFFFFFF80  }
0x1b: {  	v0 =	vld.msk [tilespmem:s13+$0x80 ss:$0x1], $0xffff;
	_ =	sdelay $0x4  }
0x1c: {  	vm2 =	vgt.s32 v0, $0x0  }
0x1d: {  	v0 =	vnsel vm2, $0x0, v0  }
0x1e: {  	v0 =	vmin.u32 v0, $0xF423F  }
0x1f: {  	v0 =	vshll.u32 v0, $0x4;
	_ =	sdelay $0x3  }
0x20: {  	s13 =	simm.s32 $0x4100  }
0x21: {  	[tilespmem:s13], [sflag:$0x1] =	stream.indirect_vreg.gather [hbm:s2], $0x80, v0, vm0, $0x38;
	[tilespmem:$0x8100] =	vst v63  }
0x22: {  	s14 =	simm.s32 $0x4500;
	s31 =	simm.s32 $0x10  }
0x23: {  	[tilespmem:s14], [sflag:$0x1] =	stream.indirect_vreg.gather [hbm:s2], $0x80, v0, vm1, $0x38;
	[tilespmem:$0x8100] =	vst v63  }
0x24: {  	s14 =	simm.s32 $0x80;
	v0 =	vld.msk [tilespmem:s31+$0x80 ss:$0x1], $0xffff  }
.LBB2_5:
0x25: {  	p0 =	sne.s32 s14, $0x1C0;
	_ =	sdelay $0x4  }
0x26: {  	vm2 =	vgt.s32 v0, $0x0  }
0x27: {  	v0 =	vnsel vm2, $0x0, v0  }
0x28: {  	v0 =	vmin.u32 v0, $0xF423F  }
0x29: {  	v0 =	vshll.u32 v0, $0x4;
	_ =	sdelay $0x3  }
.Ltmp4:
0x2a: {  	s13 =	sadd.s32 $0x800, s13;
	(pc) =	sbr.rel @p0 .LBB2_5-.Ltmp4, $4  }
0x2b: {  	[tilespmem:s13], [sflag:$0x1] =	stream.indirect_vreg.gather [hbm:s2], $0x80, v0, vm0, $0x38;
	[tilespmem:$0x8100] =	vst v63  }
0x2c: {  	s15 =	sshra.s32 s14, $0x2;
	s16 =	sadd.s32 $0x400, s13  }
0x2d: {  	[tilespmem:s16], [sflag:$0x1] =	stream.indirect_vreg.gather [hbm:s2], $0x80, v0, vm1, $0x38;
	[tilespmem:$0x8100] =	vst v63  }
0x2e: {  	s14 =	sadd.s32 $0x40, s14;
	v0 =	vld.msk [tilespmem:s15+$0x80 ss:$0x1], $0xffff  }
0x2f: {  	_ =	sdelay $0x3  }
0x30: {  	vm2 =	vgt.s32 v0, $0x0  }
0x31: {  	v0 =	vnsel vm2, $0x0, v0  }
0x32: {  	v0 =	vmin.u32 v0, $0xF423F  }
0x33: {  	v0 =	vshll.u32 v0, $0x4;
	_ =	sdelay $0x3  }
0x34: {  	s13 =	sadd.s32 $0x800, s13  }
0x35: {  	[tilespmem:s13], [sflag:$0x1] =	stream.indirect_vreg.gather [hbm:s2], $0x80, v0, vm0, $0x38;
	[tilespmem:$0x8100] =	vst v63  }
0x36: {  	s13 =	sadd.s32 $0x400, s13  }
0x37: {  	[tilespmem:s13], [sflag:$0x1] =	stream.indirect_vreg.gather [hbm:s2], $0x80, v0, vm1, $0x38;
	[tilespmem:$0x8100] =	vst v63  }
0x38: {  	s12 =	sshll.u32 s12, $0x4;
	s14 =	simm.s32 $0x80;
	_ =	swait.ge [sflag:s4], $0x4000  }
0x39: {  	s15 =	simm.s32 $0x4500;
	s12 =	sadd.s32 s12, s7;
	[sflag:s4] =	ssyncset.done $0x0  }
0x3a: {  	s16 =	sadd.s32 $0x0, s12;
	s13 =	simm.s32 $0x4100;
	[sflag:s4] =	ssyncadd.s32 $0xFFFFC000  }
.LBB2_7:
0x3b: {  	[hbm:s16] =	stream.linear.scatter [tilespmem:s13], [sflag:$0x3], $0x400, $0x38;
	[tilespmem:$0x8100] =	vst v63  }
0x3c: {  	s16 =	smov.u32 s14;
	s13 =	smov.u32 s15;
	p0 =	sne.s32 s14, $0x780  }
.Ltmp5:
0x3d: {  	s14 =	sadd.s32 $0x80, s14;
	(pc) =	sbr.rel @p0 .LBB2_7-.Ltmp5, $2  }
0x3e: {  	_ =	sdelay $0x2  }
0x3f: {  	s15 =	sadd.s32 $0x400, s15;
	s16 =	sadd.s32 s16, s12  }
.Ltmp6:
0x40: {  	(pc) =	sbr.rel .LBB2_9-.Ltmp6, $2  }
0x41: {  	_ =	sdelay $0x2  }
0x42: {  	[hbm:s16] =	stream.linear.scatter [tilespmem:s13], [sflag:$0x3], $0x400, $0x38;
	[tilespmem:$0x8100] =	vst v63  }
.LBB2_2:
.Ltmp7:
0x43: {  	(pc) =	sbr.rel .LBB2_10-.Ltmp7, $4  }
0x44: {  	_ = 	snop  }
0x45: {  	s12 =	sshrl.u32 s11, $0x3  }
0x46: {  	s13 =	sand.u32 $0x7, s11;
	s12 =	sadd.s32 s3, s12  }
0x47: {  	[tilespmem:s9], [sflag:$0x2] =	stream.linear.gather [hbm4b:s12+s13], $0x80, $0x38;
	[tilespmem:$0x8100] =	vst v63  }
.LBB2_11:
0x48: {  	s2 =	simm.s32 $0x3  }
0x49: {  	_ =	swait.ge [sflag:s2], $0x4000  }
0x4a: {  	[sflag:s2] =	ssyncset.done $0x0  }
0x4b: {  	[sflag:s2] =	ssyncadd.s32 $0xFFFFC000  }
0x4c: {  	_ =	sfence.sel $0x180000  }
0x4d: {  	s3 =	simm.s32 $0x2;
	[bflag:$0x0] =	sbarrier.arrive $0xFFFF  }
0x4e: {  	[sflag:s3] =	ssyncpa.u1 $0x1  }
0x4f: {  	s31 =	simm.s32 $0x1;
	[sflag:s2] =	ssyncpa.u1 $0x1  }
0x50: {  	[sflag:s31] =	ssyncpa.u1 $0x1  }
0x51: {  	p0 =	sne.s32 s1, $0x0;
	_ =	strace $0x90000047  }
0x52: {  	s0 =	sadd.s32 @!p0 $0x100000, s0;
	[bflag:$0x2] =	sbarrier.arrive $0xFFFF  }
0x53: {  	[sflag:s0] =	ssyncadd.tile.s32 @!p0 $0x1;
	_ =	shalt  }
.Lfunc_end2:
_tile_overlayer_lowered:
.L_overlay_start_2:
0x54: {  	(tag) =	ssettag $0x2  }
0x55: {  	s0 =	rddreg [dreg:$0x0];
	s2 =	stileid.u32  }
0x56: {  	s1 =	rddreg [dreg:$0x1];
	p0 =	sne.s32 s2, $0x0  }
0x57: {  	s3 =	rddreg [dreg:$0x2];
	[bflag:$0x3] =	sbarrier.arrive $0xFFFF;
	s2 =	simm.s32 @!p0 $0x1C01  }
0x58: {  	[timem:s3], [sflag:s2] =	dma.local @!p0 [hbm:s0], s1  }
0x59: {  	s0 =	simm.s32 @!p0 $0x1  }
0x5a: {  	_ =	swait.ge @!p0 [sflag:s0], s1  }
0x5b: {  	s1 =	ssub.s32 @!p0 $0x0, s1;
	[sflag:s0] =	ssyncset.done @!p0 $0x0  }
0x5c: {  	[sflag:s0] =	ssyncadd.s32 @!p0 s1  }
0x5d: {  	[bflag:$0x3] =	sbarrier.arrive $0xFFFF  }
0x5e: {  	_ =	shalt  }

// kernel: kernel.3.cloned.1.call-start
scs
__scs_entry_jumppad:
0x0: {  	(pc) =	sbr.rel $0x88, $3  }
0x1: {  	(tag) =	ssettag $0x0;
	lr =	simm.s32 $0x1  }
0x2: {  	[smem:$0x3F9C] =	sst lr;
	_ =	strace $0xD0000000  }
0x3: {  	_ = 	snop  }
0x4: {  	_ = 	snop  }
0x5: {  	_ = 	snop  }
0x6: {  	_ = 	snop  }
0x7: {  	_ = 	snop  }
__scs_overlays_trampoline_lowered:
0x8: {  	[smem:$0x3FAB] =	sst s0  }
0x9: {  	[smem:$0x3FAC] =	sst s1  }
0xa: {  	[smem:$0x3FAD] =	sst s2  }
0xb: {  	[smem:$0x3FAE] =	sst s3  }
0xc: {  	[smem:$0x3FAF] =	sst s4  }
0xd: {  	[smem:$0x3FB0] =	sst s5  }
0xe: {  	[smem:$0x3FB1] =	sst s6  }
0xf: {  	[smem:$0x3FB2] =	sst s7  }
0x10: {  	[smem:$0x3FB3] =	sst s8  }
0x11: {  	[smem:$0x3FB4] =	sst s9;
	s0 =	simm.s32 @!p0 $0x0  }
0x12: {  	s1 =	sld [smem:$0x3F9A];
	s0 =	simm.s32 @p0 $0x1  }
0x13: {  	[smem:$0x3FB5] =	sst s0;
	s0 =	simm.s32 @!p1 $0x0  }
0x14: {  	s2 =	sld [smem:$0x3F99];
	s0 =	simm.s32 @p1 $0x1  }
0x15: {  	[smem:$0x3FB6] =	sst s0;
	s0 =	simm.s32 @!p2 $0x0  }
0x16: {  	s3 =	sld [smem:$0x3FDB];
	s0 =	simm.s32 @p2 $0x1  }
0x17: {  	s4 =	simm.s32 $0x1BF5;
	[smem:$0x3FB8] =	sst s0  }
0x18: {  	s0 =	sld [smem:$0x3F9B];
	_ =	swait.ge [sflag:s4], $0x0  }
0x19: {  	s7 =	sld [smem:$0x3F9C]  }
0x1a: {  	s8 =	sadd.s32 $0xFFFFE003, lr  }
0x1b: {  	s9 =	sadd.s32 $0xFFFFFEF7, lr;
	s5 =	simm.s32 $0xFFFFFFFF;
	p2 =	slt.u32 s8, $0xFFFFF086  }
0x1c: {  	p1 =	slt.u32 s9, $0xF7A;
	s5 =	simm.s32 @!p2 $0x0  }
0x1d: {  	s5 =	simm.s32 @p1 $0x1;
	p0 =	seq.s32 s7, s2  }
0x1e: {  	s7 =	smul.u32 @!p0 $0xF7A, s2;
	p2 =	seq.s32 @!p0 s5, $0x0  }
0x1f: {  	s9 =	smul.u32 $0xF7A, s1;
	s8 =	simm.s32 @!p0 $0x1BF5;
	p2 =	por !p2, p0  }
0x20: {  	[sflag:s8] =	ssyncset.s32 @!p0 $0xFFFFF086;
	s6 =	sadd.s32 @!p0 s3, s7;
	s7 =	simm.s32 @!p0 $0x108  }
0x21: {  	s3 =	sadd.s32 s3, s9;
	s6 =	sadd.s32 @!p0 $0x88, s6;
	s7 =	simm.s32 @p2 $0x1082  }
0x22: {  	[simem:s7], [sflag:s8] =	dma.local @!p0 [hbm:s6], $0xF7A  }
0x23: {  	s9 =	sor.u32 $0xD0000000, s2;
	s6 =	simm.s32 $0x108;
	_ =	swait.ge @!p0 [sflag:s8], $0x0  }
0x24: {  	s3 =	sadd.s32 $0x88, s3;
	s6 =	simm.s32 @!p1 $0x1082;
	[sflag:s4] =	ssyncset.s32 $0xFFFFF086  }
0x25: {  	[simem:s6], [sflag:s4] =	dma.local [hbm:s3], $0xF7A  }
0x26: {  	[smem:$0x3F9C] =	sst s1;
	(tag) =	ssettag s2;
	_ =	strace s9  }
0x27: {  	s1 =	sld [smem:$0x3FAC]  }
0x28: {  	s2 =	sld [smem:$0x3FAD]  }
0x29: {  	s4 =	sld [smem:$0x3FAF]  }
0x2a: {  	p0 =	seq.s32 s5, $0x0;
	s5 =	sld [smem:$0x3FB0]  }
0x2b: {  	s6 =	sld [smem:$0x3FB1]  }
0x2c: {  	s7 =	sld [smem:$0x3FB2]  }
0x2d: {  	s3 =	simm.s32 $0x108;
	s8 =	sld [smem:$0x3FB3]  }
0x2e: {  	s3 =	simm.s32 @!p0 $0x1082;
	s9 =	sld [smem:$0x3FB4]  }
0x2f: {  	lr =	sadd.s32 s0, s3;
	s0 =	sld [smem:$0x3FAB]  }
0x30: {  	s3 =	sld [smem:$0x3FAE]  }
0x31: {  	[smem:$0x3FB7] =	sst s10  }
0x32: {  	s10 =	sld [smem:$0x3FB5];
	_ =	sdelay $0x3  }
0x33: {  	p0 =	seq.s32 s10, $0x1;
	s10 =	sld [smem:$0x3FB7];
	_ =	sdelay $0x3  }
0x34: {  	[smem:$0x3FB7] =	sst s10  }
0x35: {  	s10 =	sld [smem:$0x3FB6];
	_ =	sdelay $0x3  }
0x36: {  	p1 =	seq.s32 s10, $0x1;
	s10 =	sld [smem:$0x3FB7];
	_ =	sdelay $0x3  }
0x37: {  	[smem:$0x3FB7] =	sst s10  }
0x38: {  	s10 =	sld [smem:$0x3FB8]  }
0x39: {  	_ = 	snop;
	(pc) =	sbr.ind lr, $3  }
0x3a: {  	_ = 	snop  }
0x3b: {  	_ = 	snop  }
0x3c: {  	p2 =	seq.s32 s10, $0x1;
	s10 =	sld [smem:$0x3FB7]  }
0x3d: {  	_ =	shalt  }
0x3e: {  	_ =	shalt  }
0x3f: {  	_ =	shalt  }
0x40: {  	_ =	shalt  }
0x41: {  	_ =	shalt  }
0x42: {  	_ =	shalt  }
0x43: {  	_ =	shalt  }
0x44: {  	_ =	shalt  }
0x45: {  	_ =	shalt  }
0x46: {  	_ =	shalt  }
0x47: {  	_ =	shalt  }
0x48: {  	_ =	shalt  }
0x49: {  	_ =	shalt  }
0x4a: {  	_ =	shalt  }
0x4b: {  	_ =	shalt  }
0x4c: {  	_ =	shalt  }
0x4d: {  	_ =	shalt  }
0x4e: {  	_ =	shalt  }
0x4f: {  	_ =	shalt  }
0x50: {  	_ =	shalt  }
0x51: {  	_ =	shalt  }
0x52: {  	_ =	shalt  }
0x53: {  	_ =	shalt  }
0x54: {  	_ =	shalt  }
0x55: {  	_ =	shalt  }
0x56: {  	_ =	shalt  }
0x57: {  	_ =	shalt  }
0x58: {  	_ =	shalt  }
0x59: {  	_ =	shalt  }
0x5a: {  	_ =	shalt  }
0x5b: {  	_ =	shalt  }
0x5c: {  	_ =	shalt  }
0x5d: {  	_ =	shalt  }
0x5e: {  	_ =	shalt  }
0x5f: {  	_ =	shalt  }
0x60: {  	_ =	shalt  }
0x61: {  	_ =	shalt  }
0x62: {  	_ =	shalt  }
0x63: {  	_ =	shalt  }
0x64: {  	_ =	shalt  }
0x65: {  	_ =	shalt  }
0x66: {  	_ =	shalt  }
0x67: {  	_ =	shalt  }
0x68: {  	_ =	shalt  }
0x69: {  	_ =	shalt  }
0x6a: {  	_ =	shalt  }
0x6b: {  	_ =	shalt  }
0x6c: {  	_ =	shalt  }
0x6d: {  	_ =	shalt  }
0x6e: {  	_ =	shalt  }
0x6f: {  	_ =	shalt  }
0x70: {  	_ =	shalt  }
0x71: {  	_ =	shalt  }
0x72: {  	_ =	shalt  }
0x73: {  	_ =	shalt  }
0x74: {  	_ =	shalt  }
0x75: {  	_ =	shalt  }
0x76: {  	_ =	shalt  }
0x77: {  	_ =	shalt  }
0x78: {  	_ =	shalt  }
0x79: {  	_ =	shalt  }
0x7a: {  	_ =	shalt  }
0x7b: {  	_ =	shalt  }
0x7c: {  	_ =	shalt  }
0x7d: {  	_ =	shalt  }
0x7e: {  	_ =	shalt  }
0x7f: {  	_ =	shalt  }
0x80: {  	_ =	shalt  }
0x81: {  	_ =	shalt  }
0x82: {  	_ =	shalt  }
0x83: {  	_ =	shalt  }
0x84: {  	_ =	shalt  }
0x85: {  	_ =	shalt  }
0x86: {  	_ =	shalt  }
0x87: {  	_ =	shalt  }
.Lfunc_end0:
.L_simem_size_0:
called_computation.1_lowered:
.L_overlay_start_0:
0x88: {  	s2 =	sld [smem:$0x3FD9]  }
0x89: {  	s3 =	sld [smem:$0x3FFE];
	_ =	sdelay $0x1  }
0x8a: {  	s1 =	srdreg.scid  }
0x8b: {  	s0 =	sand.u32 $0x1, s1  }
0x8c: {  	s17 =	sshll.u32 s0, $0xA;
	s2 =	sadd.s32 s3, s2  }
0x8d: {  	s2 =	sadd.s32 s2, s17  }
0x8e: {  	[smem:$0x3FC3] =	sst s2  }
0x8f: {  	_ = 	snop  }
0x90: {  	s2 =	sld [smem:$0x3FD0];
	(tm) =	ssettm $0x1  }
0x91: {  	s18 =	sld [smem:$0x3FFB];
	_ =	sdelay $0x3  }
0x92: {  	_ =	strace s18  }
0x93: {  	s3 =	sld [smem:$0x3FFC];
	_ =	sdelay $0x3  }
0x94: {  	_ =	strace s3  }
0x95: {  	s3 =	sld [smem:$0x3FFD];
	_ =	sdelay $0x3  }
0x96: {  	_ =	strace s3  }
0x97: {  	_ =	strace $0x8FFFFFFF  }
0x98: {  	s19 =	sld [smem:$0x3FDB];
	_ =	sdelay $0x1  }
0x99: {  	s4 =	simm.s32 $_scs_section_size  }
0x9a: {  	s5 =	simm.s32 $_size__tile_overlayer_lowered;
	s6 =	simm.s32 $_tile_overlayer_lowered  }
0x9b: {  	s22 =	simm.s32 $0x1BFF;
	s21 =	sshll.u32 s6, $0x1;
	s3 =	sadd.s32 s4, s19  }
0x9c: {  	s7 =	simm.s32 $0x0;
	s20 =	sshll.u32 s5, $0x1;
	s5 =	sadd.s32 s21, s3  }
0x9d: {  	[timem:s7], [sflag:s22] =	dma.local [hbm:s5], s20  }
0x9e: {  	_ =	swait.ge [sflag:s22], s20  }
0x9f: {  	s4 =	ssub.s32 $0x0, s20;
	[sflag:s22] =	ssyncset.done $0x0  }
0xa0: {  	[sflag:s22] =	ssyncadd.s32 s4;
	_ =	sdelay $0x1  }
0xa1: {  	s23 =	simm.s32 $0x1B8B  }
0xa2: {  	_ =	swait.ge [sflag:s23], $0x1  }
0xa3: {  	[sflag:s23] =	ssyncset.done $0x0  }
0xa4: {  	s25 =	simm.s32 $0x1B8E;
	s24 =	sld [smem:$0x3FFE];
	[sflag:s23] =	ssyncadd.s32 $0xFFFFFFFF  }
0xa5: {  	s26 =	simm.s32 $execute0_lowered;
	[smem:$0x3FD2] =	sst s25  }
0xa6: {  	s5 =	sshll.u32 s26, $0x1;
	_ =	strace $0x80000049;
	[dreg:$0x1] =	wrdreg $0xFFFFFFFF  }
0xa7: {  	s28 =	simm.s32 $_size_execute0_lowered;
	s3 =	sadd.s32 s3, s5;
	[dreg:$0x0] =	wrdreg $0x0  }
0xa8: {  	s5 =	sshll.u32 s28, $0x1;
	[dreg:$0x2] =	wrdreg s3  }
0xa9: {  	[dreg:$0x3] =	wrdreg s5  }
0xaa: {  	[dreg:$0x4] =	wrdreg $0xC0  }
0xab: {  	_ =	task [dreg:s7], $0x5FFFF  }
0xac: {  	[dreg:$0x1] =	wrdreg $0xFFFFFFFF  }
0xad: {  	[dreg:$0x0] =	wrdreg $0x60  }
0xae: {  	[dreg:$0x2] =	wrdreg s24  }
0xaf: {  	[dreg:$0x3] =	wrdreg s2  }
0xb0: {  	[dreg:$0x4] =	wrdreg $0x9  }
0xb1: {  	_ =	task.clear_ibuf [dreg:s7], $0x5FFFF;
	_ =	strace $0x90000049  }
0xb2: {  	s29 =	simm.s32 $0x9;
	_ =	strace $0x8000004B  }
0xb3: {  	_ =	swait.ge [sflag:s29], $0x1  }
0xb4: {  	[sflag:s29] =	ssyncadd.s32 $0xFFFFFFFF  }
0xb5: {  	_ =	strace $0x9000004B  }
0xb6: {  	_ =	sfence  }
0xb7: {  	s30 =	sld [smem:$0x0];
	_ =	sdelay $0x2  }
0xb8: {  	s31 =	sshll.u32 s1, $0xD;
	s1 =	sshrl.u32 s1, $0x2  }
0xb9: {  	s3 =	sand.u32 $0x4000, s31;
	s1 =	sadd.s32 s1, s30  }
0xba: {  	s0 =	sor.u32 s3, s0;
	s1 =	sshll.u32 s1, $0x11  }
0xbb: {  	s0 =	sor.u32 s1, s0  }
0xbc: {  	s0 =	sadd.s32 $0x8F2B, s0  }
0xbd: {  	[sflag:s0] =	ssyncadd.remote.s32 $0x1  }
0xbe: {  	_ =	sfence.sel $0xFFFF  }
0xbf: {  	[dreg:$0x0] =	wrdreg $0xFFFFFFFF;
	(pc) =	sbr.abs _section_cstart, $3  }
0xc0: {  	[dreg:$0x1] =	wrdreg $0xFFFFFFFF  }
0xc1: {  	_ =	task.clear_ibuf [dreg:s7], $0x2FFFF;
	_ =	strace $0x9FFFFFFF  }
0xc2: {  	(tm) =	ssettm $0x7FFFFFFF  }
0xc3: {  	_ =	shalt  }
tec
execute0_lowered:
.L_overlay_start_1:
0x0: {  	(tag) =	ssettag $0x1  }
0x1: {  	v11 =	vlaneseq.u32  }
0x2: {  	v0 =	vadd.s32 $0xE, v11  }
0x3: {  	v55 =	vadd.s32 $0xF, v11;
	[tilespmem:$0x1FB70] =	vst v0  }
0x4: {  	v56 =	vor.u32 $0x10, v11;
	[tilespmem:$0x1FB80] =	vst v55  }
0x5: {  	v57 =	vadd.s32 $0x11, v11;
	[tilespmem:$0x1FB90] =	vst v56  }
0x6: {  	v58 =	vadd.s32 $0x12, v11;
	[tilespmem:$0x1FBA0] =	vst v57  }
0x7: {  	v59 =	vadd.s32 $0x13, v11;
	[tilespmem:$0x1FBB0] =	vst v58  }
0x8: {  	v60 =	vadd.s32 $0x14, v11;
	[tilespmem:$0x1FBC0] =	vst v59  }
0x9: {  	v61 =	vadd.s32 $0x15, v11;
	[tilespmem:$0x1FBD0] =	vst v60  }
0xa: {  	v62 =	vadd.s32 $0x16, v11;
	[tilespmem:$0x1FBE0] =	vst v61  }
0xb: {  	v63 =	vadd.s32 $0x17, v11;
	[tilespmem:$0x1FBF0] =	vst v62  }
0xc: {  	v4 =	vadd.s32 $0x18, v11;
	[tilespmem:$0x1FC00] =	vst v63  }
0xd: {  	v5 =	vadd.s32 $0x19, v11;
	[tilespmem:$0x1FC10] =	vst v4  }
0xe: {  	v6 =	vadd.s32 $0x1A, v11;
	[tilespmem:$0x1FC20] =	vst v5  }
0xf: {  	v7 =	vadd.s32 $0x1B, v11;
	[tilespmem:$0x1FC30] =	vst v6  }
0x10: {  	v28 =	vadd.s32 $0x1C, v11;
	[tilespmem:$0x1FC40] =	vst v7  }
0x11: {  	v36 =	vimm.s32 $0x34333231;
	v29 =	vadd.s32 $0x1D, v11;
	[tilespmem:$0x1FC50] =	vst v28  }
0x12: {  	v39 =	vimm.s32 $0x38373635;
	v2 =	vimm.s32 $0x3C3B3A39;
	v30 =	vadd.s32 $0x1E, v11;
	[tilespmem:$0x1FC60] =	vst v29  }
0x13: {  	v3 =	vimm.s32 $0x3F3E3D;
	vm0 =	vcmask $0x1F10;
	v31 =	vadd.s32 $0x1F, v11;
	[tilespmem:$0x1FC70] =	vst v30  }
0x14: {  	v43 =	vimm.s32 $0x35343332;
	v44 =	vimm.s32 $0x39383736;
	v33 =	vor.u32 $0x20, v11;
	[tilespmem:$0x1FC80] =	vst v31  }
0x15: {  	v46 =	vimm.s32 $0x3D3C3B3A;
	v53 =	vimm.s32 $0x36353433;
	v35 =	vadd.s32 $0x21, v11;
	[tilespmem:$0x1FC90] =	vst v33  }
0x16: {  	v8 =	vimm.s32 $0x3F3E3D3C;
	v9 =	vimm.s32 $0x37363534;
	v1 =	vadd.s32 $0x22, v11;
	[tilespmem:$0x1FCA0] =	vst v35  }
0x17: {  	v10 =	vimm.s32 $0x3B3A3938;
	v37 =	vadd.s32 $0x23, v11;
	v41 =	vunpack.c.0.s8.s32 v3;
	[tilespmem:$0x1FCB0] =	vst v1  }
0x18: {  	v42 =	vadd.s32 $0x24, v11;
	v49 =	vadd.s32 $0x25, v11;
	v50 =	vadd.s32 $0x26, v11;
	[tilespmem:$0x1FCC0] =	vst v37  }
0x19: {  	v54 =	vunpack.c.0.s8.s32 v53;
	v14 =	vunpack.c.0.s8.s32 v8;
	v8 =	vunpack.c.0.s8.s32 v9;
	[tilespmem:$0x1FCD0] =	vst v42  }
0x1a: {  	v9 =	vunpack.c.0.s8.s32 v10;
	v0 =	vunpack.c.0.s8.s32 v36;
	v4 =	vunpack.c.0.s8.s32 v39;
	[tilespmem:$0x1FD00] =	vst v49  }
0x1b: {  	v5 =	vunpack.c.0.s8.s32 v2;
	v2 =	vunpack.c.0.s8.s32 v43;
	v6 =	vimm.s32 $0x1003F3E;
	[tilespmem:$0x1FD10] =	vst v50  }
0x1c: {  	v55 =	vimm.s32 $0x3020100;
	v56 =	vimm.s32 $0x3A393837;
	v57 =	vimm.s32 $0x201003F  }
0x1d: {  	v48 =	vunpack.c.0.s8.s32 v6;
	[tilespmem:$0x1FCF0] =	vst v5;
	v3 =	vsel vm0, v41, v5;
	v5 =	vunpack.c.0.s8.s32 v46  }
0x1e: {  	v7 =	vunpack.c.0.s8.s32 v44;
	v58 =	vimm.s32 $0x87654321;
	v60 =	vimm.s32 $0x4030201;
	[tilespmem:$0x1FD60] =	vst v9  }
0x1f: {  	v37 =	vimm.s32 $0x6050403;
	[tilespmem:$0x1FD40] =	vst v5;
	v52 =	vsel vm0, v48, v5;
	v5 =	vunpack.c.0.s8.s32 v55  }
0x20: {  	v59 =	vsel vm0, v9, v8;
	v6 =	vunpack.c.l.s4.s8 v58;
	[tilespmem:$0x1FDA0] =	vst v14;
	v0 =	vsel vm0, v4, v0  }
0x21: {  	v8 =	vimm.s32 $0x5040302;
	[tilespmem:$0x1FCE0] =	vst v4;
	v0 =	vcombine.low v0, v3;
	v5 =	vsel vm0, v5, v14  }
0x22: {  	v9 =	vimm.s32 $0x98765432;
	[tilespmem:$0x1FD30] =	vst v7;
	v8 =	vunpack.c.0.s8.s32 v8;
	v5 =	vcombine.low v59, v5  }
0x23: {  	v51 =	vsel vm0, v7, v2;
	v9 =	vunpack.c.l.s4.s8 v9;
	v6 =	vunpack.c.0.s8.s32 v6;
	[tilespmem:$0x1FD20] =	vst v0  }
0x24: {  	v62 =	vsel vm0, v8, v48;
	v0 =	vcombine.low v51, v52;
	[tilespmem:$0x1FD70] =	vst v5;
	v5 =	vunpack.c.0.s8.s32 v60  }
0x25: {  	s2 =	stileid.u32;
	v39 =	vimm.s32 $0xA9876543;
	v49 =	vimm.s32 $0x3E3D3C3B;
	v63 =	vunpack.c.0.s8.s32 v9;
	[tilespmem:$0x1FD90] =	vst v62  }
0x26: {  	s0 =	rddreg [dreg:$0x0];
	s3 =	sshll.u32 s2, $0x1;
	s2 =	simm.s32 $0x0;
	v10 =	vunpack.c.0.s8.s32 v56;
	v6 =	vand.u32 $0xF, v6;
	[tilespmem:$0x1FD50] =	vst v0;
	v5 =	vsel vm0, v5, v41  }
0x27: {  	[smem:$0x7FF] =	sst s2;
	v50 =	vunpack.c.0.s8.s32 v49;
	v18 =	vcombine.low v3, v6;
	v3 =	vand.u32 $0xF, v63;
	[tilespmem:$0x1FD80] =	vst v5  }
0x28: {  	s4 =	rddreg [dreg:$0x1];
	v9 =	vcombine.low v52, v3;
	v3 =	vunpack.c.l.s4.s8 v39;
	v0 =	vsel vm0, v10, v54;
	_ =	strace $0x8000004A;
	[tilespmem:$0x1FDB0] =	vst v10  }
0x29: {  	v17 =	vunpack.c.0.s8.s32 v57;
	v46 =	vunpack.c.0.s8.s32 v37;
	[tilespmem:$0x1FDC0] =	vst v0  }
0x2a: {  	v3 =	vunpack.c.0.s8.s32 v3;
	[tilespmem:$0x1FDD0] =	vst v50  }
0x2b: {  	v51 =	vsel vm0, v46, v17;
	[tilespmem:$0x1FDE0] =	vst v17  }
0x2c: {  	v53 =	vand.u32 $0xF, v3;
	[tilespmem:$0x1FDF0] =	vst v51  }
0x2d: {  	v54 =	vadd.s32 $0x27, v11;
	[tilespmem:$0x1FE10] =	vst v53  }
0x2e: {  	v55 =	vadd.s32 $0x28, v11;
	[tilespmem:$0x1FE20] =	vst v54  }
0x2f: {  	v56 =	vadd.s32 $0x29, v11;
	[tilespmem:$0x1FE30] =	vst v55  }
0x30: {  	v57 =	vadd.s32 $0x2A, v11;
	[tilespmem:$0x1FE40] =	vst v56  }
0x31: {  	v58 =	vadd.s32 $0x2B, v11;
	[tilespmem:$0x1FE50] =	vst v57  }
0x32: {  	v59 =	vadd.s32 $0x2C, v11;
	[tilespmem:$0x1FE60] =	vst v58  }
0x33: {  	v61 =	vimm.s32 $0x32107654;
	v60 =	vadd.s32 $0x2D, v11;
	[tilespmem:$0x1FE70] =	vst v59  }
0x34: {  	v7 =	vunpack.c.l.s4.s8 v61;
	v61 =	vadd.s32 $0x2E, v11;
	[tilespmem:$0x1FE80] =	vst v60  }
0x35: {  	v62 =	vadd.s32 $0x2F, v11;
	[tilespmem:$0x1FE90] =	vst v61  }
0x36: {  	v12 =	vmul.u32 $0x40, v11;
	v63 =	vor.u32 $0x30, v11;
	[tilespmem:$0x1FEA0] =	vst v62  }
0x37: {  	[tilespmem:$0x1FEB0] =	vst v63  }
0x38: {  	v13 =	vadd.s32 $0x1, v11;
	[tilespmem:$0x1FEC0] =	vst v12  }
0x39: {  	v15 =	vadd.s32 $0x2, v11;
	[tilespmem:$0x1FED0] =	vst v13  }
0x3a: {  	v16 =	vadd.s32 $0x3, v11;
	[tilespmem:$0x1FEE0] =	vst v15  }
0x3b: {  	vm1 =	vcmask $0x2F10;
	vm2 =	vcmask $0x3F30;
	v20 =	vadd.s32 $0x4, v11;
	[tilespmem:$0x1FEF0] =	vst v16  }
0x3c: {  	v23 =	vadd.s32 $0x5, v11;
	v25 =	vadd.s32 $0x6, v11;
	v26 =	vadd.s32 $0x7, v11;
	[tilespmem:$0x1FF00] =	vst v20  }
0x3d: {  	v32 =	vadd.s32 $0x8, v11;
	v34 =	vadd.s32 $0x9, v11;
	v29 =	vimm.s32 $0x43218765;
	[tilespmem:$0x1FF10] =	vst v23  }
0x3e: {  	v38 =	vadd.s32 $0xA, v11;
	v40 =	vadd.s32 $0xB, v11;
	v6 =	vunpack.c.l.s4.s8 v29;
	[tilespmem:$0x1FF20] =	vst v25  }
0x3f: {  	v45 =	vadd.s32 $0xC, v11;
	v47 =	vadd.s32 $0xD, v11;
	v30 =	vimm.s32 $0xB0A0908;
	[tilespmem:$0x1FF30] =	vst v26  }
0x40: {  	v35 =	vimm.s32 $0xC0B0A09;
	v36 =	vimm.s32 $0x6543A987;
	v6 =	vunpack.c.0.s8.s32 v6;
	[tilespmem:$0x1FF40] =	vst v32  }
0x41: {  	v43 =	vimm.s32 $0xD0C0B0A;
	v7 =	vunpack.c.0.s8.s32 v7;
	v8 =	vimm.s32 $0x54329876;
	[tilespmem:$0x1FF50] =	vst v34  }
0x42: {  	v31 =	vunpack.c.l.s4.s8 v8;
	v33 =	vand.u32 $0xF, v6;
	v6 =	vunpack.c.l.s4.s8 v36;
	[tilespmem:$0x1FF60] =	vst v38  }
0x43: {  	v44 =	vimm.s32 $0xE0D0C0B;
	v28 =	vand.u32 $0xF, v7;
	v7 =	vunpack.c.0.s8.s32 v30;
	[tilespmem:$0x1FF70] =	vst v40  }
0x44: {  	s1 =	srdreg.scid;
	v2 =	vunpack.c.0.s8.s32 v31;
	v5 =	vsel vm1, v28, v14;
	v42 =	vunpack.c.0.s8.s32 v6;
	[tilespmem:$0x1FF80] =	vst v45  }
0x45: {  	s9 =	simm.s32 $0x2000;
	s10 =	simm.s32 $0x4;
	s11 =	simm.s32 $0x68;
	v4 =	vunpack.c.0.s8.s32 v43;
	v14 =	vsel vm2, v7, v5;
	v5 =	vunpack.c.0.s8.s32 v35;
	[tilespmem:$0x1FF90] =	vst v47  }
0x46: {  	s12 =	simm.s32 $0xE808;
	s13 =	simm.s32 $0x60;
	s23 =	simm.s32 $0x16A08;
	v1 =	vsel vm1, v33, v41;
	v41 =	vand.u32 $0xF, v2;
	[tilespmem:$0x1FFA0] =	vst v18;
	v2 =	vand.u32 $0xF, v42  }
0x47: {  	s24 =	simm.s32 $0x8400;
	s25 =	simm.s32 $0x18408;
	s1 =	sand.u32 $0x1, s1;
	[tilespmem:$0x1FFB0] =	vst v9;
	v8 =	vsel vm2, v5, v1;
	v1 =	vsel vm1, v41, v48;
	v48 =	vimm.s32 $0x76543210  }
0x48: {  	s26 =	simm.s32 $0x0;
	s3 =	sor.u32 s1, s3;
	s1 =	ssub.s32 $0x2, s1;
	[tilespmem:$0x1FFC0] =	vst v14;
	v5 =	vunpack.c.0.s8.s32 v44;
	v4 =	vsel vm2, v4, v1;
	v1 =	vunpack.c.l.s4.s8 v48  }
0x49: {  	s5 =	sshll.u32 s3, $0xA;
	s6 =	smul.u32 $0xC80, s3;
	s7 =	sshrl.u32 s1, $0x1;
	v2 =	vsel vm1, v2, v17;
	[tilespmem:$0x1FFD0] =	vst v8  }
0x4a: {  	s3 =	sadd.s32 $0x10C9E00, s0;
	s5 =	sadd.s32 s5, s0;
	s1 =	ssub.s32 s1, s7;
	v5 =	vsel vm2, v5, v2;
	[tilespmem:$0x1FFE0] =	vst v4;
	v52 =	vunpack.c.0.s8.s32 v1  }
0x4b: {  	s0 =	sadd.s32 s6, s0;
	s4 =	sadd.s32 s4, s6;
	s5 =	sadd.s32 $0xF5C400, s5;
	[tilespmem:$0x1FFF0] =	vst v5  }
0x4c: {  	s8 =	smax.u32 s1, $0x1;
	s6 =	sadd.s32 $0xF43400, s0;
	s7 =	sadd.s32 $0xF64400, s0;
	[tilespmem:$0x1FE00] =	vst v52  }
.LBB2_1:
0x4d: {  	[tilespmem:s9], [sflag:$0x4] =	stream.linear.gather [hbm4b:s4+s2], $0x6400, $0x38;
	[tilespmem:$0x1E860] =	vst v63  }
0x4e: {  	_ =	swait.ge [sflag:s10], $0x6400  }
0x4f: {  	[sflag:s10] =	ssyncset.done $0x0  }
0x50: {  	[sflag:s10] =	ssyncadd.s32 $0xFFFF9C00  }
0x51: {  	[tilespmem:s12], [sflag:$0x1] =	stream.indirect.gather [hbm4b:s3+s11], $0x40, s9, s11, $0xb8;
	[tilespmem:$0x1E860] =	vst v63  }
0x52: {  	s0 =	simm.s32 $0x2068;
	s1 =	simm.s32 $0x10208  }
0x53: {  	[tilespmem:s1], [sflag:$0x1] =	stream.indirect.gather [hbm4b:s3+s13], $0x40, s0, s13, $0xb8;
	[tilespmem:$0x1E860] =	vst v63  }
0x54: {  	s18 =	simm.s32 $0x20C8;
	s19 =	simm.s32 $0x11C08  }
0x55: {  	[tilespmem:s19], [sflag:$0x2] =	stream.indirect.gather [hbm4b:s3+s11], $0x40, s18, s11, $0xb8;
	[tilespmem:$0x1E860] =	vst v63  }
0x56: {  	s20 =	simm.s32 $0x2130;
	s21 =	simm.s32 $0x13608  }
0x57: {  	[tilespmem:s21], [sflag:$0x2] =	stream.indirect.gather [hbm4b:s3+s13], $0x40, s20, s13, $0xb8;
	[tilespmem:$0x1E860] =	vst v63  }
0x58: {  	s22 =	simm.s32 $0x2190;
	s28 =	simm.s32 $0x15008  }
0x59: {  	[tilespmem:s28], [sflag:$0x3] =	stream.indirect.gather [hbm4b:s3+s11], $0x40, s22, s11, $0xb8;
	[tilespmem:$0x1E860] =	vst v63  }
0x5a: {  	s29 =	simm.s32 $0x21F8  }
0x5b: {  	[tilespmem:s23], [sflag:$0x3] =	stream.indirect.gather [hbm4b:s3+s13], $0x40, s29, s13, $0xb8;
	[tilespmem:$0x1E860] =	vst v63  }
0x5c: {  	_ = 	snop  }
0x5d: {  	[tilespmem:s2], [sflag:$0x4] =	stream.linear.gather [hbm4b:s5+s2], $0x2000, $0x38;
	[tilespmem:$0x1E860] =	vst v63  }
0x5e: {  	_ =	swait.ge [sflag:s10], $0x2000  }
0x5f: {  	[sflag:s10] =	ssyncset.done $0x0  }
0x60: {  	[sflag:s10] =	ssyncadd.s32 $0xFFFFE000  }
0x61: {  	[tilespmem:s24], [sflag:$0x4] =	stream.linear.gather [hbm4b:s6+s2], $0x6400, $0x38;
	[tilespmem:$0x1E860] =	vst v63  }
0x62: {  	_ =	swait.ge [sflag:s10], $0x6400  }
0x63: {  	s30 =	simm.s32 $0x0;
	s31 =	simm.s32 $0x0;
	[sflag:s10] =	ssyncset.done $0x0  }
0x64: {  	s19 =	simm.s32 $0x8420;
	s18 =	simm.s32 $0x18428;
	[sflag:s10] =	ssyncadd.s32 $0xFFFF9C00  }
.LBB2_2:
0x65: {  	s0 =	smul.u32 $0xAB, s31;
	_ =	sdelay $0x1  }
0x66: {  	s0 =	sshrl.u32 s0, $0x9  }
0x67: {  	s0 =	sand.u32 $0x7F, s0  }
0x68: {  	s0 =	smul.u32 $0x3, s0;
	_ =	sdelay $0x1  }
0x69: {  	s0 =	ssub.s32 s31, s0  }
0x6a: {  	s0 =	sand.u32 $0xFF, s0  }
0x6b: {  	s1 =	sadd.s32 $0x1, s0  }
0x6c: {  	_ =	swait.ge [sflag:s1], $0x3200  }
0x6d: {  	s14 =	sshll.u32 s31, $0x6;
	[sflag:s1] =	ssyncset.done $0x0  }
0x6e: {  	s14 =	sand.u32 $0x3FFFFFC0, s14;
	[sflag:s1] =	ssyncadd.s32 $0xFFFFCE00  }
0x6f: {  	v0 =	vld [tilespmem:s14+$0x0];
	_ =	sdelay $0x4  }
0x70: {  	[tilespmem:$0x1E810] =	vst v0  }
0x71: {  	v0 =	vld [tilespmem:s14+$0x10];
	_ =	sdelay $0x4  }
0x72: {  	[tilespmem:$0x1E820] =	vst v0  }
0x73: {  	v0 =	vld [tilespmem:s14+$0x20];
	_ =	sdelay $0x4  }
0x74: {  	[tilespmem:$0x1E830] =	vst v0  }
0x75: {  	v0 =	vld [tilespmem:s14+$0x30];
	_ =	sdelay $0x4  }
0x76: {  	[tilespmem:$0x1E840] =	vst v0  }
0x77: {  	s15 =	smulhi.u32 $0xAAAAAAAB, s31;
	v0 =	vld [tilespmem:s14+$0x0];
	_ =	sdelay $0x1  }
0x78: {  	s22 =	sshrl.u32 s15, $0x1  }
0x79: {  	s14 =	smul.u32 $0x270, s22  }
0x7a: {  	s17 =	simm.s32 $0x0;
	s29 =	smov.u32 s18;
	s15 =	smul.u32 $0xD0, s0  }
0x7b: {  	s28 =	smov.u32 s19;
	s16 =	ssub.s32 s30, s14;
	s14 =	smul.u32 $0xC8, s31;
	[tilespmem:$0x1E850] =	vst v0  }
.LBB2_3:
0x7c: {  	s20 =	sadd.s32 s17, s16  }
0x7d: {  	v0 =	vmov s20  }
0x7e: {  	v0 =	vshll.u32 v0, $0x6  }
0x7f: {  	s21 =	sadd.s32 $0x10, s20;
	v63 =	vor.u32 v12, v0  }
0x80: {  	s22 =	sadd.s32 $0x20, s20;
	s20 =	sadd.s32 $0x30, s20;
	v1 =	vmov s21;
	v3 =	vor.u32 v11, v63  }
0x81: {  	v1 =	vshll.u32 v1, $0x6;
	v0 =	vmov s20  }
0x82: {  	v62 =	vor.u32 v12, v1;
	v0 =	vshll.u32 v0, $0x6  }
0x83: {  	v1 =	vor.u32 v11, v62;
	v59 =	vor.u32 v12, v0  }
0x84: {  	v2 =	vmov s22;
	v0 =	vor.u32 v11, v59  }
0x85: {  	v2 =	vshll.u32 v2, $0x6;
	v30 =	vld.idx.msk [tilespmem:v3+s12+$0x0], $0xffff;
	v3 =	vor.u32 v13, v62  }
0x86: {  	v61 =	vor.u32 v12, v2  }
0x87: {  	v2 =	vor.u32 v11, v61  }
0x88: {  	v35 =	vld.idx.msk [tilespmem:v1+s12+$0x0], $0xffff;
	v1 =	vor.u32 v13, v61  }
0x89: {  	v21 =	vld.idx.msk [tilespmem:v0+s12+$0x0], $0xffff;
	v0 =	vor.u32 v15, v63  }
0x8a: {  	v27 =	vld.idx.msk [tilespmem:v3+s12+$0x0], $0xffff;
	v3 =	vor.u32 v15, v61;
	_ =	sdelay $0x1  }
0x8b: {  	v19 =	vld.idx.msk [tilespmem:v2+s12+$0x0], $0xffff  }
0x8c: {  	v17 =	vor.u32 v20, v62;
	v14 =	vld.idx.msk [tilespmem:v1+s12+$0x0], $0xffff  }
0x8d: {  	v28 =	vld.idx.msk [tilespmem:v0+s12+$0x0], $0xffff;
	v0 =	vor.u32 v16, v62  }
0x8e: {  	v12 =	vor.u32 v15, v62;
	v1 =	vor.u32 v15, v59;
	v15 =	vor.u32 v16, v61;
	v11 =	vld.idx.msk [tilespmem:v3+s12+$0x0], $0xffff  }
0x8f: {  	v2 =	vor.u32 v13, v59;
	v3 =	vld [tilespmem:$0x1FEF0]  }
0x90: {  	v18 =	vor.u32 v20, v61  }
0x91: {  	v7 =	vld.idx.msk [tilespmem:v17+s12+$0x0], $0xffff;
	v17 =	vor.u32 v23, v61  }
0x92: {  	v51 =	vld.idx.msk [tilespmem:v0+s12+$0x0], $0xffff  }
0x93: {  	v0 =	vld.idx.msk [tilespmem:v15+s12+$0x0], $0xffff  }
0x94: {  	v36 =	vld.idx.msk [tilespmem:v2+s12+$0x0], $0xffff;
	v2 =	vor.u32 v16, v63;
	v16 =	vor.u32 v3, v59  }
0x95: {  	v9 =	vld.idx.msk [tilespmem:v18+s12+$0x0], $0xffff  }
0x96: {  	v22 =	vor.u32 v25, v63;
	v37 =	vld.idx.msk [tilespmem:v17+s12+$0x0], $0xffff  }
0x97: {  	v24 =	vor.u32 v25, v61;
	v18 =	vor.u32 v23, v59;
	v17 =	vor.u32 v25, v59;
	v29 =	vld.idx.msk [tilespmem:v1+s12+$0x0], $0xffff  }
0x98: {  	v1 =	vor.u32 v20, v63;
	v15 =	vor.u32 v20, v59;
	v20 =	vor.u32 v23, v62;
	[tilespmem:$0x1F4C0] =	vst v0  }
0x99: {  	v0 =	vld.idx.msk [tilespmem:v16+s12+$0x0], $0xffff;
	v16 =	vor.u32 v23, v63;
	v23 =	vor.u32 v25, v62;
	v25 =	vor.u32 v26, v62;
	_ =	sdelay $0x4  }
0x9a: {  	v46 =	vld.idx.msk [tilespmem:v25+s12+$0x0], $0xffff;
	v25 =	vor.u32 v32, v61;
	_ =	sdelay $0x2  }
0x9b: {  	v42 =	vld.idx.msk [tilespmem:v24+s12+$0x0], $0xffff;
	v24 =	vor.u32 v26, v59  }
0x9c: {  	v31 =	vor.u32 v32, v62;
	[tilespmem:$0x1F4D0] =	vst v0;
	v0 =	vld [tilespmem:$0x1FF40]  }
0x9d: {  	v48 =	vld.idx.msk [tilespmem:v25+s12+$0x0], $0xffff;
	v25 =	vor.u32 v34, v59;
	_ =	sdelay $0x2  }
0x9e: {  	v44 =	vld.idx.msk [tilespmem:v24+s12+$0x0], $0xffff;
	v24 =	vor.u32 v34, v63  }
0x9f: {  	v54 =	vld.idx.msk [tilespmem:v31+s12+$0x0], $0xffff;
	v31 =	vor.u32 v34, v61  }
0xa0: {  	v33 =	vor.u32 v38, v62;
	v58 =	vor.u32 v0, v59;
	v0 =	vld.idx.msk [tilespmem:v25+s12+$0x0], $0xffff;
	_ =	sdelay $0x2  }
0xa1: {  	v52 =	vld.idx.msk [tilespmem:v24+s12+$0x0], $0xffff  }
0xa2: {  	v24 =	vld.idx.msk [tilespmem:v31+s12+$0x0], $0xffff  }
0xa3: {  	v31 =	vor.u32 v38, v59;
	[tilespmem:$0x1F4E0] =	vst v0;
	v0 =	vld.idx.msk [tilespmem:v33+s12+$0x0], $0xffff  }
0xa4: {  	v41 =	vld.idx.msk [tilespmem:v22+s12+$0x0], $0xffff  }
0xa5: {  	v39 =	vld.idx.msk [tilespmem:v18+s12+$0x0], $0xffff  }
0xa6: {  	v18 =	vor.u32 v26, v63;
	v22 =	vld.idx.msk [tilespmem:v23+s12+$0x0], $0xffff;
	v23 =	vor.u32 v26, v61;
	v26 =	vor.u32 v32, v63;
	_ =	sdelay $0x1  }
0xa7: {  	v50 =	vor.u32 v40, v62;
	[tilespmem:$0x1F4F0] =	vst v0;
	v0 =	vld.idx.msk [tilespmem:v31+s12+$0x0], $0xffff;
	_ =	sdelay $0x2  }
0xa8: {  	v53 =	vld.idx.msk [tilespmem:v26+s12+$0x0], $0xffff;
	v26 =	vor.u32 v34, v62  }
0xa9: {  	v60 =	vor.u32 v38, v63  }
0xaa: {  	[tilespmem:$0x1F500] =	vst v0;
	v0 =	vld.idx.msk [tilespmem:v50+s12+$0x0], $0xffff;
	_ =	sdelay $0x1  }
0xab: {  	v55 =	vld.idx.msk [tilespmem:v58+s12+$0x0], $0xffff  }
0xac: {  	v57 =	vld.idx.msk [tilespmem:v26+s12+$0x0], $0xffff;
	v26 =	vor.u32 v38, v61  }
0xad: {  	v56 =	vor.u32 v40, v61;
	v58 =	vld.idx.msk [tilespmem:v60+s12+$0x0], $0xffff  }
0xae: {  	v60 =	vor.u32 v40, v59;
	[tilespmem:$0x1F510] =	vst v0;
	v0 =	vld [tilespmem:$0x1FF80];
	_ =	sdelay $0x2  }
0xaf: {  	v25 =	vld.idx.msk [tilespmem:v26+s12+$0x0], $0xffff  }
0xb0: {  	v26 =	vld.idx.msk [tilespmem:v56+s12+$0x0], $0xffff  }
0xb1: {  	v56 =	vor.u32 v0, v59;
	v0 =	vld.idx.msk [tilespmem:v60+s12+$0x0], $0xffff;
	_ =	sdelay $0x3  }
0xb2: {  	v34 =	vor.u32 v40, v63;
	v40 =	vor.u32 v45, v63  }
0xb3: {  	[tilespmem:$0x1F520] =	vst v0;
	v0 =	vld [tilespmem:$0x1FF90]  }
0xb4: {  	v4 =	vor.u32 v13, v63;
	_ =	sdelay $0x2  }
0xb5: {  	v33 =	vld.idx.msk [tilespmem:v40+s12+$0x0], $0xffff;
	v40 =	vor.u32 v47, v62  }
0xb6: {  	v50 =	vor.u32 v45, v61;
	v60 =	vor.u32 v47, v63;
	v47 =	vor.u32 v0, v61;
	v0 =	vld [tilespmem:$0x1FF90]  }
0xb7: {  	v13 =	vld.idx.msk [tilespmem:v4+s12+$0x0], $0xffff  }
0xb8: {  	v4 =	vld [tilespmem:$0x1FB80]  }
0xb9: {  	v8 =	vld.idx.msk [tilespmem:v1+s12+$0x0], $0xffff  }
0xba: {  	v1 =	vld [tilespmem:$0x1FB70]  }
0xbb: {  	v32 =	vld.idx.msk [tilespmem:v50+s12+$0x0], $0xffff;
	v50 =	vor.u32 v0, v59  }
0xbc: {  	v49 =	vld.idx.msk [tilespmem:v2+s12+$0x0], $0xffff  }
0xbd: {  	v0 =	vld.idx.msk [tilespmem:v40+s12+$0x0], $0xffff  }
0xbe: {  	v31 =	vld.idx.msk [tilespmem:v34+s12+$0x0], $0xffff  }
0xbf: {  	v34 =	vor.u32 v45, v62;
	v45 =	vld.idx.msk [tilespmem:v56+s12+$0x0], $0xffff  }
0xc0: {  	v56 =	vor.u32 v1, v63;
	v2 =	vld.idx.msk [tilespmem:v50+s12+$0x0], $0xffff  }
0xc1: {  	v38 =	vld.idx.msk [tilespmem:v60+s12+$0x0], $0xffff;
	v60 =	vor.u32 v1, v62  }
0xc2: {  	[tilespmem:$0x1F530] =	vst v0;
	v0 =	vor.u32 v1, v61  }
0xc3: {  	v1 =	vor.u32 v1, v59  }
0xc4: {  	v40 =	vld.idx.msk [tilespmem:v47+s12+$0x0], $0xffff  }
0xc5: {  	v47 =	vld.idx.msk [tilespmem:v56+s12+$0x0], $0xffff;
	[tilespmem:$0x1F540] =	vst v2;
	v2 =	vor.u32 v4, v63  }
0xc6: {  	v3 =	vor.u32 v4, v62;
	v56 =	vld.idx.msk [tilespmem:v60+s12+$0x0], $0xffff  }
0xc7: {  	v50 =	vld.idx.msk [tilespmem:v0+s12+$0x0], $0xffff  }
0xc8: {  	v1 =	vld.idx.msk [tilespmem:v1+s12+$0x0], $0xffff  }
0xc9: {  	v60 =	vor.u32 v4, v61;
	v0 =	vor.u32 v4, v59;
	v4 =	vld [tilespmem:$0x1FB90]  }
0xca: {  	v2 =	vld.idx.msk [tilespmem:v2+s12+$0x0], $0xffff  }
0xcb: {  	v3 =	vld.idx.msk [tilespmem:v3+s12+$0x0], $0xffff;
	_ =	sdelay $0x2  }
0xcc: {  	v5 =	vld [tilespmem:$0x1FBA0];
	[tilespmem:$0x1F550] =	vst v1;
	v1 =	vor.u32 v4, v63  }
0xcd: {  	v0 =	vld.idx.msk [tilespmem:v0+s12+$0x0], $0xffff;
	[tilespmem:$0x1F560] =	vst v2;
	v2 =	vor.u32 v4, v62  }
0xce: {  	[tilespmem:$0x1F570] =	vst v3;
	v3 =	vor.u32 v4, v61;
	_ =	sdelay $0x2  }
0xcf: {  	v1 =	vld.idx.msk [tilespmem:v1+s12+$0x0], $0xffff  }
0xd0: {  	[tilespmem:$0x1F580] =	vst v0;
	v0 =	vor.u32 v5, v63;
	v2 =	vld.idx.msk [tilespmem:v2+s12+$0x0], $0xffff  }
0xd1: {  	v3 =	vld.idx.msk [tilespmem:v3+s12+$0x0], $0xffff;
	_ =	sdelay $0x1  }
0xd2: {  	v4 =	vor.u32 v4, v59  }
0xd3: {  	[tilespmem:$0x1F590] =	vst v1;
	v1 =	vor.u32 v5, v62  }
0xd4: {  	v0 =	vld.idx.msk [tilespmem:v0+s12+$0x0], $0xffff;
	[tilespmem:$0x1F5A0] =	vst v2;
	v2 =	vor.u32 v5, v61  }
0xd5: {  	[tilespmem:$0x1F5B0] =	vst v3;
	v3 =	vor.u32 v5, v59;
	v5 =	vld [tilespmem:$0x1FBB0];
	_ =	sdelay $0x1  }
0xd6: {  	v4 =	vld.idx.msk [tilespmem:v4+s12+$0x0], $0xffff  }
0xd7: {  	v1 =	vld.idx.msk [tilespmem:v1+s12+$0x0], $0xffff  }
0xd8: {  	v2 =	vld.idx.msk [tilespmem:v2+s12+$0x0], $0xffff  }
0xd9: {  	[tilespmem:$0x1F5D0] =	vst v0;
	v0 =	vor.u32 v5, v62;
	_ =	sdelay $0x1  }
0xda: {  	[tilespmem:$0x1F5C0] =	vst v4  }
0xdb: {  	[tilespmem:$0x1F5E0] =	vst v1  }
0xdc: {  	v4 =	vor.u32 v5, v63;
	v1 =	vor.u32 v5, v61;
	[tilespmem:$0x1F5F0] =	vst v2;
	v2 =	vor.u32 v5, v59;
	v5 =	vld [tilespmem:$0x1FBC0]  }
0xdd: {  	v0 =	vld.idx.msk [tilespmem:v0+s12+$0x0], $0xffff;
	_ =	sdelay $0x2  }
0xde: {  	v3 =	vld.idx.msk [tilespmem:v3+s12+$0x0], $0xffff  }
0xdf: {  	v4 =	vld.idx.msk [tilespmem:v4+s12+$0x0], $0xffff  }
0xe0: {  	v1 =	vld.idx.msk [tilespmem:v1+s12+$0x0], $0xffff;
	[tilespmem:$0x1F620] =	vst v0;
	v0 =	vor.u32 v5, v61  }
0xe1: {  	v12 =	vld.idx.msk [tilespmem:v12+s12+$0x0], $0xffff  }
0xe2: {  	v17 =	vld.idx.msk [tilespmem:v17+s12+$0x0], $0xffff  }
0xe3: {  	v43 =	vld.idx.msk [tilespmem:v18+s12+$0x0], $0xffff;
	[tilespmem:$0x1F600] =	vst v3;
	v3 =	vor.u32 v5, v63  }
0xe4: {  	[tilespmem:$0x1F610] =	vst v4;
	v4 =	vor.u32 v5, v62;
	v2 =	vld.idx.msk [tilespmem:v2+s12+$0x0], $0xffff  }
0xe5: {  	[tilespmem:$0x1F630] =	vst v1;
	v1 =	vor.u32 v5, v59;
	v0 =	vld.idx.msk [tilespmem:v0+s12+$0x0], $0xffff  }
0xe6: {  	v5 =	vld [tilespmem:$0x1FBD0]  }
0xe7: {  	v15 =	vld.idx.msk [tilespmem:v15+s12+$0x0], $0xffff  }
0xe8: {  	v3 =	vld.idx.msk [tilespmem:v3+s12+$0x0], $0xffff  }
0xe9: {  	v4 =	vld.idx.msk [tilespmem:v4+s12+$0x0], $0xffff  }
0xea: {  	[tilespmem:$0x1F670] =	vst v0;
	v0 =	vld.idx.msk [tilespmem:v1+s12+$0x0], $0xffff  }
0xeb: {  	v20 =	vld.idx.msk [tilespmem:v20+s12+$0x0], $0xffff;
	[tilespmem:$0x1F640] =	vst v2;
	v2 =	vor.u32 v5, v63  }
0xec: {  	v16 =	vld.idx.msk [tilespmem:v16+s12+$0x0], $0xffff  }
0xed: {  	v23 =	vld.idx.msk [tilespmem:v23+s12+$0x0], $0xffff;
	[tilespmem:$0x1F650] =	vst v3  }
0xee: {  	v34 =	vld.idx.msk [tilespmem:v34+s12+$0x0], $0xffff;
	[tilespmem:$0x1F660] =	vst v4  }
0xef: {  	v60 =	vld.idx.msk [tilespmem:v60+s12+$0x0], $0xffff;
	[tilespmem:$0x1F680] =	vst v0  }
0xf0: {  	v3 =	vor.u32 v5, v62;
	v1 =	vld.idx.msk [tilespmem:v2+s12+$0x0], $0xffff;
	_ =	sdelay $0x3  }
0xf1: {  	v6 =	vld [tilespmem:$0x1FBE0]  }
0xf2: {  	v0 =	vor.u32 v5, v59;
	[tilespmem:$0x1F690] =	vst v1;
	v1 =	vld.idx.msk [tilespmem:v3+s12+$0x0], $0xffff;
	_ =	sdelay $0x4  }
0xf3: {  	v0 =	vld.idx.msk [tilespmem:v0+s12+$0x0], $0xffff;
	[tilespmem:$0x1F6A0] =	vst v1;
	v1 =	vor.u32 v6, v63;
	_ =	sdelay $0x3  }
0xf4: {  	v4 =	vor.u32 v5, v61  }
0xf5: {  	[tilespmem:$0x1F6C0] =	vst v0;
	v0 =	vld.idx.msk [tilespmem:v1+s12+$0x0], $0xffff;
	_ =	sdelay $0x3  }
0xf6: {  	v2 =	vld.idx.msk [tilespmem:v4+s12+$0x0], $0xffff  }
0xf7: {  	v18 =	vld [tilespmem:$0x1FBF0];
	[tilespmem:$0x1F6D0] =	vst v0;
	v0 =	vor.u32 v6, v59  }
0xf8: {  	v3 =	vor.u32 v6, v62  }
0xf9: {  	v5 =	vor.u32 v6, v61  }
0xfa: {  	v4 =	vld [tilespmem:$0x1E811]  }
0xfb: {  	[tilespmem:$0x1F6B0] =	vst v2;
	v2 =	vld [tilespmem:$0x1E810]  }
0xfc: {  	v6 =	vor.u32 v18, v63;
	v0 =	vld.idx.msk [tilespmem:v0+s12+$0x0], $0xffff  }
0xfd: {  	v3 =	vld.idx.msk [tilespmem:v3+s12+$0x0], $0xffff  }
0xfe: {  	v5 =	vld.idx.msk [tilespmem:v5+s12+$0x0], $0xffff  }
0xff: {  	v1 =	vld [tilespmem:$0x1E812]  }
0x100: {  	v27 =	vmul.f32 v27, v4;
	v10 =	vmul.f32 v21, v2;
	v21 =	vor.u32 v18, v61  }
0x101: {  	v14 =	vmul.f32 v14, v4;
	v30 =	vmul.f32 v30, v2;
	[tilespmem:$0x1F700] =	vst v0;
	v0 =	vld.idx.msk [tilespmem:v6+s12+$0x0], $0xffff  }
0x102: {  	v35 =	vmul.f32 v35, v2;
	v19 =	vmul.f32 v19, v2  }
0x103: {  	[tilespmem:$0x1F6F0] =	vst v5;
	v5 =	vmul.f32 v13, v4;
	v4 =	vmul.f32 v36, v4  }
0x104: {  	[tilespmem:$0x1F6E0] =	vst v3;
	v3 =	vor.u32 v18, v62;
	v36 =	vmul.f32 v28, v1;
	v12 =	vmul.f32 v12, v1  }
0x105: {  	v2 =	vor.u32 v18, v59;
	v11 =	vmul.f32 v11, v1;
	v18 =	vmul.f32 v29, v1;
	v1 =	vld.idx.msk [tilespmem:v21+s12+$0x0], $0xffff  }
0x106: {  	[tilespmem:$0x1F710] =	vst v0;
	v0 =	vld [tilespmem:$0x1FC00];
	_ =	sdelay $0x2  }
0x107: {  	v3 =	vld.idx.msk [tilespmem:v3+s12+$0x0], $0xffff  }
0x108: {  	[tilespmem:$0x1F730] =	vst v1;
	v1 =	vld.idx.msk [tilespmem:v2+s12+$0x0], $0xffff  }
0x109: {  	v6 =	vor.u32 v0, v63;
	_ =	sdelay $0x2  }
0x10a: {  	[tilespmem:$0x1F720] =	vst v3  }
0x10b: {  	v28 =	vadd.f32 $0.0e+00, v30;
	[tilespmem:$0x1F740] =	vst v1  }
0x10c: {  	v3 =	vor.u32 v0, v62;
	v30 =	vor.u32 v0, v61;
	v1 =	vor.u32 v0, v59;
	v0 =	vld.idx.msk [tilespmem:v6+s12+$0x0], $0xffff;
	_ =	sdelay $0x4  }
0x10d: {  	[tilespmem:$0x1F750] =	vst v0;
	v0 =	vld.idx.msk [tilespmem:v3+s12+$0x0], $0xffff;
	_ =	sdelay $0x3  }
0x10e: {  	v21 =	vld [tilespmem:$0x1FC10]  }
0x10f: {  	[tilespmem:$0x1F760] =	vst v0;
	v0 =	vld.idx.msk [tilespmem:v30+s12+$0x0], $0xffff;
	_ =	sdelay $0x4  }
0x110: {  	v6 =	vor.u32 v21, v63;
	[tilespmem:$0x1F770] =	vst v0;
	v0 =	vld.idx.msk [tilespmem:v1+s12+$0x0], $0xffff  }
0x111: {  	v13 =	vld [tilespmem:$0x1E814];
	_ =	sdelay $0x3  }
0x112: {  	v3 =	vor.u32 v21, v62;
	[tilespmem:$0x1F780] =	vst v0;
	v0 =	vld.idx.msk [tilespmem:v6+s12+$0x0], $0xffff  }
0x113: {  	v19 =	vadd.f32 $0.0e+00, v19;
	v8 =	vmul.f32 v8, v13;
	v7 =	vmul.f32 v7, v13  }
0x114: {  	v9 =	vmul.f32 v9, v13;
	v13 =	vmul.f32 v15, v13;
	v2 =	vadd.f32 $0.0e+00, v10;
	_ =	sdelay $0x1  }
0x115: {  	v9 =	vadd.f32 v9, v19;
	v19 =	vadd.f32 v13, v2;
	v2 =	vld [tilespmem:$0x1FC20]  }
0x116: {  	v1 =	vor.u32 v21, v59;
	[tilespmem:$0x1F790] =	vst v0;
	v0 =	vld.idx.msk [tilespmem:v3+s12+$0x0], $0xffff;
	_ =	sdelay $0x2  }
0x117: {  	v29 =	vld [tilespmem:$0x1E815];
	_ =	sdelay $0x1  }
0x118: {  	v6 =	vor.u32 v2, v63;
	[tilespmem:$0x1F7A0] =	vst v0;
	v0 =	vld.idx.msk [tilespmem:v1+s12+$0x0], $0xffff  }
0x119: {  	v8 =	vadd.f32 v8, v28;
	v28 =	vor.u32 v21, v61  }
0x11a: {  	v30 =	vor.u32 v2, v62  }
0x11b: {  	v5 =	vadd.f32 $0.0e+00, v5;
	v15 =	vmul.f32 v16, v29  }
0x11c: {  	v16 =	vadd.f32 $0.0e+00, v27;
	v20 =	vmul.f32 v20, v29;
	v27 =	vld [tilespmem:$0x1E816]  }
0x11d: {  	v5 =	vadd.f32 v15, v5;
	[tilespmem:$0x1F7B0] =	vst v0;
	v0 =	vld.idx.msk [tilespmem:v6+s12+$0x0], $0xffff  }
0x11e: {  	v13 =	vadd.f32 v20, v16;
	v15 =	vmul.f32 v37, v29;
	v16 =	vmul.f32 v39, v29;
	v29 =	vld.idx.msk [tilespmem:v28+s12+$0x0], $0xffff  }
0x11f: {  	v28 =	vor.u32 v2, v61;
	v1 =	vor.u32 v2, v59;
	v2 =	vld.idx.msk [tilespmem:v30+s12+$0x0], $0xffff;
	_ =	sdelay $0x2  }
0x120: {  	v6 =	vmul.f32 v17, v27;
	[tilespmem:$0x1F7C0] =	vst v0;
	v0 =	vadd.f32 $0.0e+00, v18;
	_ =	sdelay $0x1  }
0x121: {  	[tilespmem:$0x1F7D0] =	vst v2;
	v2 =	vadd.f32 v6, v0;
	v0 =	vld.idx.msk [tilespmem:v1+s12+$0x0], $0xffff  }
0x122: {  	v35 =	vadd.f32 $0.0e+00, v35;
	v20 =	vld [tilespmem:$0x1FC30]  }
0x123: {  	v14 =	vadd.f32 $0.0e+00, v14;
	v10 =	vadd.f32 $0.0e+00, v12;
	v12 =	vld [tilespmem:$0x1E813]  }
0x124: {  	v4 =	vadd.f32 $0.0e+00, v4;
	v7 =	vadd.f32 v7, v35  }
0x125: {  	v11 =	vadd.f32 $0.0e+00, v11;
	v14 =	vadd.f32 v15, v14;
	v15 =	vmul.f32 v42, v27  }
0x126: {  	v4 =	vadd.f32 v16, v4;
	v41 =	vmul.f32 v41, v27;
	v22 =	vmul.f32 v22, v27;
	[tilespmem:$0x1F7E0] =	vst v0;
	v0 =	vld [tilespmem:$0x1F4C0]  }
0x127: {  	v16 =	vld [tilespmem:$0x1E817];
	v35 =	vor.u32 v20, v62;
	v11 =	vadd.f32 v15, v11;
	v3 =	vadd.f32 $0.0e+00, v36  }
0x128: {  	v15 =	vmul.f32 v51, v12;
	v51 =	vor.u32 v20, v59;
	v27 =	vmul.f32 v49, v12;
	v49 =	vld [tilespmem:$0x1E818]  }
0x129: {  	v3 =	vadd.f32 v41, v3;
	v41 =	vor.u32 v20, v61;
	v17 =	vor.u32 v20, v63;
	v20 =	vld [tilespmem:$0x1F4D0];
	_ =	sdelay $0x1  }
0x12a: {  	v1 =	vadd.f32 $0.0e+00, v15;
	v15 =	vmul.f32 v0, v12;
	v0 =	vld [tilespmem:$0x1FC40]  }
0x12b: {  	v23 =	vmul.f32 v23, v16;
	v21 =	vld [tilespmem:$0x1F4F0];
	v18 =	vmul.f32 v46, v16  }
0x12c: {  	v30 =	vld.idx.msk [tilespmem:v28+s12+$0x0], $0xffff;
	v46 =	vmul.f32 v55, v49;
	v6 =	vadd.f32 $0.0e+00, v27;
	v27 =	vmul.f32 v43, v16  }
0x12d: {  	v28 =	vld.idx.msk [tilespmem:v17+s12+$0x0], $0xffff;
	v42 =	vmul.f32 v54, v49;
	v12 =	vmul.f32 v20, v12;
	v15 =	vadd.f32 $0.0e+00, v15  }
0x12e: {  	v16 =	vmul.f32 v44, v16;
	v46 =	vadd.f32 v46, v19;
	v19 =	vld [tilespmem:$0x1F4E0];
	v6 =	vadd.f32 v27, v6  }
0x12f: {  	v27 =	vld.idx.msk [tilespmem:v41+s12+$0x0], $0xffff;
	v12 =	vadd.f32 $0.0e+00, v12;
	v15 =	vadd.f32 v23, v15;
	v17 =	vor.u32 v0, v63  }
0x130: {  	v37 =	vor.u32 v0, v62;
	v23 =	vor.u32 v0, v61;
	v43 =	vor.u32 v0, v59;
	v0 =	vld [tilespmem:$0x1FC50]  }
0x131: {  	v1 =	vadd.f32 v18, v1;
	v18 =	vld [tilespmem:$0x1E819]  }
0x132: {  	v12 =	vadd.f32 v16, v12;
	v16 =	vadd.f32 v42, v7;
	v7 =	vld [tilespmem:$0x1E81A]  }
0x133: {  	v20 =	vld [tilespmem:$0x1FC60]  }
0x134: {  	v41 =	vmul.f32 v53, v49;
	v36 =	vld.idx.msk [tilespmem:v17+s12+$0x0], $0xffff  }
0x135: {  	v54 =	vmul.f32 v48, v49;
	v17 =	vor.u32 v0, v63;
	v39 =	vld.idx.msk [tilespmem:v37+s12+$0x0], $0xffff  }
0x136: {  	v8 =	vadd.f32 v41, v8;
	v48 =	vmul.f32 v52, v18;
	v41 =	vor.u32 v0, v62;
	v37 =	vld.idx.msk [tilespmem:v23+s12+$0x0], $0xffff  }
0x137: {  	v10 =	vadd.f32 v22, v10;
	v44 =	vmul.f32 v21, v7;
	v23 =	vor.u32 v0, v61;
	v52 =	vld.idx.msk [tilespmem:v43+s12+$0x0], $0xffff  }
0x138: {  	v57 =	vmul.f32 v57, v18;
	v55 =	vor.u32 v0, v59;
	v0 =	vadd.f32 v48, v5;
	v5 =	vld [tilespmem:$0x1E81B]  }
0x139: {  	v24 =	vmul.f32 v24, v18;
	v18 =	vmul.f32 v19, v18;
	v43 =	vadd.f32 v44, v10;
	v10 =	vld [tilespmem:$0x1F500]  }
0x13a: {  	v42 =	vld.idx.msk [tilespmem:v17+s12+$0x0], $0xffff  }
0x13b: {  	v13 =	vadd.f32 v57, v13;
	v18 =	vadd.f32 v18, v4;
	v4 =	vor.u32 v20, v59;
	v57 =	vld.idx.msk [tilespmem:v41+s12+$0x0], $0xffff  }
0x13c: {  	v14 =	vadd.f32 v24, v14;
	v41 =	vld.idx.msk [tilespmem:v23+s12+$0x0], $0xffff  }
0x13d: {  	v24 =	vor.u32 v20, v62;
	v17 =	vor.u32 v20, v63;
	v23 =	vor.u32 v20, v61;
	v20 =	vld [tilespmem:$0x1FC70];
	_ =	sdelay $0x1  }
0x13e: {  	v19 =	vmul.f32 v58, v7;
	v21 =	vld [tilespmem:$0x1F510]  }
0x13f: {  	v4 =	vld.idx.msk [tilespmem:v4+s12+$0x0], $0xffff  }
0x140: {  	v25 =	vmul.f32 v25, v7;
	v19 =	vadd.f32 v19, v3;
	v3 =	vld [tilespmem:$0x1E81C];
	v7 =	vmul.f32 v10, v7  }
0x141: {  	v10 =	vmul.f32 v31, v5;
	v44 =	vld.idx.msk [tilespmem:v17+s12+$0x0], $0xffff;
	v17 =	vor.u32 v20, v63  }
0x142: {  	v9 =	vadd.f32 v54, v9;
	v54 =	vld.idx.msk [tilespmem:v55+s12+$0x0], $0xffff;
	v31 =	vadd.f32 v7, v2;
	v2 =	vor.u32 v20, v61  }
0x143: {  	v11 =	vadd.f32 v25, v11;
	v25 =	vmul.f32 v21, v5;
	v55 =	vadd.f32 v10, v6;
	v6 =	vld [tilespmem:$0x1F520]  }
0x144: {  	v48 =	vld.idx.msk [tilespmem:v23+s12+$0x0], $0xffff  }
0x145: {  	v23 =	vadd.f32 v25, v1;
	v1 =	vld [tilespmem:$0x1E81D]  }
0x146: {  	v7 =	vld.idx.msk [tilespmem:v17+s12+$0x0], $0xffff  }
0x147: {  	v49 =	vld.idx.msk [tilespmem:v2+s12+$0x0], $0xffff  }
0x148: {  	[tilespmem:$0x1F7F0] =	vst v4;
	v4 =	vor.u32 v20, v59;
	v2 =	vld [tilespmem:$0x1F530];
	_ =	sdelay $0x2  }
0x149: {  	[tilespmem:$0x1F800] =	vst v7;
	v7 =	vld [tilespmem:$0x1FC80]  }
0x14a: {  	v26 =	vmul.f32 v26, v5;
	v5 =	vmul.f32 v6, v5  }
0x14b: {  	v6 =	vmul.f32 v33, v3;
	v33 =	vmul.f32 v2, v1;
	v2 =	vld.idx.msk [tilespmem:v4+s12+$0x0], $0xffff;
	_ =	sdelay $0x2  }
0x14c: {  	v17 =	vor.u32 v7, v63  }
0x14d: {  	v25 =	vmul.f32 v34, v3  }
0x14e: {  	[tilespmem:$0x1F820] =	vst v2;
	v2 =	vld [tilespmem:$0x1F540]  }
0x14f: {  	v16 =	vadd.f32 v25, v16;
	v25 =	vmul.f32 v38, v1  }
0x150: {  	v38 =	vor.u32 v7, v59  }
0x151: {  	v25 =	vadd.f32 v25, v0;
	v0 =	vld.idx.msk [tilespmem:v17+s12+$0x0], $0xffff  }
0x152: {  	v53 =	vld.idx.msk [tilespmem:v51+s12+$0x0], $0xffff  }
0x153: {  	v58 =	vld.idx.msk [tilespmem:v24+s12+$0x0], $0xffff;
	v24 =	vor.u32 v20, v62;
	v51 =	vmul.f32 v40, v1;
	v1 =	vmul.f32 v2, v1;
	_ =	sdelay $0x1  }
0x154: {  	v18 =	vadd.f32 v1, v18;
	v1 =	vld.idx.msk [tilespmem:v38+s12+$0x0], $0xffff  }
0x155: {  	v15 =	vadd.f32 v26, v15;
	v26 =	vmul.f32 v32, v3;
	[tilespmem:$0x1F830] =	vst v0;
	v0 =	vld [tilespmem:$0x1FC90];
	_ =	sdelay $0x1  }
0x156: {  	v12 =	vadd.f32 v5, v12;
	v5 =	vld.idx.msk [tilespmem:v24+s12+$0x0], $0xffff;
	v24 =	vadd.f32 v26, v9;
	v26 =	vor.u32 v7, v61  }
0x157: {  	v32 =	vadd.f32 v6, v8;
	v8 =	vld [tilespmem:$0x1E81E]  }
0x158: {  	v17 =	vld [tilespmem:$0x1E81F]  }
0x159: {  	v9 =	vmul.f32 v45, v3;
	[tilespmem:$0x1F850] =	vst v1;
	v1 =	vld [tilespmem:$0x1F570];
	v34 =	vor.u32 v0, v62;
	_ =	sdelay $0x1  }
0x15a: {  	v46 =	vadd.f32 v9, v46;
	v14 =	vadd.f32 v51, v14;
	v51 =	vld.idx.msk [tilespmem:v26+s12+$0x0], $0xffff  }
0x15b: {  	v9 =	vor.u32 v0, v63;
	v26 =	vor.u32 v0, v61;
	v38 =	vor.u32 v0, v59;
	v0 =	vld [tilespmem:$0x1F550]  }
0x15c: {  	v40 =	vmul.f32 v56, v8;
	v56 =	vmul.f32 v50, v8  }
0x15d: {  	v13 =	vadd.f32 v33, v13;
	v33 =	vmul.f32 v47, v8;
	v50 =	vmul.f32 v1, v17;
	v1 =	vld.idx.msk [tilespmem:v34+s12+$0x0], $0xffff;
	_ =	sdelay $0x1  }
0x15e: {  	v19 =	vadd.f32 v33, v19  }
0x15f: {  	v33 =	vadd.f32 v40, v43;
	v43 =	vadd.f32 v56, v11;
	v11 =	vmul.f32 v0, v8;
	v0 =	vld [tilespmem:$0x1F560];
	_ =	sdelay $0x1  }
0x160: {  	[tilespmem:$0x1F870] =	vst v1;
	v1 =	vld.idx.msk [tilespmem:v26+s12+$0x0], $0xffff;
	_ =	sdelay $0x2  }
0x161: {  	v40 =	vmul.f32 v0, v17;
	v0 =	vld.idx.msk [tilespmem:v9+s12+$0x0], $0xffff;
	_ =	sdelay $0x1  }
0x162: {  	[tilespmem:$0x1F880] =	vst v1;
	v1 =	vld [tilespmem:$0x1F580];
	_ =	sdelay $0x2  }
0x163: {  	[tilespmem:$0x1F860] =	vst v0;
	v0 =	vld [tilespmem:$0x1FCA0]  }
0x164: {  	v47 =	vld [tilespmem:$0x1E820]  }
0x165: {  	v56 =	vmul.f32 v60, v17;
	v17 =	vmul.f32 v1, v17;
	v1 =	vld [tilespmem:$0x1F590];
	_ =	sdelay $0x2  }
0x166: {  	v26 =	vadd.f32 v50, v23;
	v50 =	vadd.f32 v56, v15;
	v45 =	vor.u32 v0, v63  }
0x167: {  	v34 =	vor.u32 v0, v62;
	v23 =	vor.u32 v0, v61;
	v56 =	vor.u32 v0, v59;
	v0 =	vld [tilespmem:$0x1F5A0]  }
0x168: {  	v60 =	vadd.f32 v11, v31;
	v31 =	vmul.f32 v1, v47;
	v1 =	vld.idx.msk [tilespmem:v38+s12+$0x0], $0xffff;
	_ =	sdelay $0x4  }
0x169: {  	v0 =	vmul.f32 v0, v47;
	[tilespmem:$0x1F890] =	vst v1;
	v1 =	vld [tilespmem:$0x1F5B0];
	_ =	sdelay $0x1  }
0x16a: {  	v6 =	vor.u32 v7, v62;
	v7 =	vadd.f32 v0, v16;
	v0 =	vld [tilespmem:$0x1F5C0];
	_ =	sdelay $0x2  }
0x16b: {  	v1 =	vmul.f32 v1, v47  }
0x16c: {  	v15 =	vld [tilespmem:$0x1E821]  }
0x16d: {  	v8 =	vadd.f32 v1, v24;
	v24 =	vmul.f32 v0, v47;
	v0 =	vld [tilespmem:$0x1F5D0];
	_ =	sdelay $0x2  }
0x16e: {  	v2 =	vld.idx.msk [tilespmem:v6+s12+$0x0], $0xffff;
	_ =	sdelay $0x1  }
0x16f: {  	v4 =	vadd.f32 v31, v32;
	v32 =	vmul.f32 v0, v15;
	v0 =	vld [tilespmem:$0x1F5E0];
	_ =	sdelay $0x1  }
0x170: {  	[tilespmem:$0x1F810] =	vst v5;
	v5 =	vld [tilespmem:$0x1FCB0]  }
0x171: {  	[tilespmem:$0x1F840] =	vst v2;
	v2 =	vld.idx.msk [tilespmem:v45+s12+$0x0], $0xffff  }
0x172: {  	v38 =	vld.idx.msk [tilespmem:v34+s12+$0x0], $0xffff  }
0x173: {  	v34 =	vmul.f32 v0, v15;
	v0 =	vld [tilespmem:$0x1F5F0];
	_ =	sdelay $0x3  }
0x174: {  	v55 =	vadd.f32 v40, v55  }
0x175: {  	[tilespmem:$0x1F8A0] =	vst v2;
	v2 =	vor.u32 v5, v63;
	v40 =	vmul.f32 v0, v15;
	v0 =	vld.idx.msk [tilespmem:v56+s12+$0x0], $0xffff;
	_ =	sdelay $0x4  }
0x176: {  	[tilespmem:$0x1F8B0] =	vst v0;
	v0 =	vld.idx.msk [tilespmem:v2+s12+$0x0], $0xffff;
	_ =	sdelay $0x4  }
0x177: {  	[tilespmem:$0x1F8C0] =	vst v0;
	v0 =	vld [tilespmem:$0x1F600];
	_ =	sdelay $0x3  }
0x178: {  	v16 =	vld [tilespmem:$0x1E822]  }
0x179: {  	v3 =	vadd.f32 v17, v12;
	v17 =	vor.u32 v5, v62;
	v15 =	vmul.f32 v0, v15;
	v0 =	vld [tilespmem:$0x1F610];
	_ =	sdelay $0x4  }
0x17a: {  	v10 =	vadd.f32 v34, v13;
	v34 =	vmul.f32 v0, v16;
	v0 =	vld.idx.msk [tilespmem:v17+s12+$0x0], $0xffff;
	_ =	sdelay $0x4  }
0x17b: {  	[tilespmem:$0x1F8D0] =	vst v0;
	v0 =	vld [tilespmem:$0x1F620];
	_ =	sdelay $0x1  }
0x17c: {  	v56 =	vor.u32 v5, v59;
	_ =	sdelay $0x2  }
0x17d: {  	v47 =	vadd.f32 v40, v14;
	v40 =	vmul.f32 v0, v16;
	v0 =	vld [tilespmem:$0x1F630];
	_ =	sdelay $0x1  }
0x17e: {  	v9 =	vld.idx.msk [tilespmem:v56+s12+$0x0], $0xffff;
	_ =	sdelay $0x2  }
0x17f: {  	v0 =	vmul.f32 v0, v16  }
0x180: {  	v1 =	vld [tilespmem:$0x1FCC0]  }
0x181: {  	[tilespmem:$0x1F8F0] =	vst v9;
	v9 =	vadd.f32 v0, v43;
	v0 =	vld [tilespmem:$0x1F640];
	_ =	sdelay $0x3  }
0x182: {  	v6 =	vadd.f32 v32, v25;
	v25 =	vld [tilespmem:$0x1E823]  }
0x183: {  	v14 =	vor.u32 v1, v63;
	v16 =	vmul.f32 v0, v16;
	v0 =	vld [tilespmem:$0x1F650];
	_ =	sdelay $0x3  }
0x184: {  	v31 =	vld.idx.msk [tilespmem:v23+s12+$0x0], $0xffff;
	v23 =	vor.u32 v5, v61  }
0x185: {  	v32 =	vmul.f32 v0, v25;
	v0 =	vld.idx.msk [tilespmem:v14+s12+$0x0], $0xffff;
	_ =	sdelay $0x3  }
0x186: {  	v2 =	vld.idx.msk [tilespmem:v23+s12+$0x0], $0xffff  }
0x187: {  	[tilespmem:$0x1F900] =	vst v0;
	v0 =	vld [tilespmem:$0x1F660];
	_ =	sdelay $0x4  }
0x188: {  	[tilespmem:$0x1F8E0] =	vst v2;
	v2 =	vor.u32 v1, v61;
	v0 =	vmul.f32 v0, v25;
	_ =	sdelay $0x1  }
0x189: {  	v12 =	vadd.f32 v0, v26;
	v0 =	vld [tilespmem:$0x1F680];
	_ =	sdelay $0x2  }
0x18a: {  	v2 =	vld.idx.msk [tilespmem:v2+s12+$0x0], $0xffff  }
0x18b: {  	v56 =	vadd.f32 v40, v33;
	v33 =	vld [tilespmem:$0x1E824]  }
0x18c: {  	v19 =	vadd.f32 v34, v19;
	v34 =	vor.u32 v1, v59;
	v26 =	vmul.f32 v0, v25;
	v0 =	vld [tilespmem:$0x1F690];
	_ =	sdelay $0x4  }
0x18d: {  	[tilespmem:$0x1F920] =	vst v2;
	v2 =	vmul.f32 v0, v33;
	v0 =	vld.idx.msk [tilespmem:v34+s12+$0x0], $0xffff;
	_ =	sdelay $0x4  }
0x18e: {  	v17 =	vor.u32 v1, v62;
	[tilespmem:$0x1F930] =	vst v0;
	v0 =	vld [tilespmem:$0x1F6A0]  }
0x18f: {  	v13 =	vld [tilespmem:$0x1FCD0];
	_ =	sdelay $0x1  }
0x190: {  	v1 =	vld [tilespmem:$0x1F670];
	_ =	sdelay $0x1  }
0x191: {  	v11 =	vld.idx.msk [tilespmem:v17+s12+$0x0], $0xffff;
	v0 =	vmul.f32 v0, v33  }
0x192: {  	v17 =	vor.u32 v13, v62  }
0x193: {  	v14 =	vadd.f32 v2, v4;
	v4 =	vadd.f32 v0, v7;
	v0 =	vld [tilespmem:$0x1F6C0]  }
0x194: {  	v1 =	vmul.f32 v1, v25;
	_ =	sdelay $0x1  }
0x195: {  	[tilespmem:$0x1F910] =	vst v11;
	v11 =	vadd.f32 v1, v50;
	v50 =	vld [tilespmem:$0x1E825]  }
0x196: {  	v2 =	vld.idx.msk [tilespmem:v17+s12+$0x0], $0xffff  }
0x197: {  	v43 =	vadd.f32 v32, v55;
	v55 =	vor.u32 v13, v61;
	v17 =	vmul.f32 v0, v33;
	v0 =	vld [tilespmem:$0x1F6D0];
	_ =	sdelay $0x4  }
0x198: {  	[tilespmem:$0x1F950] =	vst v2;
	v2 =	vmul.f32 v0, v50;
	v0 =	vld.idx.msk [tilespmem:v55+s12+$0x0], $0xffff;
	_ =	sdelay $0x1  }
0x199: {  	v34 =	vor.u32 v13, v59;
	_ =	sdelay $0x2  }
0x19a: {  	[tilespmem:$0x1F960] =	vst v0;
	v0 =	vld [tilespmem:$0x1F6E0]  }
0x19b: {  	v5 =	vadd.f32 v24, v46;
	v46 =	vor.u32 v13, v63  }
0x19c: {  	v60 =	vadd.f32 v16, v60;
	v16 =	vld.idx.msk [tilespmem:v34+s12+$0x0], $0xffff;
	_ =	sdelay $0x1  }
0x19d: {  	v18 =	vadd.f32 v15, v18;
	v15 =	vld [tilespmem:$0x1FD00]  }
0x19e: {  	v1 =	vld [tilespmem:$0x1F6B0];
	v0 =	vmul.f32 v0, v50  }
0x19f: {  	v13 =	vld.idx.msk [tilespmem:v46+s12+$0x0], $0xffff  }
0x1a0: {  	[tilespmem:$0x1F970] =	vst v16;
	v16 =	vadd.f32 v0, v10;
	v0 =	vld [tilespmem:$0x1F700];
	_ =	sdelay $0x2  }
0x1a1: {  	v1 =	vmul.f32 v1, v33  }
0x1a2: {  	v40 =	vor.u32 v15, v63;
	v7 =	vld [tilespmem:$0x1E826]  }
0x1a3: {  	[tilespmem:$0x1F940] =	vst v13;
	v13 =	vadd.f32 v1, v8;
	v8 =	vor.u32 v15, v62;
	v46 =	vmul.f32 v0, v50;
	v0 =	vld [tilespmem:$0x1F710];
	_ =	sdelay $0x3  }
0x1a4: {  	v6 =	vadd.f32 v2, v6;
	v2 =	vld.idx.msk [tilespmem:v40+s12+$0x0], $0xffff  }
0x1a5: {  	v40 =	vmul.f32 v0, v7;
	v0 =	vld.idx.msk [tilespmem:v8+s12+$0x0], $0xffff;
	_ =	sdelay $0x3  }
0x1a6: {  	v1 =	vld [tilespmem:$0x1F6F0]  }
0x1a7: {  	[tilespmem:$0x1F990] =	vst v0;
	v0 =	vld [tilespmem:$0x1F720];
	_ =	sdelay $0x3  }
0x1a8: {  	v1 =	vmul.f32 v1, v50  }
0x1a9: {  	v0 =	vmul.f32 v0, v7  }
0x1aa: {  	v34 =	vor.u32 v15, v59;
	v55 =	vor.u32 v15, v61;
	v15 =	vadd.f32 v1, v47;
	v1 =	vld [tilespmem:$0x1F730]  }
0x1ab: {  	v20 =	vadd.f32 v0, v56;
	v0 =	vld [tilespmem:$0x1F740];
	_ =	sdelay $0x2  }
0x1ac: {  	v22 =	vld [tilespmem:$0x1FD10]  }
0x1ad: {  	v10 =	vld [tilespmem:$0x1E827]  }
0x1ae: {  	v1 =	vmul.f32 v1, v7;
	v7 =	vmul.f32 v0, v7;
	v0 =	vld [tilespmem:$0x1F750];
	_ =	sdelay $0x2  }
0x1af: {  	v5 =	vadd.f32 v17, v5;
	v17 =	vor.u32 v22, v63;
	_ =	sdelay $0x1  }
0x1b0: {  	v21 =	vadd.f32 v1, v9;
	v1 =	vmul.f32 v0, v10;
	v0 =	vld [tilespmem:$0x1F760];
	_ =	sdelay $0x1  }
0x1b1: {  	v32 =	vld.idx.msk [tilespmem:v55+s12+$0x0], $0xffff  }
0x1b2: {  	v55 =	vld.idx.msk [tilespmem:v17+s12+$0x0], $0xffff  }
0x1b3: {  	v17 =	vld [tilespmem:$0x1FE20];
	[tilespmem:$0x1F980] =	vst v2;
	v2 =	vor.u32 v22, v61;
	v46 =	vadd.f32 v46, v18;
	v8 =	vor.u32 v22, v62  }
0x1b4: {  	v18 =	vadd.f32 v40, v19;
	v19 =	vor.u32 v22, v59;
	v22 =	vld [tilespmem:$0x1F770];
	v0 =	vmul.f32 v0, v10;
	_ =	sdelay $0x1  }
0x1b5: {  	v23 =	vadd.f32 v0, v12;
	v0 =	vld [tilespmem:$0x1F780]  }
0x1b6: {  	v33 =	vld.idx.msk [tilespmem:v34+s12+$0x0], $0xffff  }
0x1b7: {  	v34 =	vld.idx.msk [tilespmem:v8+s12+$0x0], $0xffff;
	v8 =	vor.u32 v17, v62  }
0x1b8: {  	v56 =	vmul.f32 v22, v10  }
0x1b9: {  	v9 =	vld [tilespmem:$0x1E828]  }
0x1ba: {  	v3 =	vadd.f32 v26, v3;
	v11 =	vadd.f32 v56, v11;
	v56 =	vld.idx.msk [tilespmem:v19+s12+$0x0], $0xffff;
	v0 =	vmul.f32 v0, v10  }
0x1bb: {  	v22 =	vadd.f32 v1, v43;
	v1 =	vld [tilespmem:$0x1F790]  }
0x1bc: {  	v19 =	vadd.f32 v0, v3;
	v0 =	vld.idx.msk [tilespmem:v8+s12+$0x0], $0xffff;
	_ =	sdelay $0x3  }
0x1bd: {  	v10 =	vmul.f32 v1, v9;
	v1 =	vld [tilespmem:$0x1F7A0]  }
0x1be: {  	[tilespmem:$0x1F9B0] =	vst v0;
	v0 =	vld [tilespmem:$0x1F7B0];
	_ =	sdelay $0x2  }
0x1bf: {  	v47 =	vor.u32 v17, v63  }
0x1c0: {  	v29 =	vmul.f32 v29, v9;
	v50 =	vor.u32 v17, v61;
	v7 =	vadd.f32 v7, v60;
	v12 =	vld [tilespmem:$0x1E829]  }
0x1c1: {  	v60 =	vor.u32 v17, v59;
	v17 =	vmul.f32 v1, v9;
	v9 =	vmul.f32 v0, v9;
	v0 =	vld [tilespmem:$0x1F7C0];
	_ =	sdelay $0x4  }
0x1c2: {  	v4 =	vadd.f32 v17, v4;
	v17 =	vmul.f32 v0, v12;
	v0 =	vld.idx.msk [tilespmem:v50+s12+$0x0], $0xffff;
	_ =	sdelay $0x3  }
0x1c3: {  	v24 =	vld [tilespmem:$0x1FE30]  }
0x1c4: {  	[tilespmem:$0x1F9C0] =	vst v0;
	v0 =	vld [tilespmem:$0x1F7D0];
	_ =	sdelay $0x1  }
0x1c5: {  	v1 =	vld.idx.msk [tilespmem:v47+s12+$0x0], $0xffff;
	_ =	sdelay $0x2  }
0x1c6: {  	v40 =	vld.idx.msk [tilespmem:v2+s12+$0x0], $0xffff;
	v2 =	vor.u32 v24, v63;
	v0 =	vmul.f32 v0, v12  }
0x1c7: {  	v10 =	vadd.f32 v10, v14;
	v14 =	vor.u32 v24, v62;
	v3 =	vor.u32 v24, v59  }
0x1c8: {  	[tilespmem:$0x1F9A0] =	vst v1;
	v1 =	vmul.f32 v30, v12;
	v50 =	vor.u32 v24, v61;
	v24 =	vadd.f32 v0, v16;
	v0 =	vld [tilespmem:$0x1FE40]  }
0x1c9: {  	v8 =	vadd.f32 v29, v13;
	v13 =	vld [tilespmem:$0x1E82A]  }
0x1ca: {  	v1 =	vadd.f32 v1, v15;
	v15 =	vld [tilespmem:$0x1F7E0];
	_ =	sdelay $0x2  }
0x1cb: {  	v5 =	vadd.f32 v9, v5;
	v9 =	vor.u32 v0, v63;
	_ =	sdelay $0x1  }
0x1cc: {  	v12 =	vmul.f32 v15, v12;
	v15 =	vmul.f32 v28, v13  }
0x1cd: {  	v45 =	vld.idx.msk [tilespmem:v14+s12+$0x0], $0xffff  }
0x1ce: {  	v30 =	vld.idx.msk [tilespmem:v60+s12+$0x0], $0xffff;
	v15 =	vadd.f32 v15, v18  }
0x1cf: {  	v14 =	vor.u32 v0, v62;
	v60 =	vor.u32 v0, v61;
	v18 =	vor.u32 v0, v59;
	v0 =	vld.idx.msk [tilespmem:v9+s12+$0x0], $0xffff;
	_ =	sdelay $0x2  }
0x1d0: {  	v2 =	vld.idx.msk [tilespmem:v2+s12+$0x0], $0xffff  }
0x1d1: {  	v3 =	vld.idx.msk [tilespmem:v3+s12+$0x0], $0xffff  }
0x1d2: {  	[tilespmem:$0x1FA00] =	vst v0;
	v0 =	vld [tilespmem:$0x1FE50]  }
0x1d3: {  	v35 =	vld.idx.msk [tilespmem:v35+s12+$0x0], $0xffff;
	_ =	sdelay $0x2  }
0x1d4: {  	[tilespmem:$0x1F9D0] =	vst v2;
	v2 =	vld [tilespmem:$0x1E82B]  }
0x1d5: {  	[tilespmem:$0x1F9F0] =	vst v3;
	v3 =	vld [tilespmem:$0x1FE60];
	v9 =	vor.u32 v0, v63  }
0x1d6: {  	v6 =	vadd.f32 v17, v6;
	v17 =	vmul.f32 v27, v13;
	v16 =	vmul.f32 v35, v13;
	_ =	sdelay $0x1  }
0x1d7: {  	v27 =	vadd.f32 v16, v20;
	v16 =	vadd.f32 v17, v21;
	v17 =	vld [tilespmem:$0x1E82C]  }
0x1d8: {  	v25 =	vld.idx.msk [tilespmem:v50+s12+$0x0], $0xffff;
	v35 =	vmul.f32 v37, v2  }
0x1d9: {  	v20 =	vmul.f32 v36, v2;
	v21 =	vmul.f32 v39, v2;
	v39 =	vld.idx.msk [tilespmem:v9+s12+$0x0], $0xffff;
	v9 =	vor.u32 v3, v63;
	_ =	sdelay $0x1  }
0x1da: {  	v11 =	vadd.f32 v35, v11;
	v20 =	vadd.f32 v20, v22;
	v37 =	vld.idx.msk [tilespmem:v14+s12+$0x0], $0xffff;
	v14 =	vor.u32 v0, v62  }
0x1db: {  	v35 =	vld.idx.msk [tilespmem:v18+s12+$0x0], $0xffff;
	v22 =	vor.u32 v0, v61;
	v18 =	vor.u32 v0, v59;
	v0 =	vmul.f32 v41, v17;
	_ =	sdelay $0x1  }
0x1dc: {  	[tilespmem:$0x1F9E0] =	vst v25;
	v25 =	vadd.f32 v0, v8;
	v0 =	vld.idx.msk [tilespmem:v9+s12+$0x0], $0xffff  }
0x1dd: {  	v13 =	vmul.f32 v53, v13;
	_ =	sdelay $0x1  }
0x1de: {  	v13 =	vadd.f32 v13, v7;
	v7 =	vld [tilespmem:$0x1E82D]  }
0x1df: {  	v2 =	vmul.f32 v52, v2  }
0x1e0: {  	v21 =	vadd.f32 v21, v23;
	v23 =	vmul.f32 v42, v17;
	[tilespmem:$0x1FA10] =	vst v0;
	v0 =	vld [tilespmem:$0x1F7F0]  }
0x1e1: {  	v26 =	vadd.f32 v2, v19  }
0x1e2: {  	v53 =	vmul.f32 v57, v17;
	v19 =	vadd.f32 v23, v10;
	v10 =	vmul.f32 v54, v17;
	v50 =	vld.idx.msk [tilespmem:v60+s12+$0x0], $0xffff  }
0x1e3: {  	v23 =	vmul.f32 v58, v7;
	v17 =	vmul.f32 v44, v7;
	v60 =	vld.idx.msk [tilespmem:v14+s12+$0x0], $0xffff  }
0x1e4: {  	v14 =	vadd.f32 v53, v4;
	v4 =	vld [tilespmem:$0x1E82E]  }
0x1e5: {  	v6 =	vadd.f32 v17, v6;
	v17 =	vadd.f32 v23, v24;
	v24 =	vmul.f32 v0, v7;
	v0 =	vld [tilespmem:$0x1F800];
	_ =	sdelay $0x2  }
0x1e6: {  	v41 =	vld.idx.msk [tilespmem:v22+s12+$0x0], $0xffff  }
0x1e7: {  	v8 =	vor.u32 v3, v62;
	v36 =	vld.idx.msk [tilespmem:v18+s12+$0x0], $0xffff  }
0x1e8: {  	v22 =	vor.u32 v3, v61;
	v18 =	vor.u32 v3, v59;
	v3 =	vmul.f32 v0, v4;
	v0 =	vld [tilespmem:$0x1F810];
	_ =	sdelay $0x4  }
0x1e9: {  	v0 =	vmul.f32 v0, v4;
	_ =	sdelay $0x1  }
0x1ea: {  	v5 =	vadd.f32 v10, v5;
	v10 =	vadd.f32 v0, v27;
	v0 =	vld [tilespmem:$0x1F820]  }
0x1eb: {  	v57 =	vmul.f32 v48, v7;
	_ =	sdelay $0x1  }
0x1ec: {  	v23 =	vadd.f32 v57, v1;
	v1 =	vld [tilespmem:$0x1E82F]  }
0x1ed: {  	v43 =	vld.idx.msk [tilespmem:v18+s12+$0x0], $0xffff  }
0x1ee: {  	v18 =	vmul.f32 v0, v4;
	v0 =	vld [tilespmem:$0x1F830];
	_ =	sdelay $0x4  }
0x1ef: {  	v27 =	vmul.f32 v0, v1;
	v0 =	vld [tilespmem:$0x1F840]  }
0x1f0: {  	v28 =	vld [tilespmem:$0x1FE70]  }
0x1f1: {  	v7 =	vld.idx.msk [tilespmem:v22+s12+$0x0], $0xffff;
	_ =	sdelay $0x2  }
0x1f2: {  	v2 =	vmul.f32 v49, v4;
	v0 =	vmul.f32 v0, v1  }
0x1f3: {  	v42 =	vld.idx.msk [tilespmem:v8+s12+$0x0], $0xffff;
	v8 =	vor.u32 v28, v62;
	v9 =	vor.u32 v28, v63;
	v22 =	vor.u32 v28, v61  }
0x1f4: {  	[tilespmem:$0x1FA20] =	vst v7;
	v7 =	vadd.f32 v2, v16;
	v16 =	vor.u32 v28, v59;
	v28 =	vadd.f32 v0, v21;
	v0 =	vld [tilespmem:$0x1F850];
	_ =	sdelay $0x1  }
0x1f5: {  	v12 =	vadd.f32 v12, v46;
	_ =	sdelay $0x1  }
0x1f6: {  	v24 =	vadd.f32 v24, v12;
	v12 =	vld [tilespmem:$0x1E830]  }
0x1f7: {  	v21 =	vmul.f32 v0, v1;
	v0 =	vld [tilespmem:$0x1F860];
	_ =	sdelay $0x2  }
0x1f8: {  	v2 =	vmul.f32 v51, v1;
	v51 =	vld.idx.msk [tilespmem:v8+s12+$0x0], $0xffff  }
0x1f9: {  	v8 =	vld.idx.msk [tilespmem:v22+s12+$0x0], $0xffff  }
0x1fa: {  	v22 =	vmul.f32 v0, v12;
	v0 =	vld [tilespmem:$0x1F870]  }
0x1fb: {  	v4 =	vld [tilespmem:$0x1FE80];
	_ =	sdelay $0x3  }
0x1fc: {  	v20 =	vadd.f32 v27, v20;
	v27 =	vmul.f32 v0, v12;
	v0 =	vld [tilespmem:$0x1F880]  }
0x1fd: {  	v44 =	vld.idx.msk [tilespmem:v9+s12+$0x0], $0xffff;
	v9 =	vor.u32 v4, v63;
	_ =	sdelay $0x3  }
0x1fe: {  	v0 =	vmul.f32 v0, v12  }
0x1ff: {  	v47 =	vld.idx.msk [tilespmem:v9+s12+$0x0], $0xffff  }
0x200: {  	v9 =	vadd.f32 v0, v25;
	v0 =	vld [tilespmem:$0x1F890];
	_ =	sdelay $0x3  }
0x201: {  	v18 =	vadd.f32 v18, v13;
	v13 =	vld [tilespmem:$0x1E831]  }
0x202: {  	[tilespmem:$0x1FA30] =	vst v8;
	v8 =	vadd.f32 v2, v11;
	v11 =	vor.u32 v4, v61;
	v25 =	vmul.f32 v0, v12;
	v0 =	vld [tilespmem:$0x1F8A0];
	_ =	sdelay $0x2  }
0x203: {  	v46 =	vld.idx.msk [tilespmem:v16+s12+$0x0], $0xffff  }
0x204: {  	v2 =	vld [tilespmem:$0x1FE90]  }
0x205: {  	v16 =	vor.u32 v4, v59;
	v21 =	vadd.f32 v21, v26;
	v26 =	vmul.f32 v0, v13;
	v0 =	vld.idx.msk [tilespmem:v11+s12+$0x0], $0xffff;
	_ =	sdelay $0x4  }
0x206: {  	v1 =	vor.u32 v2, v63;
	[tilespmem:$0x1FA40] =	vst v0;
	v0 =	vld.idx.msk [tilespmem:v16+s12+$0x0], $0xffff;
	_ =	sdelay $0x4  }
0x207: {  	[tilespmem:$0x1FA50] =	vst v0;
	v0 =	vld.idx.msk [tilespmem:v1+s12+$0x0], $0xffff;
	_ =	sdelay $0x4  }
0x208: {  	[tilespmem:$0x1FA60] =	vst v0;
	v0 =	vld [tilespmem:$0x1F8B0];
	_ =	sdelay $0x3  }
0x209: {  	v29 =	vadd.f32 v27, v14;
	v14 =	vld [tilespmem:$0x1E832]  }
0x20a: {  	v6 =	vadd.f32 v26, v6;
	v26 =	vmul.f32 v0, v13;
	v0 =	vld [tilespmem:$0x1F8C0];
	_ =	sdelay $0x2  }
0x20b: {  	v15 =	vadd.f32 v3, v15  }
0x20c: {  	v3 =	vor.u32 v4, v62;
	v19 =	vadd.f32 v22, v19;
	v22 =	vor.u32 v2, v62  }
0x20d: {  	v27 =	vor.u32 v2, v61;
	v16 =	vor.u32 v2, v59;
	v2 =	vmul.f32 v0, v14;
	v0 =	vld [tilespmem:$0x1F8D0];
	_ =	sdelay $0x4  }
0x20e: {  	v48 =	vld.idx.msk [tilespmem:v3+s12+$0x0], $0xffff;
	v0 =	vmul.f32 v0, v14  }
0x20f: {  	v3 =	vld [tilespmem:$0x1FEA0]  }
0x210: {  	v31 =	vmul.f32 v31, v13;
	v10 =	vadd.f32 v0, v10;
	v0 =	vld [tilespmem:$0x1F8F0];
	_ =	sdelay $0x1  }
0x211: {  	v58 =	vadd.f32 v31, v23;
	v23 =	vld [tilespmem:$0x1E833]  }
0x212: {  	v38 =	vmul.f32 v38, v13;
	v1 =	vld [tilespmem:$0x1F8E0]  }
0x213: {  	v25 =	vadd.f32 v25, v5;
	v26 =	vadd.f32 v26, v24;
	v24 =	vld.idx.msk [tilespmem:v16+s12+$0x0], $0xffff  }
0x214: {  	v5 =	vadd.f32 v38, v17;
	v17 =	vor.u32 v3, v63;
	v16 =	vmul.f32 v0, v14;
	v0 =	vld [tilespmem:$0x1F900];
	_ =	sdelay $0x2  }
0x215: {  	v1 =	vmul.f32 v1, v14;
	_ =	sdelay $0x1  }
0x216: {  	v11 =	vadd.f32 v1, v7;
	v1 =	vmul.f32 v0, v23;
	v0 =	vld.idx.msk [tilespmem:v17+s12+$0x0], $0xffff;
	_ =	sdelay $0x4  }
0x217: {  	[tilespmem:$0x1FA80] =	vst v0;
	v0 =	vld [tilespmem:$0x1F910];
	_ =	sdelay $0x3  }
0x218: {  	v31 =	vld.idx.msk [tilespmem:v22+s12+$0x0], $0xffff  }
0x219: {  	v22 =	vmul.f32 v0, v23;
	v0 =	vld [tilespmem:$0x1F920];
	_ =	sdelay $0x3  }
0x21a: {  	v4 =	vld.idx.msk [tilespmem:v27+s12+$0x0], $0xffff;
	v12 =	vor.u32 v3, v62  }
0x21b: {  	v0 =	vmul.f32 v0, v23  }
0x21c: {  	v27 =	vor.u32 v3, v61  }
0x21d: {  	v8 =	vadd.f32 v0, v8;
	v0 =	vld [tilespmem:$0x1F930];
	_ =	sdelay $0x1  }
0x21e: {  	[tilespmem:$0x1FA70] =	vst v4;
	v4 =	vld.idx.msk [tilespmem:v12+s12+$0x0], $0xffff  }
0x21f: {  	v15 =	vadd.f32 v2, v15;
	v2 =	vld [tilespmem:$0x1E834]  }
0x220: {  	v12 =	vadd.f32 v1, v20;
	v1 =	vld.idx.msk [tilespmem:v27+s12+$0x0], $0xffff  }
0x221: {  	v7 =	vor.u32 v3, v59;
	v27 =	vmul.f32 v0, v23;
	v0 =	vld [tilespmem:$0x1F940];
	_ =	sdelay $0x1  }
0x222: {  	v13 =	vld [tilespmem:$0x1FEB0];
	_ =	sdelay $0x2  }
0x223: {  	v22 =	vadd.f32 v22, v28;
	v28 =	vmul.f32 v0, v2;
	v0 =	vld.idx.msk [tilespmem:v7+s12+$0x0], $0xffff;
	_ =	sdelay $0x1  }
0x224: {  	[tilespmem:$0x1FA90] =	vst v4;
	v4 =	vor.u32 v13, v62;
	_ =	sdelay $0x2  }
0x225: {  	[tilespmem:$0x1FAB0] =	vst v0;
	v0 =	vld [tilespmem:$0x1F950];
	_ =	sdelay $0x1  }
0x226: {  	v4 =	vld.idx.msk [tilespmem:v4+s12+$0x0], $0xffff;
	_ =	sdelay $0x2  }
0x227: {  	v0 =	vmul.f32 v0, v2  }
0x228: {  	[tilespmem:$0x1FAA0] =	vst v1;
	v1 =	vld [tilespmem:$0x1F960]  }
0x229: {  	[tilespmem:$0x1FAD0] =	vst v4;
	v4 =	vadd.f32 v0, v29;
	v0 =	vld [tilespmem:$0x1F970]  }
0x22a: {  	v3 =	vor.u32 v13, v63;
	_ =	sdelay $0x2  }
0x22b: {  	v16 =	vadd.f32 v16, v18;
	v18 =	vld [tilespmem:$0x1E835];
	v7 =	vor.u32 v13, v59  }
0x22c: {  	v20 =	vor.u32 v13, v61;
	v1 =	vmul.f32 v1, v2;
	v2 =	vmul.f32 v0, v2;
	v0 =	vld [tilespmem:$0x1F980]  }
0x22d: {  	v3 =	vld.idx.msk [tilespmem:v3+s12+$0x0], $0xffff  }
0x22e: {  	v13 =	vld [tilespmem:$0x1FD20];
	_ =	sdelay $0x1  }
0x22f: {  	v9 =	vadd.f32 v1, v9;
	v1 =	vld.idx.msk [tilespmem:v7+s12+$0x0], $0xffff  }
0x230: {  	v29 =	vmul.f32 v0, v18;
	v0 =	vld.idx.msk [tilespmem:v20+s12+$0x0], $0xffff;
	_ =	sdelay $0x1  }
0x231: {  	[tilespmem:$0x1FAC0] =	vst v3;
	v3 =	vor.u32 v13, v63;
	_ =	sdelay $0x1  }
0x232: {  	[tilespmem:$0x1FAF0] =	vst v1  }
0x233: {  	v1 =	vor.u32 v13, v59;
	[tilespmem:$0x1FAE0] =	vst v0;
	v0 =	vld [tilespmem:$0x1F990]  }
0x234: {  	v20 =	vor.u32 v13, v61  }
0x235: {  	v28 =	vadd.f32 v28, v19;
	v19 =	vor.u32 v13, v62;
	v3 =	vld.idx.msk [tilespmem:v3+s12+$0x0], $0xffff;
	_ =	sdelay $0x1  }
0x236: {  	v7 =	vld [tilespmem:$0x1FD50]  }
0x237: {  	v1 =	vld.idx.msk [tilespmem:v1+s12+$0x0], $0xffff;
	v0 =	vmul.f32 v0, v18  }
0x238: {  	v29 =	vadd.f32 v29, v6;
	v6 =	vld.idx.msk [tilespmem:v20+s12+$0x0], $0xffff  }
0x239: {  	[tilespmem:$0x1FB00] =	vst v3;
	v3 =	vadd.f32 v0, v5;
	v0 =	vld.idx.msk [tilespmem:v19+s12+$0x0], $0xffff;
	_ =	sdelay $0x2  }
0x23a: {  	v23 =	vld [tilespmem:$0x1FDD0];
	[tilespmem:$0x1FB30] =	vst v1  }
0x23b: {  	v49 =	vor.u32 v7, v62;
	[tilespmem:$0x1FB20] =	vst v6;
	v6 =	vld [tilespmem:$0x1FDE0]  }
0x23c: {  	v1 =	vor.u32 v7, v59;
	v20 =	vor.u32 v7, v61;
	[tilespmem:$0x1FB10] =	vst v0;
	v0 =	vor.u32 v7, v63;
	v7 =	vld [tilespmem:$0x1FDC0];
	_ =	sdelay $0x1  }
0x23d: {  	v32 =	vmul.f32 v32, v18  }
0x23e: {  	v27 =	vadd.f32 v27, v21;
	v21 =	vld [tilespmem:$0x1E836]  }
0x23f: {  	v5 =	vadd.f32 v32, v58;
	v32 =	vld [tilespmem:$0x1E837];
	v6 =	vsel vm0, v6, v23  }
0x240: {  	v52 =	vcombine.low v7, v6;
	v7 =	vld [tilespmem:$0x1F9B0];
	_ =	sdelay $0x2  }
0x241: {  	v25 =	vadd.f32 v2, v25;
	v2 =	vmul.f32 v33, v18;
	_ =	sdelay $0x1  }
0x242: {  	v26 =	vadd.f32 v2, v26;
	v2 =	vmul.f32 v34, v21;
	v34 =	vmul.f32 v7, v32;
	v7 =	vld [tilespmem:$0x1F9C0];
	_ =	sdelay $0x1  }
0x243: {  	v33 =	vmul.f32 v40, v21  }
0x244: {  	v19 =	vmul.f32 v55, v21;
	v21 =	vmul.f32 v56, v21;
	_ =	sdelay $0x1  }
0x245: {  	v15 =	vadd.f32 v19, v15;
	v19 =	vld [tilespmem:$0x1E838];
	v16 =	vadd.f32 v21, v16;
	v21 =	vmul.f32 v7, v32  }
0x246: {  	v7 =	vld.idx.msk [tilespmem:v1+s12+$0x0], $0xffff  }
0x247: {  	v1 =	vadd.f32 v21, v8;
	v8 =	vld [tilespmem:$0x1F9D0];
	_ =	sdelay $0x1  }
0x248: {  	v17 =	vld [tilespmem:$0x1F9E0];
	v38 =	vor.u32 v52, v62;
	_ =	sdelay $0x2  }
0x249: {  	v8 =	vmul.f32 v8, v19;
	_ =	sdelay $0x1  }
0x24a: {  	v8 =	vadd.f32 v8, v28;
	v28 =	vmul.f32 v17, v19;
	v17 =	vld.idx.msk [tilespmem:v38+s12+$0x0], $0xffff;
	_ =	sdelay $0x3  }
0x24b: {  	v18 =	vld [tilespmem:$0x1FCF0]  }
0x24c: {  	[tilespmem:$0x1FB50] =	vst v17;
	v17 =	vld [tilespmem:$0x1FCE0];
	_ =	sdelay $0x4  }
0x24d: {  	v38 =	vsel vm0, v18, v17;
	v17 =	vld [tilespmem:$0x1F9F0];
	_ =	sdelay $0x3  }
0x24e: {  	v10 =	vadd.f32 v2, v10;
	v2 =	vld [tilespmem:$0x1F9A0]  }
0x24f: {  	v9 =	vadd.f32 v28, v9;
	v28 =	vmul.f32 v17, v19;
	v17 =	vld [tilespmem:$0x1FD80];
	_ =	sdelay $0x1  }
0x250: {  	v0 =	vld.idx.msk [tilespmem:v0+s12+$0x0], $0xffff  }
0x251: {  	v58 =	vadd.f32 v33, v11;
	v11 =	vld [tilespmem:$0x1FD70]  }
0x252: {  	v2 =	vmul.f32 v2, v32;
	v21 =	vld [tilespmem:$0x1E839]  }
0x253: {  	v32 =	vmul.f32 v30, v32;
	v30 =	vcombine.low v38, v17;
	v17 =	vld [tilespmem:$0x1FA00];
	_ =	sdelay $0x1  }
0x254: {  	[tilespmem:$0x1FB40] =	vst v0;
	v0 =	vor.u32 v52, v63  }
0x255: {  	v40 =	vor.u32 v52, v61  }
0x256: {  	v2 =	vadd.f32 v2, v12;
	v12 =	vadd.f32 v34, v22;
	v34 =	vor.u32 v11, v62;
	v18 =	vld [tilespmem:$0x1FD40]  }
0x257: {  	v32 =	vadd.f32 v32, v27;
	v27 =	vmul.f32 v45, v19;
	v19 =	vmul.f32 v17, v21;
	v17 =	vld [tilespmem:$0x1FD30]  }
0x258: {  	v53 =	vld [tilespmem:$0x1E83A]  }
0x259: {  	v45 =	vld.idx.msk [tilespmem:v0+s12+$0x0], $0xffff;
	v0 =	vor.u32 v11, v63  }
0x25a: {  	v56 =	vld.idx.msk [tilespmem:v40+s12+$0x0], $0xffff;
	v4 =	vadd.f32 v27, v4;
	v27 =	vor.u32 v11, v61  }
0x25b: {  	v40 =	vor.u32 v11, v59;
	v11 =	vld.idx.msk [tilespmem:v34+s12+$0x0], $0xffff  }
0x25c: {  	v34 =	vsel vm0, v18, v17;
	v17 =	vld [tilespmem:$0x1FD90];
	_ =	sdelay $0x1  }
0x25d: {  	v37 =	vmul.f32 v37, v21;
	v54 =	vld.idx.msk [tilespmem:v0+s12+$0x0], $0xffff;
	v25 =	vadd.f32 v28, v25  }
0x25e: {  	v28 =	vmul.f32 v50, v21;
	v0 =	vor.u32 v30, v63;
	v21 =	vmul.f32 v35, v21;
	v35 =	vld.idx.msk [tilespmem:v27+s12+$0x0], $0xffff  }
0x25f: {  	v27 =	vor.u32 v30, v62;
	v19 =	vadd.f32 v19, v29;
	v29 =	vld [tilespmem:$0x1E83B]  }
0x260: {  	v21 =	vadd.f32 v21, v26;
	v26 =	vmul.f32 v60, v53;
	v60 =	vcombine.low v34, v17;
	v17 =	vld [tilespmem:$0x1FA10];
	_ =	sdelay $0x1  }
0x261: {  	v41 =	vmul.f32 v41, v53;
	v5 =	vadd.f32 v28, v5;
	v28 =	vmul.f32 v39, v53;
	v39 =	vld.idx.msk [tilespmem:v40+s12+$0x0], $0xffff  }
0x262: {  	v40 =	vmul.f32 v36, v53;
	v36 =	vld.idx.msk [tilespmem:v0+s12+$0x0], $0xffff  }
0x263: {  	v53 =	vadd.f32 v41, v58;
	v41 =	vld.idx.msk [tilespmem:v27+s12+$0x0], $0xffff  }
0x264: {  	v0 =	vor.u32 v30, v59;
	v27 =	vmul.f32 v17, v29;
	v17 =	vld [tilespmem:$0x1FA20];
	_ =	sdelay $0x2  }
0x265: {  	v14 =	vld.idx.msk [tilespmem:v49+s12+$0x0], $0xffff  }
0x266: {  	v49 =	vor.u32 v52, v59;
	v10 =	vadd.f32 v26, v10;
	v26 =	vld [tilespmem:$0x1E83C]  }
0x267: {  	v15 =	vadd.f32 v28, v15;
	v28 =	vor.u32 v60, v63;
	v34 =	vmul.f32 v17, v29;
	v17 =	vld.idx.msk [tilespmem:v0+s12+$0x0], $0xffff  }
0x268: {  	v0 =	vld [tilespmem:$0x1FA30];
	_ =	sdelay $0x2  }
0x269: {  	v57 =	vld.idx.msk [tilespmem:v49+s12+$0x0], $0xffff  }
0x26a: {  	v49 =	vadd.f32 v34, v1;
	v1 =	vmul.f32 v44, v26;
	v44 =	vld.idx.msk [tilespmem:v28+s12+$0x0], $0xffff  }
0x26b: {  	v28 =	vmul.f32 v51, v26;
	v51 =	vmul.f32 v0, v26;
	v0 =	vld [tilespmem:$0x1FDB0]  }
0x26c: {  	v8 =	vadd.f32 v1, v8;
	v1 =	vld [tilespmem:$0x1FDF0]  }
0x26d: {  	v58 =	vld [tilespmem:$0x1E83D];
	_ =	sdelay $0x1  }
0x26e: {  	v18 =	vld [tilespmem:$0x1FA40]  }
0x26f: {  	v0 =	vsel vm0, v23, v0  }
0x270: {  	v26 =	vmul.f32 v46, v26;
	v1 =	vcombine.low v0, v1  }
0x271: {  	v0 =	vadd.f32 v28, v4;
	v4 =	vadd.f32 v51, v9;
	v9 =	vmul.f32 v47, v58  }
0x272: {  	v55 =	vld [tilespmem:$0x1E83E];
	v3 =	vadd.f32 v37, v3;
	v25 =	vadd.f32 v26, v25  }
0x273: {  	v26 =	vmul.f32 v48, v58;
	v9 =	vadd.f32 v9, v19;
	v19 =	vmul.f32 v18, v58;
	v18 =	vld [tilespmem:$0x1FA60];
	_ =	sdelay $0x1  }
0x274: {  	v26 =	vadd.f32 v26, v3;
	v3 =	vld [tilespmem:$0x1FA50]  }
0x275: {  	v33 =	vmul.f32 v42, v29;
	_ =	sdelay $0x1  }
0x276: {  	v12 =	vadd.f32 v33, v12;
	v33 =	vmul.f32 v18, v55;
	v18 =	vld [tilespmem:$0x1FA70];
	_ =	sdelay $0x1  }
0x277: {  	v3 =	vmul.f32 v3, v58;
	_ =	sdelay $0x1  }
0x278: {  	v16 =	vadd.f32 v40, v16;
	v28 =	vld [tilespmem:$0x1E83F];
	v21 =	vadd.f32 v3, v21;
	v3 =	vmul.f32 v24, v55  }
0x279: {  	v34 =	vmul.f32 v18, v55;
	v18 =	vld [tilespmem:$0x1FAA0]  }
0x27a: {  	v37 =	vor.u32 v30, v61;
	v16 =	vadd.f32 v3, v16;
	v3 =	vld [tilespmem:$0x1FA80];
	_ =	sdelay $0x1  }
0x27b: {  	v13 =	vld.idx.msk [tilespmem:v20+s12+$0x0], $0xffff  }
0x27c: {  	v20 =	vld [tilespmem:$0x1FD60]  }
0x27d: {  	v19 =	vadd.f32 v19, v5;
	v5 =	vmul.f32 v31, v55;
	v40 =	vmul.f32 v18, v28;
	v18 =	vld [tilespmem:$0x1FDA0]  }
0x27e: {  	v42 =	vld.idx.msk [tilespmem:v37+s12+$0x0], $0xffff;
	v2 =	vadd.f32 v27, v2;
	v3 =	vmul.f32 v3, v28  }
0x27f: {  	v55 =	vadd.f32 v5, v10;
	v10 =	vld [tilespmem:$0x1FA90]  }
0x280: {  	v37 =	vor.u32 v60, v62;
	v2 =	vadd.f32 v3, v2;
	v3 =	vld [tilespmem:$0x1FAB0]  }
0x281: {  	v29 =	vmul.f32 v43, v29;
	v43 =	vld [tilespmem:$0x1E840];
	v5 =	vor.u32 v1, v61  }
0x282: {  	v23 =	vsel vm0, v18, v20;
	v18 =	vld [tilespmem:$0x1FAD0]  }
0x283: {  	v22 =	vld [tilespmem:$0x1FFA0];
	v27 =	vor.u32 v60, v59  }
0x284: {  	v50 =	vld [tilespmem:$0x1E841]  }
0x285: {  	v29 =	vadd.f32 v29, v32;
	v46 =	vld.idx.msk [tilespmem:v37+s12+$0x0], $0xffff;
	v10 =	vmul.f32 v10, v28;
	v28 =	vmul.f32 v3, v28  }
0x286: {  	v38 =	vor.u32 v60, v61;
	v24 =	vld.idx.msk [tilespmem:v5+s12+$0x0], $0xffff  }
0x287: {  	v5 =	vld [tilespmem:$0x1FAE0];
	v28 =	vadd.f32 v28, v29;
	v29 =	vmul.f32 v18, v43  }
0x288: {  	v48 =	vld.idx.msk [tilespmem:v27+s12+$0x0], $0xffff;
	v27 =	vor.u32 v1, v63  }
0x289: {  	v29 =	vadd.f32 v29, v0;
	v0 =	vld [tilespmem:$0x1FAF0]  }
0x28a: {  	v37 =	vld [tilespmem:$0x1E842]  }
0x28b: {  	v47 =	vld.idx.msk [tilespmem:v38+s12+$0x0], $0xffff  }
0x28c: {  	v51 =	vld [tilespmem:$0x1E843];
	v32 =	vor.u32 v1, v62;
	v5 =	vmul.f32 v5, v43  }
0x28d: {  	v31 =	vor.u32 v1, v59;
	v27 =	vld.idx.msk [tilespmem:v27+s12+$0x0], $0xffff  }
0x28e: {  	v53 =	vadd.f32 v34, v53;
	v34 =	vadd.f32 v5, v4;
	v4 =	vld [tilespmem:$0x1FB00];
	v0 =	vmul.f32 v0, v43  }
0x28f: {  	v3 =	vld [tilespmem:$0x1FE00]  }
0x290: {  	v25 =	vadd.f32 v0, v25;
	v0 =	vld [tilespmem:$0x1FB10]  }
0x291: {  	v32 =	vld.idx.msk [tilespmem:v32+s12+$0x0], $0xffff  }
0x292: {  	v10 =	vadd.f32 v10, v12;
	v12 =	vld [tilespmem:$0x1FAC0]  }
0x293: {  	v31 =	vld.idx.msk [tilespmem:v31+s12+$0x0], $0xffff;
	v4 =	vmul.f32 v4, v50  }
0x294: {  	v49 =	vadd.f32 v40, v49;
	v40 =	vld [tilespmem:$0x1E847]  }
0x295: {  	v3 =	vcombine.low v23, v3;
	v9 =	vadd.f32 v4, v9;
	v4 =	vld [tilespmem:$0x1FB30];
	v0 =	vmul.f32 v0, v50  }
0x296: {  	v5 =	vld [tilespmem:$0x1FB20]  }
0x297: {  	v12 =	vmul.f32 v12, v43;
	v43 =	vor.u32 v3, v61;
	v26 =	vadd.f32 v0, v26;
	v0 =	vld [tilespmem:$0x1FB40]  }
0x298: {  	v58 =	vld [tilespmem:$0x1E845];
	v15 =	vadd.f32 v33, v15  }
0x299: {  	v33 =	vld [tilespmem:$0x1E846];
	v27 =	vmul.f32 v27, v40;
	v8 =	vadd.f32 v12, v8;
	v12 =	vor.u32 v3, v62  }
0x29a: {  	v23 =	vld [tilespmem:$0x1E844];
	v32 =	vmul.f32 v32, v40;
	v18 =	vor.u32 v3, v63;
	v4 =	vmul.f32 v4, v50  }
0x29b: {  	v24 =	vmul.f32 v24, v40;
	v31 =	vmul.f32 v31, v40;
	v40 =	vld [tilespmem:$0x1E84F];
	v38 =	vor.u32 v3, v59  }
0x29c: {  	v20 =	vmul.f32 v5, v50;
	v21 =	vadd.f32 v4, v21;
	v4 =	vmul.f32 v0, v37;
	v0 =	vld.idx.msk [tilespmem:v43+s12+$0x0], $0xffff  }
0x29d: {  	v5 =	vld [tilespmem:$0x1E848]  }
0x29e: {  	v20 =	vadd.f32 v20, v19;
	v19 =	vld.idx.msk [tilespmem:v12+s12+$0x0], $0xffff  }
0x29f: {  	v14 =	vmul.f32 v14, v37;
	v13 =	vmul.f32 v13, v37;
	v50 =	vld.idx.msk [tilespmem:v18+s12+$0x0], $0xffff;
	v18 =	vor.u32 v22, v63  }
0x2a0: {  	v38 =	vld.idx.msk [tilespmem:v38+s12+$0x0], $0xffff;
	v15 =	vadd.f32 v4, v15;
	v4 =	vmul.f32 v7, v37;
	v37 =	vmul.f32 v45, v51  }
0x2a1: {  	v12 =	vor.u32 v22, v62;
	v43 =	vor.u32 v22, v61;
	[tilespmem:$0x1FB60] =	vst v0;
	v0 =	vor.u32 v22, v59;
	v22 =	vld [tilespmem:$0x1FFB0]  }
0x2a2: {  	v37 =	vadd.f32 v37, v2;
	v2 =	vld [tilespmem:$0x1FB50]  }
0x2a3: {  	v16 =	vadd.f32 v4, v16;
	v4 =	vld [tilespmem:$0x1FE10]  }
0x2a4: {  	v18 =	vld.idx.msk [tilespmem:v18+s12+$0x0], $0xffff  }
0x2a5: {  	v7 =	vld [tilespmem:$0x1E849]  }
0x2a6: {  	v53 =	vadd.f32 v13, v53;
	v45 =	vadd.f32 v14, v55;
	v55 =	vld.idx.msk [tilespmem:v12+s12+$0x0], $0xffff;
	v13 =	vor.u32 v22, v63  }
0x2a7: {  	v12 =	vld.idx.msk [tilespmem:v43+s12+$0x0], $0xffff;
	v2 =	vmul.f32 v2, v51;
	v14 =	vor.u32 v22, v62  }
0x2a8: {  	v56 =	vmul.f32 v56, v51;
	v4 =	vcombine.low v6, v4;
	v6 =	vld [tilespmem:$0x1E84A];
	v43 =	vor.u32 v22, v61  }
0x2a9: {  	v51 =	vmul.f32 v57, v51;
	v0 =	vld.idx.msk [tilespmem:v0+s12+$0x0], $0xffff;
	v57 =	vor.u32 v22, v59;
	v2 =	vadd.f32 v2, v10  }
0x2aa: {  	v22 =	vld [tilespmem:$0x1FFC0];
	v10 =	vadd.f32 v56, v49;
	v49 =	vmul.f32 v54, v23;
	v54 =	vor.u32 v4, v63  }
0x2ab: {  	v28 =	vadd.f32 v51, v28;
	v51 =	vld.idx.msk [tilespmem:v13+s12+$0x0], $0xffff  }
0x2ac: {  	v11 =	vmul.f32 v11, v23;
	v56 =	vor.u32 v4, v62;
	v13 =	vmul.f32 v35, v23;
	v35 =	vld.idx.msk [tilespmem:v14+s12+$0x0], $0xffff  }
0x2ad: {  	v14 =	vmul.f32 v39, v23;
	v23 =	vld.idx.msk [tilespmem:v43+s12+$0x0], $0xffff  }
0x2ae: {  	v29 =	vadd.f32 v11, v29;
	v11 =	vld.idx.msk [tilespmem:v57+s12+$0x0], $0xffff;
	v57 =	vmul.f32 v42, v58;
	v34 =	vadd.f32 v13, v34  }
0x2af: {  	v42 =	vld.idx.msk [tilespmem:v54+s12+$0x0], $0xffff;
	v13 =	vadd.f32 v14, v25;
	v25 =	vmul.f32 v36, v58;
	v36 =	vmul.f32 v41, v58  }
0x2b0: {  	v39 =	vor.u32 v4, v61;
	v54 =	vld [tilespmem:$0x1FFD0]  }
0x2b1: {  	v41 =	vmul.f32 v47, v33;
	v9 =	vadd.f32 v25, v9;
	v25 =	vadd.f32 v36, v26;
	v36 =	vld.idx.msk [tilespmem:v56+s12+$0x0], $0xffff  }
0x2b2: {  	v17 =	vmul.f32 v17, v58;
	v43 =	vor.u32 v4, v59;
	v56 =	vld [tilespmem:$0x1FFE0]  }
0x2b3: {  	v8 =	vadd.f32 v49, v8;
	v49 =	vor.u32 v22, v63;
	v41 =	vadd.f32 v41, v53;
	v53 =	vld [tilespmem:$0x1FFF0]  }
0x2b4: {  	v14 =	vld [tilespmem:$0x1E84B];
	v26 =	vmul.f32 v44, v33  }
0x2b5: {  	v17 =	vadd.f32 v17, v21;
	v44 =	vld [tilespmem:$0x1E84C]  }
0x2b6: {  	v21 =	vld.idx.msk [tilespmem:v39+s12+$0x0], $0xffff;
	v39 =	vor.u32 v54, v63;
	v15 =	vadd.f32 v26, v15;
	v26 =	vmul.f32 v46, v33  }
0x2b7: {  	v43 =	vld.idx.msk [tilespmem:v43+s12+$0x0], $0xffff;
	v33 =	vmul.f32 v48, v33;
	v46 =	vor.u32 v56, v63  }
0x2b8: {  	v19 =	vmul.f32 v19, v5;
	v26 =	vadd.f32 v26, v45;
	v45 =	vld.idx.msk [tilespmem:v49+s12+$0x0], $0xffff;
	v63 =	vor.u32 v53, v63  }
0x2b9: {  	v10 =	vadd.f32 v24, v10;
	v24 =	vor.u32 v22, v59;
	v16 =	vadd.f32 v33, v16;
	v33 =	vld [tilespmem:$0x1E84D]  }
0x2ba: {  	v19 =	vadd.f32 v19, v29;
	v18 =	vmul.f32 v18, v7;
	v58 =	vor.u32 v22, v61;
	v49 =	vld [tilespmem:$0x1E84E]  }
0x2bb: {  	v2 =	vadd.f32 v32, v2;
	v28 =	vadd.f32 v31, v28;
	v47 =	vor.u32 v22, v62;
	v39 =	vld.idx.msk [tilespmem:v39+s12+$0x0], $0xffff  }
0x2bc: {  	v20 =	vadd.f32 v57, v20;
	v57 =	vmul.f32 v50, v5;
	v31 =	vor.u32 v54, v62;
	v32 =	vld.idx.msk [tilespmem:v46+s12+$0x0], $0xffff  }
0x2bd: {  	v27 =	vadd.f32 v27, v37;
	v42 =	vmul.f32 v42, v14;
	v29 =	vor.u32 v53, v62;
	v37 =	vld.idx.msk [tilespmem:v63+s12+$0x0], $0xffff  }
0x2be: {  	v8 =	vadd.f32 v57, v8;
	v24 =	vld.idx.msk [tilespmem:v24+s12+$0x0], $0xffff;
	v9 =	vadd.f32 v18, v9;
	v57 =	vor.u32 v56, v62  }
0x2bf: {  	v18 =	vld.idx.msk [tilespmem:v58+s12+$0x0], $0xffff;
	v27 =	vadd.f32 v42, v27;
	v62 =	vor.u32 v56, v61;
	v58 =	vmul.f32 v45, v44  }
0x2c0: {  	v47 =	vld.idx.msk [tilespmem:v47+s12+$0x0], $0xffff;
	v45 =	vor.u32 v54, v59;
	v46 =	vor.u32 v54, v61;
	v63 =	vmul.f32 v51, v6  }
0x2c1: {  	v31 =	vld.idx.msk [tilespmem:v31+s12+$0x0], $0xffff;
	v54 =	vor.u32 v56, v59;
	v56 =	vor.u32 v53, v61;
	v39 =	vmul.f32 v39, v33  }
0x2c2: {  	v29 =	vld.idx.msk [tilespmem:v29+s12+$0x0], $0xffff;
	v15 =	vadd.f32 v63, v15;
	v32 =	vmul.f32 v32, v49;
	v37 =	vmul.f32 v37, v40  }
0x2c3: {  	v59 =	vor.u32 v53, v59;
	v8 =	vadd.f32 v58, v8;
	v63 =	vld.idx.msk [tilespmem:v57+s12+$0x0], $0xffff;
	v9 =	vadd.f32 v39, v9  }
0x2c4: {  	v57 =	vld [tilespmem:s28+$0xFFFFFFE0];
	v15 =	vadd.f32 v32, v15;
	v27 =	vadd.f32 v37, v27  }
0x2c5: {  	v35 =	vmul.f32 v35, v6;
	v61 =	vld.idx.msk [tilespmem:v62+s12+$0x0], $0xffff  }
0x2c6: {  	v58 =	vmul.f32 v55, v7;
	v46 =	vld.idx.msk [tilespmem:v46+s12+$0x0], $0xffff;
	v8 =	vadd.f32 v9, v8;
	v9 =	vadd.f32 v27, v15  }
0x2c7: {  	v31 =	vmul.f32 v31, v33;
	v32 =	vld.idx.msk [tilespmem:v56+s12+$0x0], $0xffff;
	v15 =	vmul.f32 v36, v14  }
0x2c8: {  	v25 =	vadd.f32 v58, v25;
	v62 =	vmul.f32 v63, v49;
	v63 =	vld.idx.msk [tilespmem:v59+s12+$0x0], $0xffff;
	v8 =	vadd.f32 v9, v8  }
0x2c9: {  	vm1 =	veq.s32 v57, $0x0;
	v27 =	vld.idx.msk [tilespmem:v45+s12+$0x0], $0xffff;
	v2 =	vadd.f32 v15, v2;
	v15 =	vmul.f32 v47, v44  }
0x2ca: {  	v26 =	vadd.f32 v35, v26;
	v29 =	vmul.f32 v29, v40;
	v9 =	vld.idx.msk [tilespmem:v54+s12+$0x0], $0xffff;
	v8 =	vsel vm1, $0xD51184E7, v8  }
0x2cb: {  	v15 =	vadd.f32 v15, v19;
	v19 =	vadd.f32 v31, v25;
	[tilespmem:s29+$0xFFFFFFE0] =	vst v8;
	v8 =	vld [tilespmem:$0x1FB60]  }
0x2cc: {  	v25 =	vadd.f32 v62, v26;
	v2 =	vadd.f32 v29, v2;
	v26 =	vld [tilespmem:s28+$0xFFFFFFF0]  }
0x2cd: {  	v12 =	vmul.f32 v12, v7;
	v23 =	vmul.f32 v23, v6  }
0x2ce: {  	v15 =	vadd.f32 v19, v15;
	v2 =	vadd.f32 v2, v25;
	v19 =	vmul.f32 v21, v14  }
0x2cf: {  	v12 =	vadd.f32 v12, v20;
	v20 =	vadd.f32 v23, v41;
	v21 =	vmul.f32 v32, v40  }
0x2d0: {  	v10 =	vadd.f32 v19, v10;
	v2 =	vadd.f32 v2, v15;
	v8 =	vmul.f32 v8, v5  }
0x2d1: {  	v15 =	vmul.f32 v18, v44;
	v18 =	vmul.f32 v46, v33;
	vm1 =	veq.s32 v26, $0x0  }
0x2d2: {  	v19 =	vmul.f32 v61, v49;
	v8 =	vadd.f32 v8, v34;
	v2 =	vsel vm1, $0xD51184E7, v2  }
0x2d3: {  	v6 =	vmul.f32 v11, v6;
	v12 =	vadd.f32 v18, v12;
	v10 =	vadd.f32 v21, v10;
	[tilespmem:s29+$0xFFFFFFF0] =	vst v2  }
0x2d4: {  	v2 =	vadd.f32 v19, v20;
	v8 =	vadd.f32 v15, v8;
	v15 =	vld [tilespmem:s28+$0x0]  }
0x2d5: {  	v0 =	vmul.f32 v0, v7;
	v23 =	vld [tilespmem:$0x1FF10];
	v7 =	vmul.f32 v43, v14;
	v6 =	vadd.f32 v6, v16  }
0x2d6: {  	v16 =	vld [tilespmem:$0x1FEF0];
	v5 =	vmul.f32 v38, v5;
	v2 =	vadd.f32 v10, v2;
	v8 =	vadd.f32 v12, v8  }
0x2d7: {  	v0 =	vadd.f32 v0, v17;
	v7 =	vadd.f32 v7, v28;
	v45 =	vld [tilespmem:$0x1FF80]  }
0x2d8: {  	v47 =	vld [tilespmem:$0x1FF90];
	v5 =	vadd.f32 v5, v13;
	v2 =	vadd.f32 v2, v8  }
0x2d9: {  	v25 =	vld [tilespmem:$0x1FF20];
	v10 =	vmul.f32 v27, v33;
	v8 =	vmul.f32 v24, v44;
	vm1 =	veq.s32 v15, $0x0  }
0x2da: {  	v11 =	vmul.f32 v63, v40;
	v32 =	vld [tilespmem:$0x1FF40];
	v9 =	vmul.f32 v9, v49;
	v2 =	vsel vm1, $0xD51184E7, v2  }
0x2db: {  	v40 =	vld [tilespmem:$0x1FF70];
	v0 =	vadd.f32 v10, v0;
	v5 =	vadd.f32 v8, v5;
	[tilespmem:s29+$0x0] =	vst v2  }
0x2dc: {  	v2 =	vadd.f32 v9, v6;
	v6 =	vadd.f32 v11, v7;
	v7 =	vld [tilespmem:s28+$0x10]  }
0x2dd: {  	v38 =	vld [tilespmem:$0x1FF60]  }
0x2de: {  	p0 =	sne.s32 s17, $0x80;
	v26 =	vld [tilespmem:$0x1FF30];
	v0 =	vadd.f32 v0, v5;
	v2 =	vadd.f32 v6, v2  }
.Ltmp0:
0x2df: {  	v34 =	vld [tilespmem:$0x1FF50];
	(pc) =	sbr.rel @p0 .LBB2_3-.Ltmp0, $4  }
0x2e0: {  	v13 =	vld [tilespmem:$0x1FED0];
	v0 =	vadd.f32 v2, v0  }
0x2e1: {  	v20 =	vld [tilespmem:$0x1FF00];
	vm1 =	veq.s32 v7, $0x0  }
0x2e2: {  	v12 =	vld [tilespmem:$0x1FEC0];
	v0 =	vsel vm1, $0xD51184E7, v0  }
0x2e3: {  	s17 =	sadd.s32 $0x40, s17;
	v15 =	vld [tilespmem:$0x1FEE0];
	v11 =	vlaneseq.u32;
	s28 =	sadd.s32 $0x40, s28;
	[tilespmem:s29+$0x10] =	vst v0;
	s29 =	sadd.s32 $0x40, s29  }
0x2e4: {  	v50 =	vld [tilespmem:$0x1E810]  }
0x2e5: {  	s15 =	sadd.s32 $0xC0, s15;
	v56 =	vld [tilespmem:$0x1E811]  }
0x2e6: {  	v33 =	vld [tilespmem:$0x1E812];
	v0 =	vmov s15  }
0x2e7: {  	v63 =	vld [tilespmem:$0x1E814];
	v0 =	vshll.u32 v0, $0x6  }
0x2e8: {  	v35 =	vld [tilespmem:$0x1FB70];
	v5 =	vor.u32 v12, v0  }
0x2e9: {  	v36 =	vld [tilespmem:$0x1FB80];
	v0 =	vor.u32 v11, v5  }
0x2ea: {  	v37 =	vld [tilespmem:$0x1FB90];
	v2 =	vor.u32 v13, v5  }
0x2eb: {  	v51 =	vld [tilespmem:$0x1FBC0];
	v6 =	vor.u32 v15, v5  }
0x2ec: {  	v57 =	vor.u32 v20, v5;
	v9 =	vor.u32 v38, v5;
	v38 =	vld [tilespmem:$0x1FBA0]  }
0x2ed: {  	v58 =	vor.u32 v23, v5;
	v8 =	vor.u32 v34, v5;
	v34 =	vor.u32 v47, v5;
	v47 =	vld [tilespmem:$0x1FBB0]  }
0x2ee: {  	v59 =	vor.u32 v25, v5;
	v48 =	vld.idx.msk [tilespmem:v0+s12+$0x0], $0xffff  }
0x2ef: {  	v7 =	vor.u32 v26, v5;
	v53 =	vld.idx.msk [tilespmem:v2+s12+$0x0], $0xffff  }
0x2f0: {  	v28 =	vor.u32 v32, v5;
	v44 =	vld.idx.msk [tilespmem:v6+s12+$0x0], $0xffff  }
0x2f1: {  	v62 =	vld.idx.msk [tilespmem:v57+s12+$0x0], $0xffff  }
0x2f2: {  	v32 =	vld.idx.msk [tilespmem:v58+s12+$0x0], $0xffff  }
0x2f3: {  	v29 =	vor.u32 v40, v5;
	v61 =	vld.idx.msk [tilespmem:v59+s12+$0x0], $0xffff  }
0x2f4: {  	v31 =	vor.u32 v45, v5;
	v57 =	vld.idx.msk [tilespmem:v7+s12+$0x0], $0xffff  }
0x2f5: {  	v59 =	vld.idx.msk [tilespmem:v28+s12+$0x0], $0xffff  }
0x2f6: {  	v54 =	vld.idx.msk [tilespmem:v8+s12+$0x0], $0xffff  }
0x2f7: {  	v58 =	vld.idx.msk [tilespmem:v9+s12+$0x0], $0xffff  }
0x2f8: {  	v55 =	vld.idx.msk [tilespmem:v29+s12+$0x0], $0xffff  }
0x2f9: {  	v45 =	vld.idx.msk [tilespmem:v31+s12+$0x0], $0xffff  }
0x2fa: {  	v42 =	vld.idx.msk [tilespmem:v34+s12+$0x0], $0xffff  }
0x2fb: {  	v8 =	vor.u32 v35, v5;
	v28 =	vld [tilespmem:$0x1FBD0]  }
0x2fc: {  	v9 =	vor.u32 v36, v5;
	v29 =	vld [tilespmem:$0x1FBE0]  }
0x2fd: {  	v0 =	vor.u32 v37, v5;
	v31 =	vld [tilespmem:$0x1FBF0]  }
0x2fe: {  	v39 =	vor.u32 v38, v5;
	v38 =	vld [tilespmem:$0x1FC00]  }
0x2ff: {  	v2 =	vor.u32 v47, v5;
	v6 =	vld [tilespmem:$0x1FC30]  }
0x300: {  	v46 =	vld.idx.msk [tilespmem:v8+s12+$0x0], $0xffff  }
0x301: {  	v43 =	vld.idx.msk [tilespmem:v9+s12+$0x0], $0xffff  }
0x302: {  	v47 =	vld.idx.msk [tilespmem:v0+s12+$0x0], $0xffff  }
0x303: {  	v34 =	vld.idx.msk [tilespmem:v39+s12+$0x0], $0xffff  }
0x304: {  	v8 =	vor.u32 v51, v5;
	v40 =	vld.idx.msk [tilespmem:v2+s12+$0x0], $0xffff  }
0x305: {  	v9 =	vor.u32 v28, v5;
	v39 =	vld [tilespmem:$0x1FC10]  }
0x306: {  	v0 =	vor.u32 v29, v5;
	v51 =	vld [tilespmem:$0x1FC20]  }
0x307: {  	v2 =	vor.u32 v38, v5;
	v28 =	vld [tilespmem:$0x1FC40]  }
0x308: {  	v29 =	vld [tilespmem:$0x1FC50]  }
0x309: {  	v36 =	vld.idx.msk [tilespmem:v8+s12+$0x0], $0xffff  }
0x30a: {  	v8 =	vor.u32 v39, v5;
	v39 =	vld.idx.msk [tilespmem:v9+s12+$0x0], $0xffff  }
0x30b: {  	v37 =	vld.idx.msk [tilespmem:v0+s12+$0x0], $0xffff  }
0x30c: {  	v9 =	vor.u32 v51, v5;
	v38 =	vld.idx.msk [tilespmem:v2+s12+$0x0], $0xffff  }
0x30d: {  	v0 =	vor.u32 v6, v5;
	v51 =	vld [tilespmem:$0x1FC60]  }
0x30e: {  	v7 =	vor.u32 v28, v5;
	v28 =	vld [tilespmem:$0x1FC70]  }
0x30f: {  	v2 =	vor.u32 v29, v5;
	v29 =	vld [tilespmem:$0x1FC80]  }
0x310: {  	v35 =	vor.u32 v31, v5;
	v31 =	vld.idx.msk [tilespmem:v8+s12+$0x0], $0xffff  }
0x311: {  	v22 =	vld.idx.msk [tilespmem:v9+s12+$0x0], $0xffff  }
0x312: {  	v0 =	vld.idx.msk [tilespmem:v0+s12+$0x0], $0xffff  }
0x313: {  	v8 =	vor.u32 v51, v5;
	v51 =	vld [tilespmem:$0x1FC90]  }
0x314: {  	v9 =	vor.u32 v28, v5;
	v2 =	vld.idx.msk [tilespmem:v2+s12+$0x0], $0xffff  }
0x315: {  	v28 =	vld [tilespmem:$0x1FCA0]  }
0x316: {  	[tilespmem:$0x1F300] =	vst v31;
	v31 =	vld.idx.msk [tilespmem:v7+s12+$0x0], $0xffff  }
0x317: {  	v6 =	vld [tilespmem:$0x1FD10];
	[tilespmem:$0x1F310] =	vst v0;
	v0 =	vor.u32 v29, v5  }
0x318: {  	v29 =	vld.idx.msk [tilespmem:v8+s12+$0x0], $0xffff  }
0x319: {  	v7 =	vor.u32 v51, v5;
	v51 =	vld.idx.msk [tilespmem:v9+s12+$0x0], $0xffff  }
0x31a: {  	[tilespmem:$0x1F330] =	vst v2;
	v2 =	vor.u32 v28, v5;
	v28 =	vld [tilespmem:$0x1FCC0]  }
0x31b: {  	[tilespmem:$0x1F320] =	vst v31;
	v31 =	vld [tilespmem:$0x1FCB0]  }
0x31c: {  	v0 =	vld.idx.msk [tilespmem:v0+s12+$0x0], $0xffff  }
0x31d: {  	[tilespmem:$0x1F340] =	vst v29;
	v29 =	vld [tilespmem:$0x1FCD0]  }
0x31e: {  	[tilespmem:$0x1F350] =	vst v51;
	v51 =	vld [tilespmem:$0x1FD00]  }
0x31f: {  	v2 =	vld.idx.msk [tilespmem:v2+s12+$0x0], $0xffff  }
0x320: {  	v9 =	vor.u32 v28, v5;
	v8 =	vor.u32 v31, v5;
	v31 =	vld.idx.msk [tilespmem:v7+s12+$0x0], $0xffff  }
0x321: {  	v14 =	vld [tilespmem:$0x1E820]  }
0x322: {  	v17 =	vld [tilespmem:$0x1E823]  }
0x323: {  	[tilespmem:$0x1F360] =	vst v0;
	v0 =	vor.u32 v29, v5;
	v29 =	vld [tilespmem:$0x1FE20]  }
0x324: {  	v7 =	vor.u32 v51, v5;
	[tilespmem:$0x1F380] =	vst v2;
	v51 =	vld [tilespmem:$0x1FE30]  }
0x325: {  	v2 =	vor.u32 v6, v5;
	[tilespmem:$0x1F370] =	vst v31;
	v31 =	vld.idx.msk [tilespmem:v9+s12+$0x0], $0xffff  }
0x326: {  	v18 =	vld [tilespmem:$0x1E824]  }
0x327: {  	v28 =	vld.idx.msk [tilespmem:v8+s12+$0x0], $0xffff  }
0x328: {  	v19 =	vld [tilespmem:$0x1E825]  }
0x329: {  	v8 =	vor.u32 v29, v5;
	v9 =	vor.u32 v51, v5;
	v29 =	vld [tilespmem:$0x1FE50]  }
0x32a: {  	[tilespmem:$0x1F3A0] =	vst v31;
	v31 =	vld.idx.msk [tilespmem:v2+s12+$0x0], $0xffff  }
0x32b: {  	v6 =	vld [tilespmem:$0x1FE40]  }
0x32c: {  	[tilespmem:$0x1F390] =	vst v28;
	v28 =	vld.idx.msk [tilespmem:v7+s12+$0x0], $0xffff  }
0x32d: {  	v51 =	vld [tilespmem:$0x1FE60]  }
0x32e: {  	v7 =	vor.u32 v29, v5;
	v29 =	vld.idx.msk [tilespmem:v9+s12+$0x0], $0xffff  }
0x32f: {  	[tilespmem:$0x1F3D0] =	vst v31;
	v31 =	vld [tilespmem:$0x1FE80]  }
0x330: {  	v10 =	vor.u32 v6, v5;
	v6 =	vld.idx.msk [tilespmem:v8+s12+$0x0], $0xffff  }
0x331: {  	[tilespmem:$0x1F3C0] =	vst v28;
	v28 =	vld [tilespmem:$0x1FE70]  }
0x332: {  	v21 =	vld [tilespmem:$0x1E827]  }
0x333: {  	v12 =	vld [tilespmem:$0x1E81E];
	v2 =	vor.u32 v51, v5  }
0x334: {  	[tilespmem:$0x1F3F0] =	vst v29;
	v29 =	vld [tilespmem:$0x1FEA0];
	v9 =	vor.u32 v31, v5  }
0x335: {  	v51 =	vld.idx.msk [tilespmem:v10+s12+$0x0], $0xffff  }
0x336: {  	[tilespmem:$0x1F3E0] =	vst v6;
	v6 =	vld [tilespmem:$0x1FE90];
	v8 =	vor.u32 v28, v5  }
0x337: {  	v28 =	vld.idx.msk [tilespmem:v7+s12+$0x0], $0xffff  }
0x338: {  	v31 =	vld.idx.msk [tilespmem:v2+s12+$0x0], $0xffff  }
0x339: {  	v7 =	vor.u32 v29, v5;
	v29 =	vld.idx.msk [tilespmem:v9+s12+$0x0], $0xffff  }
0x33a: {  	v49 =	vor.u32 v16, v5;
	[tilespmem:$0x1F400] =	vst v51;
	v51 =	vld [tilespmem:$0x1FEB0]  }
0x33b: {  	v10 =	vor.u32 v6, v5;
	v6 =	vld.idx.msk [tilespmem:v8+s12+$0x0], $0xffff  }
0x33c: {  	[tilespmem:$0x1F410] =	vst v28;
	v28 =	vld [tilespmem:$0x1FD20]  }
0x33d: {  	[tilespmem:$0x1F420] =	vst v31;
	v31 =	vld [tilespmem:$0x1FD50]  }
0x33e: {  	[tilespmem:$0x1F440] =	vst v29;
	v29 =	vld [tilespmem:$0x1FD70]  }
0x33f: {  	v41 =	vld.idx.msk [tilespmem:v49+s12+$0x0], $0xffff  }
0x340: {  	v49 =	vld [tilespmem:$0x1E813]  }
0x341: {  	v0 =	vld.idx.msk [tilespmem:v0+s12+$0x0], $0xffff;
	[tilespmem:$0x1F430] =	vst v6;
	v6 =	vor.u32 v28, v5;
	v28 =	vor.u32 v52, v5  }
0x342: {  	v11 =	vor.u32 v51, v5;
	v51 =	vld.idx.msk [tilespmem:v10+s12+$0x0], $0xffff;
	v2 =	vor.u32 v31, v5  }
0x343: {  	v7 =	vld.idx.msk [tilespmem:v7+s12+$0x0], $0xffff;
	v31 =	vor.u32 v29, v5  }
0x344: {  	v8 =	vld [tilespmem:$0x1E81A]  }
0x345: {  	v9 =	vld [tilespmem:$0x1E81B]  }
0x346: {  	[tilespmem:$0x1F3B0] =	vst v0;
	v0 =	vld.idx.msk [tilespmem:v28+s12+$0x0], $0xffff  }
0x347: {  	v2 =	vld.idx.msk [tilespmem:v2+s12+$0x0], $0xffff  }
0x348: {  	v52 =	vld.idx.msk [tilespmem:v31+s12+$0x0], $0xffff  }
0x349: {  	v6 =	vld.idx.msk [tilespmem:v6+s12+$0x0], $0xffff  }
0x34a: {  	v10 =	vld [tilespmem:$0x1E81C]  }
0x34b: {  	[tilespmem:$0x1F4A0] =	vst v0;
	v0 =	vld [tilespmem:$0x1E816]  }
0x34c: {  	[tilespmem:$0x1F490] =	vst v2;
	v2 =	vld [tilespmem:$0x1E817]  }
0x34d: {  	v48 =	vmul.f32 v50, v48;
	[tilespmem:$0x1F4B0] =	vst v52;
	v52 =	vld [tilespmem:$0x1E815]  }
0x34e: {  	v53 =	vmul.f32 v56, v53;
	v33 =	vmul.f32 v33, v44;
	[tilespmem:$0x1F480] =	vst v6;
	v6 =	vld [tilespmem:$0x1E818]  }
0x34f: {  	v1 =	vor.u32 v1, v5;
	v41 =	vmul.f32 v49, v41;
	v48 =	vadd.f32 $0.0e+00, v48;
	[tilespmem:$0x1F460] =	vst v7;
	v7 =	vld [tilespmem:$0x1E819]  }
0x350: {  	v62 =	vmul.f32 v63, v62;
	v44 =	vadd.f32 $0.0e+00, v53;
	v33 =	vadd.f32 $0.0e+00, v33;
	[tilespmem:$0x1F450] =	vst v51;
	v51 =	vld.idx.msk [tilespmem:v11+s12+$0x0], $0xffff  }
0x351: {  	v41 =	vadd.f32 $0.0e+00, v41;
	v11 =	vld [tilespmem:$0x1E81D];
	v8 =	vmul.f32 v8, v58;
	v0 =	vmul.f32 v0, v61  }
0x352: {  	v13 =	vld [tilespmem:$0x1E81F];
	v48 =	vadd.f32 v62, v48;
	v2 =	vmul.f32 v2, v57;
	v32 =	vmul.f32 v52, v32  }
0x353: {  	v15 =	vld [tilespmem:$0x1E821];
	v9 =	vmul.f32 v9, v55;
	v6 =	vmul.f32 v6, v59;
	v0 =	vadd.f32 v0, v33  }
0x354: {  	v16 =	vld [tilespmem:$0x1E822];
	v7 =	vmul.f32 v7, v54;
	v2 =	vadd.f32 v2, v41;
	v32 =	vadd.f32 v32, v44  }
0x355: {  	v24 =	vld [tilespmem:$0x1E829];
	v6 =	vadd.f32 v6, v48;
	v0 =	vadd.f32 v8, v0;
	v8 =	vmul.f32 v10, v45  }
0x356: {  	v20 =	vld [tilespmem:$0x1E826];
	v2 =	vadd.f32 v9, v2;
	v9 =	vmul.f32 v11, v42;
	v7 =	vadd.f32 v7, v32  }
0x357: {  	v35 =	vld.idx.msk [tilespmem:v35+s12+$0x0], $0xffff;
	v11 =	vmul.f32 v12, v46;
	v6 =	vadd.f32 v8, v6;
	v8 =	vmul.f32 v13, v43  }
0x358: {  	v27 =	vld [tilespmem:$0x1E82C];
	v3 =	vor.u32 v3, v5;
	v7 =	vadd.f32 v9, v7;
	v9 =	vmul.f32 v15, v34  }
0x359: {  	v23 =	vld [tilespmem:$0x1E828];
	v0 =	vadd.f32 v11, v0;
	v2 =	vadd.f32 v8, v2;
	v8 =	vmul.f32 v16, v40  }
0x35a: {  	v25 =	vld [tilespmem:$0x1E82A];
	v7 =	vadd.f32 v9, v7;
	v9 =	vmul.f32 v17, v36  }
0x35b: {  	v26 =	vld [tilespmem:$0x1E82B];
	v4 =	vor.u32 v4, v5;
	v0 =	vadd.f32 v8, v0;
	v8 =	vmul.f32 v19, v37  }
0x35c: {  	v1 =	vld.idx.msk [tilespmem:v1+s12+$0x0], $0xffff;
	v2 =	vadd.f32 v9, v2;
	v9 =	vmul.f32 v20, v35  }
0x35d: {  	v3 =	vld.idx.msk [tilespmem:v3+s12+$0x0], $0xffff;
	v7 =	vadd.f32 v8, v7;
	v8 =	vmul.f32 v21, v38  }
0x35e: {  	v0 =	vadd.f32 v9, v0;
	v9 =	vld [tilespmem:$0x1F300]  }
0x35f: {  	v13 =	vmul.f32 v14, v47;
	v2 =	vadd.f32 v8, v2;
	v8 =	vld [tilespmem:$0x1F310]  }
0x360: {  	v4 =	vld.idx.msk [tilespmem:v4+s12+$0x0], $0xffff  }
0x361: {  	v50 =	vld [tilespmem:$0x1E831];
	v6 =	vadd.f32 v13, v6;
	v15 =	vmul.f32 v18, v39  }
0x362: {  	v56 =	vld [tilespmem:$0x1E832]  }
0x363: {  	v63 =	vld [tilespmem:$0x1E833];
	v6 =	vadd.f32 v15, v6;
	v9 =	vmul.f32 v23, v9  }
0x364: {  	v49 =	vld [tilespmem:$0x1E835];
	v8 =	vmul.f32 v25, v8  }
0x365: {  	v6 =	vadd.f32 v9, v6;
	v9 =	vld [tilespmem:$0x1F320]  }
0x366: {  	v0 =	vadd.f32 v8, v0;
	v8 =	vld [tilespmem:$0x1F330]  }
0x367: {  	v53 =	vld [tilespmem:$0x1FFD0]  }
0x368: {  	v62 =	vld [tilespmem:$0x1E839]  }
0x369: {  	v55 =	vld [tilespmem:$0x1FFE0]  }
0x36a: {  	v28 =	vld [tilespmem:$0x1E82D];
	v9 =	vmul.f32 v26, v9  }
0x36b: {  	[tilespmem:$0x1F470] =	vst v51;
	v51 =	vld [tilespmem:$0x1E82F];
	v8 =	vmul.f32 v27, v8  }
0x36c: {  	v2 =	vadd.f32 v9, v2;
	v9 =	vld [tilespmem:$0x1F340]  }
0x36d: {  	v6 =	vadd.f32 v8, v6;
	v8 =	vld [tilespmem:$0x1F360]  }
0x36e: {  	v29 =	vld [tilespmem:$0x1E82E]  }
0x36f: {  	v31 =	vld [tilespmem:$0x1E830];
	v21 =	vmul.f32 v24, v22  }
0x370: {  	v59 =	vld [tilespmem:$0x1E837]  }
0x371: {  	v61 =	vld [tilespmem:$0x1E838];
	v7 =	vadd.f32 v21, v7;
	v9 =	vmul.f32 v28, v9  }
0x372: {  	v48 =	vld [tilespmem:$0x1E849];
	v8 =	vmul.f32 v51, v8  }
0x373: {  	v7 =	vadd.f32 v9, v7;
	v9 =	vld [tilespmem:$0x1F370]  }
0x374: {  	v2 =	vadd.f32 v8, v2;
	v8 =	vld [tilespmem:$0x1F380]  }
0x375: {  	v10 =	vld [tilespmem:$0x1E83A]  }
0x376: {  	v12 =	vld [tilespmem:$0x1E83B]  }
0x377: {  	v42 =	vld [tilespmem:$0x1FFB0]  }
0x378: {  	v24 =	vld [tilespmem:$0x1F350];
	v9 =	vmul.f32 v31, v9  }
0x379: {  	v52 =	vld [tilespmem:$0x1E834];
	v8 =	vmul.f32 v50, v8  }
0x37a: {  	v6 =	vadd.f32 v9, v6;
	v9 =	vld [tilespmem:$0x1F390]  }
0x37b: {  	v7 =	vadd.f32 v8, v7;
	v8 =	vld [tilespmem:$0x1F3B0]  }
0x37c: {  	v46 =	vld [tilespmem:$0x1E848]  }
0x37d: {  	v14 =	vld [tilespmem:$0x1E83C];
	v24 =	vmul.f32 v29, v24  }
0x37e: {  	v11 =	vld [tilespmem:$0x1E83D]  }
0x37f: {  	v43 =	vld [tilespmem:$0x1F3A0];
	v0 =	vadd.f32 v24, v0;
	v9 =	vmul.f32 v56, v9  }
0x380: {  	v44 =	vld [tilespmem:$0x1E836];
	v8 =	vmul.f32 v52, v8  }
0x381: {  	v0 =	vadd.f32 v9, v0;
	v9 =	vld [tilespmem:$0x1F3C0]  }
0x382: {  	v6 =	vadd.f32 v8, v6;
	v8 =	vld [tilespmem:$0x1F3D0]  }
0x383: {  	v13 =	vld [tilespmem:$0x1E83E]  }
0x384: {  	v16 =	vld [tilespmem:$0x1E83F]  }
0x385: {  	v18 =	vld [tilespmem:$0x1E840]  }
0x386: {  	v39 =	vld [tilespmem:$0x1FFA0];
	v9 =	vmul.f32 v49, v9  }
0x387: {  	v19 =	vor.u32 v60, v5;
	v15 =	vld [tilespmem:$0x1E841];
	v8 =	vmul.f32 v44, v8  }
0x388: {  	v7 =	vadd.f32 v9, v7;
	v9 =	vld [tilespmem:$0x1F3E0]  }
0x389: {  	v17 =	vor.u32 v30, v5;
	v0 =	vadd.f32 v8, v0;
	v8 =	vld [tilespmem:$0x1F400]  }
0x38a: {  	v20 =	vld [tilespmem:$0x1E842]  }
0x38b: {  	v22 =	vld [tilespmem:$0x1E843];
	v28 =	vmul.f32 v63, v43  }
0x38c: {  	v19 =	vld.idx.msk [tilespmem:v19+s12+$0x0], $0xffff  }
0x38d: {  	v21 =	vld [tilespmem:$0x1E845];
	v2 =	vadd.f32 v28, v2;
	v9 =	vmul.f32 v59, v9  }
0x38e: {  	v17 =	vld.idx.msk [tilespmem:v17+s12+$0x0], $0xffff;
	v8 =	vmul.f32 v62, v8  }
0x38f: {  	v2 =	vadd.f32 v9, v2;
	v9 =	vld [tilespmem:$0x1F410]  }
0x390: {  	v7 =	vadd.f32 v8, v7;
	v8 =	vld [tilespmem:$0x1F420]  }
0x391: {  	v23 =	vld [tilespmem:$0x1E844]  }
0x392: {  	v25 =	vld [tilespmem:$0x1E846]  }
0x393: {  	v51 =	vld [tilespmem:$0x1F3F0]  }
0x394: {  	v26 =	vor.u32 v39, v5;
	v56 =	vld [tilespmem:$0x1FFF0];
	v9 =	vmul.f32 v10, v9  }
0x395: {  	v27 =	vor.u32 v42, v5;
	v49 =	vld [tilespmem:$0x1FFC0];
	v8 =	vmul.f32 v12, v8  }
0x396: {  	v0 =	vadd.f32 v9, v0;
	v9 =	vld [tilespmem:$0x1F430]  }
0x397: {  	v2 =	vadd.f32 v8, v2;
	v8 =	vld [tilespmem:$0x1F450]  }
0x398: {  	v24 =	vld [tilespmem:$0x1E847];
	v31 =	vmul.f32 v61, v51  }
0x399: {  	v26 =	vld.idx.msk [tilespmem:v26+s12+$0x0], $0xffff  }
0x39a: {  	v54 =	vor.u32 v53, v5;
	v27 =	vld.idx.msk [tilespmem:v27+s12+$0x0], $0xffff;
	v6 =	vadd.f32 v31, v6;
	v12 =	vor.u32 v55, v5  }
0x39b: {  	v52 =	vld [tilespmem:$0x1E84A];
	v50 =	vor.u32 v49, v5;
	v5 =	vor.u32 v56, v5;
	v9 =	vmul.f32 v14, v9  }
0x39c: {  	v10 =	vld [tilespmem:$0x1E84B];
	v8 =	vmul.f32 v13, v8  }
0x39d: {  	v6 =	vadd.f32 v9, v6;
	v9 =	vld [tilespmem:$0x1F460]  }
0x39e: {  	v0 =	vadd.f32 v8, v0;
	v8 =	vld [tilespmem:$0x1F470]  }
0x39f: {  	v12 =	vld.idx.msk [tilespmem:v12+s12+$0x0], $0xffff  }
0x3a0: {  	v5 =	vld.idx.msk [tilespmem:v5+s12+$0x0], $0xffff  }
0x3a1: {  	v14 =	vld [tilespmem:$0x1F440]  }
0x3a2: {  	v9 =	vmul.f32 v16, v9;
	v16 =	vld [tilespmem:$0x1F480]  }
0x3a3: {  	v8 =	vmul.f32 v18, v8;
	v18 =	vld [tilespmem:$0x1F4A0]  }
0x3a4: {  	v2 =	vadd.f32 v9, v2;
	v9 =	vld [tilespmem:$0x1F490]  }
0x3a5: {  	v6 =	vadd.f32 v8, v6;
	v8 =	vld [tilespmem:$0x1F4B0]  }
0x3a6: {  	v13 =	vld [tilespmem:$0x1E84C];
	v11 =	vmul.f32 v11, v14  }
0x3a7: {  	v3 =	vmul.f32 v46, v3;
	v14 =	vld.idx.msk [tilespmem:v50+s12+$0x0], $0xffff  }
0x3a8: {  	v1 =	vmul.f32 v24, v1;
	v7 =	vadd.f32 v11, v7;
	v11 =	vld.idx.msk [tilespmem:v54+s12+$0x0], $0xffff;
	v15 =	vmul.f32 v15, v16  }
0x3a9: {  	v16 =	vld [tilespmem:$0x1E84D];
	v18 =	vmul.f32 v22, v18;
	v9 =	vmul.f32 v20, v9  }
0x3aa: {  	v57 =	vmul.f32 v52, v27;
	v7 =	vadd.f32 v15, v7;
	v8 =	vmul.f32 v23, v8;
	v15 =	vld [tilespmem:$0x1E84E]  }
0x3ab: {  	v2 =	vadd.f32 v18, v2;
	v0 =	vadd.f32 v9, v0;
	v9 =	vmul.f32 v21, v17;
	v17 =	vld [tilespmem:$0x1E84F]  }
0x3ac: {  	v4 =	vmul.f32 v10, v4;
	v6 =	vadd.f32 v8, v6;
	v8 =	vmul.f32 v25, v19  }
0x3ad: {  	v1 =	vadd.f32 v1, v2;
	v7 =	vadd.f32 v9, v7;
	v9 =	vmul.f32 v48, v26  }
0x3ae: {  	v59 =	vmul.f32 v13, v14;
	v0 =	vadd.f32 v8, v0;
	v3 =	vadd.f32 v3, v6  }
0x3af: {  	v60 =	vmul.f32 v16, v11;
	v1 =	vadd.f32 v4, v1;
	v58 =	vadd.f32 v9, v7  }
0x3b0: {  	v61 =	vmul.f32 v15, v12;
	v0 =	vadd.f32 v57, v0;
	v5 =	vmul.f32 v17, v5  }
0x3b1: {  	v2 =	vadd.f32 v59, v3;
	v62 =	vadd.f32 v60, v58  }
0x3b2: {  	v63 =	vld [tilespmem:s14+$0x84C0];
	v0 =	vadd.f32 v61, v0;
	v1 =	vadd.f32 v5, v1;
	_ =	sdelay $0x1  }
0x3b3: {  	v2 =	vadd.f32 v62, v2;
	v0 =	vadd.f32 v1, v0  }
0x3b4: {  	p0 =	sgt.u32 s31, $0x7C;
	v45 =	vld [tilespmem:$0x1FF80]  }
0x3b5: {  	s0 =	smul.u32 @!p0 $0xD000, s0;
	v47 =	vld [tilespmem:$0x1FF90];
	v0 =	vadd.f32 v0, v2  }
0x3b6: {  	v40 =	vld [tilespmem:$0x1FF70];
	vm1 =	veq.s32 v63, $0x0  }
0x3b7: {  	s31 =	sadd.s32 $0x1, s31;
	s0 =	sshrl.u32 @!p0 s0, $0x2;
	v32 =	vld [tilespmem:$0x1FF40];
	v0 =	vsel vm1, $0xD51184E7, v0  }
0x3b8: {  	s16 =	sadd.s32 @!p0 $0x2258, s14;
	s17 =	simm.s32 @!p0 $0x68;
	s15 =	sadd.s32 @!p0 $0xE808, s0;
	v34 =	vld [tilespmem:$0x1FF50];
	[tilespmem:s14+$0x184C8] =	vst v0  }
0x3b9: {  	v38 =	vld [tilespmem:$0x1FF60];
	[tilespmem:s15], [sflag:s1] =	stream.indirect.gather @!p0 [hbm4b:s3+s17], $0x40, s16, s17, $0xb8  }
0x3ba: {  	s0 =	sadd.s32 @!p0 $0x10208, s0;
	v13 =	vld [tilespmem:$0x1FED0];
	s14 =	sadd.s32 @!p0 $0x22C0, s14;
	s15 =	simm.s32 @!p0 $0x60  }
0x3bb: {  	v20 =	vld [tilespmem:$0x1FF00];
	[tilespmem:s0], [sflag:s1] =	stream.indirect.gather @!p0 [hbm4b:s3+s15], $0x40, s14, s15, $0xb8  }
0x3bc: {  	v23 =	vld [tilespmem:$0x1FF10];
	p0 =	sne.s32 s31, $0x80  }
.Ltmp1:
0x3bd: {  	v25 =	vld [tilespmem:$0x1FF20];
	(pc) =	sbr.rel @p0 .LBB2_2-.Ltmp1, $4  }
0x3be: {  	v16 =	vld [tilespmem:$0x1FEF0]  }
0x3bf: {  	v26 =	vld [tilespmem:$0x1FF30]  }
0x3c0: {  	v12 =	vld [tilespmem:$0x1FEC0]  }
0x3c1: {  	s30 =	sadd.s32 $0xD0, s30;
	s19 =	sadd.s32 $0xC8, s19;
	s18 =	sadd.s32 $0xC8, s18;
	v11 =	vlaneseq.u32;
	v15 =	vld [tilespmem:$0x1FEE0]  }
0x3c2: {  	s26 =	sadd.s32 $0x1, s26  }
0x3c3: {  	p0 =	sne.s32 s26, s8  }
.Ltmp2:
0x3c4: {  	_ = 	snop;
	(pc) =	sbr.rel @p0 .LBB2_1-.Ltmp2, $4  }
0x3c5: {  	[hbm4b:s7+s2] =	stream.linear.scatter [tilespmem:s25], [sflag:$0x4], $0x6400, $0x38;
	[tilespmem:$0x1E860] =	vst v63  }
0x3c6: {  	_ =	swait.ge [sflag:s10], $0x6400  }
0x3c7: {  	[sflag:s10] =	ssyncset.done $0x0  }
0x3c8: {  	[sflag:s10] =	ssyncadd.s32 $0xFFFF9C00  }
0x3c9: {  	_ =	sfence.sel $0x180000  }
0x3ca: {  	[bflag:$0x0] =	sbarrier.arrive $0xFFFF  }
0x3cb: {  	_ =	strace $0x9000004A  }
0x3cc: {  	s0 =	stileid.u32;
	[bflag:$0x2] =	sbarrier.arrive $0xFFFF  }
0x3cd: {  	p0 =	sne.s32 s0, $0x0;
	s0 =	rddreg [dreg:$0x2]  }
0x3ce: {  	s0 =	sadd.s32 @!p0 $0x100000, s0  }
0x3cf: {  	[sflag:s0] =	ssyncadd.tile.s32 @!p0 $0x1;
	_ =	shalt  }
.Lfunc_end2:
_tile_overlayer_lowered:
.L_overlay_start_2:
0x3d0: {  	(tag) =	ssettag $0x2  }
0x3d1: {  	s0 =	rddreg [dreg:$0x0];
	s2 =	stileid.u32  }
0x3d2: {  	s1 =	rddreg [dreg:$0x1];
	p0 =	sne.s32 s2, $0x0  }
0x3d3: {  	s3 =	rddreg [dreg:$0x2];
	[bflag:$0x3] =	sbarrier.arrive $0xFFFF;
	s2 =	simm.s32 @!p0 $0x1C04  }
0x3d4: {  	[timem:s3], [sflag:s2] =	dma.local @!p0 [hbm:s0], s1  }
0x3d5: {  	s0 =	simm.s32 @!p0 $0x4  }
0x3d6: {  	_ =	swait.ge @!p0 [sflag:s0], s1  }
0x3d7: {  	s1 =	ssub.s32 @!p0 $0x0, s1;
	[sflag:s0] =	ssyncset.done @!p0 $0x0  }
0x3d8: {  	[sflag:s0] =	ssyncadd.s32 @!p0 s1  }
0x3d9: {  	[bflag:$0x3] =	sbarrier.arrive $0xFFFF  }
0x3da: {  	_ =	shalt  }

</sc_bundles>
